<compile_context>
chip_gen: v7x
topology: tpu7x:2x2x1
jax: 0.10.2.dev20260603
libtpu: 0.0.44.dev20260713+nightly
codegen_flags: <defaults>
</compile_context>

<pallas_src>
import functools

import jax
import jax.numpy as jnp
import numpy as np
from jax import lax
from jax.experimental import pallas as pl
from jax.experimental.pallas import tpu as pltpu
from jax.experimental.pallas import tpu_sc as plsc

N = 10000
D = 128
E = 320000
NC = 2
NS = 16
K = 128
CH = 80
EPAD = NC * NS * CH * K
NPAD = 10240
RPT = NPAD // NS

_mesh = plsc.VectorSubcoreMesh(core_axis_name="c", subcore_axis_name="s")


def _unpack_src(comb, row, stg):
    for k in range(K // 16):
        v = comb[row, pl.ds(16 * k, 16)]
        stg[pl.ds(16 * k, 16)] = v & 0xFFFF


def _unpack_dst(comb, row, stg):
    for k in range(K // 16):
        v = comb[row, pl.ds(16 * k, 16)]
        stg[pl.ds(16 * k, 16)] = lax.shift_right_logical(v, 16)


@functools.partial(
    pl.kernel,
    out_type=jax.ShapeDtypeStruct((NC, NPAD), jnp.float32),
    mesh=_mesh,
    scratch_types=[
        pltpu.VMEM((CH, K), jnp.int32),
        pltpu.VMEM((K,), jnp.int32),
        pltpu.VMEM((K,), jnp.int32),
        pltpu.VMEM((K,), jnp.float32),
        pltpu.VMEM_SHARED((NPAD,), jnp.float32),
        pltpu.SemaphoreType.DMA,
        pltpu.SemaphoreType.DMA,
    ],
)
def _deg_kernel(ei_hbm, zeros1_hbm, deg_out, comb, stga, stgb, ones_v,
                deg_acc, sema, semb):
    c = lax.axis_index("c")
    s = lax.axis_index("s")
    pltpu.sync_copy(ei_hbm.at[c, s], comb)
    pltpu.sync_copy(zeros1_hbm.at[pl.ds(s * RPT, RPT)],
                    deg_acc.at[pl.ds(s * RPT, RPT)])
    for k in range(K // 16):
        ones_v[pl.ds(k * 16, 16)] = jnp.ones((16,), jnp.float32)
    plsc.subcore_barrier()

    def body(i, carry):
        ja = 2 * i
        jb = 2 * i + 1

        @pl.when(i > 0)
        def _():
            pltpu.make_async_copy(ones_v, deg_acc.at[stga], sema).wait()

        _unpack_dst(comb, ja, stga)
        pltpu.async_copy(ones_v, deg_acc.at[stga], sema, add=True)

        @pl.when(i > 0)
        def _():
            pltpu.make_async_copy(ones_v, deg_acc.at[stgb], semb).wait()

        _unpack_dst(comb, jb, stgb)
        pltpu.async_copy(ones_v, deg_acc.at[stgb], semb, add=True)
        return carry

    lax.fori_loop(0, CH // 2, body, 0)
    pltpu.make_async_copy(ones_v, deg_acc.at[stga], sema).wait()
    pltpu.make_async_copy(ones_v, deg_acc.at[stgb], semb).wait()
    plsc.subcore_barrier()
    pltpu.sync_copy(deg_acc.at[pl.ds(s * RPT, RPT)],
                    deg_out.at[c, pl.ds(s * RPT, RPT)])


@functools.partial(
    pl.kernel,
    out_type=jax.ShapeDtypeStruct((NC, NPAD, D), jnp.float32),
    mesh=_mesh,
    scratch_types=[
        pltpu.VMEM((CH, K), jnp.int32),
        pltpu.VMEM((K,), jnp.int32),
        pltpu.VMEM((K,), jnp.int32),
        pltpu.VMEM((K,), jnp.int32),
        pltpu.VMEM((K,), jnp.int32),
        pltpu.VMEM((K, D), jnp.float32),
        pltpu.VMEM((K, D), jnp.float32),
        pltpu.VMEM_SHARED((NPAD, D), jnp.float32),
        pltpu.SemaphoreType.DMA,
        pltpu.SemaphoreType.DMA,
    ],
)
def _scat_kernel(g_hbm, ei_hbm, zrows_hbm, agg_out, comb,
                 sstga, dstga, sstgb, dstgb, bufa, bufb, acc,
                 sema, semb):
    c = lax.axis_index("c")
    s = lax.axis_index("s")
    cp_idx = pltpu.async_copy(ei_hbm.at[c, s], comb, sema)
    cp_z = pltpu.async_copy(zrows_hbm, acc.at[pl.ds(s * RPT, RPT)], semb)
    cp_idx.wait()
    cp_z.wait()
    plsc.subcore_barrier()

    _unpack_src(comb, 0, sstga)
    _unpack_dst(comb, 0, dstga)
    pltpu.make_async_copy(g_hbm.at[sstga], bufa, sema).start()

    def body(i, carry):
        ja = 2 * i
        jb = 2 * i + 1
        _unpack_src(comb, jb, sstgb)
        _unpack_dst(comb, jb, dstgb)
        pltpu.make_async_copy(g_hbm.at[sstgb], bufb, semb).start()

        pltpu.make_async_copy(g_hbm.at[sstga], bufa, sema).wait()
        pltpu.sync_copy(bufa, acc.at[dstga], add=True)

        @pl.when(i < CH // 2 - 1)
        def _():
            _unpack_src(comb, ja + 2, sstga)
            _unpack_dst(comb, ja + 2, dstga)
            pltpu.make_async_copy(g_hbm.at[sstga], bufa, sema).start()

        pltpu.make_async_copy(g_hbm.at[sstgb], bufb, semb).wait()
        pltpu.sync_copy(bufb, acc.at[dstgb], add=True)
        return carry

    lax.fori_loop(0, CH // 2, body, 0)
    plsc.subcore_barrier()
    pltpu.sync_copy(acc.at[pl.ds(s * RPT, RPT)],
                    agg_out.at[c, pl.ds(s * RPT, RPT)])


BR = 2048
_GRID = (N + BR - 1) // BR
PACKR = 256


def _pack_body(s_ref, d_ref, o_ref):
    k = pl.program_id(0)
    row = jax.lax.broadcasted_iota(jnp.int32, (PACKR, K), 0) + k * PACKR
    lane = jax.lax.broadcasted_iota(jnp.int32, (PACKR, K), 1)
    slot = row * K + lane
    padidx = jnp.maximum(slot - E, 0)
    pad_packed = (padidx * 131) % N | ((N + padidx % (NPAD - N)) << 16)
    real = s_ref[0] | (d_ref[0] << 16)
    o_ref[...] = jnp.where(slot < E, real, pad_packed)


_pack = pl.pallas_call(
    _pack_body,
    grid=(EPAD // K // PACKR,),
    in_specs=[pl.BlockSpec((1, PACKR, K), lambda k: (0, k, 0)),
              pl.BlockSpec((1, PACKR, K), lambda k: (1, k, 0))],
    out_specs=pl.BlockSpec((PACKR, K), lambda k: (k, 0)),
    out_shape=jax.ShapeDtypeStruct((EPAD // K, K), jnp.int32),
)


def _prep_body(deg2_ref, x_ref, w_ref, g_ref, dinv_ref):
    deg = deg2_ref[0:1, :] + deg2_ref[1:2, :] + 1.0
    dinv = (1.0 / jnp.sqrt(deg)).T
    dinv_ref[...] = dinv
    g_ref[...] = jnp.dot(x_ref[...], w_ref[...],
                         preferred_element_type=jnp.float32) * dinv


_prep = pl.pallas_call(
    _prep_body,
    grid=(_GRID,),
    in_specs=[pl.BlockSpec((2, BR), lambda k: (0, k)),
              pl.BlockSpec((BR, D), lambda k: (k, 0)),
              pl.BlockSpec((D, D), lambda k: (0, 0))],
    out_specs=(pl.BlockSpec((BR, D), lambda k: (k, 0)),
               pl.BlockSpec((BR, 1), lambda k: (k, 0))),
    out_shape=(jax.ShapeDtypeStruct((N, D), jnp.float32),
               jax.ShapeDtypeStruct((N, 1), jnp.float32)),
)


def _mid_body(agg_ref, g_ref, dinv_ref, b_ref, w_ref, gn_ref):
    ssum = agg_ref[0] + agg_ref[1] + g_ref[...]
    o = jnp.maximum(dinv_ref[...] * ssum + b_ref[...], 0.0)
    gn_ref[...] = jnp.dot(o, w_ref[...],
                          preferred_element_type=jnp.float32) * dinv_ref[...]


_mid = pl.pallas_call(
    _mid_body,
    grid=(_GRID,),
    in_specs=[pl.BlockSpec((2, BR, D), lambda k: (0, k, 0)),
              pl.BlockSpec((BR, D), lambda k: (k, 0)),
              pl.BlockSpec((BR, 1), lambda k: (k, 0)),
              pl.BlockSpec((1, D), lambda k: (0, 0)),
              pl.BlockSpec((D, D), lambda k: (0, 0))],
    out_specs=pl.BlockSpec((BR, D), lambda k: (k, 0)),
    out_shape=jax.ShapeDtypeStruct((N, D), jnp.float32),
)


def _fin_body(agg_ref, g_ref, dinv_ref, b_ref, o_ref):
    ssum = agg_ref[0] + agg_ref[1] + g_ref[...]
    o_ref[...] = dinv_ref[...] * ssum + b_ref[...]


_fin = pl.pallas_call(
    _fin_body,
    grid=(_GRID,),
    in_specs=[pl.BlockSpec((2, BR, D), lambda k: (0, k, 0)),
              pl.BlockSpec((BR, D), lambda k: (k, 0)),
              pl.BlockSpec((BR, 1), lambda k: (k, 0)),
              pl.BlockSpec((1, D), lambda k: (0, 0))],
    out_specs=pl.BlockSpec((BR, D), lambda k: (k, 0)),
    out_shape=jax.ShapeDtypeStruct((N, D), jnp.float32),
)


def kernel(x, edge_index, W1, b1, W2, b2, W3, b3):
    ei3 = edge_index.astype(jnp.int32).reshape(2, E // K, K)
    ei = _pack(ei3, ei3).reshape(NC, NS, CH, K)
    zeros1 = jnp.zeros((NPAD,), jnp.float32)
    zrows = jnp.zeros((RPT, D), jnp.float32)

    deg2 = _deg_kernel(ei, zeros1)
    g1, dinv = _prep(deg2, x, W1)
    agg1 = _scat_kernel(g1, ei, zrows)
    g2 = _mid(agg1, g1, dinv, b1.reshape(1, D), W2)
    agg2 = _scat_kernel(g2, ei, zrows)
    g3 = _mid(agg2, g2, dinv, b2.reshape(1, D), W3)
    agg3 = _scat_kernel(g3, ei, zrows)
    return _fin(agg3, g3, dinv, b3.reshape(1, D))

# --- scband reference (transcript-rebuilt; emitter-appended) ---
"""Pipeline reference for scband-gcn-33371895890600 (READ-ONLY COPY).

The authoritative reference and input builder live on the scoring server;
editing this copy changes nothing except your own understanding.
"""

import jax, jax.numpy as jnp
import numpy as np

N_NODES = 10000
N_EDGES = 320000
D = 128


def setup_inputs(seed: int = 0) -> dict:
    key = jax.random.key(seed)
    ks = jax.random.split(key, 8)
    x = jax.random.normal(ks[0], (N_NODES, D), dtype=jnp.float32)
    edge_index = jax.random.randint(ks[1], (2, N_EDGES), 0, N_NODES, dtype=jnp.int64)
    s = 1.0 / np.sqrt(D)
    W1 = jax.random.uniform(ks[2], (D, D), dtype=jnp.float32, minval=-s, maxval=s)
    b1 = jnp.zeros((D,), dtype=jnp.float32)
    W2 = jax.random.uniform(ks[3], (D, D), dtype=jnp.float32, minval=-s, maxval=s)
    b2 = jnp.zeros((D,), dtype=jnp.float32)
    W3 = jax.random.uniform(ks[4], (D, D), dtype=jnp.float32, minval=-s, maxval=s)
    b3 = jnp.zeros((D,), dtype=jnp.float32)
    return {"x": x, "edge_index": edge_index, "W1": W1, "b1": b1, "W2": W2, "b2": b2, "W3": W3, "b3": b3}


def _gcn_conv(x, edge_index, W, b):
    num_nodes = x.shape[0]
    # add self-loops (PyG GCNConv default)
    loop = jnp.arange(num_nodes, dtype=edge_index.dtype)
    src = jnp.concatenate([edge_index[0], loop])
    dst = jnp.concatenate([edge_index[1], loop])
    # symmetric normalization deg^{-1/2} on destination in-degree
    deg = jnp.zeros((num_nodes,), dtype=jnp.float32).at[dst].add(1.0)
    deg_inv_sqrt = jnp.where(deg > 0, 1.0 / jnp.sqrt(deg), 0.0)
    norm = deg_inv_sqrt[src] * deg_inv_sqrt[dst]
    h = x @ W
    msg = jnp.take(h, src, axis=0) * norm[:, None]
    out = jnp.zeros((num_nodes, W.shape[1]), dtype=jnp.float32).at[dst].add(msg)
    return out + b


def reference(x, edge_index, W1, b1, W2, b2, W3, b3):
    # layer 1 + relu (dropout = identity in eval mode)
    h = jax.nn.relu(_gcn_conv(x, edge_index, W1, b1))
    # layer 2 + relu
    h = jax.nn.relu(_gcn_conv(h, edge_index, W2, b2))
    # layer 3 (no activation)
    out = _gcn_conv(h, edge_index, W3, b3)
    return out

if __name__ == "__main__":
    import jax
    _d = setup_inputs()
    print(jax.jit(kernel)(*tuple(_d.values())))

</pallas_src>

<mosaic_0001>
#map = affine_map<(d0, d1) -> (0, 0, 0, 0)>
#map1 = affine_map<(d0, d1) -> (0)>
#map2 = affine_map<(d0, d1) -> (0, 0)>
module attributes {stable_mosaic.version = 14 : i64} {
  func.func @_deg_kernel(%arg0: i32, %arg1: i32, %arg2: memref<2x16x80x128xi32, #tpu.memory_space<hbm>>, %arg3: memref<10240xf32, #tpu.memory_space<hbm>>, %arg4: memref<2x10240xf32, #tpu.memory_space<hbm>>, %arg5: memref<80x128xi32, #tpu.memory_space<vmem>>, %arg6: memref<128xi32, #tpu.memory_space<vmem>>, %arg7: memref<128xi32, #tpu.memory_space<vmem>>, %arg8: memref<128xf32, #tpu.memory_space<vmem>>, %arg9: memref<10240xf32, #tpu.memory_space<vmem_shared>>, %arg10: memref<!tpu.dma_semaphore, #tpu.memory_space<semaphore_mem>>, %arg11: memref<!tpu.dma_semaphore, #tpu.memory_space<semaphore_mem>>) attributes {dimension_semantics = [#tpu.dimension_semantics<core_parallel>, #tpu.dimension_semantics<subcore_parallel>], iteration_bounds = array<i64: 2, 16>, scalar_prefetch = 0 : i64, scratch_operands = 7 : i64, tpu.core_type = #tpu.core_type<sc_vector_subcore>, window_params = [{transform_indices = #map}, {transform_indices = #map1}, {transform_indices = #map2}]} {
    "tpu.region"() ({
      %run_scoped3A = tpu.sem_alloc : memref<!tpu.dma_semaphore, #tpu.memory_space<semaphore_mem>>
      %dma_start3A = arith.constant 0 : i32
      %dma_start3A_62 = arith.constant 0 : i32
      %dma_start3A_63 = tpu.memref_slice %arg2[%arg0, %arg1, %dma_start3A, %dma_start3A_62] : memref<2x16x80x128xi32, #tpu.memory_space<hbm>> -> memref<1x1x80x128xi32, #tpu.memory_space<hbm>>
      %dma_start3A_64 = tpu.memref_squeeze %dma_start3A_63 : memref<1x1x80x128xi32, #tpu.memory_space<hbm>> -> memref<80x128xi32, #tpu.memory_space<hbm>>
      %dma_start3A_65 = arith.constant 0 : i32
      %dma_start3A_66 = arith.constant 0 : i32
      %dma_start3A_67 = tpu.memref_slice %arg2[%arg0, %arg1, %dma_start3A_65, %dma_start3A_66] : memref<2x16x80x128xi32, #tpu.memory_space<hbm>> -> memref<1x1x80x128xi32, #tpu.memory_space<hbm>>
      %dma_start3A_68 = tpu.memref_squeeze %dma_start3A_67 : memref<1x1x80x128xi32, #tpu.memory_space<hbm>> -> memref<80x128xi32, #tpu.memory_space<hbm>>
      tpu.enqueue_dma source(%dma_start3A_68 : memref<80x128xi32, #tpu.memory_space<hbm>>) target(%arg5 : memref<80x128xi32, #tpu.memory_space<vmem>>) target_semaphore(%run_scoped3A : memref<!tpu.dma_semaphore, #tpu.memory_space<semaphore_mem>>)
      %dma_wait3A_69 = arith.constant 0 : i32
      %dma_wait3A_70 = arith.constant 0 : i32
      %dma_wait3A_71 = tpu.memref_slice %arg2[%arg0, %arg1, %dma_wait3A_69, %dma_wait3A_70] : memref<2x16x80x128xi32, #tpu.memory_space<hbm>> -> memref<1x1x80x128xi32, #tpu.memory_space<hbm>>
      %dma_wait3A_72 = tpu.memref_squeeze %dma_wait3A_71 : memref<1x1x80x128xi32, #tpu.memory_space<hbm>> -> memref<80x128xi32, #tpu.memory_space<hbm>>
      %dma_wait3A_73 = arith.constant 0 : i32
      %dma_wait3A_74 = arith.constant 0 : i32
      %dma_wait3A_75 = tpu.memref_slice %arg2[%arg0, %arg1, %dma_wait3A_73, %dma_wait3A_74] : memref<2x16x80x128xi32, #tpu.memory_space<hbm>> -> memref<1x1x80x128xi32, #tpu.memory_space<hbm>>
      %dma_wait3A_76 = tpu.memref_squeeze %dma_wait3A_75 : memref<1x1x80x128xi32, #tpu.memory_space<hbm>> -> memref<80x128xi32, #tpu.memory_space<hbm>>
      tpu.wait_dma2 semaphore(%run_scoped3A : memref<!tpu.dma_semaphore, #tpu.memory_space<semaphore_mem>>) src(%dma_wait3A_76 : memref<80x128xi32, #tpu.memory_space<hbm>>) dst(%arg5 : memref<80x128xi32, #tpu.memory_space<vmem>>)
      tpu.yield
    }) : () -> ()
    %mul3A = arith.constant 640 : i32
    %mul3A_0 = arith.muli %arg1, %mul3A : i32
    %mul3A_1 = arith.constant 640 : i32
    %mul3A_2 = arith.muli %arg1, %mul3A_1 : i32
    "tpu.region"() ({
      %run_scoped3A = tpu.sem_alloc : memref<!tpu.dma_semaphore, #tpu.memory_space<semaphore_mem>>
      %dma_start3A = tpu.memref_slice %arg9[%mul3A_2] : memref<10240xf32, #tpu.memory_space<vmem_shared>> -> memref<640xf32, #tpu.memory_space<vmem_shared>>
      %dma_start3A_62 = tpu.memref_slice %arg3[%mul3A_0] : memref<10240xf32, #tpu.memory_space<hbm>> -> memref<640xf32, #tpu.memory_space<hbm>>
      tpu.enqueue_dma source(%dma_start3A_62 : memref<640xf32, #tpu.memory_space<hbm>>) target(%dma_start3A : memref<640xf32, #tpu.memory_space<vmem_shared>>) target_semaphore(%run_scoped3A : memref<!tpu.dma_semaphore, #tpu.memory_space<semaphore_mem>>)
      %dma_wait3A_63 = tpu.memref_slice %arg9[%mul3A_2] : memref<10240xf32, #tpu.memory_space<vmem_shared>> -> memref<640xf32, #tpu.memory_space<vmem_shared>>
      %dma_wait3A_64 = tpu.memref_slice %arg3[%mul3A_0] : memref<10240xf32, #tpu.memory_space<hbm>> -> memref<640xf32, #tpu.memory_space<hbm>>
      tpu.wait_dma2 semaphore(%run_scoped3A : memref<!tpu.dma_semaphore, #tpu.memory_space<semaphore_mem>>) src(%dma_wait3A_64 : memref<640xf32, #tpu.memory_space<hbm>>) dst(%dma_wait3A_63 : memref<640xf32, #tpu.memory_space<vmem_shared>>)
      tpu.yield
    }) : () -> ()
    %broadcast_in_dim3A = arith.constant 1.000000e+00 : f32
    %broadcast_in_dim3A_3 = vector.broadcast %broadcast_in_dim3A : f32 to vector<16xf32>
    %swap3A = arith.constant 0 : index
    %swap3A_4 = tpu.vector_load %arg8[%swap3A] {strides = array<i32>} : memref<128xf32, #tpu.memory_space<vmem>>, vector<16xf32>,
    %swap3A_5 = vector.shape_cast %swap3A_4 : vector<16xf32> to vector<16xf32>
    %swap3A_6 = vector.shape_cast %broadcast_in_dim3A_3 : vector<16xf32> to vector<16xf32>
    tpu.vector_store %arg8[%swap3A], %swap3A_6 {strides = array<i32>} : memref<128xf32, #tpu.memory_space<vmem>>, vector<16xf32>,
    %broadcast_in_dim3A_7 = arith.constant 1.000000e+00 : f32
    %broadcast_in_dim3A_8 = vector.broadcast %broadcast_in_dim3A_7 : f32 to vector<16xf32>
    %swap3A_9 = arith.constant 16 : index
    %swap3A_10 = tpu.vector_load %arg8[%swap3A_9] {strides = array<i32>} : memref<128xf32, #tpu.memory_space<vmem>>, vector<16xf32>,
    %swap3A_11 = vector.shape_cast %swap3A_10 : vector<16xf32> to vector<16xf32>
    %swap3A_12 = vector.shape_cast %broadcast_in_dim3A_8 : vector<16xf32> to vector<16xf32>
    tpu.vector_store %arg8[%swap3A_9], %swap3A_12 {strides = array<i32>} : memref<128xf32, #tpu.memory_space<vmem>>, vector<16xf32>,
    %broadcast_in_dim3A_13 = arith.constant 1.000000e+00 : f32
    %broadcast_in_dim3A_14 = vector.broadcast %broadcast_in_dim3A_13 : f32 to vector<16xf32>
    %swap3A_15 = arith.constant 32 : index
    %swap3A_16 = tpu.vector_load %arg8[%swap3A_15] {strides = array<i32>} : memref<128xf32, #tpu.memory_space<vmem>>, vector<16xf32>,
    %swap3A_17 = vector.shape_cast %swap3A_16 : vector<16xf32> to vector<16xf32>
    %swap3A_18 = vector.shape_cast %broadcast_in_dim3A_14 : vector<16xf32> to vector<16xf32>
    tpu.vector_store %arg8[%swap3A_15], %swap3A_18 {strides = array<i32>} : memref<128xf32, #tpu.memory_space<vmem>>, vector<16xf32>,
    %broadcast_in_dim3A_19 = arith.constant 1.000000e+00 : f32
    %broadcast_in_dim3A_20 = vector.broadcast %broadcast_in_dim3A_19 : f32 to vector<16xf32>
    %swap3A_21 = arith.constant 48 : index
    %swap3A_22 = tpu.vector_load %arg8[%swap3A_21] {strides = array<i32>} : memref<128xf32, #tpu.memory_space<vmem>>, vector<16xf32>,
    %swap3A_23 = vector.shape_cast %swap3A_22 : vector<16xf32> to vector<16xf32>
    %swap3A_24 = vector.shape_cast %broadcast_in_dim3A_20 : vector<16xf32> to vector<16xf32>
    tpu.vector_store %arg8[%swap3A_21], %swap3A_24 {strides = array<i32>} : memref<128xf32, #tpu.memory_space<vmem>>, vector<16xf32>,
    %broadcast_in_dim3A_25 = arith.constant 1.000000e+00 : f32
    %broadcast_in_dim3A_26 = vector.broadcast %broadcast_in_dim3A_25 : f32 to vector<16xf32>
    %swap3A_27 = arith.constant 64 : index
    %swap3A_28 = tpu.vector_load %arg8[%swap3A_27] {strides = array<i32>} : memref<128xf32, #tpu.memory_space<vmem>>, vector<16xf32>,
    %swap3A_29 = vector.shape_cast %swap3A_28 : vector<16xf32> to vector<16xf32>
    %swap3A_30 = vector.shape_cast %broadcast_in_dim3A_26 : vector<16xf32> to vector<16xf32>
    tpu.vector_store %arg8[%swap3A_27], %swap3A_30 {strides = array<i32>} : memref<128xf32, #tpu.memory_space<vmem>>, vector<16xf32>,
    %broadcast_in_dim3A_31 = arith.constant 1.000000e+00 : f32
    %broadcast_in_dim3A_32 = vector.broadcast %broadcast_in_dim3A_31 : f32 to vector<16xf32>
    %swap3A_33 = arith.constant 80 : index
    %swap3A_34 = tpu.vector_load %arg8[%swap3A_33] {strides = array<i32>} : memref<128xf32, #tpu.memory_space<vmem>>, vector<16xf32>,
    %swap3A_35 = vector.shape_cast %swap3A_34 : vector<16xf32> to vector<16xf32>
    %swap3A_36 = vector.shape_cast %broadcast_in_dim3A_32 : vector<16xf32> to vector<16xf32>
    tpu.vector_store %arg8[%swap3A_33], %swap3A_36 {strides = array<i32>} : memref<128xf32, #tpu.memory_space<vmem>>, vector<16xf32>,
    %broadcast_in_dim3A_37 = arith.constant 1.000000e+00 : f32
    %broadcast_in_dim3A_38 = vector.broadcast %broadcast_in_dim3A_37 : f32 to vector<16xf32>
    %swap3A_39 = arith.constant 96 : index
    %swap3A_40 = tpu.vector_load %arg8[%swap3A_39] {strides = array<i32>} : memref<128xf32, #tpu.memory_space<vmem>>, vector<16xf32>,
    %swap3A_41 = vector.shape_cast %swap3A_40 : vector<16xf32> to vector<16xf32>
    %swap3A_42 = vector.shape_cast %broadcast_in_dim3A_38 : vector<16xf32> to vector<16xf32>
    tpu.vector_store %arg8[%swap3A_39], %swap3A_42 {strides = array<i32>} : memref<128xf32, #tpu.memory_space<vmem>>, vector<16xf32>,
    %broadcast_in_dim3A_43 = arith.constant 1.000000e+00 : f32
    %broadcast_in_dim3A_44 = vector.broadcast %broadcast_in_dim3A_43 : f32 to vector<16xf32>
    %swap3A_45 = arith.constant 112 : index
    %swap3A_46 = tpu.vector_load %arg8[%swap3A_45] {strides = array<i32>} : memref<128xf32, #tpu.memory_space<vmem>>, vector<16xf32>,
    %swap3A_47 = vector.shape_cast %swap3A_46 : vector<16xf32> to vector<16xf32>
    %swap3A_48 = vector.shape_cast %broadcast_in_dim3A_44 : vector<16xf32> to vector<16xf32>
    tpu.vector_store %arg8[%swap3A_45], %swap3A_48 {strides = array<i32>} : memref<128xf32, #tpu.memory_space<vmem>>, vector<16xf32>,
    %barrier3A = arith.constant 0 : index
    tpu.barrier barrier_id(%barrier3A)
    %scan3A = arith.constant 0 : i32
    %scan3A_49 = arith.constant 0 : i32
    %scan3A_50 = arith.constant 40 : i32
    %scan3A_51 = arith.addi %scan3A_49, %scan3A_50 : i32
    %scan3A_52 = arith.constant 1 : i32
    scf.for %scan3A_62 = %scan3A_49 to %scan3A_51 step %scan3A_52  : i32 {
      %mul3A_63 = arith.constant 2 : i32
      %mul3A_64 = arith.muli %mul3A_63, %scan3A_62 : i32
      %mul3A_65 = arith.constant 2 : i32
      %mul3A_66 = arith.muli %mul3A_65, %scan3A_62 : i32
      %add3A = arith.constant 1 : i32
      %add3A_67 = arith.addi %mul3A_66, %add3A : i32
      %gt3A = arith.constant 0 : i32
      %gt3A_68 = arith.cmpi sgt, %scan3A_62, %gt3A : i32
      %convert_element_type3A = arith.extui %gt3A_68 : i1 to i32
      %cond3A = arith.constant 0 : i32
      %cond3A_69 = arith.cmpi ne, %convert_element_type3A, %cond3A : i32
      scf.if %cond3A_69 {
        %dma_wait3A_252 = arith.constant 0 : i32
        %dma_wait3A_253 = tpu.memref_slice %arg9[%dma_wait3A_252] : memref<10240xf32, #tpu.memory_space<vmem_shared>> -> memref<10240xf32, #tpu.memory_space<vmem_shared>>
        tpu.wait_indirect_dma semaphore(%arg10 : memref<!tpu.dma_semaphore, #tpu.memory_space<semaphore_mem>>) src(%arg8 : memref<128xf32, #tpu.memory_space<vmem>>) dst(%dma_wait3A_253 : memref<10240xf32, #tpu.memory_space<vmem_shared>>)
      } else {
      }
      %get3A = arith.index_cast %mul3A_64 : i32 to index
      %get3A_70 = arith.constant 0 : index
      %get3A_71 = tpu.vector_load %arg5[%get3A, %get3A_70] {strides = array<i32>} : memref<80x128xi32, #tpu.memory_space<vmem>>, vector<1x16xi32>,
      %get3A_72 = vector.shape_cast %get3A_71 : vector<1x16xi32> to vector<16xi32>
      %shift_right_logical3A = arith.constant 16 : i32
      %shift_right_logical3A_73 = vector.broadcast %shift_right_logical3A : i32 to vector<16xi32>
      %shift_right_logical3A_74 = arith.shrui %get3A_72, %shift_right_logical3A_73 : vector<16xi32>
      %swap3A_75 = arith.constant 0 : index
      %swap3A_76 = tpu.vector_load %arg6[%swap3A_75] {strides = array<i32>} : memref<128xi32, #tpu.memory_space<vmem>>, vector<16xi32>,
      %swap3A_77 = vector.shape_cast %swap3A_76 : vector<16xi32> to vector<16xi32>
      %swap3A_78 = vector.shape_cast %shift_right_logical3A_74 : vector<16xi32> to vector<16xi32>
      tpu.vector_store %arg6[%swap3A_75], %swap3A_78 {strides = array<i32>} : memref<128xi32, #tpu.memory_space<vmem>>, vector<16xi32>,
      %get3A_79 = arith.index_cast %mul3A_64 : i32 to index
      %get3A_80 = arith.constant 16 : index
      %get3A_81 = tpu.vector_load %arg5[%get3A_79, %get3A_80] {strides = array<i32>} : memref<80x128xi32, #tpu.memory_space<vmem>>, vector<1x16xi32>,
      %get3A_82 = vector.shape_cast %get3A_81 : vector<1x16xi32> to vector<16xi32>
      %shift_right_logical3A_83 = arith.constant 16 : i32
      %shift_right_logical3A_84 = vector.broadcast %shift_right_logical3A_83 : i32 to vector<16xi32>
      %shift_right_logical3A_85 = arith.shrui %get3A_82, %shift_right_logical3A_84 : vector<16xi32>
      %swap3A_86 = arith.constant 16 : index
      %swap3A_87 = tpu.vector_load %arg6[%swap3A_86] {strides = array<i32>} : memref<128xi32, #tpu.memory_space<vmem>>, vector<16xi32>,
      %swap3A_88 = vector.shape_cast %swap3A_87 : vector<16xi32> to vector<16xi32>
      %swap3A_89 = vector.shape_cast %shift_right_logical3A_85 : vector<16xi32> to vector<16xi32>
      tpu.vector_store %arg6[%swap3A_86], %swap3A_89 {strides = array<i32>} : memref<128xi32, #tpu.memory_space<vmem>>, vector<16xi32>,
      %get3A_90 = arith.index_cast %mul3A_64 : i32 to index
      %get3A_91 = arith.constant 32 : index
      %get3A_92 = tpu.vector_load %arg5[%get3A_90, %get3A_91] {strides = array<i32>} : memref<80x128xi32, #tpu.memory_space<vmem>>, vector<1x16xi32>,
      %get3A_93 = vector.shape_cast %get3A_92 : vector<1x16xi32> to vector<16xi32>
      %shift_right_logical3A_94 = arith.constant 16 : i32
      %shift_right_logical3A_95 = vector.broadcast %shift_right_logical3A_94 : i32 to vector<16xi32>
      %shift_right_logical3A_96 = arith.shrui %get3A_93, %shift_right_logical3A_95 : vector<16xi32>
      %swap3A_97 = arith.constant 32 : index
      %swap3A_98 = tpu.vector_load %arg6[%swap3A_97] {strides = array<i32>} : memref<128xi32, #tpu.memory_space<vmem>>, vector<16xi32>,
      %swap3A_99 = vector.shape_cast %swap3A_98 : vector<16xi32> to vector<16xi32>
      %swap3A_100 = vector.shape_cast %shift_right_logical3A_96 : vector<16xi32> to vector<16xi32>
      tpu.vector_store %arg6[%swap3A_97], %swap3A_100 {strides = array<i32>} : memref<128xi32, #tpu.memory_space<vmem>>, vector<16xi32>,
      %get3A_101 = arith.index_cast %mul3A_64 : i32 to index
      %get3A_102 = arith.constant 48 : index
      %get3A_103 = tpu.vector_load %arg5[%get3A_101, %get3A_102] {strides = array<i32>} : memref<80x128xi32, #tpu.memory_space<vmem>>, vector<1x16xi32>,
      %get3A_104 = vector.shape_cast %get3A_103 : vector<1x16xi32> to vector<16xi32>
      %shift_right_logical3A_105 = arith.constant 16 : i32
      %shift_right_logical3A_106 = vector.broadcast %shift_right_logical3A_105 : i32 to vector<16xi32>
      %shift_right_logical3A_107 = arith.shrui %get3A_104, %shift_right_logical3A_106 : vector<16xi32>
      %swap3A_108 = arith.constant 48 : index
      %swap3A_109 = tpu.vector_load %arg6[%swap3A_108] {strides = array<i32>} : memref<128xi32, #tpu.memory_space<vmem>>, vector<16xi32>,
      %swap3A_110 = vector.shape_cast %swap3A_109 : vector<16xi32> to vector<16xi32>
      %swap3A_111 = vector.shape_cast %shift_right_logical3A_107 : vector<16xi32> to vector<16xi32>
      tpu.vector_store %arg6[%swap3A_108], %swap3A_111 {strides = array<i32>} : memref<128xi32, #tpu.memory_space<vmem>>, vector<16xi32>,
      %get3A_112 = arith.index_cast %mul3A_64 : i32 to index
      %get3A_113 = arith.constant 64 : index
      %get3A_114 = tpu.vector_load %arg5[%get3A_112, %get3A_113] {strides = array<i32>} : memref<80x128xi32, #tpu.memory_space<vmem>>, vector<1x16xi32>,
      %get3A_115 = vector.shape_cast %get3A_114 : vector<1x16xi32> to vector<16xi32>
      %shift_right_logical3A_116 = arith.constant 16 : i32
      %shift_right_logical3A_117 = vector.broadcast %shift_right_logical3A_116 : i32 to vector<16xi32>
      %shift_right_logical3A_118 = arith.shrui %get3A_115, %shift_right_logical3A_117 : vector<16xi32>
      %swap3A_119 = arith.constant 64 : index
      %swap3A_120 = tpu.vector_load %arg6[%swap3A_119] {strides = array<i32>} : memref<128xi32, #tpu.memory_space<vmem>>, vector<16xi32>,
      %swap3A_121 = vector.shape_cast %swap3A_120 : vector<16xi32> to vector<16xi32>
      %swap3A_122 = vector.shape_cast %shift_right_logical3A_118 : vector<16xi32> to vector<16xi32>
      tpu.vector_store %arg6[%swap3A_119], %swap3A_122 {strides = array<i32>} : memref<128xi32, #tpu.memory_space<vmem>>, vector<16xi32>,
      %get3A_123 = arith.index_cast %mul3A_64 : i32 to index
      %get3A_124 = arith.constant 80 : index
      %get3A_125 = tpu.vector_load %arg5[%get3A_123, %get3A_124] {strides = array<i32>} : memref<80x128xi32, #tpu.memory_space<vmem>>, vector<1x16xi32>,
      %get3A_126 = vector.shape_cast %get3A_125 : vector<1x16xi32> to vector<16xi32>
      %shift_right_logical3A_127 = arith.constant 16 : i32
      %shift_right_logical3A_128 = vector.broadcast %shift_right_logical3A_127 : i32 to vector<16xi32>
      %shift_right_logical3A_129 = arith.shrui %get3A_126, %shift_right_logical3A_128 : vector<16xi32>
      %swap3A_130 = arith.constant 80 : index
      %swap3A_131 = tpu.vector_load %arg6[%swap3A_130] {strides = array<i32>} : memref<128xi32, #tpu.memory_space<vmem>>, vector<16xi32>,
      %swap3A_132 = vector.shape_cast %swap3A_131 : vector<16xi32> to vector<16xi32>
      %swap3A_133 = vector.shape_cast %shift_right_logical3A_129 : vector<16xi32> to vector<16xi32>
      tpu.vector_store %arg6[%swap3A_130], %swap3A_133 {strides = array<i32>} : memref<128xi32, #tpu.memory_space<vmem>>, vector<16xi32>,
      %get3A_134 = arith.index_cast %mul3A_64 : i32 to index
      %get3A_135 = arith.constant 96 : index
      %get3A_136 = tpu.vector_load %arg5[%get3A_134, %get3A_135] {strides = array<i32>} : memref<80x128xi32, #tpu.memory_space<vmem>>, vector<1x16xi32>,
      %get3A_137 = vector.shape_cast %get3A_136 : vector<1x16xi32> to vector<16xi32>
      %shift_right_logical3A_138 = arith.constant 16 : i32
      %shift_right_logical3A_139 = vector.broadcast %shift_right_logical3A_138 : i32 to vector<16xi32>
      %shift_right_logical3A_140 = arith.shrui %get3A_137, %shift_right_logical3A_139 : vector<16xi32>
      %swap3A_141 = arith.constant 96 : index
      %swap3A_142 = tpu.vector_load %arg6[%swap3A_141] {strides = array<i32>} : memref<128xi32, #tpu.memory_space<vmem>>, vector<16xi32>,
      %swap3A_143 = vector.shape_cast %swap3A_142 : vector<16xi32> to vector<16xi32>
      %swap3A_144 = vector.shape_cast %shift_right_logical3A_140 : vector<16xi32> to vector<16xi32>
      tpu.vector_store %arg6[%swap3A_141], %swap3A_144 {strides = array<i32>} : memref<128xi32, #tpu.memory_space<vmem>>, vector<16xi32>,
      %get3A_145 = arith.index_cast %mul3A_64 : i32 to index
      %get3A_146 = arith.constant 112 : index
      %get3A_147 = tpu.vector_load %arg5[%get3A_145, %get3A_146] {strides = array<i32>} : memref<80x128xi32, #tpu.memory_space<vmem>>, vector<1x16xi32>,
      %get3A_148 = vector.shape_cast %get3A_147 : vector<1x16xi32> to vector<16xi32>
      %shift_right_logical3A_149 = arith.constant 16 : i32
      %shift_right_logical3A_150 = vector.broadcast %shift_right_logical3A_149 : i32 to vector<16xi32>
      %shift_right_logical3A_151 = arith.shrui %get3A_148, %shift_right_logical3A_150 : vector<16xi32>
      %swap3A_152 = arith.constant 112 : index
      %swap3A_153 = tpu.vector_load %arg6[%swap3A_152] {strides = array<i32>} : memref<128xi32, #tpu.memory_space<vmem>>, vector<16xi32>,
      %swap3A_154 = vector.shape_cast %swap3A_153 : vector<16xi32> to vector<16xi32>
      %swap3A_155 = vector.shape_cast %shift_right_logical3A_151 : vector<16xi32> to vector<16xi32>
      tpu.vector_store %arg6[%swap3A_152], %swap3A_155 {strides = array<i32>} : memref<128xi32, #tpu.memory_space<vmem>>, vector<16xi32>,
      %dma_start3A = arith.constant 0 : i32
      %dma_start3A_156 = tpu.memref_slice %arg9[%dma_start3A] : memref<10240xf32, #tpu.memory_space<vmem_shared>> -> memref<10240xf32, #tpu.memory_space<vmem_shared>>
      tpu.enqueue_indirect_dma source(%arg8 : memref<128xf32, #tpu.memory_space<vmem>>) target(%dma_start3A_156 : memref<10240xf32, #tpu.memory_space<vmem_shared>>) offsets(%arg6 : memref<128xi32, #tpu.memory_space<vmem>>) semaphore(%arg10 : memref<!tpu.dma_semaphore, #tpu.memory_space<semaphore_mem>>) {add = true}
      %gt3A_157 = arith.constant 0 : i32
      %gt3A_158 = arith.cmpi sgt, %scan3A_62, %gt3A_157 : i32
      %convert_element_type3A_159 = arith.extui %gt3A_158 : i1 to i32
      %cond3A_160 = arith.constant 0 : i32
      %cond3A_161 = arith.cmpi ne, %convert_element_type3A_159, %cond3A_160 : i32
      scf.if %cond3A_161 {
        %dma_wait3A_252 = arith.constant 0 : i32
        %dma_wait3A_253 = tpu.memref_slice %arg9[%dma_wait3A_252] : memref<10240xf32, #tpu.memory_space<vmem_shared>> -> memref<10240xf32, #tpu.memory_space<vmem_shared>>
        tpu.wait_indirect_dma semaphore(%arg11 : memref<!tpu.dma_semaphore, #tpu.memory_space<semaphore_mem>>) src(%arg8 : memref<128xf32, #tpu.memory_space<vmem>>) dst(%dma_wait3A_253 : memref<10240xf32, #tpu.memory_space<vmem_shared>>)
      } else {
      }
      %get3A_162 = arith.index_cast %add3A_67 : i32 to index
      %get3A_163 = arith.constant 0 : index
      %get3A_164 = tpu.vector_load %arg5[%get3A_162, %get3A_163] {strides = array<i32>} : memref<80x128xi32, #tpu.memory_space<vmem>>, vector<1x16xi32>,
      %get3A_165 = vector.shape_cast %get3A_164 : vector<1x16xi32> to vector<16xi32>
      %shift_right_logical3A_166 = arith.constant 16 : i32
      %shift_right_logical3A_167 = vector.broadcast %shift_right_logical3A_166 : i32 to vector<16xi32>
      %shift_right_logical3A_168 = arith.shrui %get3A_165, %shift_right_logical3A_167 : vector<16xi32>
      %swap3A_169 = arith.constant 0 : index
      %swap3A_170 = tpu.vector_load %arg7[%swap3A_169] {strides = array<i32>} : memref<128xi32, #tpu.memory_space<vmem>>, vector<16xi32>,
      %swap3A_171 = vector.shape_cast %swap3A_170 : vector<16xi32> to vector<16xi32>
      %swap3A_172 = vector.shape_cast %shift_right_logical3A_168 : vector<16xi32> to vector<16xi32>
      tpu.vector_store %arg7[%swap3A_169], %swap3A_172 {strides = array<i32>} : memref<128xi32, #tpu.memory_space<vmem>>, vector<16xi32>,
      %get3A_173 = arith.index_cast %add3A_67 : i32 to index
      %get3A_174 = arith.constant 16 : index
      %get3A_175 = tpu.vector_load %arg5[%get3A_173, %get3A_174] {strides = array<i32>} : memref<80x128xi32, #tpu.memory_space<vmem>>, vector<1x16xi32>,
      %get3A_176 = vector.shape_cast %get3A_175 : vector<1x16xi32> to vector<16xi32>
      %shift_right_logical3A_177 = arith.constant 16 : i32
      %shift_right_logical3A_178 = vector.broadcast %shift_right_logical3A_177 : i32 to vector<16xi32>
      %shift_right_logical3A_179 = arith.shrui %get3A_176, %shift_right_logical3A_178 : vector<16xi32>
      %swap3A_180 = arith.constant 16 : index
      %swap3A_181 = tpu.vector_load %arg7[%swap3A_180] {strides = array<i32>} : memref<128xi32, #tpu.memory_space<vmem>>, vector<16xi32>,
      %swap3A_182 = vector.shape_cast %swap3A_181 : vector<16xi32> to vector<16xi32>
      %swap3A_183 = vector.shape_cast %shift_right_logical3A_179 : vector<16xi32> to vector<16xi32>
      tpu.vector_store %arg7[%swap3A_180], %swap3A_183 {strides = array<i32>} : memref<128xi32, #tpu.memory_space<vmem>>, vector<16xi32>,
      %get3A_184 = arith.index_cast %add3A_67 : i32 to index
      %get3A_185 = arith.constant 32 : index
      %get3A_186 = tpu.vector_load %arg5[%get3A_184, %get3A_185] {strides = array<i32>} : memref<80x128xi32, #tpu.memory_space<vmem>>, vector<1x16xi32>,
      %get3A_187 = vector.shape_cast %get3A_186 : vector<1x16xi32> to vector<16xi32>
      %shift_right_logical3A_188 = arith.constant 16 : i32
      %shift_right_logical3A_189 = vector.broadcast %shift_right_logical3A_188 : i32 to vector<16xi32>
      %shift_right_logical3A_190 = arith.shrui %get3A_187, %shift_right_logical3A_189 : vector<16xi32>
      %swap3A_191 = arith.constant 32 : index
      %swap3A_192 = tpu.vector_load %arg7[%swap3A_191] {strides = array<i32>} : memref<128xi32, #tpu.memory_space<vmem>>, vector<16xi32>,
      %swap3A_193 = vector.shape_cast %swap3A_192 : vector<16xi32> to vector<16xi32>
      %swap3A_194 = vector.shape_cast %shift_right_logical3A_190 : vector<16xi32> to vector<16xi32>
      tpu.vector_store %arg7[%swap3A_191], %swap3A_194 {strides = array<i32>} : memref<128xi32, #tpu.memory_space<vmem>>, vector<16xi32>,
      %get3A_195 = arith.index_cast %add3A_67 : i32 to index
      %get3A_196 = arith.constant 48 : index
      %get3A_197 = tpu.vector_load %arg5[%get3A_195, %get3A_196] {strides = array<i32>} : memref<80x128xi32, #tpu.memory_space<vmem>>, vector<1x16xi32>,
      %get3A_198 = vector.shape_cast %get3A_197 : vector<1x16xi32> to vector<16xi32>
      %shift_right_logical3A_199 = arith.constant 16 : i32
      %shift_right_logical3A_200 = vector.broadcast %shift_right_logical3A_199 : i32 to vector<16xi32>
      %shift_right_logical3A_201 = arith.shrui %get3A_198, %shift_right_logical3A_200 : vector<16xi32>
      %swap3A_202 = arith.constant 48 : index
      %swap3A_203 = tpu.vector_load %arg7[%swap3A_202] {strides = array<i32>} : memref<128xi32, #tpu.memory_space<vmem>>, vector<16xi32>,
      %swap3A_204 = vector.shape_cast %swap3A_203 : vector<16xi32> to vector<16xi32>
      %swap3A_205 = vector.shape_cast %shift_right_logical3A_201 : vector<16xi32> to vector<16xi32>
      tpu.vector_store %arg7[%swap3A_202], %swap3A_205 {strides = array<i32>} : memref<128xi32, #tpu.memory_space<vmem>>, vector<16xi32>,
      %get3A_206 = arith.index_cast %add3A_67 : i32 to index
      %get3A_207 = arith.constant 64 : index
      %get3A_208 = tpu.vector_load %arg5[%get3A_206, %get3A_207] {strides = array<i32>} : memref<80x128xi32, #tpu.memory_space<vmem>>, vector<1x16xi32>,
      %get3A_209 = vector.shape_cast %get3A_208 : vector<1x16xi32> to vector<16xi32>
      %shift_right_logical3A_210 = arith.constant 16 : i32
      %shift_right_logical3A_211 = vector.broadcast %shift_right_logical3A_210 : i32 to vector<16xi32>
      %shift_right_logical3A_212 = arith.shrui %get3A_209, %shift_right_logical3A_211 : vector<16xi32>
      %swap3A_213 = arith.constant 64 : index
      %swap3A_214 = tpu.vector_load %arg7[%swap3A_213] {strides = array<i32>} : memref<128xi32, #tpu.memory_space<vmem>>, vector<16xi32>,
      %swap3A_215 = vector.shape_cast %swap3A_214 : vector<16xi32> to vector<16xi32>
      %swap3A_216 = vector.shape_cast %shift_right_logical3A_212 : vector<16xi32> to vector<16xi32>
      tpu.vector_store %arg7[%swap3A_213], %swap3A_216 {strides = array<i32>} : memref<128xi32, #tpu.memory_space<vmem>>, vector<16xi32>,
      %get3A_217 = arith.index_cast %add3A_67 : i32 to index
      %get3A_218 = arith.constant 80 : index
      %get3A_219 = tpu.vector_load %arg5[%get3A_217, %get3A_218] {strides = array<i32>} : memref<80x128xi32, #tpu.memory_space<vmem>>, vector<1x16xi32>,
      %get3A_220 = vector.shape_cast %get3A_219 : vector<1x16xi32> to vector<16xi32>
      %shift_right_logical3A_221 = arith.constant 16 : i32
      %shift_right_logical3A_222 = vector.broadcast %shift_right_logical3A_221 : i32 to vector<16xi32>
      %shift_right_logical3A_223 = arith.shrui %get3A_220, %shift_right_logical3A_222 : vector<16xi32>
      %swap3A_224 = arith.constant 80 : index
      %swap3A_225 = tpu.vector_load %arg7[%swap3A_224] {strides = array<i32>} : memref<128xi32, #tpu.memory_space<vmem>>, vector<16xi32>,
      %swap3A_226 = vector.shape_cast %swap3A_225 : vector<16xi32> to vector<16xi32>
      %swap3A_227 = vector.shape_cast %shift_right_logical3A_223 : vector<16xi32> to vector<16xi32>
      tpu.vector_store %arg7[%swap3A_224], %swap3A_227 {strides = array<i32>} : memref<128xi32, #tpu.memory_space<vmem>>, vector<16xi32>,
      %get3A_228 = arith.index_cast %add3A_67 : i32 to index
      %get3A_229 = arith.constant 96 : index
      %get3A_230 = tpu.vector_load %arg5[%get3A_228, %get3A_229] {strides = array<i32>} : memref<80x128xi32, #tpu.memory_space<vmem>>, vector<1x16xi32>,
      %get3A_231 = vector.shape_cast %get3A_230 : vector<1x16xi32> to vector<16xi32>
      %shift_right_logical3A_232 = arith.constant 16 : i32
      %shift_right_logical3A_233 = vector.broadcast %shift_right_logical3A_232 : i32 to vector<16xi32>
      %shift_right_logical3A_234 = arith.shrui %get3A_231, %shift_right_logical3A_233 : vector<16xi32>
      %swap3A_235 = arith.constant 96 : index
      %swap3A_236 = tpu.vector_load %arg7[%swap3A_235] {strides = array<i32>} : memref<128xi32, #tpu.memory_space<vmem>>, vector<16xi32>,
      %swap3A_237 = vector.shape_cast %swap3A_236 : vector<16xi32> to vector<16xi32>
      %swap3A_238 = vector.shape_cast %shift_right_logical3A_234 : vector<16xi32> to vector<16xi32>
      tpu.vector_store %arg7[%swap3A_235], %swap3A_238 {strides = array<i32>} : memref<128xi32, #tpu.memory_space<vmem>>, vector<16xi32>,
      %get3A_239 = arith.index_cast %add3A_67 : i32 to index
      %get3A_240 = arith.constant 112 : index
      %get3A_241 = tpu.vector_load %arg5[%get3A_239, %get3A_240] {strides = array<i32>} : memref<80x128xi32, #tpu.memory_space<vmem>>, vector<1x16xi32>,
      %get3A_242 = vector.shape_cast %get3A_241 : vector<1x16xi32> to vector<16xi32>
      %shift_right_logical3A_243 = arith.constant 16 : i32
      %shift_right_logical3A_244 = vector.broadcast %shift_right_logical3A_243 : i32 to vector<16xi32>
      %shift_right_logical3A_245 = arith.shrui %get3A_242, %shift_right_logical3A_244 : vector<16xi32>
      %swap3A_246 = arith.constant 112 : index
      %swap3A_247 = tpu.vector_load %arg7[%swap3A_246] {strides = array<i32>} : memref<128xi32, #tpu.memory_space<vmem>>, vector<16xi32>,
      %swap3A_248 = vector.shape_cast %swap3A_247 : vector<16xi32> to vector<16xi32>
      %swap3A_249 = vector.shape_cast %shift_right_logical3A_245 : vector<16xi32> to vector<16xi32>
      tpu.vector_store %arg7[%swap3A_246], %swap3A_249 {strides = array<i32>} : memref<128xi32, #tpu.memory_space<vmem>>, vector<16xi32>,
      %dma_start3A_250 = arith.constant 0 : i32
      %dma_start3A_251 = tpu.memref_slice %arg9[%dma_start3A_250] : memref<10240xf32, #tpu.memory_space<vmem_shared>> -> memref<10240xf32, #tpu.memory_space<vmem_shared>>
      tpu.enqueue_indirect_dma source(%arg8 : memref<128xf32, #tpu.memory_space<vmem>>) target(%dma_start3A_251 : memref<10240xf32, #tpu.memory_space<vmem_shared>>) offsets(%arg7 : memref<128xi32, #tpu.memory_space<vmem>>) semaphore(%arg11 : memref<!tpu.dma_semaphore, #tpu.memory_space<semaphore_mem>>) {add = true}
    }
    %scan3A_53 = arith.constant 40 : i32
    %dma_wait3A = arith.constant 0 : i32
    %dma_wait3A_54 = tpu.memref_slice %arg9[%dma_wait3A] : memref<10240xf32, #tpu.memory_space<vmem_shared>> -> memref<10240xf32, #tpu.memory_space<vmem_shared>>
    tpu.wait_indirect_dma semaphore(%arg10 : memref<!tpu.dma_semaphore, #tpu.memory_space<semaphore_mem>>) src(%arg8 : memref<128xf32, #tpu.memory_space<vmem>>) dst(%dma_wait3A_54 : memref<10240xf32, #tpu.memory_space<vmem_shared>>)
    %dma_wait3A_55 = arith.constant 0 : i32
    %dma_wait3A_56 = tpu.memref_slice %arg9[%dma_wait3A_55] : memref<10240xf32, #tpu.memory_space<vmem_shared>> -> memref<10240xf32, #tpu.memory_space<vmem_shared>>
    tpu.wait_indirect_dma semaphore(%arg11 : memref<!tpu.dma_semaphore, #tpu.memory_space<semaphore_mem>>) src(%arg8 : memref<128xf32, #tpu.memory_space<vmem>>) dst(%dma_wait3A_56 : memref<10240xf32, #tpu.memory_space<vmem_shared>>)
    %barrier3A_57 = arith.constant 0 : index
    tpu.barrier barrier_id(%barrier3A_57)
    %mul3A_58 = arith.constant 640 : i32
    %mul3A_59 = arith.muli %arg1, %mul3A_58 : i32
    %mul3A_60 = arith.constant 640 : i32
    %mul3A_61 = arith.muli %arg1, %mul3A_60 : i32
    "tpu.region"() ({
      %run_scoped3A = tpu.sem_alloc : memref<!tpu.dma_semaphore, #tpu.memory_space<semaphore_mem>>
      %dma_start3A = tpu.memref_slice %arg4[%arg0, %mul3A_61] : memref<2x10240xf32, #tpu.memory_space<hbm>> -> memref<1x640xf32, #tpu.memory_space<hbm>>
      %dma_start3A_62 = tpu.memref_squeeze %dma_start3A : memref<1x640xf32, #tpu.memory_space<hbm>> -> memref<640xf32, #tpu.memory_space<hbm>>
      %dma_start3A_63 = tpu.memref_slice %arg9[%mul3A_59] : memref<10240xf32, #tpu.memory_space<vmem_shared>> -> memref<640xf32, #tpu.memory_space<vmem_shared>>
      tpu.enqueue_dma source(%dma_start3A_63 : memref<640xf32, #tpu.memory_space<vmem_shared>>) target(%dma_start3A_62 : memref<640xf32, #tpu.memory_space<hbm>>) target_semaphore(%run_scoped3A : memref<!tpu.dma_semaphore, #tpu.memory_space<semaphore_mem>>)
      %dma_wait3A_64 = tpu.memref_slice %arg4[%arg0, %mul3A_61] : memref<2x10240xf32, #tpu.memory_space<hbm>> -> memref<1x640xf32, #tpu.memory_space<hbm>>
      %dma_wait3A_65 = tpu.memref_squeeze %dma_wait3A_64 : memref<1x640xf32, #tpu.memory_space<hbm>> -> memref<640xf32, #tpu.memory_space<hbm>>
      %dma_wait3A_66 = tpu.memref_slice %arg9[%mul3A_59] : memref<10240xf32, #tpu.memory_space<vmem_shared>> -> memref<640xf32, #tpu.memory_space<vmem_shared>>
      tpu.wait_dma2 semaphore(%run_scoped3A : memref<!tpu.dma_semaphore, #tpu.memory_space<semaphore_mem>>) src(%dma_wait3A_66 : memref<640xf32, #tpu.memory_space<vmem_shared>>) dst(%dma_wait3A_65 : memref<640xf32, #tpu.memory_space<hbm>>)
      tpu.yield
    }) : () -> ()
    return
  }
}

#map = affine_map<(d0, d1) -> (0, 0)>
#map1 = affine_map<(d0, d1) -> (0, 0, 0, 0)>
#map2 = affine_map<(d0, d1) -> (0, 0, 0)>
module attributes {stable_mosaic.version = 14 : i64} {
  func.func @_scat_kernel(%arg0: i32, %arg1: i32, %arg2: memref<10000x128xf32, #tpu.memory_space<hbm>>, %arg3: memref<2x16x80x128xi32, #tpu.memory_space<hbm>>, %arg4: memref<640x128xf32, #tpu.memory_space<hbm>>, %arg5: memref<2x10240x128xf32, #tpu.memory_space<hbm>>, %arg6: memref<80x128xi32, #tpu.memory_space<vmem>>, %arg7: memref<128xi32, #tpu.memory_space<vmem>>, %arg8: memref<128xi32, #tpu.memory_space<vmem>>, %arg9: memref<128xi32, #tpu.memory_space<vmem>>, %arg10: memref<128xi32, #tpu.memory_space<vmem>>, %arg11: memref<128x128xf32, #tpu.memory_space<vmem>>, %arg12: memref<128x128xf32, #tpu.memory_space<vmem>>, %arg13: memref<10240x128xf32, #tpu.memory_space<vmem_shared>>, %arg14: memref<!tpu.dma_semaphore, #tpu.memory_space<semaphore_mem>>, %arg15: memref<!tpu.dma_semaphore, #tpu.memory_space<semaphore_mem>>) attributes {dimension_semantics = [#tpu.dimension_semantics<core_parallel>, #tpu.dimension_semantics<subcore_parallel>], iteration_bounds = array<i64: 2, 16>, scalar_prefetch = 0 : i64, scratch_operands = 10 : i64, tpu.core_type = #tpu.core_type<sc_vector_subcore>, window_params = [{transform_indices = #map}, {transform_indices = #map1}, {transform_indices = #map}, {transform_indices = #map2}]} {
    %dma_start3A = arith.constant 0 : i32
    %dma_start3A_0 = arith.constant 0 : i32
    %dma_start3A_1 = tpu.memref_slice %arg3[%arg0, %arg1, %dma_start3A, %dma_start3A_0] : memref<2x16x80x128xi32, #tpu.memory_space<hbm>> -> memref<1x1x80x128xi32, #tpu.memory_space<hbm>>
    %dma_start3A_2 = tpu.memref_squeeze %dma_start3A_1 : memref<1x1x80x128xi32, #tpu.memory_space<hbm>> -> memref<80x128xi32, #tpu.memory_space<hbm>>
    %dma_start3A_3 = arith.constant 0 : i32
    %dma_start3A_4 = arith.constant 0 : i32
    %dma_start3A_5 = tpu.memref_slice %arg3[%arg0, %arg1, %dma_start3A_3, %dma_start3A_4] : memref<2x16x80x128xi32, #tpu.memory_space<hbm>> -> memref<1x1x80x128xi32, #tpu.memory_space<hbm>>
    %dma_start3A_6 = tpu.memref_squeeze %dma_start3A_5 : memref<1x1x80x128xi32, #tpu.memory_space<hbm>> -> memref<80x128xi32, #tpu.memory_space<hbm>>
    tpu.enqueue_dma source(%dma_start3A_6 : memref<80x128xi32, #tpu.memory_space<hbm>>) target(%arg6 : memref<80x128xi32, #tpu.memory_space<vmem>>) target_semaphore(%arg14 : memref<!tpu.dma_semaphore, #tpu.memory_space<semaphore_mem>>)
    %mul3A = arith.constant 640 : i32
    %mul3A_7 = arith.muli %arg1, %mul3A : i32
    %dma_start3A_8 = arith.constant 0 : i32
    %dma_start3A_9 = tpu.memref_slice %arg13[%mul3A_7, %dma_start3A_8] : memref<10240x128xf32, #tpu.memory_space<vmem_shared>> -> memref<640x128xf32, #tpu.memory_space<vmem_shared>>
    tpu.enqueue_dma source(%arg4 : memref<640x128xf32, #tpu.memory_space<hbm>>) target(%dma_start3A_9 : memref<640x128xf32, #tpu.memory_space<vmem_shared>>) target_semaphore(%arg15 : memref<!tpu.dma_semaphore, #tpu.memory_space<semaphore_mem>>)
    %dma_wait3A = arith.constant 0 : i32
    %dma_wait3A_10 = arith.constant 0 : i32
    %dma_wait3A_11 = tpu.memref_slice %arg3[%arg0, %arg1, %dma_wait3A, %dma_wait3A_10] : memref<2x16x80x128xi32, #tpu.memory_space<hbm>> -> memref<1x1x80x128xi32, #tpu.memory_space<hbm>>
    %dma_wait3A_12 = tpu.memref_squeeze %dma_wait3A_11 : memref<1x1x80x128xi32, #tpu.memory_space<hbm>> -> memref<80x128xi32, #tpu.memory_space<hbm>>
    %dma_wait3A_13 = arith.constant 0 : i32
    %dma_wait3A_14 = arith.constant 0 : i32
    %dma_wait3A_15 = tpu.memref_slice %arg3[%arg0, %arg1, %dma_wait3A_13, %dma_wait3A_14] : memref<2x16x80x128xi32, #tpu.memory_space<hbm>> -> memref<1x1x80x128xi32, #tpu.memory_space<hbm>>
    %dma_wait3A_16 = tpu.memref_squeeze %dma_wait3A_15 : memref<1x1x80x128xi32, #tpu.memory_space<hbm>> -> memref<80x128xi32, #tpu.memory_space<hbm>>
    tpu.wait_dma2 semaphore(%arg14 : memref<!tpu.dma_semaphore, #tpu.memory_space<semaphore_mem>>) src(%dma_wait3A_16 : memref<80x128xi32, #tpu.memory_space<hbm>>) dst(%arg6 : memref<80x128xi32, #tpu.memory_space<vmem>>)
    %dma_wait3A_17 = arith.constant 0 : i32
    %dma_wait3A_18 = tpu.memref_slice %arg13[%mul3A_7, %dma_wait3A_17] : memref<10240x128xf32, #tpu.memory_space<vmem_shared>> -> memref<640x128xf32, #tpu.memory_space<vmem_shared>>
    tpu.wait_dma2 semaphore(%arg15 : memref<!tpu.dma_semaphore, #tpu.memory_space<semaphore_mem>>) src(%arg4 : memref<640x128xf32, #tpu.memory_space<hbm>>) dst(%dma_wait3A_18 : memref<640x128xf32, #tpu.memory_space<vmem_shared>>)
    %barrier3A = arith.constant 0 : index
    tpu.barrier barrier_id(%barrier3A)
    %get3A = arith.constant 0 : i32
    %get3A_19 = arith.index_cast %get3A : i32 to index
    %get3A_20 = arith.constant 0 : index
    %get3A_21 = tpu.vector_load %arg6[%get3A_19, %get3A_20] {strides = array<i32>} : memref<80x128xi32, #tpu.memory_space<vmem>>, vector<1x16xi32>,
    %get3A_22 = vector.shape_cast %get3A_21 : vector<1x16xi32> to vector<16xi32>
    %and3A = arith.constant 65535 : i32
    %and3A_23 = vector.broadcast %and3A : i32 to vector<16xi32>
    %and3A_24 = arith.andi %get3A_22, %and3A_23 : vector<16xi32>
    %swap3A = arith.constant 0 : index
    %swap3A_25 = tpu.vector_load %arg7[%swap3A] {strides = array<i32>} : memref<128xi32, #tpu.memory_space<vmem>>, vector<16xi32>,
    %swap3A_26 = vector.shape_cast %swap3A_25 : vector<16xi32> to vector<16xi32>
    %swap3A_27 = vector.shape_cast %and3A_24 : vector<16xi32> to vector<16xi32>
    tpu.vector_store %arg7[%swap3A], %swap3A_27 {strides = array<i32>} : memref<128xi32, #tpu.memory_space<vmem>>, vector<16xi32>,
    %get3A_28 = arith.constant 0 : i32
    %get3A_29 = arith.index_cast %get3A_28 : i32 to index
    %get3A_30 = arith.constant 16 : index
    %get3A_31 = tpu.vector_load %arg6[%get3A_29, %get3A_30] {strides = array<i32>} : memref<80x128xi32, #tpu.memory_space<vmem>>, vector<1x16xi32>,
    %get3A_32 = vector.shape_cast %get3A_31 : vector<1x16xi32> to vector<16xi32>
    %and3A_33 = arith.constant 65535 : i32
    %and3A_34 = vector.broadcast %and3A_33 : i32 to vector<16xi32>
    %and3A_35 = arith.andi %get3A_32, %and3A_34 : vector<16xi32>
    %swap3A_36 = arith.constant 16 : index
    %swap3A_37 = tpu.vector_load %arg7[%swap3A_36] {strides = array<i32>} : memref<128xi32, #tpu.memory_space<vmem>>, vector<16xi32>,
    %swap3A_38 = vector.shape_cast %swap3A_37 : vector<16xi32> to vector<16xi32>
    %swap3A_39 = vector.shape_cast %and3A_35 : vector<16xi32> to vector<16xi32>
    tpu.vector_store %arg7[%swap3A_36], %swap3A_39 {strides = array<i32>} : memref<128xi32, #tpu.memory_space<vmem>>, vector<16xi32>,
    %get3A_40 = arith.constant 0 : i32
    %get3A_41 = arith.index_cast %get3A_40 : i32 to index
    %get3A_42 = arith.constant 32 : index
    %get3A_43 = tpu.vector_load %arg6[%get3A_41, %get3A_42] {strides = array<i32>} : memref<80x128xi32, #tpu.memory_space<vmem>>, vector<1x16xi32>,
    %get3A_44 = vector.shape_cast %get3A_43 : vector<1x16xi32> to vector<16xi32>
    %and3A_45 = arith.constant 65535 : i32
    %and3A_46 = vector.broadcast %and3A_45 : i32 to vector<16xi32>
    %and3A_47 = arith.andi %get3A_44, %and3A_46 : vector<16xi32>
    %swap3A_48 = arith.constant 32 : index
    %swap3A_49 = tpu.vector_load %arg7[%swap3A_48] {strides = array<i32>} : memref<128xi32, #tpu.memory_space<vmem>>, vector<16xi32>,
    %swap3A_50 = vector.shape_cast %swap3A_49 : vector<16xi32> to vector<16xi32>
    %swap3A_51 = vector.shape_cast %and3A_47 : vector<16xi32> to vector<16xi32>
    tpu.vector_store %arg7[%swap3A_48], %swap3A_51 {strides = array<i32>} : memref<128xi32, #tpu.memory_space<vmem>>, vector<16xi32>,
    %get3A_52 = arith.constant 0 : i32
    %get3A_53 = arith.index_cast %get3A_52 : i32 to index
    %get3A_54 = arith.constant 48 : index
    %get3A_55 = tpu.vector_load %arg6[%get3A_53, %get3A_54] {strides = array<i32>} : memref<80x128xi32, #tpu.memory_space<vmem>>, vector<1x16xi32>,
    %get3A_56 = vector.shape_cast %get3A_55 : vector<1x16xi32> to vector<16xi32>
    %and3A_57 = arith.constant 65535 : i32
    %and3A_58 = vector.broadcast %and3A_57 : i32 to vector<16xi32>
    %and3A_59 = arith.andi %get3A_56, %and3A_58 : vector<16xi32>
    %swap3A_60 = arith.constant 48 : index
    %swap3A_61 = tpu.vector_load %arg7[%swap3A_60] {strides = array<i32>} : memref<128xi32, #tpu.memory_space<vmem>>, vector<16xi32>,
    %swap3A_62 = vector.shape_cast %swap3A_61 : vector<16xi32> to vector<16xi32>
    %swap3A_63 = vector.shape_cast %and3A_59 : vector<16xi32> to vector<16xi32>
    tpu.vector_store %arg7[%swap3A_60], %swap3A_63 {strides = array<i32>} : memref<128xi32, #tpu.memory_space<vmem>>, vector<16xi32>,
    %get3A_64 = arith.constant 0 : i32
    %get3A_65 = arith.index_cast %get3A_64 : i32 to index
    %get3A_66 = arith.constant 64 : index
    %get3A_67 = tpu.vector_load %arg6[%get3A_65, %get3A_66] {strides = array<i32>} : memref<80x128xi32, #tpu.memory_space<vmem>>, vector<1x16xi32>,
    %get3A_68 = vector.shape_cast %get3A_67 : vector<1x16xi32> to vector<16xi32>
    %and3A_69 = arith.constant 65535 : i32
    %and3A_70 = vector.broadcast %and3A_69 : i32 to vector<16xi32>
    %and3A_71 = arith.andi %get3A_68, %and3A_70 : vector<16xi32>
    %swap3A_72 = arith.constant 64 : index
    %swap3A_73 = tpu.vector_load %arg7[%swap3A_72] {strides = array<i32>} : memref<128xi32, #tpu.memory_space<vmem>>, vector<16xi32>,
    %swap3A_74 = vector.shape_cast %swap3A_73 : vector<16xi32> to vector<16xi32>
    %swap3A_75 = vector.shape_cast %and3A_71 : vector<16xi32> to vector<16xi32>
    tpu.vector_store %arg7[%swap3A_72], %swap3A_75 {strides = array<i32>} : memref<128xi32, #tpu.memory_space<vmem>>, vector<16xi32>,
    %get3A_76 = arith.constant 0 : i32
    %get3A_77 = arith.index_cast %get3A_76 : i32 to index
    %get3A_78 = arith.constant 80 : index
    %get3A_79 = tpu.vector_load %arg6[%get3A_77, %get3A_78] {strides = array<i32>} : memref<80x128xi32, #tpu.memory_space<vmem>>, vector<1x16xi32>,
    %get3A_80 = vector.shape_cast %get3A_79 : vector<1x16xi32> to vector<16xi32>
    %and3A_81 = arith.constant 65535 : i32
    %and3A_82 = vector.broadcast %and3A_81 : i32 to vector<16xi32>
    %and3A_83 = arith.andi %get3A_80, %and3A_82 : vector<16xi32>
    %swap3A_84 = arith.constant 80 : index
    %swap3A_85 = tpu.vector_load %arg7[%swap3A_84] {strides = array<i32>} : memref<128xi32, #tpu.memory_space<vmem>>, vector<16xi32>,
    %swap3A_86 = vector.shape_cast %swap3A_85 : vector<16xi32> to vector<16xi32>
    %swap3A_87 = vector.shape_cast %and3A_83 : vector<16xi32> to vector<16xi32>
    tpu.vector_store %arg7[%swap3A_84], %swap3A_87 {strides = array<i32>} : memref<128xi32, #tpu.memory_space<vmem>>, vector<16xi32>,
    %get3A_88 = arith.constant 0 : i32
    %get3A_89 = arith.index_cast %get3A_88 : i32 to index
    %get3A_90 = arith.constant 96 : index
    %get3A_91 = tpu.vector_load %arg6[%get3A_89, %get3A_90] {strides = array<i32>} : memref<80x128xi32, #tpu.memory_space<vmem>>, vector<1x16xi32>,
    %get3A_92 = vector.shape_cast %get3A_91 : vector<1x16xi32> to vector<16xi32>
    %and3A_93 = arith.constant 65535 : i32
    %and3A_94 = vector.broadcast %and3A_93 : i32 to vector<16xi32>
    %and3A_95 = arith.andi %get3A_92, %and3A_94 : vector<16xi32>
    %swap3A_96 = arith.constant 96 : index
    %swap3A_97 = tpu.vector_load %arg7[%swap3A_96] {strides = array<i32>} : memref<128xi32, #tpu.memory_space<vmem>>, vector<16xi32>,
    %swap3A_98 = vector.shape_cast %swap3A_97 : vector<16xi32> to vector<16xi32>
    %swap3A_99 = vector.shape_cast %and3A_95 : vector<16xi32> to vector<16xi32>
    tpu.vector_store %arg7[%swap3A_96], %swap3A_99 {strides = array<i32>} : memref<128xi32, #tpu.memory_space<vmem>>, vector<16xi32>,
    %get3A_100 = arith.constant 0 : i32
    %get3A_101 = arith.index_cast %get3A_100 : i32 to index
    %get3A_102 = arith.constant 112 : index
    %get3A_103 = tpu.vector_load %arg6[%get3A_101, %get3A_102] {strides = array<i32>} : memref<80x128xi32, #tpu.memory_space<vmem>>, vector<1x16xi32>,
    %get3A_104 = vector.shape_cast %get3A_103 : vector<1x16xi32> to vector<16xi32>
    %and3A_105 = arith.constant 65535 : i32
    %and3A_106 = vector.broadcast %and3A_105 : i32 to vector<16xi32>
    %and3A_107 = arith.andi %get3A_104, %and3A_106 : vector<16xi32>
    %swap3A_108 = arith.constant 112 : index
    %swap3A_109 = tpu.vector_load %arg7[%swap3A_108] {strides = array<i32>} : memref<128xi32, #tpu.memory_space<vmem>>, vector<16xi32>,
    %swap3A_110 = vector.shape_cast %swap3A_109 : vector<16xi32> to vector<16xi32>
    %swap3A_111 = vector.shape_cast %and3A_107 : vector<16xi32> to vector<16xi32>
    tpu.vector_store %arg7[%swap3A_108], %swap3A_111 {strides = array<i32>} : memref<128xi32, #tpu.memory_space<vmem>>, vector<16xi32>,
    %get3A_112 = arith.constant 0 : i32
    %get3A_113 = arith.index_cast %get3A_112 : i32 to index
    %get3A_114 = arith.constant 0 : index
    %get3A_115 = tpu.vector_load %arg6[%get3A_113, %get3A_114] {strides = array<i32>} : memref<80x128xi32, #tpu.memory_space<vmem>>, vector<1x16xi32>,
    %get3A_116 = vector.shape_cast %get3A_115 : vector<1x16xi32> to vector<16xi32>
    %shift_right_logical3A = arith.constant 16 : i32
    %shift_right_logical3A_117 = vector.broadcast %shift_right_logical3A : i32 to vector<16xi32>
    %shift_right_logical3A_118 = arith.shrui %get3A_116, %shift_right_logical3A_117 : vector<16xi32>
    %swap3A_119 = arith.constant 0 : index
    %swap3A_120 = tpu.vector_load %arg8[%swap3A_119] {strides = array<i32>} : memref<128xi32, #tpu.memory_space<vmem>>, vector<16xi32>,
    %swap3A_121 = vector.shape_cast %swap3A_120 : vector<16xi32> to vector<16xi32>
    %swap3A_122 = vector.shape_cast %shift_right_logical3A_118 : vector<16xi32> to vector<16xi32>
    tpu.vector_store %arg8[%swap3A_119], %swap3A_122 {strides = array<i32>} : memref<128xi32, #tpu.memory_space<vmem>>, vector<16xi32>,
    %get3A_123 = arith.constant 0 : i32
    %get3A_124 = arith.index_cast %get3A_123 : i32 to index
    %get3A_125 = arith.constant 16 : index
    %get3A_126 = tpu.vector_load %arg6[%get3A_124, %get3A_125] {strides = array<i32>} : memref<80x128xi32, #tpu.memory_space<vmem>>, vector<1x16xi32>,
    %get3A_127 = vector.shape_cast %get3A_126 : vector<1x16xi32> to vector<16xi32>
    %shift_right_logical3A_128 = arith.constant 16 : i32
    %shift_right_logical3A_129 = vector.broadcast %shift_right_logical3A_128 : i32 to vector<16xi32>
    %shift_right_logical3A_130 = arith.shrui %get3A_127, %shift_right_logical3A_129 : vector<16xi32>
    %swap3A_131 = arith.constant 16 : index
    %swap3A_132 = tpu.vector_load %arg8[%swap3A_131] {strides = array<i32>} : memref<128xi32, #tpu.memory_space<vmem>>, vector<16xi32>,
    %swap3A_133 = vector.shape_cast %swap3A_132 : vector<16xi32> to vector<16xi32>
    %swap3A_134 = vector.shape_cast %shift_right_logical3A_130 : vector<16xi32> to vector<16xi32>
    tpu.vector_store %arg8[%swap3A_131], %swap3A_134 {strides = array<i32>} : memref<128xi32, #tpu.memory_space<vmem>>, vector<16xi32>,
    %get3A_135 = arith.constant 0 : i32
    %get3A_136 = arith.index_cast %get3A_135 : i32 to index
    %get3A_137 = arith.constant 32 : index
    %get3A_138 = tpu.vector_load %arg6[%get3A_136, %get3A_137] {strides = array<i32>} : memref<80x128xi32, #tpu.memory_space<vmem>>, vector<1x16xi32>,
    %get3A_139 = vector.shape_cast %get3A_138 : vector<1x16xi32> to vector<16xi32>
    %shift_right_logical3A_140 = arith.constant 16 : i32
    %shift_right_logical3A_141 = vector.broadcast %shift_right_logical3A_140 : i32 to vector<16xi32>
    %shift_right_logical3A_142 = arith.shrui %get3A_139, %shift_right_logical3A_141 : vector<16xi32>
    %swap3A_143 = arith.constant 32 : index
    %swap3A_144 = tpu.vector_load %arg8[%swap3A_143] {strides = array<i32>} : memref<128xi32, #tpu.memory_space<vmem>>, vector<16xi32>,
    %swap3A_145 = vector.shape_cast %swap3A_144 : vector<16xi32> to vector<16xi32>
    %swap3A_146 = vector.shape_cast %shift_right_logical3A_142 : vector<16xi32> to vector<16xi32>
    tpu.vector_store %arg8[%swap3A_143], %swap3A_146 {strides = array<i32>} : memref<128xi32, #tpu.memory_space<vmem>>, vector<16xi32>,
    %get3A_147 = arith.constant 0 : i32
    %get3A_148 = arith.index_cast %get3A_147 : i32 to index
    %get3A_149 = arith.constant 48 : index
    %get3A_150 = tpu.vector_load %arg6[%get3A_148, %get3A_149] {strides = array<i32>} : memref<80x128xi32, #tpu.memory_space<vmem>>, vector<1x16xi32>,
    %get3A_151 = vector.shape_cast %get3A_150 : vector<1x16xi32> to vector<16xi32>
    %shift_right_logical3A_152 = arith.constant 16 : i32
    %shift_right_logical3A_153 = vector.broadcast %shift_right_logical3A_152 : i32 to vector<16xi32>
    %shift_right_logical3A_154 = arith.shrui %get3A_151, %shift_right_logical3A_153 : vector<16xi32>
    %swap3A_155 = arith.constant 48 : index
    %swap3A_156 = tpu.vector_load %arg8[%swap3A_155] {strides = array<i32>} : memref<128xi32, #tpu.memory_space<vmem>>, vector<16xi32>,
    %swap3A_157 = vector.shape_cast %swap3A_156 : vector<16xi32> to vector<16xi32>
    %swap3A_158 = vector.shape_cast %shift_right_logical3A_154 : vector<16xi32> to vector<16xi32>
    tpu.vector_store %arg8[%swap3A_155], %swap3A_158 {strides = array<i32>} : memref<128xi32, #tpu.memory_space<vmem>>, vector<16xi32>,
    %get3A_159 = arith.constant 0 : i32
    %get3A_160 = arith.index_cast %get3A_159 : i32 to index
    %get3A_161 = arith.constant 64 : index
    %get3A_162 = tpu.vector_load %arg6[%get3A_160, %get3A_161] {strides = array<i32>} : memref<80x128xi32, #tpu.memory_space<vmem>>, vector<1x16xi32>,
    %get3A_163 = vector.shape_cast %get3A_162 : vector<1x16xi32> to vector<16xi32>
    %shift_right_logical3A_164 = arith.constant 16 : i32
    %shift_right_logical3A_165 = vector.broadcast %shift_right_logical3A_164 : i32 to vector<16xi32>
    %shift_right_logical3A_166 = arith.shrui %get3A_163, %shift_right_logical3A_165 : vector<16xi32>
    %swap3A_167 = arith.constant 64 : index
    %swap3A_168 = tpu.vector_load %arg8[%swap3A_167] {strides = array<i32>} : memref<128xi32, #tpu.memory_space<vmem>>, vector<16xi32>,
    %swap3A_169 = vector.shape_cast %swap3A_168 : vector<16xi32> to vector<16xi32>
    %swap3A_170 = vector.shape_cast %shift_right_logical3A_166 : vector<16xi32> to vector<16xi32>
    tpu.vector_store %arg8[%swap3A_167], %swap3A_170 {strides = array<i32>} : memref<128xi32, #tpu.memory_space<vmem>>, vector<16xi32>,
    %get3A_171 = arith.constant 0 : i32
    %get3A_172 = arith.index_cast %get3A_171 : i32 to index
    %get3A_173 = arith.constant 80 : index
    %get3A_174 = tpu.vector_load %arg6[%get3A_172, %get3A_173] {strides = array<i32>} : memref<80x128xi32, #tpu.memory_space<vmem>>, vector<1x16xi32>,
    %get3A_175 = vector.shape_cast %get3A_174 : vector<1x16xi32> to vector<16xi32>
    %shift_right_logical3A_176 = arith.constant 16 : i32
    %shift_right_logical3A_177 = vector.broadcast %shift_right_logical3A_176 : i32 to vector<16xi32>
    %shift_right_logical3A_178 = arith.shrui %get3A_175, %shift_right_logical3A_177 : vector<16xi32>
    %swap3A_179 = arith.constant 80 : index
    %swap3A_180 = tpu.vector_load %arg8[%swap3A_179] {strides = array<i32>} : memref<128xi32, #tpu.memory_space<vmem>>, vector<16xi32>,
    %swap3A_181 = vector.shape_cast %swap3A_180 : vector<16xi32> to vector<16xi32>
    %swap3A_182 = vector.shape_cast %shift_right_logical3A_178 : vector<16xi32> to vector<16xi32>
    tpu.vector_store %arg8[%swap3A_179], %swap3A_182 {strides = array<i32>} : memref<128xi32, #tpu.memory_space<vmem>>, vector<16xi32>,
    %get3A_183 = arith.constant 0 : i32
    %get3A_184 = arith.index_cast %get3A_183 : i32 to index
    %get3A_185 = arith.constant 96 : index
    %get3A_186 = tpu.vector_load %arg6[%get3A_184, %get3A_185] {strides = array<i32>} : memref<80x128xi32, #tpu.memory_space<vmem>>, vector<1x16xi32>,
    %get3A_187 = vector.shape_cast %get3A_186 : vector<1x16xi32> to vector<16xi32>
    %shift_right_logical3A_188 = arith.constant 16 : i32
    %shift_right_logical3A_189 = vector.broadcast %shift_right_logical3A_188 : i32 to vector<16xi32>
    %shift_right_logical3A_190 = arith.shrui %get3A_187, %shift_right_logical3A_189 : vector<16xi32>
    %swap3A_191 = arith.constant 96 : index
    %swap3A_192 = tpu.vector_load %arg8[%swap3A_191] {strides = array<i32>} : memref<128xi32, #tpu.memory_space<vmem>>, vector<16xi32>,
    %swap3A_193 = vector.shape_cast %swap3A_192 : vector<16xi32> to vector<16xi32>
    %swap3A_194 = vector.shape_cast %shift_right_logical3A_190 : vector<16xi32> to vector<16xi32>
    tpu.vector_store %arg8[%swap3A_191], %swap3A_194 {strides = array<i32>} : memref<128xi32, #tpu.memory_space<vmem>>, vector<16xi32>,
    %get3A_195 = arith.constant 0 : i32
    %get3A_196 = arith.index_cast %get3A_195 : i32 to index
    %get3A_197 = arith.constant 112 : index
    %get3A_198 = tpu.vector_load %arg6[%get3A_196, %get3A_197] {strides = array<i32>} : memref<80x128xi32, #tpu.memory_space<vmem>>, vector<1x16xi32>,
    %get3A_199 = vector.shape_cast %get3A_198 : vector<1x16xi32> to vector<16xi32>
    %shift_right_logical3A_200 = arith.constant 16 : i32
    %shift_right_logical3A_201 = vector.broadcast %shift_right_logical3A_200 : i32 to vector<16xi32>
    %shift_right_logical3A_202 = arith.shrui %get3A_199, %shift_right_logical3A_201 : vector<16xi32>
    %swap3A_203 = arith.constant 112 : index
    %swap3A_204 = tpu.vector_load %arg8[%swap3A_203] {strides = array<i32>} : memref<128xi32, #tpu.memory_space<vmem>>, vector<16xi32>,
    %swap3A_205 = vector.shape_cast %swap3A_204 : vector<16xi32> to vector<16xi32>
    %swap3A_206 = vector.shape_cast %shift_right_logical3A_202 : vector<16xi32> to vector<16xi32>
    tpu.vector_store %arg8[%swap3A_203], %swap3A_206 {strides = array<i32>} : memref<128xi32, #tpu.memory_space<vmem>>, vector<16xi32>,
    %dma_start3A_207 = arith.constant 0 : i32
    %dma_start3A_208 = arith.constant 0 : i32
    %dma_start3A_209 = tpu.memref_slice %arg2[%dma_start3A_207, %dma_start3A_208] : memref<10000x128xf32, #tpu.memory_space<hbm>> -> memref<10000x128xf32, #tpu.memory_space<hbm>>
    tpu.enqueue_indirect_dma source(%dma_start3A_209 : memref<10000x128xf32, #tpu.memory_space<hbm>>) target(%arg11 : memref<128x128xf32, #tpu.memory_space<vmem>>) offsets(%arg7 : memref<128xi32, #tpu.memory_space<vmem>>) semaphore(%arg14 : memref<!tpu.dma_semaphore, #tpu.memory_space<semaphore_mem>>)
    %scan3A = arith.constant 0 : i32
    %scan3A_210 = arith.constant 0 : i32
    %scan3A_211 = arith.constant 40 : i32
    %scan3A_212 = arith.addi %scan3A_210, %scan3A_211 : i32
    %scan3A_213 = arith.constant 1 : i32
    scf.for %scan3A_220 = %scan3A_210 to %scan3A_212 step %scan3A_213  : i32 {
      %mul3A_221 = arith.constant 2 : i32
      %mul3A_222 = arith.muli %mul3A_221, %scan3A_220 : i32
      %mul3A_223 = arith.constant 2 : i32
      %mul3A_224 = arith.muli %mul3A_223, %scan3A_220 : i32
      %add3A = arith.constant 1 : i32
      %add3A_225 = arith.addi %mul3A_224, %add3A : i32
      %get3A_226 = arith.index_cast %add3A_225 : i32 to index
      %get3A_227 = arith.constant 0 : index
      %get3A_228 = tpu.vector_load %arg6[%get3A_226, %get3A_227] {strides = array<i32>} : memref<80x128xi32, #tpu.memory_space<vmem>>, vector<1x16xi32>,
      %get3A_229 = vector.shape_cast %get3A_228 : vector<1x16xi32> to vector<16xi32>
      %and3A_230 = arith.constant 65535 : i32
      %and3A_231 = vector.broadcast %and3A_230 : i32 to vector<16xi32>
      %and3A_232 = arith.andi %get3A_229, %and3A_231 : vector<16xi32>
      %swap3A_233 = arith.constant 0 : index
      %swap3A_234 = tpu.vector_load %arg9[%swap3A_233] {strides = array<i32>} : memref<128xi32, #tpu.memory_space<vmem>>, vector<16xi32>,
      %swap3A_235 = vector.shape_cast %swap3A_234 : vector<16xi32> to vector<16xi32>
      %swap3A_236 = vector.shape_cast %and3A_232 : vector<16xi32> to vector<16xi32>
      tpu.vector_store %arg9[%swap3A_233], %swap3A_236 {strides = array<i32>} : memref<128xi32, #tpu.memory_space<vmem>>, vector<16xi32>,
      %get3A_237 = arith.index_cast %add3A_225 : i32 to index
      %get3A_238 = arith.constant 16 : index
      %get3A_239 = tpu.vector_load %arg6[%get3A_237, %get3A_238] {strides = array<i32>} : memref<80x128xi32, #tpu.memory_space<vmem>>, vector<1x16xi32>,
      %get3A_240 = vector.shape_cast %get3A_239 : vector<1x16xi32> to vector<16xi32>
      %and3A_241 = arith.constant 65535 : i32
      %and3A_242 = vector.broadcast %and3A_241 : i32 to vector<16xi32>
      %and3A_243 = arith.andi %get3A_240, %and3A_242 : vector<16xi32>
      %swap3A_244 = arith.constant 16 : index
      %swap3A_245 = tpu.vector_load %arg9[%swap3A_244] {strides = array<i32>} : memref<128xi32, #tpu.memory_space<vmem>>, vector<16xi32>,
      %swap3A_246 = vector.shape_cast %swap3A_245 : vector<16xi32> to vector<16xi32>
      %swap3A_247 = vector.shape_cast %and3A_243 : vector<16xi32> to vector<16xi32>
      tpu.vector_store %arg9[%swap3A_244], %swap3A_247 {strides = array<i32>} : memref<128xi32, #tpu.memory_space<vmem>>, vector<16xi32>,
      %get3A_248 = arith.index_cast %add3A_225 : i32 to index
      %get3A_249 = arith.constant 32 : index
      %get3A_250 = tpu.vector_load %arg6[%get3A_248, %get3A_249] {strides = array<i32>} : memref<80x128xi32, #tpu.memory_space<vmem>>, vector<1x16xi32>,
      %get3A_251 = vector.shape_cast %get3A_250 : vector<1x16xi32> to vector<16xi32>
      %and3A_252 = arith.constant 65535 : i32
      %and3A_253 = vector.broadcast %and3A_252 : i32 to vector<16xi32>
      %and3A_254 = arith.andi %get3A_251, %and3A_253 : vector<16xi32>
      %swap3A_255 = arith.constant 32 : index
      %swap3A_256 = tpu.vector_load %arg9[%swap3A_255] {strides = array<i32>} : memref<128xi32, #tpu.memory_space<vmem>>, vector<16xi32>,
      %swap3A_257 = vector.shape_cast %swap3A_256 : vector<16xi32> to vector<16xi32>
      %swap3A_258 = vector.shape_cast %and3A_254 : vector<16xi32> to vector<16xi32>
      tpu.vector_store %arg9[%swap3A_255], %swap3A_258 {strides = array<i32>} : memref<128xi32, #tpu.memory_space<vmem>>, vector<16xi32>,
      %get3A_259 = arith.index_cast %add3A_225 : i32 to index
      %get3A_260 = arith.constant 48 : index
      %get3A_261 = tpu.vector_load %arg6[%get3A_259, %get3A_260] {strides = array<i32>} : memref<80x128xi32, #tpu.memory_space<vmem>>, vector<1x16xi32>,
      %get3A_262 = vector.shape_cast %get3A_261 : vector<1x16xi32> to vector<16xi32>
      %and3A_263 = arith.constant 65535 : i32
      %and3A_264 = vector.broadcast %and3A_263 : i32 to vector<16xi32>
      %and3A_265 = arith.andi %get3A_262, %and3A_264 : vector<16xi32>
      %swap3A_266 = arith.constant 48 : index
      %swap3A_267 = tpu.vector_load %arg9[%swap3A_266] {strides = array<i32>} : memref<128xi32, #tpu.memory_space<vmem>>, vector<16xi32>,
      %swap3A_268 = vector.shape_cast %swap3A_267 : vector<16xi32> to vector<16xi32>
      %swap3A_269 = vector.shape_cast %and3A_265 : vector<16xi32> to vector<16xi32>
      tpu.vector_store %arg9[%swap3A_266], %swap3A_269 {strides = array<i32>} : memref<128xi32, #tpu.memory_space<vmem>>, vector<16xi32>,
      %get3A_270 = arith.index_cast %add3A_225 : i32 to index
      %get3A_271 = arith.constant 64 : index
      %get3A_272 = tpu.vector_load %arg6[%get3A_270, %get3A_271] {strides = array<i32>} : memref<80x128xi32, #tpu.memory_space<vmem>>, vector<1x16xi32>,
      %get3A_273 = vector.shape_cast %get3A_272 : vector<1x16xi32> to vector<16xi32>
      %and3A_274 = arith.constant 65535 : i32
      %and3A_275 = vector.broadcast %and3A_274 : i32 to vector<16xi32>
      %and3A_276 = arith.andi %get3A_273, %and3A_275 : vector<16xi32>
      %swap3A_277 = arith.constant 64 : index
      %swap3A_278 = tpu.vector_load %arg9[%swap3A_277] {strides = array<i32>} : memref<128xi32, #tpu.memory_space<vmem>>, vector<16xi32>,
      %swap3A_279 = vector.shape_cast %swap3A_278 : vector<16xi32> to vector<16xi32>
      %swap3A_280 = vector.shape_cast %and3A_276 : vector<16xi32> to vector<16xi32>
      tpu.vector_store %arg9[%swap3A_277], %swap3A_280 {strides = array<i32>} : memref<128xi32, #tpu.memory_space<vmem>>, vector<16xi32>,
      %get3A_281 = arith.index_cast %add3A_225 : i32 to index
      %get3A_282 = arith.constant 80 : index
      %get3A_283 = tpu.vector_load %arg6[%get3A_281, %get3A_282] {strides = array<i32>} : memref<80x128xi32, #tpu.memory_space<vmem>>, vector<1x16xi32>,
      %get3A_284 = vector.shape_cast %get3A_283 : vector<1x16xi32> to vector<16xi32>
      %and3A_285 = arith.constant 65535 : i32
      %and3A_286 = vector.broadcast %and3A_285 : i32 to vector<16xi32>
      %and3A_287 = arith.andi %get3A_284, %and3A_286 : vector<16xi32>
      %swap3A_288 = arith.constant 80 : index
      %swap3A_289 = tpu.vector_load %arg9[%swap3A_288] {strides = array<i32>} : memref<128xi32, #tpu.memory_space<vmem>>, vector<16xi32>,
      %swap3A_290 = vector.shape_cast %swap3A_289 : vector<16xi32> to vector<16xi32>
      %swap3A_291 = vector.shape_cast %and3A_287 : vector<16xi32> to vector<16xi32>
      tpu.vector_store %arg9[%swap3A_288], %swap3A_291 {strides = array<i32>} : memref<128xi32, #tpu.memory_space<vmem>>, vector<16xi32>,
      %get3A_292 = arith.index_cast %add3A_225 : i32 to index
      %get3A_293 = arith.constant 96 : index
      %get3A_294 = tpu.vector_load %arg6[%get3A_292, %get3A_293] {strides = array<i32>} : memref<80x128xi32, #tpu.memory_space<vmem>>, vector<1x16xi32>,
      %get3A_295 = vector.shape_cast %get3A_294 : vector<1x16xi32> to vector<16xi32>
      %and3A_296 = arith.constant 65535 : i32
      %and3A_297 = vector.broadcast %and3A_296 : i32 to vector<16xi32>
      %and3A_298 = arith.andi %get3A_295, %and3A_297 : vector<16xi32>
      %swap3A_299 = arith.constant 96 : index
      %swap3A_300 = tpu.vector_load %arg9[%swap3A_299] {strides = array<i32>} : memref<128xi32, #tpu.memory_space<vmem>>, vector<16xi32>,
      %swap3A_301 = vector.shape_cast %swap3A_300 : vector<16xi32> to vector<16xi32>
      %swap3A_302 = vector.shape_cast %and3A_298 : vector<16xi32> to vector<16xi32>
      tpu.vector_store %arg9[%swap3A_299], %swap3A_302 {strides = array<i32>} : memref<128xi32, #tpu.memory_space<vmem>>, vector<16xi32>,
      %get3A_303 = arith.index_cast %add3A_225 : i32 to index
      %get3A_304 = arith.constant 112 : index
      %get3A_305 = tpu.vector_load %arg6[%get3A_303, %get3A_304] {strides = array<i32>} : memref<80x128xi32, #tpu.memory_space<vmem>>, vector<1x16xi32>,
      %get3A_306 = vector.shape_cast %get3A_305 : vector<1x16xi32> to vector<16xi32>
      %and3A_307 = arith.constant 65535 : i32
      %and3A_308 = vector.broadcast %and3A_307 : i32 to vector<16xi32>
      %and3A_309 = arith.andi %get3A_306, %and3A_308 : vector<16xi32>
      %swap3A_310 = arith.constant 112 : index
      %swap3A_311 = tpu.vector_load %arg9[%swap3A_310] {strides = array<i32>} : memref<128xi32, #tpu.memory_space<vmem>>, vector<16xi32>,
      %swap3A_312 = vector.shape_cast %swap3A_311 : vector<16xi32> to vector<16xi32>
      %swap3A_313 = vector.shape_cast %and3A_309 : vector<16xi32> to vector<16xi32>
      tpu.vector_store %arg9[%swap3A_310], %swap3A_313 {strides = array<i32>} : memref<128xi32, #tpu.memory_space<vmem>>, vector<16xi32>,
      %get3A_314 = arith.index_cast %add3A_225 : i32 to index
      %get3A_315 = arith.constant 0 : index
      %get3A_316 = tpu.vector_load %arg6[%get3A_314, %get3A_315] {strides = array<i32>} : memref<80x128xi32, #tpu.memory_space<vmem>>, vector<1x16xi32>,
      %get3A_317 = vector.shape_cast %get3A_316 : vector<1x16xi32> to vector<16xi32>
      %shift_right_logical3A_318 = arith.constant 16 : i32
      %shift_right_logical3A_319 = vector.broadcast %shift_right_logical3A_318 : i32 to vector<16xi32>
      %shift_right_logical3A_320 = arith.shrui %get3A_317, %shift_right_logical3A_319 : vector<16xi32>
      %swap3A_321 = arith.constant 0 : index
      %swap3A_322 = tpu.vector_load %arg10[%swap3A_321] {strides = array<i32>} : memref<128xi32, #tpu.memory_space<vmem>>, vector<16xi32>,
      %swap3A_323 = vector.shape_cast %swap3A_322 : vector<16xi32> to vector<16xi32>
      %swap3A_324 = vector.shape_cast %shift_right_logical3A_320 : vector<16xi32> to vector<16xi32>
      tpu.vector_store %arg10[%swap3A_321], %swap3A_324 {strides = array<i32>} : memref<128xi32, #tpu.memory_space<vmem>>, vector<16xi32>,
      %get3A_325 = arith.index_cast %add3A_225 : i32 to index
      %get3A_326 = arith.constant 16 : index
      %get3A_327 = tpu.vector_load %arg6[%get3A_325, %get3A_326] {strides = array<i32>} : memref<80x128xi32, #tpu.memory_space<vmem>>, vector<1x16xi32>,
      %get3A_328 = vector.shape_cast %get3A_327 : vector<1x16xi32> to vector<16xi32>
      %shift_right_logical3A_329 = arith.constant 16 : i32
      %shift_right_logical3A_330 = vector.broadcast %shift_right_logical3A_329 : i32 to vector<16xi32>
      %shift_right_logical3A_331 = arith.shrui %get3A_328, %shift_right_logical3A_330 : vector<16xi32>
      %swap3A_332 = arith.constant 16 : index
      %swap3A_333 = tpu.vector_load %arg10[%swap3A_332] {strides = array<i32>} : memref<128xi32, #tpu.memory_space<vmem>>, vector<16xi32>,
      %swap3A_334 = vector.shape_cast %swap3A_333 : vector<16xi32> to vector<16xi32>
      %swap3A_335 = vector.shape_cast %shift_right_logical3A_331 : vector<16xi32> to vector<16xi32>
      tpu.vector_store %arg10[%swap3A_332], %swap3A_335 {strides = array<i32>} : memref<128xi32, #tpu.memory_space<vmem>>, vector<16xi32>,
      %get3A_336 = arith.index_cast %add3A_225 : i32 to index
      %get3A_337 = arith.constant 32 : index
      %get3A_338 = tpu.vector_load %arg6[%get3A_336, %get3A_337] {strides = array<i32>} : memref<80x128xi32, #tpu.memory_space<vmem>>, vector<1x16xi32>,
      %get3A_339 = vector.shape_cast %get3A_338 : vector<1x16xi32> to vector<16xi32>
      %shift_right_logical3A_340 = arith.constant 16 : i32
      %shift_right_logical3A_341 = vector.broadcast %shift_right_logical3A_340 : i32 to vector<16xi32>
      %shift_right_logical3A_342 = arith.shrui %get3A_339, %shift_right_logical3A_341 : vector<16xi32>
      %swap3A_343 = arith.constant 32 : index
      %swap3A_344 = tpu.vector_load %arg10[%swap3A_343] {strides = array<i32>} : memref<128xi32, #tpu.memory_space<vmem>>, vector<16xi32>,
      %swap3A_345 = vector.shape_cast %swap3A_344 : vector<16xi32> to vector<16xi32>
      %swap3A_346 = vector.shape_cast %shift_right_logical3A_342 : vector<16xi32> to vector<16xi32>
      tpu.vector_store %arg10[%swap3A_343], %swap3A_346 {strides = array<i32>} : memref<128xi32, #tpu.memory_space<vmem>>, vector<16xi32>,
      %get3A_347 = arith.index_cast %add3A_225 : i32 to index
      %get3A_348 = arith.constant 48 : index
      %get3A_349 = tpu.vector_load %arg6[%get3A_347, %get3A_348] {strides = array<i32>} : memref<80x128xi32, #tpu.memory_space<vmem>>, vector<1x16xi32>,
      %get3A_350 = vector.shape_cast %get3A_349 : vector<1x16xi32> to vector<16xi32>
      %shift_right_logical3A_351 = arith.constant 16 : i32
      %shift_right_logical3A_352 = vector.broadcast %shift_right_logical3A_351 : i32 to vector<16xi32>
      %shift_right_logical3A_353 = arith.shrui %get3A_350, %shift_right_logical3A_352 : vector<16xi32>
      %swap3A_354 = arith.constant 48 : index
      %swap3A_355 = tpu.vector_load %arg10[%swap3A_354] {strides = array<i32>} : memref<128xi32, #tpu.memory_space<vmem>>, vector<16xi32>,
      %swap3A_356 = vector.shape_cast %swap3A_355 : vector<16xi32> to vector<16xi32>
      %swap3A_357 = vector.shape_cast %shift_right_logical3A_353 : vector<16xi32> to vector<16xi32>
      tpu.vector_store %arg10[%swap3A_354], %swap3A_357 {strides = array<i32>} : memref<128xi32, #tpu.memory_space<vmem>>, vector<16xi32>,
      %get3A_358 = arith.index_cast %add3A_225 : i32 to index
      %get3A_359 = arith.constant 64 : index
      %get3A_360 = tpu.vector_load %arg6[%get3A_358, %get3A_359] {strides = array<i32>} : memref<80x128xi32, #tpu.memory_space<vmem>>, vector<1x16xi32>,
      %get3A_361 = vector.shape_cast %get3A_360 : vector<1x16xi32> to vector<16xi32>
      %shift_right_logical3A_362 = arith.constant 16 : i32
      %shift_right_logical3A_363 = vector.broadcast %shift_right_logical3A_362 : i32 to vector<16xi32>
      %shift_right_logical3A_364 = arith.shrui %get3A_361, %shift_right_logical3A_363 : vector<16xi32>
      %swap3A_365 = arith.constant 64 : index
      %swap3A_366 = tpu.vector_load %arg10[%swap3A_365] {strides = array<i32>} : memref<128xi32, #tpu.memory_space<vmem>>, vector<16xi32>,
      %swap3A_367 = vector.shape_cast %swap3A_366 : vector<16xi32> to vector<16xi32>
      %swap3A_368 = vector.shape_cast %shift_right_logical3A_364 : vector<16xi32> to vector<16xi32>
      tpu.vector_store %arg10[%swap3A_365], %swap3A_368 {strides = array<i32>} : memref<128xi32, #tpu.memory_space<vmem>>, vector<16xi32>,
      %get3A_369 = arith.index_cast %add3A_225 : i32 to index
      %get3A_370 = arith.constant 80 : index
      %get3A_371 = tpu.vector_load %arg6[%get3A_369, %get3A_370] {strides = array<i32>} : memref<80x128xi32, #tpu.memory_space<vmem>>, vector<1x16xi32>,
      %get3A_372 = vector.shape_cast %get3A_371 : vector<1x16xi32> to vector<16xi32>
      %shift_right_logical3A_373 = arith.constant 16 : i32
      %shift_right_logical3A_374 = vector.broadcast %shift_right_logical3A_373 : i32 to vector<16xi32>
      %shift_right_logical3A_375 = arith.shrui %get3A_372, %shift_right_logical3A_374 : vector<16xi32>
      %swap3A_376 = arith.constant 80 : index
      %swap3A_377 = tpu.vector_load %arg10[%swap3A_376] {strides = array<i32>} : memref<128xi32, #tpu.memory_space<vmem>>, vector<16xi32>,
      %swap3A_378 = vector.shape_cast %swap3A_377 : vector<16xi32> to vector<16xi32>
      %swap3A_379 = vector.shape_cast %shift_right_logical3A_375 : vector<16xi32> to vector<16xi32>
      tpu.vector_store %arg10[%swap3A_376], %swap3A_379 {strides = array<i32>} : memref<128xi32, #tpu.memory_space<vmem>>, vector<16xi32>,
      %get3A_380 = arith.index_cast %add3A_225 : i32 to index
      %get3A_381 = arith.constant 96 : index
      %get3A_382 = tpu.vector_load %arg6[%get3A_380, %get3A_381] {strides = array<i32>} : memref<80x128xi32, #tpu.memory_space<vmem>>, vector<1x16xi32>,
      %get3A_383 = vector.shape_cast %get3A_382 : vector<1x16xi32> to vector<16xi32>
      %shift_right_logical3A_384 = arith.constant 16 : i32
      %shift_right_logical3A_385 = vector.broadcast %shift_right_logical3A_384 : i32 to vector<16xi32>
      %shift_right_logical3A_386 = arith.shrui %get3A_383, %shift_right_logical3A_385 : vector<16xi32>
      %swap3A_387 = arith.constant 96 : index
      %swap3A_388 = tpu.vector_load %arg10[%swap3A_387] {strides = array<i32>} : memref<128xi32, #tpu.memory_space<vmem>>, vector<16xi32>,
      %swap3A_389 = vector.shape_cast %swap3A_388 : vector<16xi32> to vector<16xi32>
      %swap3A_390 = vector.shape_cast %shift_right_logical3A_386 : vector<16xi32> to vector<16xi32>
      tpu.vector_store %arg10[%swap3A_387], %swap3A_390 {strides = array<i32>} : memref<128xi32, #tpu.memory_space<vmem>>, vector<16xi32>,
      %get3A_391 = arith.index_cast %add3A_225 : i32 to index
      %get3A_392 = arith.constant 112 : index
      %get3A_393 = tpu.vector_load %arg6[%get3A_391, %get3A_392] {strides = array<i32>} : memref<80x128xi32, #tpu.memory_space<vmem>>, vector<1x16xi32>,
      %get3A_394 = vector.shape_cast %get3A_393 : vector<1x16xi32> to vector<16xi32>
      %shift_right_logical3A_395 = arith.constant 16 : i32
      %shift_right_logical3A_396 = vector.broadcast %shift_right_logical3A_395 : i32 to vector<16xi32>
      %shift_right_logical3A_397 = arith.shrui %get3A_394, %shift_right_logical3A_396 : vector<16xi32>
      %swap3A_398 = arith.constant 112 : index
      %swap3A_399 = tpu.vector_load %arg10[%swap3A_398] {strides = array<i32>} : memref<128xi32, #tpu.memory_space<vmem>>, vector<16xi32>,
      %swap3A_400 = vector.shape_cast %swap3A_399 : vector<16xi32> to vector<16xi32>
      %swap3A_401 = vector.shape_cast %shift_right_logical3A_397 : vector<16xi32> to vector<16xi32>
      tpu.vector_store %arg10[%swap3A_398], %swap3A_401 {strides = array<i32>} : memref<128xi32, #tpu.memory_space<vmem>>, vector<16xi32>,
      %dma_start3A_402 = arith.constant 0 : i32
      %dma_start3A_403 = arith.constant 0 : i32
      %dma_start3A_404 = tpu.memref_slice %arg2[%dma_start3A_402, %dma_start3A_403] : memref<10000x128xf32, #tpu.memory_space<hbm>> -> memref<10000x128xf32, #tpu.memory_space<hbm>>
      tpu.enqueue_indirect_dma source(%dma_start3A_404 : memref<10000x128xf32, #tpu.memory_space<hbm>>) target(%arg12 : memref<128x128xf32, #tpu.memory_space<vmem>>) offsets(%arg9 : memref<128xi32, #tpu.memory_space<vmem>>) semaphore(%arg15 : memref<!tpu.dma_semaphore, #tpu.memory_space<semaphore_mem>>)
      %dma_wait3A_405 = arith.constant 0 : i32
      %dma_wait3A_406 = arith.constant 0 : i32
      %dma_wait3A_407 = tpu.memref_slice %arg2[%dma_wait3A_405, %dma_wait3A_406] : memref<10000x128xf32, #tpu.memory_space<hbm>> -> memref<10000x128xf32, #tpu.memory_space<hbm>>
      tpu.wait_indirect_dma semaphore(%arg14 : memref<!tpu.dma_semaphore, #tpu.memory_space<semaphore_mem>>) src(%dma_wait3A_407 : memref<10000x128xf32, #tpu.memory_space<hbm>>) dst(%arg11 : memref<128x128xf32, #tpu.memory_space<vmem>>)
      "tpu.region"() ({
        %run_scoped3A = tpu.sem_alloc : memref<!tpu.dma_semaphore, #tpu.memory_space<semaphore_mem>>
        %dma_start3A_413 = arith.constant 0 : i32
        %dma_start3A_414 = arith.constant 0 : i32
        %dma_start3A_415 = tpu.memref_slice %arg13[%dma_start3A_413, %dma_start3A_414] : memref<10240x128xf32, #tpu.memory_space<vmem_shared>> -> memref<10240x128xf32, #tpu.memory_space<vmem_shared>>
        tpu.enqueue_indirect_dma source(%arg11 : memref<128x128xf32, #tpu.memory_space<vmem>>) target(%dma_start3A_415 : memref<10240x128xf32, #tpu.memory_space<vmem_shared>>) offsets(%arg8 : memref<128xi32, #tpu.memory_space<vmem>>) semaphore(%run_scoped3A : memref<!tpu.dma_semaphore, #tpu.memory_space<semaphore_mem>>) {add = true}
        %dma_wait3A_416 = arith.constant 0 : i32
        %dma_wait3A_417 = arith.constant 0 : i32
        %dma_wait3A_418 = tpu.memref_slice %arg13[%dma_wait3A_416, %dma_wait3A_417] : memref<10240x128xf32, #tpu.memory_space<vmem_shared>> -> memref<10240x128xf32, #tpu.memory_space<vmem_shared>>
        tpu.wait_indirect_dma semaphore(%run_scoped3A : memref<!tpu.dma_semaphore, #tpu.memory_space<semaphore_mem>>) src(%arg11 : memref<128x128xf32, #tpu.memory_space<vmem>>) dst(%dma_wait3A_418 : memref<10240x128xf32, #tpu.memory_space<vmem_shared>>)
        tpu.yield
      }) : () -> ()
      %lt3A = arith.constant 39 : i32
      %lt3A_408 = arith.cmpi slt, %scan3A_220, %lt3A : i32
      %convert_element_type3A = arith.extui %lt3A_408 : i1 to i32
      %cond3A = arith.constant 0 : i32
      %cond3A_409 = arith.cmpi ne, %convert_element_type3A, %cond3A : i32
      scf.if %cond3A_409 {
        %add3A_413 = arith.constant 2 : i32
        %add3A_414 = arith.addi %mul3A_222, %add3A_413 : i32
        %get3A_415 = arith.index_cast %add3A_414 : i32 to index
        %get3A_416 = arith.constant 0 : index
        %get3A_417 = tpu.vector_load %arg6[%get3A_415, %get3A_416] {strides = array<i32>} : memref<80x128xi32, #tpu.memory_space<vmem>>, vector<1x16xi32>,
        %get3A_418 = vector.shape_cast %get3A_417 : vector<1x16xi32> to vector<16xi32>
        %and3A_419 = arith.constant 65535 : i32
        %and3A_420 = vector.broadcast %and3A_419 : i32 to vector<16xi32>
        %and3A_421 = arith.andi %get3A_418, %and3A_420 : vector<16xi32>
        %swap3A_422 = arith.constant 0 : index
        %swap3A_423 = tpu.vector_load %arg7[%swap3A_422] {strides = array<i32>} : memref<128xi32, #tpu.memory_space<vmem>>, vector<16xi32>,
        %swap3A_424 = vector.shape_cast %swap3A_423 : vector<16xi32> to vector<16xi32>
        %swap3A_425 = vector.shape_cast %and3A_421 : vector<16xi32> to vector<16xi32>
        tpu.vector_store %arg7[%swap3A_422], %swap3A_425 {strides = array<i32>} : memref<128xi32, #tpu.memory_space<vmem>>, vector<16xi32>,
        %get3A_426 = arith.index_cast %add3A_414 : i32 to index
        %get3A_427 = arith.constant 16 : index
        %get3A_428 = tpu.vector_load %arg6[%get3A_426, %get3A_427] {strides = array<i32>} : memref<80x128xi32, #tpu.memory_space<vmem>>, vector<1x16xi32>,
        %get3A_429 = vector.shape_cast %get3A_428 : vector<1x16xi32> to vector<16xi32>
        %and3A_430 = arith.constant 65535 : i32
        %and3A_431 = vector.broadcast %and3A_430 : i32 to vector<16xi32>
        %and3A_432 = arith.andi %get3A_429, %and3A_431 : vector<16xi32>
        %swap3A_433 = arith.constant 16 : index
        %swap3A_434 = tpu.vector_load %arg7[%swap3A_433] {strides = array<i32>} : memref<128xi32, #tpu.memory_space<vmem>>, vector<16xi32>,
        %swap3A_435 = vector.shape_cast %swap3A_434 : vector<16xi32> to vector<16xi32>
        %swap3A_436 = vector.shape_cast %and3A_432 : vector<16xi32> to vector<16xi32>
        tpu.vector_store %arg7[%swap3A_433], %swap3A_436 {strides = array<i32>} : memref<128xi32, #tpu.memory_space<vmem>>, vector<16xi32>,
        %get3A_437 = arith.index_cast %add3A_414 : i32 to index
        %get3A_438 = arith.constant 32 : index
        %get3A_439 = tpu.vector_load %arg6[%get3A_437, %get3A_438] {strides = array<i32>} : memref<80x128xi32, #tpu.memory_space<vmem>>, vector<1x16xi32>,
        %get3A_440 = vector.shape_cast %get3A_439 : vector<1x16xi32> to vector<16xi32>
        %and3A_441 = arith.constant 65535 : i32
        %and3A_442 = vector.broadcast %and3A_441 : i32 to vector<16xi32>
        %and3A_443 = arith.andi %get3A_440, %and3A_442 : vector<16xi32>
        %swap3A_444 = arith.constant 32 : index
        %swap3A_445 = tpu.vector_load %arg7[%swap3A_444] {strides = array<i32>} : memref<128xi32, #tpu.memory_space<vmem>>, vector<16xi32>,
        %swap3A_446 = vector.shape_cast %swap3A_445 : vector<16xi32> to vector<16xi32>
        %swap3A_447 = vector.shape_cast %and3A_443 : vector<16xi32> to vector<16xi32>
        tpu.vector_store %arg7[%swap3A_444], %swap3A_447 {strides = array<i32>} : memref<128xi32, #tpu.memory_space<vmem>>, vector<16xi32>,
        %get3A_448 = arith.index_cast %add3A_414 : i32 to index
        %get3A_449 = arith.constant 48 : index
        %get3A_450 = tpu.vector_load %arg6[%get3A_448, %get3A_449] {strides = array<i32>} : memref<80x128xi32, #tpu.memory_space<vmem>>, vector<1x16xi32>,
        %get3A_451 = vector.shape_cast %get3A_450 : vector<1x16xi32> to vector<16xi32>
        %and3A_452 = arith.constant 65535 : i32
        %and3A_453 = vector.broadcast %and3A_452 : i32 to vector<16xi32>
        %and3A_454 = arith.andi %get3A_451, %and3A_453 : vector<16xi32>
        %swap3A_455 = arith.constant 48 : index
        %swap3A_456 = tpu.vector_load %arg7[%swap3A_455] {strides = array<i32>} : memref<128xi32, #tpu.memory_space<vmem>>, vector<16xi32>,
        %swap3A_457 = vector.shape_cast %swap3A_456 : vector<16xi32> to vector<16xi32>
        %swap3A_458 = vector.shape_cast %and3A_454 : vector<16xi32> to vector<16xi32>
        tpu.vector_store %arg7[%swap3A_455], %swap3A_458 {strides = array<i32>} : memref<128xi32, #tpu.memory_space<vmem>>, vector<16xi32>,
        %get3A_459 = arith.index_cast %add3A_414 : i32 to index
        %get3A_460 = arith.constant 64 : index
        %get3A_461 = tpu.vector_load %arg6[%get3A_459, %get3A_460] {strides = array<i32>} : memref<80x128xi32, #tpu.memory_space<vmem>>, vector<1x16xi32>,
        %get3A_462 = vector.shape_cast %get3A_461 : vector<1x16xi32> to vector<16xi32>
        %and3A_463 = arith.constant 65535 : i32
        %and3A_464 = vector.broadcast %and3A_463 : i32 to vector<16xi32>
        %and3A_465 = arith.andi %get3A_462, %and3A_464 : vector<16xi32>
        %swap3A_466 = arith.constant 64 : index
        %swap3A_467 = tpu.vector_load %arg7[%swap3A_466] {strides = array<i32>} : memref<128xi32, #tpu.memory_space<vmem>>, vector<16xi32>,
        %swap3A_468 = vector.shape_cast %swap3A_467 : vector<16xi32> to vector<16xi32>
        %swap3A_469 = vector.shape_cast %and3A_465 : vector<16xi32> to vector<16xi32>
        tpu.vector_store %arg7[%swap3A_466], %swap3A_469 {strides = array<i32>} : memref<128xi32, #tpu.memory_space<vmem>>, vector<16xi32>,
        %get3A_470 = arith.index_cast %add3A_414 : i32 to index
        %get3A_471 = arith.constant 80 : index
        %get3A_472 = tpu.vector_load %arg6[%get3A_470, %get3A_471] {strides = array<i32>} : memref<80x128xi32, #tpu.memory_space<vmem>>, vector<1x16xi32>,
        %get3A_473 = vector.shape_cast %get3A_472 : vector<1x16xi32> to vector<16xi32>
        %and3A_474 = arith.constant 65535 : i32
        %and3A_475 = vector.broadcast %and3A_474 : i32 to vector<16xi32>
        %and3A_476 = arith.andi %get3A_473, %and3A_475 : vector<16xi32>
        %swap3A_477 = arith.constant 80 : index
        %swap3A_478 = tpu.vector_load %arg7[%swap3A_477] {strides = array<i32>} : memref<128xi32, #tpu.memory_space<vmem>>, vector<16xi32>,
        %swap3A_479 = vector.shape_cast %swap3A_478 : vector<16xi32> to vector<16xi32>
        %swap3A_480 = vector.shape_cast %and3A_476 : vector<16xi32> to vector<16xi32>
        tpu.vector_store %arg7[%swap3A_477], %swap3A_480 {strides = array<i32>} : memref<128xi32, #tpu.memory_space<vmem>>, vector<16xi32>,
        %get3A_481 = arith.index_cast %add3A_414 : i32 to index
        %get3A_482 = arith.constant 96 : index
        %get3A_483 = tpu.vector_load %arg6[%get3A_481, %get3A_482] {strides = array<i32>} : memref<80x128xi32, #tpu.memory_space<vmem>>, vector<1x16xi32>,
        %get3A_484 = vector.shape_cast %get3A_483 : vector<1x16xi32> to vector<16xi32>
        %and3A_485 = arith.constant 65535 : i32
        %and3A_486 = vector.broadcast %and3A_485 : i32 to vector<16xi32>
        %and3A_487 = arith.andi %get3A_484, %and3A_486 : vector<16xi32>
        %swap3A_488 = arith.constant 96 : index
        %swap3A_489 = tpu.vector_load %arg7[%swap3A_488] {strides = array<i32>} : memref<128xi32, #tpu.memory_space<vmem>>, vector<16xi32>,
        %swap3A_490 = vector.shape_cast %swap3A_489 : vector<16xi32> to vector<16xi32>
        %swap3A_491 = vector.shape_cast %and3A_487 : vector<16xi32> to vector<16xi32>
        tpu.vector_store %arg7[%swap3A_488], %swap3A_491 {strides = array<i32>} : memref<128xi32, #tpu.memory_space<vmem>>, vector<16xi32>,
        %get3A_492 = arith.index_cast %add3A_414 : i32 to index
        %get3A_493 = arith.constant 112 : index
        %get3A_494 = tpu.vector_load %arg6[%get3A_492, %get3A_493] {strides = array<i32>} : memref<80x128xi32, #tpu.memory_space<vmem>>, vector<1x16xi32>,
        %get3A_495 = vector.shape_cast %get3A_494 : vector<1x16xi32> to vector<16xi32>
        %and3A_496 = arith.constant 65535 : i32
        %and3A_497 = vector.broadcast %and3A_496 : i32 to vector<16xi32>
        %and3A_498 = arith.andi %get3A_495, %and3A_497 : vector<16xi32>
        %swap3A_499 = arith.constant 112 : index
        %swap3A_500 = tpu.vector_load %arg7[%swap3A_499] {strides = array<i32>} : memref<128xi32, #tpu.memory_space<vmem>>, vector<16xi32>,
        %swap3A_501 = vector.shape_cast %swap3A_500 : vector<16xi32> to vector<16xi32>
        %swap3A_502 = vector.shape_cast %and3A_498 : vector<16xi32> to vector<16xi32>
        tpu.vector_store %arg7[%swap3A_499], %swap3A_502 {strides = array<i32>} : memref<128xi32, #tpu.memory_space<vmem>>, vector<16xi32>,
        %add3A_503 = arith.constant 2 : i32
        %add3A_504 = arith.addi %mul3A_222, %add3A_503 : i32
        %get3A_505 = arith.index_cast %add3A_504 : i32 to index
        %get3A_506 = arith.constant 0 : index
        %get3A_507 = tpu.vector_load %arg6[%get3A_505, %get3A_506] {strides = array<i32>} : memref<80x128xi32, #tpu.memory_space<vmem>>, vector<1x16xi32>,
        %get3A_508 = vector.shape_cast %get3A_507 : vector<1x16xi32> to vector<16xi32>
        %shift_right_logical3A_509 = arith.constant 16 : i32
        %shift_right_logical3A_510 = vector.broadcast %shift_right_logical3A_509 : i32 to vector<16xi32>
        %shift_right_logical3A_511 = arith.shrui %get3A_508, %shift_right_logical3A_510 : vector<16xi32>
        %swap3A_512 = arith.constant 0 : index
        %swap3A_513 = tpu.vector_load %arg8[%swap3A_512] {strides = array<i32>} : memref<128xi32, #tpu.memory_space<vmem>>, vector<16xi32>,
        %swap3A_514 = vector.shape_cast %swap3A_513 : vector<16xi32> to vector<16xi32>
        %swap3A_515 = vector.shape_cast %shift_right_logical3A_511 : vector<16xi32> to vector<16xi32>
        tpu.vector_store %arg8[%swap3A_512], %swap3A_515 {strides = array<i32>} : memref<128xi32, #tpu.memory_space<vmem>>, vector<16xi32>,
        %get3A_516 = arith.index_cast %add3A_504 : i32 to index
        %get3A_517 = arith.constant 16 : index
        %get3A_518 = tpu.vector_load %arg6[%get3A_516, %get3A_517] {strides = array<i32>} : memref<80x128xi32, #tpu.memory_space<vmem>>, vector<1x16xi32>,
        %get3A_519 = vector.shape_cast %get3A_518 : vector<1x16xi32> to vector<16xi32>
        %shift_right_logical3A_520 = arith.constant 16 : i32
        %shift_right_logical3A_521 = vector.broadcast %shift_right_logical3A_520 : i32 to vector<16xi32>
        %shift_right_logical3A_522 = arith.shrui %get3A_519, %shift_right_logical3A_521 : vector<16xi32>
        %swap3A_523 = arith.constant 16 : index
        %swap3A_524 = tpu.vector_load %arg8[%swap3A_523] {strides = array<i32>} : memref<128xi32, #tpu.memory_space<vmem>>, vector<16xi32>,
        %swap3A_525 = vector.shape_cast %swap3A_524 : vector<16xi32> to vector<16xi32>
        %swap3A_526 = vector.shape_cast %shift_right_logical3A_522 : vector<16xi32> to vector<16xi32>
        tpu.vector_store %arg8[%swap3A_523], %swap3A_526 {strides = array<i32>} : memref<128xi32, #tpu.memory_space<vmem>>, vector<16xi32>,
        %get3A_527 = arith.index_cast %add3A_504 : i32 to index
        %get3A_528 = arith.constant 32 : index
        %get3A_529 = tpu.vector_load %arg6[%get3A_527, %get3A_528] {strides = array<i32>} : memref<80x128xi32, #tpu.memory_space<vmem>>, vector<1x16xi32>,
        %get3A_530 = vector.shape_cast %get3A_529 : vector<1x16xi32> to vector<16xi32>
        %shift_right_logical3A_531 = arith.constant 16 : i32
        %shift_right_logical3A_532 = vector.broadcast %shift_right_logical3A_531 : i32 to vector<16xi32>
        %shift_right_logical3A_533 = arith.shrui %get3A_530, %shift_right_logical3A_532 : vector<16xi32>
        %swap3A_534 = arith.constant 32 : index
        %swap3A_535 = tpu.vector_load %arg8[%swap3A_534] {strides = array<i32>} : memref<128xi32, #tpu.memory_space<vmem>>, vector<16xi32>,
        %swap3A_536 = vector.shape_cast %swap3A_535 : vector<16xi32> to vector<16xi32>
        %swap3A_537 = vector.shape_cast %shift_right_logical3A_533 : vector<16xi32> to vector<16xi32>
        tpu.vector_store %arg8[%swap3A_534], %swap3A_537 {strides = array<i32>} : memref<128xi32, #tpu.memory_space<vmem>>, vector<16xi32>,
        %get3A_538 = arith.index_cast %add3A_504 : i32 to index
        %get3A_539 = arith.constant 48 : index
        %get3A_540 = tpu.vector_load %arg6[%get3A_538, %get3A_539] {strides = array<i32>} : memref<80x128xi32, #tpu.memory_space<vmem>>, vector<1x16xi32>,
        %get3A_541 = vector.shape_cast %get3A_540 : vector<1x16xi32> to vector<16xi32>
        %shift_right_logical3A_542 = arith.constant 16 : i32
        %shift_right_logical3A_543 = vector.broadcast %shift_right_logical3A_542 : i32 to vector<16xi32>
        %shift_right_logical3A_544 = arith.shrui %get3A_541, %shift_right_logical3A_543 : vector<16xi32>
        %swap3A_545 = arith.constant 48 : index
        %swap3A_546 = tpu.vector_load %arg8[%swap3A_545] {strides = array<i32>} : memref<128xi32, #tpu.memory_space<vmem>>, vector<16xi32>,
        %swap3A_547 = vector.shape_cast %swap3A_546 : vector<16xi32> to vector<16xi32>
        %swap3A_548 = vector.shape_cast %shift_right_logical3A_544 : vector<16xi32> to vector<16xi32>
        tpu.vector_store %arg8[%swap3A_545], %swap3A_548 {strides = array<i32>} : memref<128xi32, #tpu.memory_space<vmem>>, vector<16xi32>,
        %get3A_549 = arith.index_cast %add3A_504 : i32 to index
        %get3A_550 = arith.constant 64 : index
        %get3A_551 = tpu.vector_load %arg6[%get3A_549, %get3A_550] {strides = array<i32>} : memref<80x128xi32, #tpu.memory_space<vmem>>, vector<1x16xi32>,
        %get3A_552 = vector.shape_cast %get3A_551 : vector<1x16xi32> to vector<16xi32>
        %shift_right_logical3A_553 = arith.constant 16 : i32
        %shift_right_logical3A_554 = vector.broadcast %shift_right_logical3A_553 : i32 to vector<16xi32>
        %shift_right_logical3A_555 = arith.shrui %get3A_552, %shift_right_logical3A_554 : vector<16xi32>
        %swap3A_556 = arith.constant 64 : index
        %swap3A_557 = tpu.vector_load %arg8[%swap3A_556] {strides = array<i32>} : memref<128xi32, #tpu.memory_space<vmem>>, vector<16xi32>,
        %swap3A_558 = vector.shape_cast %swap3A_557 : vector<16xi32> to vector<16xi32>
        %swap3A_559 = vector.shape_cast %shift_right_logical3A_555 : vector<16xi32> to vector<16xi32>
        tpu.vector_store %arg8[%swap3A_556], %swap3A_559 {strides = array<i32>} : memref<128xi32, #tpu.memory_space<vmem>>, vector<16xi32>,
        %get3A_560 = arith.index_cast %add3A_504 : i32 to index
        %get3A_561 = arith.constant 80 : index
        %get3A_562 = tpu.vector_load %arg6[%get3A_560, %get3A_561] {strides = array<i32>} : memref<80x128xi32, #tpu.memory_space<vmem>>, vector<1x16xi32>,
        %get3A_563 = vector.shape_cast %get3A_562 : vector<1x16xi32> to vector<16xi32>
        %shift_right_logical3A_564 = arith.constant 16 : i32
        %shift_right_logical3A_565 = vector.broadcast %shift_right_logical3A_564 : i32 to vector<16xi32>
        %shift_right_logical3A_566 = arith.shrui %get3A_563, %shift_right_logical3A_565 : vector<16xi32>
        %swap3A_567 = arith.constant 80 : index
        %swap3A_568 = tpu.vector_load %arg8[%swap3A_567] {strides = array<i32>} : memref<128xi32, #tpu.memory_space<vmem>>, vector<16xi32>,
        %swap3A_569 = vector.shape_cast %swap3A_568 : vector<16xi32> to vector<16xi32>
        %swap3A_570 = vector.shape_cast %shift_right_logical3A_566 : vector<16xi32> to vector<16xi32>
        tpu.vector_store %arg8[%swap3A_567], %swap3A_570 {strides = array<i32>} : memref<128xi32, #tpu.memory_space<vmem>>, vector<16xi32>,
        %get3A_571 = arith.index_cast %add3A_504 : i32 to index
        %get3A_572 = arith.constant 96 : index
        %get3A_573 = tpu.vector_load %arg6[%get3A_571, %get3A_572] {strides = array<i32>} : memref<80x128xi32, #tpu.memory_space<vmem>>, vector<1x16xi32>,
        %get3A_574 = vector.shape_cast %get3A_573 : vector<1x16xi32> to vector<16xi32>
        %shift_right_logical3A_575 = arith.constant 16 : i32
        %shift_right_logical3A_576 = vector.broadcast %shift_right_logical3A_575 : i32 to vector<16xi32>
        %shift_right_logical3A_577 = arith.shrui %get3A_574, %shift_right_logical3A_576 : vector<16xi32>
        %swap3A_578 = arith.constant 96 : index
        %swap3A_579 = tpu.vector_load %arg8[%swap3A_578] {strides = array<i32>} : memref<128xi32, #tpu.memory_space<vmem>>, vector<16xi32>,
        %swap3A_580 = vector.shape_cast %swap3A_579 : vector<16xi32> to vector<16xi32>
        %swap3A_581 = vector.shape_cast %shift_right_logical3A_577 : vector<16xi32> to vector<16xi32>
        tpu.vector_store %arg8[%swap3A_578], %swap3A_581 {strides = array<i32>} : memref<128xi32, #tpu.memory_space<vmem>>, vector<16xi32>,
        %get3A_582 = arith.index_cast %add3A_504 : i32 to index
        %get3A_583 = arith.constant 112 : index
        %get3A_584 = tpu.vector_load %arg6[%get3A_582, %get3A_583] {strides = array<i32>} : memref<80x128xi32, #tpu.memory_space<vmem>>, vector<1x16xi32>,
        %get3A_585 = vector.shape_cast %get3A_584 : vector<1x16xi32> to vector<16xi32>
        %shift_right_logical3A_586 = arith.constant 16 : i32
        %shift_right_logical3A_587 = vector.broadcast %shift_right_logical3A_586 : i32 to vector<16xi32>
        %shift_right_logical3A_588 = arith.shrui %get3A_585, %shift_right_logical3A_587 : vector<16xi32>
        %swap3A_589 = arith.constant 112 : index
        %swap3A_590 = tpu.vector_load %arg8[%swap3A_589] {strides = array<i32>} : memref<128xi32, #tpu.memory_space<vmem>>, vector<16xi32>,
        %swap3A_591 = vector.shape_cast %swap3A_590 : vector<16xi32> to vector<16xi32>
        %swap3A_592 = vector.shape_cast %shift_right_logical3A_588 : vector<16xi32> to vector<16xi32>
        tpu.vector_store %arg8[%swap3A_589], %swap3A_592 {strides = array<i32>} : memref<128xi32, #tpu.memory_space<vmem>>, vector<16xi32>,
        %dma_start3A_593 = arith.constant 0 : i32
        %dma_start3A_594 = arith.constant 0 : i32
        %dma_start3A_595 = tpu.memref_slice %arg2[%dma_start3A_593, %dma_start3A_594] : memref<10000x128xf32, #tpu.memory_space<hbm>> -> memref<10000x128xf32, #tpu.memory_space<hbm>>
        tpu.enqueue_indirect_dma source(%dma_start3A_595 : memref<10000x128xf32, #tpu.memory_space<hbm>>) target(%arg11 : memref<128x128xf32, #tpu.memory_space<vmem>>) offsets(%arg7 : memref<128xi32, #tpu.memory_space<vmem>>) semaphore(%arg14 : memref<!tpu.dma_semaphore, #tpu.memory_space<semaphore_mem>>)
      } else {
      }
      %dma_wait3A_410 = arith.constant 0 : i32
      %dma_wait3A_411 = arith.constant 0 : i32
      %dma_wait3A_412 = tpu.memref_slice %arg2[%dma_wait3A_410, %dma_wait3A_411] : memref<10000x128xf32, #tpu.memory_space<hbm>> -> memref<10000x128xf32, #tpu.memory_space<hbm>>
      tpu.wait_indirect_dma semaphore(%arg15 : memref<!tpu.dma_semaphore, #tpu.memory_space<semaphore_mem>>) src(%dma_wait3A_412 : memref<10000x128xf32, #tpu.memory_space<hbm>>) dst(%arg12 : memref<128x128xf32, #tpu.memory_space<vmem>>)
      "tpu.region"() ({
        %run_scoped3A = tpu.sem_alloc : memref<!tpu.dma_semaphore, #tpu.memory_space<semaphore_mem>>
        %dma_start3A_413 = arith.constant 0 : i32
        %dma_start3A_414 = arith.constant 0 : i32
        %dma_start3A_415 = tpu.memref_slice %arg13[%dma_start3A_413, %dma_start3A_414] : memref<10240x128xf32, #tpu.memory_space<vmem_shared>> -> memref<10240x128xf32, #tpu.memory_space<vmem_shared>>
        tpu.enqueue_indirect_dma source(%arg12 : memref<128x128xf32, #tpu.memory_space<vmem>>) target(%dma_start3A_415 : memref<10240x128xf32, #tpu.memory_space<vmem_shared>>) offsets(%arg10 : memref<128xi32, #tpu.memory_space<vmem>>) semaphore(%run_scoped3A : memref<!tpu.dma_semaphore, #tpu.memory_space<semaphore_mem>>) {add = true}
        %dma_wait3A_416 = arith.constant 0 : i32
        %dma_wait3A_417 = arith.constant 0 : i32
        %dma_wait3A_418 = tpu.memref_slice %arg13[%dma_wait3A_416, %dma_wait3A_417] : memref<10240x128xf32, #tpu.memory_space<vmem_shared>> -> memref<10240x128xf32, #tpu.memory_space<vmem_shared>>
        tpu.wait_indirect_dma semaphore(%run_scoped3A : memref<!tpu.dma_semaphore, #tpu.memory_space<semaphore_mem>>) src(%arg12 : memref<128x128xf32, #tpu.memory_space<vmem>>) dst(%dma_wait3A_418 : memref<10240x128xf32, #tpu.memory_space<vmem_shared>>)
        tpu.yield
      }) : () -> ()
    }
    %scan3A_214 = arith.constant 40 : i32
    %barrier3A_215 = arith.constant 0 : index
    tpu.barrier barrier_id(%barrier3A_215)
    %mul3A_216 = arith.constant 640 : i32
    %mul3A_217 = arith.muli %arg1, %mul3A_216 : i32
    %mul3A_218 = arith.constant 640 : i32
    %mul3A_219 = arith.muli %arg1, %mul3A_218 : i32
    "tpu.region"() ({
      %run_scoped3A = tpu.sem_alloc : memref<!tpu.dma_semaphore, #tpu.memory_space<semaphore_mem>>
      %dma_start3A_220 = arith.constant 0 : i32
      %dma_start3A_221 = tpu.memref_slice %arg5[%arg0, %mul3A_219, %dma_start3A_220] : memref<2x10240x128xf32, #tpu.memory_space<hbm>> -> memref<1x640x128xf32, #tpu.memory_space<hbm>>
      %dma_start3A_222 = tpu.memref_squeeze %dma_start3A_221 : memref<1x640x128xf32, #tpu.memory_space<hbm>> -> memref<640x128xf32, #tpu.memory_space<hbm>>
      %dma_start3A_223 = arith.constant 0 : i32
      %dma_start3A_224 = tpu.memref_slice %arg13[%mul3A_217, %dma_start3A_223] : memref<10240x128xf32, #tpu.memory_space<vmem_shared>> -> memref<640x128xf32, #tpu.memory_space<vmem_shared>>
      tpu.enqueue_dma source(%dma_start3A_224 : memref<640x128xf32, #tpu.memory_space<vmem_shared>>) target(%dma_start3A_222 : memref<640x128xf32, #tpu.memory_space<hbm>>) target_semaphore(%run_scoped3A : memref<!tpu.dma_semaphore, #tpu.memory_space<semaphore_mem>>)
      %dma_wait3A_225 = arith.constant 0 : i32
      %dma_wait3A_226 = tpu.memref_slice %arg5[%arg0, %mul3A_219, %dma_wait3A_225] : memref<2x10240x128xf32, #tpu.memory_space<hbm>> -> memref<1x640x128xf32, #tpu.memory_space<hbm>>
      %dma_wait3A_227 = tpu.memref_squeeze %dma_wait3A_226 : memref<1x640x128xf32, #tpu.memory_space<hbm>> -> memref<640x128xf32, #tpu.memory_space<hbm>>
      %dma_wait3A_228 = arith.constant 0 : i32
      %dma_wait3A_229 = tpu.memref_slice %arg13[%mul3A_217, %dma_wait3A_228] : memref<10240x128xf32, #tpu.memory_space<vmem_shared>> -> memref<640x128xf32, #tpu.memory_space<vmem_shared>>
      tpu.wait_dma2 semaphore(%run_scoped3A : memref<!tpu.dma_semaphore, #tpu.memory_space<semaphore_mem>>) src(%dma_wait3A_229 : memref<640x128xf32, #tpu.memory_space<vmem_shared>>) dst(%dma_wait3A_227 : memref<640x128xf32, #tpu.memory_space<hbm>>)
      tpu.yield
    }) : () -> ()
    return
  }
}

#map = affine_map<(d0, d1) -> (0, 0)>
#map1 = affine_map<(d0, d1) -> (0, 0, 0, 0)>
#map2 = affine_map<(d0, d1) -> (0, 0, 0)>
module attributes {stable_mosaic.version = 14 : i64} {
  func.func @_scat_kernel(%arg0: i32, %arg1: i32, %arg2: memref<10000x128xf32, #tpu.memory_space<hbm>>, %arg3: memref<2x16x80x128xi32, #tpu.memory_space<hbm>>, %arg4: memref<640x128xf32, #tpu.memory_space<hbm>>, %arg5: memref<2x10240x128xf32, #tpu.memory_space<hbm>>, %arg6: memref<80x128xi32, #tpu.memory_space<vmem>>, %arg7: memref<128xi32, #tpu.memory_space<vmem>>, %arg8: memref<128xi32, #tpu.memory_space<vmem>>, %arg9: memref<128xi32, #tpu.memory_space<vmem>>, %arg10: memref<128xi32, #tpu.memory_space<vmem>>, %arg11: memref<128x128xf32, #tpu.memory_space<vmem>>, %arg12: memref<128x128xf32, #tpu.memory_space<vmem>>, %arg13: memref<10240x128xf32, #tpu.memory_space<vmem_shared>>, %arg14: memref<!tpu.dma_semaphore, #tpu.memory_space<semaphore_mem>>, %arg15: memref<!tpu.dma_semaphore, #tpu.memory_space<semaphore_mem>>) attributes {dimension_semantics = [#tpu.dimension_semantics<core_parallel>, #tpu.dimension_semantics<subcore_parallel>], iteration_bounds = array<i64: 2, 16>, scalar_prefetch = 0 : i64, scratch_operands = 10 : i64, tpu.core_type = #tpu.core_type<sc_vector_subcore>, window_params = [{transform_indices = #map}, {transform_indices = #map1}, {transform_indices = #map}, {transform_indices = #map2}]} {
    %dma_start3A = arith.constant 0 : i32
    %dma_start3A_0 = arith.constant 0 : i32
    %dma_start3A_1 = tpu.memref_slice %arg3[%arg0, %arg1, %dma_start3A, %dma_start3A_0] : memref<2x16x80x128xi32, #tpu.memory_space<hbm>> -> memref<1x1x80x128xi32, #tpu.memory_space<hbm>>
    %dma_start3A_2 = tpu.memref_squeeze %dma_start3A_1 : memref<1x1x80x128xi32, #tpu.memory_space<hbm>> -> memref<80x128xi32, #tpu.memory_space<hbm>>
    %dma_start3A_3 = arith.constant 0 : i32
    %dma_start3A_4 = arith.constant 0 : i32
    %dma_start3A_5 = tpu.memref_slice %arg3[%arg0, %arg1, %dma_start3A_3, %dma_start3A_4] : memref<2x16x80x128xi32, #tpu.memory_space<hbm>> -> memref<1x1x80x128xi32, #tpu.memory_space<hbm>>
    %dma_start3A_6 = tpu.memref_squeeze %dma_start3A_5 : memref<1x1x80x128xi32, #tpu.memory_space<hbm>> -> memref<80x128xi32, #tpu.memory_space<hbm>>
    tpu.enqueue_dma source(%dma_start3A_6 : memref<80x128xi32, #tpu.memory_space<hbm>>) target(%arg6 : memref<80x128xi32, #tpu.memory_space<vmem>>) target_semaphore(%arg14 : memref<!tpu.dma_semaphore, #tpu.memory_space<semaphore_mem>>)
    %mul3A = arith.constant 640 : i32
    %mul3A_7 = arith.muli %arg1, %mul3A : i32
    %dma_start3A_8 = arith.constant 0 : i32
    %dma_start3A_9 = tpu.memref_slice %arg13[%mul3A_7, %dma_start3A_8] : memref<10240x128xf32, #tpu.memory_space<vmem_shared>> -> memref<640x128xf32, #tpu.memory_space<vmem_shared>>
    tpu.enqueue_dma source(%arg4 : memref<640x128xf32, #tpu.memory_space<hbm>>) target(%dma_start3A_9 : memref<640x128xf32, #tpu.memory_space<vmem_shared>>) target_semaphore(%arg15 : memref<!tpu.dma_semaphore, #tpu.memory_space<semaphore_mem>>)
    %dma_wait3A = arith.constant 0 : i32
    %dma_wait3A_10 = arith.constant 0 : i32
    %dma_wait3A_11 = tpu.memref_slice %arg3[%arg0, %arg1, %dma_wait3A, %dma_wait3A_10] : memref<2x16x80x128xi32, #tpu.memory_space<hbm>> -> memref<1x1x80x128xi32, #tpu.memory_space<hbm>>
    %dma_wait3A_12 = tpu.memref_squeeze %dma_wait3A_11 : memref<1x1x80x128xi32, #tpu.memory_space<hbm>> -> memref<80x128xi32, #tpu.memory_space<hbm>>
    %dma_wait3A_13 = arith.constant 0 : i32
    %dma_wait3A_14 = arith.constant 0 : i32
    %dma_wait3A_15 = tpu.memref_slice %arg3[%arg0, %arg1, %dma_wait3A_13, %dma_wait3A_14] : memref<2x16x80x128xi32, #tpu.memory_space<hbm>> -> memref<1x1x80x128xi32, #tpu.memory_space<hbm>>
    %dma_wait3A_16 = tpu.memref_squeeze %dma_wait3A_15 : memref<1x1x80x128xi32, #tpu.memory_space<hbm>> -> memref<80x128xi32, #tpu.memory_space<hbm>>
    tpu.wait_dma2 semaphore(%arg14 : memref<!tpu.dma_semaphore, #tpu.memory_space<semaphore_mem>>) src(%dma_wait3A_16 : memref<80x128xi32, #tpu.memory_space<hbm>>) dst(%arg6 : memref<80x128xi32, #tpu.memory_space<vmem>>)
    %dma_wait3A_17 = arith.constant 0 : i32
    %dma_wait3A_18 = tpu.memref_slice %arg13[%mul3A_7, %dma_wait3A_17] : memref<10240x128xf32, #tpu.memory_space<vmem_shared>> -> memref<640x128xf32, #tpu.memory_space<vmem_shared>>
    tpu.wait_dma2 semaphore(%arg15 : memref<!tpu.dma_semaphore, #tpu.memory_space<semaphore_mem>>) src(%arg4 : memref<640x128xf32, #tpu.memory_space<hbm>>) dst(%dma_wait3A_18 : memref<640x128xf32, #tpu.memory_space<vmem_shared>>)
    %barrier3A = arith.constant 0 : index
    tpu.barrier barrier_id(%barrier3A)
    %get3A = arith.constant 0 : i32
    %get3A_19 = arith.index_cast %get3A : i32 to index
    %get3A_20 = arith.constant 0 : index
    %get3A_21 = tpu.vector_load %arg6[%get3A_19, %get3A_20] {strides = array<i32>} : memref<80x128xi32, #tpu.memory_space<vmem>>, vector<1x16xi32>,
    %get3A_22 = vector.shape_cast %get3A_21 : vector<1x16xi32> to vector<16xi32>
    %and3A = arith.constant 65535 : i32
    %and3A_23 = vector.broadcast %and3A : i32 to vector<16xi32>
    %and3A_24 = arith.andi %get3A_22, %and3A_23 : vector<16xi32>
    %swap3A = arith.constant 0 : index
    %swap3A_25 = tpu.vector_load %arg7[%swap3A] {strides = array<i32>} : memref<128xi32, #tpu.memory_space<vmem>>, vector<16xi32>,
    %swap3A_26 = vector.shape_cast %swap3A_25 : vector<16xi32> to vector<16xi32>
    %swap3A_27 = vector.shape_cast %and3A_24 : vector<16xi32> to vector<16xi32>
    tpu.vector_store %arg7[%swap3A], %swap3A_27 {strides = array<i32>} : memref<128xi32, #tpu.memory_space<vmem>>, vector<16xi32>,
    %get3A_28 = arith.constant 0 : i32
    %get3A_29 = arith.index_cast %get3A_28 : i32 to index
    %get3A_30 = arith.constant 16 : index
    %get3A_31 = tpu.vector_load %arg6[%get3A_29, %get3A_30] {strides = array<i32>} : memref<80x128xi32, #tpu.memory_space<vmem>>, vector<1x16xi32>,
    %get3A_32 = vector.shape_cast %get3A_31 : vector<1x16xi32> to vector<16xi32>
    %and3A_33 = arith.constant 65535 : i32
    %and3A_34 = vector.broadcast %and3A_33 : i32 to vector<16xi32>
    %and3A_35 = arith.andi %get3A_32, %and3A_34 : vector<16xi32>
    %swap3A_36 = arith.constant 16 : index
    %swap3A_37 = tpu.vector_load %arg7[%swap3A_36] {strides = array<i32>} : memref<128xi32, #tpu.memory_space<vmem>>, vector<16xi32>,
    %swap3A_38 = vector.shape_cast %swap3A_37 : vector<16xi32> to vector<16xi32>
    %swap3A_39 = vector.shape_cast %and3A_35 : vector<16xi32> to vector<16xi32>
    tpu.vector_store %arg7[%swap3A_36], %swap3A_39 {strides = array<i32>} : memref<128xi32, #tpu.memory_space<vmem>>, vector<16xi32>,
    %get3A_40 = arith.constant 0 : i32
    %get3A_41 = arith.index_cast %get3A_40 : i32 to index
    %get3A_42 = arith.constant 32 : index
    %get3A_43 = tpu.vector_load %arg6[%get3A_41, %get3A_42] {strides = array<i32>} : memref<80x128xi32, #tpu.memory_space<vmem>>, vector<1x16xi32>,
    %get3A_44 = vector.shape_cast %get3A_43 : vector<1x16xi32> to vector<16xi32>
    %and3A_45 = arith.constant 65535 : i32
    %and3A_46 = vector.broadcast %and3A_45 : i32 to vector<16xi32>
    %and3A_47 = arith.andi %get3A_44, %and3A_46 : vector<16xi32>
    %swap3A_48 = arith.constant 32 : index
    %swap3A_49 = tpu.vector_load %arg7[%swap3A_48] {strides = array<i32>} : memref<128xi32, #tpu.memory_space<vmem>>, vector<16xi32>,
    %swap3A_50 = vector.shape_cast %swap3A_49 : vector<16xi32> to vector<16xi32>
    %swap3A_51 = vector.shape_cast %and3A_47 : vector<16xi32> to vector<16xi32>
    tpu.vector_store %arg7[%swap3A_48], %swap3A_51 {strides = array<i32>} : memref<128xi32, #tpu.memory_space<vmem>>, vector<16xi32>,
    %get3A_52 = arith.constant 0 : i32
    %get3A_53 = arith.index_cast %get3A_52 : i32 to index
    %get3A_54 = arith.constant 48 : index
    %get3A_55 = tpu.vector_load %arg6[%get3A_53, %get3A_54] {strides = array<i32>} : memref<80x128xi32, #tpu.memory_space<vmem>>, vector<1x16xi32>,
    %get3A_56 = vector.shape_cast %get3A_55 : vector<1x16xi32> to vector<16xi32>
    %and3A_57 = arith.constant 65535 : i32
    %and3A_58 = vector.broadcast %and3A_57 : i32 to vector<16xi32>
    %and3A_59 = arith.andi %get3A_56, %and3A_58 : vector<16xi32>
    %swap3A_60 = arith.constant 48 : index
    %swap3A_61 = tpu.vector_load %arg7[%swap3A_60] {strides = array<i32>} : memref<128xi32, #tpu.memory_space<vmem>>, vector<16xi32>,
    %swap3A_62 = vector.shape_cast %swap3A_61 : vector<16xi32> to vector<16xi32>
    %swap3A_63 = vector.shape_cast %and3A_59 : vector<16xi32> to vector<16xi32>
    tpu.vector_store %arg7[%swap3A_60], %swap3A_63 {strides = array<i32>} : memref<128xi32, #tpu.memory_space<vmem>>, vector<16xi32>,
    %get3A_64 = arith.constant 0 : i32
    %get3A_65 = arith.index_cast %get3A_64 : i32 to index
    %get3A_66 = arith.constant 64 : index
    %get3A_67 = tpu.vector_load %arg6[%get3A_65, %get3A_66] {strides = array<i32>} : memref<80x128xi32, #tpu.memory_space<vmem>>, vector<1x16xi32>,
    %get3A_68 = vector.shape_cast %get3A_67 : vector<1x16xi32> to vector<16xi32>
    %and3A_69 = arith.constant 65535 : i32
    %and3A_70 = vector.broadcast %and3A_69 : i32 to vector<16xi32>
    %and3A_71 = arith.andi %get3A_68, %and3A_70 : vector<16xi32>
    %swap3A_72 = arith.constant 64 : index
    %swap3A_73 = tpu.vector_load %arg7[%swap3A_72] {strides = array<i32>} : memref<128xi32, #tpu.memory_space<vmem>>, vector<16xi32>,
    %swap3A_74 = vector.shape_cast %swap3A_73 : vector<16xi32> to vector<16xi32>
    %swap3A_75 = vector.shape_cast %and3A_71 : vector<16xi32> to vector<16xi32>
    tpu.vector_store %arg7[%swap3A_72], %swap3A_75 {strides = array<i32>} : memref<128xi32, #tpu.memory_space<vmem>>, vector<16xi32>,
    %get3A_76 = arith.constant 0 : i32
    %get3A_77 = arith.index_cast %get3A_76 : i32 to index
    %get3A_78 = arith.constant 80 : index
    %get3A_79 = tpu.vector_load %arg6[%get3A_77, %get3A_78] {strides = array<i32>} : memref<80x128xi32, #tpu.memory_space<vmem>>, vector<1x16xi32>,
    %get3A_80 = vector.shape_cast %get3A_79 : vector<1x16xi32> to vector<16xi32>
    %and3A_81 = arith.constant 65535 : i32
    %and3A_82 = vector.broadcast %and3A_81 : i32 to vector<16xi32>
    %and3A_83 = arith.andi %get3A_80, %and3A_82 : vector<16xi32>
    %swap3A_84 = arith.constant 80 : index
    %swap3A_85 = tpu.vector_load %arg7[%swap3A_84] {strides = array<i32>} : memref<128xi32, #tpu.memory_space<vmem>>, vector<16xi32>,
    %swap3A_86 = vector.shape_cast %swap3A_85 : vector<16xi32> to vector<16xi32>
    %swap3A_87 = vector.shape_cast %and3A_83 : vector<16xi32> to vector<16xi32>
    tpu.vector_store %arg7[%swap3A_84], %swap3A_87 {strides = array<i32>} : memref<128xi32, #tpu.memory_space<vmem>>, vector<16xi32>,
    %get3A_88 = arith.constant 0 : i32
    %get3A_89 = arith.index_cast %get3A_88 : i32 to index
    %get3A_90 = arith.constant 96 : index
    %get3A_91 = tpu.vector_load %arg6[%get3A_89, %get3A_90] {strides = array<i32>} : memref<80x128xi32, #tpu.memory_space<vmem>>, vector<1x16xi32>,
    %get3A_92 = vector.shape_cast %get3A_91 : vector<1x16xi32> to vector<16xi32>
    %and3A_93 = arith.constant 65535 : i32
    %and3A_94 = vector.broadcast %and3A_93 : i32 to vector<16xi32>
    %and3A_95 = arith.andi %get3A_92, %and3A_94 : vector<16xi32>
    %swap3A_96 = arith.constant 96 : index
    %swap3A_97 = tpu.vector_load %arg7[%swap3A_96] {strides = array<i32>} : memref<128xi32, #tpu.memory_space<vmem>>, vector<16xi32>,
    %swap3A_98 = vector.shape_cast %swap3A_97 : vector<16xi32> to vector<16xi32>
    %swap3A_99 = vector.shape_cast %and3A_95 : vector<16xi32> to vector<16xi32>
    tpu.vector_store %arg7[%swap3A_96], %swap3A_99 {strides = array<i32>} : memref<128xi32, #tpu.memory_space<vmem>>, vector<16xi32>,
    %get3A_100 = arith.constant 0 : i32
    %get3A_101 = arith.index_cast %get3A_100 : i32 to index
    %get3A_102 = arith.constant 112 : index
    %get3A_103 = tpu.vector_load %arg6[%get3A_101, %get3A_102] {strides = array<i32>} : memref<80x128xi32, #tpu.memory_space<vmem>>, vector<1x16xi32>,
    %get3A_104 = vector.shape_cast %get3A_103 : vector<1x16xi32> to vector<16xi32>
    %and3A_105 = arith.constant 65535 : i32
    %and3A_106 = vector.broadcast %and3A_105 : i32 to vector<16xi32>
    %and3A_107 = arith.andi %get3A_104, %and3A_106 : vector<16xi32>
    %swap3A_108 = arith.constant 112 : index
    %swap3A_109 = tpu.vector_load %arg7[%swap3A_108] {strides = array<i32>} : memref<128xi32, #tpu.memory_space<vmem>>, vector<16xi32>,
    %swap3A_110 = vector.shape_cast %swap3A_109 : vector<16xi32> to vector<16xi32>
    %swap3A_111 = vector.shape_cast %and3A_107 : vector<16xi32> to vector<16xi32>
    tpu.vector_store %arg7[%swap3A_108], %swap3A_111 {strides = array<i32>} : memref<128xi32, #tpu.memory_space<vmem>>, vector<16xi32>,
    %get3A_112 = arith.constant 0 : i32
    %get3A_113 = arith.index_cast %get3A_112 : i32 to index
    %get3A_114 = arith.constant 0 : index
    %get3A_115 = tpu.vector_load %arg6[%get3A_113, %get3A_114] {strides = array<i32>} : memref<80x128xi32, #tpu.memory_space<vmem>>, vector<1x16xi32>,
    %get3A_116 = vector.shape_cast %get3A_115 : vector<1x16xi32> to vector<16xi32>
    %shift_right_logical3A = arith.constant 16 : i32
    %shift_right_logical3A_117 = vector.broadcast %shift_right_logical3A : i32 to vector<16xi32>
    %shift_right_logical3A_118 = arith.shrui %get3A_116, %shift_right_logical3A_117 : vector<16xi32>
    %swap3A_119 = arith.constant 0 : index
    %swap3A_120 = tpu.vector_load %arg8[%swap3A_119] {strides = array<i32>} : memref<128xi32, #tpu.memory_space<vmem>>, vector<16xi32>,
    %swap3A_121 = vector.shape_cast %swap3A_120 : vector<16xi32> to vector<16xi32>
    %swap3A_122 = vector.shape_cast %shift_right_logical3A_118 : vector<16xi32> to vector<16xi32>
    tpu.vector_store %arg8[%swap3A_119], %swap3A_122 {strides = array<i32>} : memref<128xi32, #tpu.memory_space<vmem>>, vector<16xi32>,
    %get3A_123 = arith.constant 0 : i32
    %get3A_124 = arith.index_cast %get3A_123 : i32 to index
    %get3A_125 = arith.constant 16 : index
    %get3A_126 = tpu.vector_load %arg6[%get3A_124, %get3A_125] {strides = array<i32>} : memref<80x128xi32, #tpu.memory_space<vmem>>, vector<1x16xi32>,
    %get3A_127 = vector.shape_cast %get3A_126 : vector<1x16xi32> to vector<16xi32>
    %shift_right_logical3A_128 = arith.constant 16 : i32
    %shift_right_logical3A_129 = vector.broadcast %shift_right_logical3A_128 : i32 to vector<16xi32>
    %shift_right_logical3A_130 = arith.shrui %get3A_127, %shift_right_logical3A_129 : vector<16xi32>
    %swap3A_131 = arith.constant 16 : index
    %swap3A_132 = tpu.vector_load %arg8[%swap3A_131] {strides = array<i32>} : memref<128xi32, #tpu.memory_space<vmem>>, vector<16xi32>,
    %swap3A_133 = vector.shape_cast %swap3A_132 : vector<16xi32> to vector<16xi32>
    %swap3A_134 = vector.shape_cast %shift_right_logical3A_130 : vector<16xi32> to vector<16xi32>
    tpu.vector_store %arg8[%swap3A_131], %swap3A_134 {strides = array<i32>} : memref<128xi32, #tpu.memory_space<vmem>>, vector<16xi32>,
    %get3A_135 = arith.constant 0 : i32
    %get3A_136 = arith.index_cast %get3A_135 : i32 to index
    %get3A_137 = arith.constant 32 : index
    %get3A_138 = tpu.vector_load %arg6[%get3A_136, %get3A_137] {strides = array<i32>} : memref<80x128xi32, #tpu.memory_space<vmem>>, vector<1x16xi32>,
    %get3A_139 = vector.shape_cast %get3A_138 : vector<1x16xi32> to vector<16xi32>
    %shift_right_logical3A_140 = arith.constant 16 : i32
    %shift_right_logical3A_141 = vector.broadcast %shift_right_logical3A_140 : i32 to vector<16xi32>
    %shift_right_logical3A_142 = arith.shrui %get3A_139, %shift_right_logical3A_141 : vector<16xi32>
    %swap3A_143 = arith.constant 32 : index
    %swap3A_144 = tpu.vector_load %arg8[%swap3A_143] {strides = array<i32>} : memref<128xi32, #tpu.memory_space<vmem>>, vector<16xi32>,
    %swap3A_145 = vector.shape_cast %swap3A_144 : vector<16xi32> to vector<16xi32>
    %swap3A_146 = vector.shape_cast %shift_right_logical3A_142 : vector<16xi32> to vector<16xi32>
    tpu.vector_store %arg8[%swap3A_143], %swap3A_146 {strides = array<i32>} : memref<128xi32, #tpu.memory_space<vmem>>, vector<16xi32>,
    %get3A_147 = arith.constant 0 : i32
    %get3A_148 = arith.index_cast %get3A_147 : i32 to index
    %get3A_149 = arith.constant 48 : index
    %get3A_150 = tpu.vector_load %arg6[%get3A_148, %get3A_149] {strides = array<i32>} : memref<80x128xi32, #tpu.memory_space<vmem>>, vector<1x16xi32>,
    %get3A_151 = vector.shape_cast %get3A_150 : vector<1x16xi32> to vector<16xi32>
    %shift_right_logical3A_152 = arith.constant 16 : i32
    %shift_right_logical3A_153 = vector.broadcast %shift_right_logical3A_152 : i32 to vector<16xi32>
    %shift_right_logical3A_154 = arith.shrui %get3A_151, %shift_right_logical3A_153 : vector<16xi32>
    %swap3A_155 = arith.constant 48 : index
    %swap3A_156 = tpu.vector_load %arg8[%swap3A_155] {strides = array<i32>} : memref<128xi32, #tpu.memory_space<vmem>>, vector<16xi32>,
    %swap3A_157 = vector.shape_cast %swap3A_156 : vector<16xi32> to vector<16xi32>
    %swap3A_158 = vector.shape_cast %shift_right_logical3A_154 : vector<16xi32> to vector<16xi32>
    tpu.vector_store %arg8[%swap3A_155], %swap3A_158 {strides = array<i32>} : memref<128xi32, #tpu.memory_space<vmem>>, vector<16xi32>,
    %get3A_159 = arith.constant 0 : i32
    %get3A_160 = arith.index_cast %get3A_159 : i32 to index
    %get3A_161 = arith.constant 64 : index
    %get3A_162 = tpu.vector_load %arg6[%get3A_160, %get3A_161] {strides = array<i32>} : memref<80x128xi32, #tpu.memory_space<vmem>>, vector<1x16xi32>,
    %get3A_163 = vector.shape_cast %get3A_162 : vector<1x16xi32> to vector<16xi32>
    %shift_right_logical3A_164 = arith.constant 16 : i32
    %shift_right_logical3A_165 = vector.broadcast %shift_right_logical3A_164 : i32 to vector<16xi32>
    %shift_right_logical3A_166 = arith.shrui %get3A_163, %shift_right_logical3A_165 : vector<16xi32>
    %swap3A_167 = arith.constant 64 : index
    %swap3A_168 = tpu.vector_load %arg8[%swap3A_167] {strides = array<i32>} : memref<128xi32, #tpu.memory_space<vmem>>, vector<16xi32>,
    %swap3A_169 = vector.shape_cast %swap3A_168 : vector<16xi32> to vector<16xi32>
    %swap3A_170 = vector.shape_cast %shift_right_logical3A_166 : vector<16xi32> to vector<16xi32>
    tpu.vector_store %arg8[%swap3A_167], %swap3A_170 {strides = array<i32>} : memref<128xi32, #tpu.memory_space<vmem>>, vector<16xi32>,
    %get3A_171 = arith.constant 0 : i32
    %get3A_172 = arith.index_cast %get3A_171 : i32 to index
    %get3A_173 = arith.constant 80 : index
    %get3A_174 = tpu.vector_load %arg6[%get3A_172, %get3A_173] {strides = array<i32>} : memref<80x128xi32, #tpu.memory_space<vmem>>, vector<1x16xi32>,
    %get3A_175 = vector.shape_cast %get3A_174 : vector<1x16xi32> to vector<16xi32>
    %shift_right_logical3A_176 = arith.constant 16 : i32
    %shift_right_logical3A_177 = vector.broadcast %shift_right_logical3A_176 : i32 to vector<16xi32>
    %shift_right_logical3A_178 = arith.shrui %get3A_175, %shift_right_logical3A_177 : vector<16xi32>
    %swap3A_179 = arith.constant 80 : index
    %swap3A_180 = tpu.vector_load %arg8[%swap3A_179] {strides = array<i32>} : memref<128xi32, #tpu.memory_space<vmem>>, vector<16xi32>,
    %swap3A_181 = vector.shape_cast %swap3A_180 : vector<16xi32> to vector<16xi32>
    %swap3A_182 = vector.shape_cast %shift_right_logical3A_178 : vector<16xi32> to vector<16xi32>
    tpu.vector_store %arg8[%swap3A_179], %swap3A_182 {strides = array<i32>} : memref<128xi32, #tpu.memory_space<vmem>>, vector<16xi32>,
    %get3A_183 = arith.constant 0 : i32
    %get3A_184 = arith.index_cast %get3A_183 : i32 to index
    %get3A_185 = arith.constant 96 : index
    %get3A_186 = tpu.vector_load %arg6[%get3A_184, %get3A_185] {strides = array<i32>} : memref<80x128xi32, #tpu.memory_space<vmem>>, vector<1x16xi32>,
    %get3A_187 = vector.shape_cast %get3A_186 : vector<1x16xi32> to vector<16xi32>
    %shift_right_logical3A_188 = arith.constant 16 : i32
    %shift_right_logical3A_189 = vector.broadcast %shift_right_logical3A_188 : i32 to vector<16xi32>
    %shift_right_logical3A_190 = arith.shrui %get3A_187, %shift_right_logical3A_189 : vector<16xi32>
    %swap3A_191 = arith.constant 96 : index
    %swap3A_192 = tpu.vector_load %arg8[%swap3A_191] {strides = array<i32>} : memref<128xi32, #tpu.memory_space<vmem>>, vector<16xi32>,
    %swap3A_193 = vector.shape_cast %swap3A_192 : vector<16xi32> to vector<16xi32>
    %swap3A_194 = vector.shape_cast %shift_right_logical3A_190 : vector<16xi32> to vector<16xi32>
    tpu.vector_store %arg8[%swap3A_191], %swap3A_194 {strides = array<i32>} : memref<128xi32, #tpu.memory_space<vmem>>, vector<16xi32>,
    %get3A_195 = arith.constant 0 : i32
    %get3A_196 = arith.index_cast %get3A_195 : i32 to index
    %get3A_197 = arith.constant 112 : index
    %get3A_198 = tpu.vector_load %arg6[%get3A_196, %get3A_197] {strides = array<i32>} : memref<80x128xi32, #tpu.memory_space<vmem>>, vector<1x16xi32>,
    %get3A_199 = vector.shape_cast %get3A_198 : vector<1x16xi32> to vector<16xi32>
    %shift_right_logical3A_200 = arith.constant 16 : i32
    %shift_right_logical3A_201 = vector.broadcast %shift_right_logical3A_200 : i32 to vector<16xi32>
    %shift_right_logical3A_202 = arith.shrui %get3A_199, %shift_right_logical3A_201 : vector<16xi32>
    %swap3A_203 = arith.constant 112 : index
    %swap3A_204 = tpu.vector_load %arg8[%swap3A_203] {strides = array<i32>} : memref<128xi32, #tpu.memory_space<vmem>>, vector<16xi32>,
    %swap3A_205 = vector.shape_cast %swap3A_204 : vector<16xi32> to vector<16xi32>
    %swap3A_206 = vector.shape_cast %shift_right_logical3A_202 : vector<16xi32> to vector<16xi32>
    tpu.vector_store %arg8[%swap3A_203], %swap3A_206 {strides = array<i32>} : memref<128xi32, #tpu.memory_space<vmem>>, vector<16xi32>,
    %dma_start3A_207 = arith.constant 0 : i32
    %dma_start3A_208 = arith.constant 0 : i32
    %dma_start3A_209 = tpu.memref_slice %arg2[%dma_start3A_207, %dma_start3A_208] : memref<10000x128xf32, #tpu.memory_space<hbm>> -> memref<10000x128xf32, #tpu.memory_space<hbm>>
    tpu.enqueue_indirect_dma source(%dma_start3A_209 : memref<10000x128xf32, #tpu.memory_space<hbm>>) target(%arg11 : memref<128x128xf32, #tpu.memory_space<vmem>>) offsets(%arg7 : memref<128xi32, #tpu.memory_space<vmem>>) semaphore(%arg14 : memref<!tpu.dma_semaphore, #tpu.memory_space<semaphore_mem>>)
    %scan3A = arith.constant 0 : i32
    %scan3A_210 = arith.constant 0 : i32
    %scan3A_211 = arith.constant 40 : i32
    %scan3A_212 = arith.addi %scan3A_210, %scan3A_211 : i32
    %scan3A_213 = arith.constant 1 : i32
    scf.for %scan3A_220 = %scan3A_210 to %scan3A_212 step %scan3A_213  : i32 {
      %mul3A_221 = arith.constant 2 : i32
      %mul3A_222 = arith.muli %mul3A_221, %scan3A_220 : i32
      %mul3A_223 = arith.constant 2 : i32
      %mul3A_224 = arith.muli %mul3A_223, %scan3A_220 : i32
      %add3A = arith.constant 1 : i32
      %add3A_225 = arith.addi %mul3A_224, %add3A : i32
      %get3A_226 = arith.index_cast %add3A_225 : i32 to index
      %get3A_227 = arith.constant 0 : index
      %get3A_228 = tpu.vector_load %arg6[%get3A_226, %get3A_227] {strides = array<i32>} : memref<80x128xi32, #tpu.memory_space<vmem>>, vector<1x16xi32>,
      %get3A_229 = vector.shape_cast %get3A_228 : vector<1x16xi32> to vector<16xi32>
      %and3A_230 = arith.constant 65535 : i32
      %and3A_231 = vector.broadcast %and3A_230 : i32 to vector<16xi32>
      %and3A_232 = arith.andi %get3A_229, %and3A_231 : vector<16xi32>
      %swap3A_233 = arith.constant 0 : index
      %swap3A_234 = tpu.vector_load %arg9[%swap3A_233] {strides = array<i32>} : memref<128xi32, #tpu.memory_space<vmem>>, vector<16xi32>,
      %swap3A_235 = vector.shape_cast %swap3A_234 : vector<16xi32> to vector<16xi32>
      %swap3A_236 = vector.shape_cast %and3A_232 : vector<16xi32> to vector<16xi32>
      tpu.vector_store %arg9[%swap3A_233], %swap3A_236 {strides = array<i32>} : memref<128xi32, #tpu.memory_space<vmem>>, vector<16xi32>,
      %get3A_237 = arith.index_cast %add3A_225 : i32 to index
      %get3A_238 = arith.constant 16 : index
      %get3A_239 = tpu.vector_load %arg6[%get3A_237, %get3A_238] {strides = array<i32>} : memref<80x128xi32, #tpu.memory_space<vmem>>, vector<1x16xi32>,
      %get3A_240 = vector.shape_cast %get3A_239 : vector<1x16xi32> to vector<16xi32>
      %and3A_241 = arith.constant 65535 : i32
      %and3A_242 = vector.broadcast %and3A_241 : i32 to vector<16xi32>
      %and3A_243 = arith.andi %get3A_240, %and3A_242 : vector<16xi32>
      %swap3A_244 = arith.constant 16 : index
      %swap3A_245 = tpu.vector_load %arg9[%swap3A_244] {strides = array<i32>} : memref<128xi32, #tpu.memory_space<vmem>>, vector<16xi32>,
      %swap3A_246 = vector.shape_cast %swap3A_245 : vector<16xi32> to vector<16xi32>
      %swap3A_247 = vector.shape_cast %and3A_243 : vector<16xi32> to vector<16xi32>
      tpu.vector_store %arg9[%swap3A_244], %swap3A_247 {strides = array<i32>} : memref<128xi32, #tpu.memory_space<vmem>>, vector<16xi32>,
      %get3A_248 = arith.index_cast %add3A_225 : i32 to index
      %get3A_249 = arith.constant 32 : index
      %get3A_250 = tpu.vector_load %arg6[%get3A_248, %get3A_249] {strides = array<i32>} : memref<80x128xi32, #tpu.memory_space<vmem>>, vector<1x16xi32>,
      %get3A_251 = vector.shape_cast %get3A_250 : vector<1x16xi32> to vector<16xi32>
      %and3A_252 = arith.constant 65535 : i32
      %and3A_253 = vector.broadcast %and3A_252 : i32 to vector<16xi32>
      %and3A_254 = arith.andi %get3A_251, %and3A_253 : vector<16xi32>
      %swap3A_255 = arith.constant 32 : index
      %swap3A_256 = tpu.vector_load %arg9[%swap3A_255] {strides = array<i32>} : memref<128xi32, #tpu.memory_space<vmem>>, vector<16xi32>,
      %swap3A_257 = vector.shape_cast %swap3A_256 : vector<16xi32> to vector<16xi32>
      %swap3A_258 = vector.shape_cast %and3A_254 : vector<16xi32> to vector<16xi32>
      tpu.vector_store %arg9[%swap3A_255], %swap3A_258 {strides = array<i32>} : memref<128xi32, #tpu.memory_space<vmem>>, vector<16xi32>,
      %get3A_259 = arith.index_cast %add3A_225 : i32 to index
      %get3A_260 = arith.constant 48 : index
      %get3A_261 = tpu.vector_load %arg6[%get3A_259, %get3A_260] {strides = array<i32>} : memref<80x128xi32, #tpu.memory_space<vmem>>, vector<1x16xi32>,
      %get3A_262 = vector.shape_cast %get3A_261 : vector<1x16xi32> to vector<16xi32>
      %and3A_263 = arith.constant 65535 : i32
      %and3A_264 = vector.broadcast %and3A_263 : i32 to vector<16xi32>
      %and3A_265 = arith.andi %get3A_262, %and3A_264 : vector<16xi32>
      %swap3A_266 = arith.constant 48 : index
      %swap3A_267 = tpu.vector_load %arg9[%swap3A_266] {strides = array<i32>} : memref<128xi32, #tpu.memory_space<vmem>>, vector<16xi32>,
      %swap3A_268 = vector.shape_cast %swap3A_267 : vector<16xi32> to vector<16xi32>
      %swap3A_269 = vector.shape_cast %and3A_265 : vector<16xi32> to vector<16xi32>
      tpu.vector_store %arg9[%swap3A_266], %swap3A_269 {strides = array<i32>} : memref<128xi32, #tpu.memory_space<vmem>>, vector<16xi32>,
      %get3A_270 = arith.index_cast %add3A_225 : i32 to index
      %get3A_271 = arith.constant 64 : index
      %get3A_272 = tpu.vector_load %arg6[%get3A_270, %get3A_271] {strides = array<i32>} : memref<80x128xi32, #tpu.memory_space<vmem>>, vector<1x16xi32>,
      %get3A_273 = vector.shape_cast %get3A_272 : vector<1x16xi32> to vector<16xi32>
      %and3A_274 = arith.constant 65535 : i32
      %and3A_275 = vector.broadcast %and3A_274 : i32 to vector<16xi32>
      %and3A_276 = arith.andi %get3A_273, %and3A_275 : vector<16xi32>
      %swap3A_277 = arith.constant 64 : index
      %swap3A_278 = tpu.vector_load %arg9[%swap3A_277] {strides = array<i32>} : memref<128xi32, #tpu.memory_space<vmem>>, vector<16xi32>,
      %swap3A_279 = vector.shape_cast %swap3A_278 : vector<16xi32> to vector<16xi32>
      %swap3A_280 = vector.shape_cast %and3A_276 : vector<16xi32> to vector<16xi32>
      tpu.vector_store %arg9[%swap3A_277], %swap3A_280 {strides = array<i32>} : memref<128xi32, #tpu.memory_space<vmem>>, vector<16xi32>,
      %get3A_281 = arith.index_cast %add3A_225 : i32 to index
      %get3A_282 = arith.constant 80 : index
      %get3A_283 = tpu.vector_load %arg6[%get3A_281, %get3A_282] {strides = array<i32>} : memref<80x128xi32, #tpu.memory_space<vmem>>, vector<1x16xi32>,
      %get3A_284 = vector.shape_cast %get3A_283 : vector<1x16xi32> to vector<16xi32>
      %and3A_285 = arith.constant 65535 : i32
      %and3A_286 = vector.broadcast %and3A_285 : i32 to vector<16xi32>
      %and3A_287 = arith.andi %get3A_284, %and3A_286 : vector<16xi32>
      %swap3A_288 = arith.constant 80 : index
      %swap3A_289 = tpu.vector_load %arg9[%swap3A_288] {strides = array<i32>} : memref<128xi32, #tpu.memory_space<vmem>>, vector<16xi32>,
      %swap3A_290 = vector.shape_cast %swap3A_289 : vector<16xi32> to vector<16xi32>
      %swap3A_291 = vector.shape_cast %and3A_287 : vector<16xi32> to vector<16xi32>
      tpu.vector_store %arg9[%swap3A_288], %swap3A_291 {strides = array<i32>} : memref<128xi32, #tpu.memory_space<vmem>>, vector<16xi32>,
      %get3A_292 = arith.index_cast %add3A_225 : i32 to index
      %get3A_293 = arith.constant 96 : index
      %get3A_294 = tpu.vector_load %arg6[%get3A_292, %get3A_293] {strides = array<i32>} : memref<80x128xi32, #tpu.memory_space<vmem>>, vector<1x16xi32>,
      %get3A_295 = vector.shape_cast %get3A_294 : vector<1x16xi32> to vector<16xi32>
      %and3A_296 = arith.constant 65535 : i32
      %and3A_297 = vector.broadcast %and3A_296 : i32 to vector<16xi32>
      %and3A_298 = arith.andi %get3A_295, %and3A_297 : vector<16xi32>
      %swap3A_299 = arith.constant 96 : index
      %swap3A_300 = tpu.vector_load %arg9[%swap3A_299] {strides = array<i32>} : memref<128xi32, #tpu.memory_space<vmem>>, vector<16xi32>,
      %swap3A_301 = vector.shape_cast %swap3A_300 : vector<16xi32> to vector<16xi32>
      %swap3A_302 = vector.shape_cast %and3A_298 : vector<16xi32> to vector<16xi32>
      tpu.vector_store %arg9[%swap3A_299], %swap3A_302 {strides = array<i32>} : memref<128xi32, #tpu.memory_space<vmem>>, vector<16xi32>,
      %get3A_303 = arith.index_cast %add3A_225 : i32 to index
      %get3A_304 = arith.constant 112 : index
      %get3A_305 = tpu.vector_load %arg6[%get3A_303, %get3A_304] {strides = array<i32>} : memref<80x128xi32, #tpu.memory_space<vmem>>, vector<1x16xi32>,
      %get3A_306 = vector.shape_cast %get3A_305 : vector<1x16xi32> to vector<16xi32>
      %and3A_307 = arith.constant 65535 : i32
      %and3A_308 = vector.broadcast %and3A_307 : i32 to vector<16xi32>
      %and3A_309 = arith.andi %get3A_306, %and3A_308 : vector<16xi32>
      %swap3A_310 = arith.constant 112 : index
      %swap3A_311 = tpu.vector_load %arg9[%swap3A_310] {strides = array<i32>} : memref<128xi32, #tpu.memory_space<vmem>>, vector<16xi32>,
      %swap3A_312 = vector.shape_cast %swap3A_311 : vector<16xi32> to vector<16xi32>
      %swap3A_313 = vector.shape_cast %and3A_309 : vector<16xi32> to vector<16xi32>
      tpu.vector_store %arg9[%swap3A_310], %swap3A_313 {strides = array<i32>} : memref<128xi32, #tpu.memory_space<vmem>>, vector<16xi32>,
      %get3A_314 = arith.index_cast %add3A_225 : i32 to index
      %get3A_315 = arith.constant 0 : index
      %get3A_316 = tpu.vector_load %arg6[%get3A_314, %get3A_315] {strides = array<i32>} : memref<80x128xi32, #tpu.memory_space<vmem>>, vector<1x16xi32>,
      %get3A_317 = vector.shape_cast %get3A_316 : vector<1x16xi32> to vector<16xi32>
      %shift_right_logical3A_318 = arith.constant 16 : i32
      %shift_right_logical3A_319 = vector.broadcast %shift_right_logical3A_318 : i32 to vector<16xi32>
      %shift_right_logical3A_320 = arith.shrui %get3A_317, %shift_right_logical3A_319 : vector<16xi32>
      %swap3A_321 = arith.constant 0 : index
      %swap3A_322 = tpu.vector_load %arg10[%swap3A_321] {strides = array<i32>} : memref<128xi32, #tpu.memory_space<vmem>>, vector<16xi32>,
      %swap3A_323 = vector.shape_cast %swap3A_322 : vector<16xi32> to vector<16xi32>
      %swap3A_324 = vector.shape_cast %shift_right_logical3A_320 : vector<16xi32> to vector<16xi32>
      tpu.vector_store %arg10[%swap3A_321], %swap3A_324 {strides = array<i32>} : memref<128xi32, #tpu.memory_space<vmem>>, vector<16xi32>,
      %get3A_325 = arith.index_cast %add3A_225 : i32 to index
      %get3A_326 = arith.constant 16 : index
      %get3A_327 = tpu.vector_load %arg6[%get3A_325, %get3A_326] {strides = array<i32>} : memref<80x128xi32, #tpu.memory_space<vmem>>, vector<1x16xi32>,
      %get3A_328 = vector.shape_cast %get3A_327 : vector<1x16xi32> to vector<16xi32>
      %shift_right_logical3A_329 = arith.constant 16 : i32
      %shift_right_logical3A_330 = vector.broadcast %shift_right_logical3A_329 : i32 to vector<16xi32>
      %shift_right_logical3A_331 = arith.shrui %get3A_328, %shift_right_logical3A_330 : vector<16xi32>
      %swap3A_332 = arith.constant 16 : index
      %swap3A_333 = tpu.vector_load %arg10[%swap3A_332] {strides = array<i32>} : memref<128xi32, #tpu.memory_space<vmem>>, vector<16xi32>,
      %swap3A_334 = vector.shape_cast %swap3A_333 : vector<16xi32> to vector<16xi32>
      %swap3A_335 = vector.shape_cast %shift_right_logical3A_331 : vector<16xi32> to vector<16xi32>
      tpu.vector_store %arg10[%swap3A_332], %swap3A_335 {strides = array<i32>} : memref<128xi32, #tpu.memory_space<vmem>>, vector<16xi32>,
      %get3A_336 = arith.index_cast %add3A_225 : i32 to index
      %get3A_337 = arith.constant 32 : index
      %get3A_338 = tpu.vector_load %arg6[%get3A_336, %get3A_337] {strides = array<i32>} : memref<80x128xi32, #tpu.memory_space<vmem>>, vector<1x16xi32>,
      %get3A_339 = vector.shape_cast %get3A_338 : vector<1x16xi32> to vector<16xi32>
      %shift_right_logical3A_340 = arith.constant 16 : i32
      %shift_right_logical3A_341 = vector.broadcast %shift_right_logical3A_340 : i32 to vector<16xi32>
      %shift_right_logical3A_342 = arith.shrui %get3A_339, %shift_right_logical3A_341 : vector<16xi32>
      %swap3A_343 = arith.constant 32 : index
      %swap3A_344 = tpu.vector_load %arg10[%swap3A_343] {strides = array<i32>} : memref<128xi32, #tpu.memory_space<vmem>>, vector<16xi32>,
      %swap3A_345 = vector.shape_cast %swap3A_344 : vector<16xi32> to vector<16xi32>
      %swap3A_346 = vector.shape_cast %shift_right_logical3A_342 : vector<16xi32> to vector<16xi32>
      tpu.vector_store %arg10[%swap3A_343], %swap3A_346 {strides = array<i32>} : memref<128xi32, #tpu.memory_space<vmem>>, vector<16xi32>,
      %get3A_347 = arith.index_cast %add3A_225 : i32 to index
      %get3A_348 = arith.constant 48 : index
      %get3A_349 = tpu.vector_load %arg6[%get3A_347, %get3A_348] {strides = array<i32>} : memref<80x128xi32, #tpu.memory_space<vmem>>, vector<1x16xi32>,
      %get3A_350 = vector.shape_cast %get3A_349 : vector<1x16xi32> to vector<16xi32>
      %shift_right_logical3A_351 = arith.constant 16 : i32
      %shift_right_logical3A_352 = vector.broadcast %shift_right_logical3A_351 : i32 to vector<16xi32>
      %shift_right_logical3A_353 = arith.shrui %get3A_350, %shift_right_logical3A_352 : vector<16xi32>
      %swap3A_354 = arith.constant 48 : index
      %swap3A_355 = tpu.vector_load %arg10[%swap3A_354] {strides = array<i32>} : memref<128xi32, #tpu.memory_space<vmem>>, vector<16xi32>,
      %swap3A_356 = vector.shape_cast %swap3A_355 : vector<16xi32> to vector<16xi32>
      %swap3A_357 = vector.shape_cast %shift_right_logical3A_353 : vector<16xi32> to vector<16xi32>
      tpu.vector_store %arg10[%swap3A_354], %swap3A_357 {strides = array<i32>} : memref<128xi32, #tpu.memory_space<vmem>>, vector<16xi32>,
      %get3A_358 = arith.index_cast %add3A_225 : i32 to index
      %get3A_359 = arith.constant 64 : index
      %get3A_360 = tpu.vector_load %arg6[%get3A_358, %get3A_359] {strides = array<i32>} : memref<80x128xi32, #tpu.memory_space<vmem>>, vector<1x16xi32>,
      %get3A_361 = vector.shape_cast %get3A_360 : vector<1x16xi32> to vector<16xi32>
      %shift_right_logical3A_362 = arith.constant 16 : i32
      %shift_right_logical3A_363 = vector.broadcast %shift_right_logical3A_362 : i32 to vector<16xi32>
      %shift_right_logical3A_364 = arith.shrui %get3A_361, %shift_right_logical3A_363 : vector<16xi32>
      %swap3A_365 = arith.constant 64 : index
      %swap3A_366 = tpu.vector_load %arg10[%swap3A_365] {strides = array<i32>} : memref<128xi32, #tpu.memory_space<vmem>>, vector<16xi32>,
      %swap3A_367 = vector.shape_cast %swap3A_366 : vector<16xi32> to vector<16xi32>
      %swap3A_368 = vector.shape_cast %shift_right_logical3A_364 : vector<16xi32> to vector<16xi32>
      tpu.vector_store %arg10[%swap3A_365], %swap3A_368 {strides = array<i32>} : memref<128xi32, #tpu.memory_space<vmem>>, vector<16xi32>,
      %get3A_369 = arith.index_cast %add3A_225 : i32 to index
      %get3A_370 = arith.constant 80 : index
      %get3A_371 = tpu.vector_load %arg6[%get3A_369, %get3A_370] {strides = array<i32>} : memref<80x128xi32, #tpu.memory_space<vmem>>, vector<1x16xi32>,
      %get3A_372 = vector.shape_cast %get3A_371 : vector<1x16xi32> to vector<16xi32>
      %shift_right_logical3A_373 = arith.constant 16 : i32
      %shift_right_logical3A_374 = vector.broadcast %shift_right_logical3A_373 : i32 to vector<16xi32>
      %shift_right_logical3A_375 = arith.shrui %get3A_372, %shift_right_logical3A_374 : vector<16xi32>
      %swap3A_376 = arith.constant 80 : index
      %swap3A_377 = tpu.vector_load %arg10[%swap3A_376] {strides = array<i32>} : memref<128xi32, #tpu.memory_space<vmem>>, vector<16xi32>,
      %swap3A_378 = vector.shape_cast %swap3A_377 : vector<16xi32> to vector<16xi32>
      %swap3A_379 = vector.shape_cast %shift_right_logical3A_375 : vector<16xi32> to vector<16xi32>
      tpu.vector_store %arg10[%swap3A_376], %swap3A_379 {strides = array<i32>} : memref<128xi32, #tpu.memory_space<vmem>>, vector<16xi32>,
      %get3A_380 = arith.index_cast %add3A_225 : i32 to index
      %get3A_381 = arith.constant 96 : index
      %get3A_382 = tpu.vector_load %arg6[%get3A_380, %get3A_381] {strides = array<i32>} : memref<80x128xi32, #tpu.memory_space<vmem>>, vector<1x16xi32>,
      %get3A_383 = vector.shape_cast %get3A_382 : vector<1x16xi32> to vector<16xi32>
      %shift_right_logical3A_384 = arith.constant 16 : i32
      %shift_right_logical3A_385 = vector.broadcast %shift_right_logical3A_384 : i32 to vector<16xi32>
      %shift_right_logical3A_386 = arith.shrui %get3A_383, %shift_right_logical3A_385 : vector<16xi32>
      %swap3A_387 = arith.constant 96 : index
      %swap3A_388 = tpu.vector_load %arg10[%swap3A_387] {strides = array<i32>} : memref<128xi32, #tpu.memory_space<vmem>>, vector<16xi32>,
      %swap3A_389 = vector.shape_cast %swap3A_388 : vector<16xi32> to vector<16xi32>
      %swap3A_390 = vector.shape_cast %shift_right_logical3A_386 : vector<16xi32> to vector<16xi32>
      tpu.vector_store %arg10[%swap3A_387], %swap3A_390 {strides = array<i32>} : memref<128xi32, #tpu.memory_space<vmem>>, vector<16xi32>,
      %get3A_391 = arith.index_cast %add3A_225 : i32 to index
      %get3A_392 = arith.constant 112 : index
      %get3A_393 = tpu.vector_load %arg6[%get3A_391, %get3A_392] {strides = array<i32>} : memref<80x128xi32, #tpu.memory_space<vmem>>, vector<1x16xi32>,
      %get3A_394 = vector.shape_cast %get3A_393 : vector<1x16xi32> to vector<16xi32>
      %shift_right_logical3A_395 = arith.constant 16 : i32
      %shift_right_logical3A_396 = vector.broadcast %shift_right_logical3A_395 : i32 to vector<16xi32>
      %shift_right_logical3A_397 = arith.shrui %get3A_394, %shift_right_logical3A_396 : vector<16xi32>
      %swap3A_398 = arith.constant 112 : index
      %swap3A_399 = tpu.vector_load %arg10[%swap3A_398] {strides = array<i32>} : memref<128xi32, #tpu.memory_space<vmem>>, vector<16xi32>,
      %swap3A_400 = vector.shape_cast %swap3A_399 : vector<16xi32> to vector<16xi32>
      %swap3A_401 = vector.shape_cast %shift_right_logical3A_397 : vector<16xi32> to vector<16xi32>
      tpu.vector_store %arg10[%swap3A_398], %swap3A_401 {strides = array<i32>} : memref<128xi32, #tpu.memory_space<vmem>>, vector<16xi32>,
      %dma_start3A_402 = arith.constant 0 : i32
      %dma_start3A_403 = arith.constant 0 : i32
      %dma_start3A_404 = tpu.memref_slice %arg2[%dma_start3A_402, %dma_start3A_403] : memref<10000x128xf32, #tpu.memory_space<hbm>> -> memref<10000x128xf32, #tpu.memory_space<hbm>>
      tpu.enqueue_indirect_dma source(%dma_start3A_404 : memref<10000x128xf32, #tpu.memory_space<hbm>>) target(%arg12 : memref<128x128xf32, #tpu.memory_space<vmem>>) offsets(%arg9 : memref<128xi32, #tpu.memory_space<vmem>>) semaphore(%arg15 : memref<!tpu.dma_semaphore, #tpu.memory_space<semaphore_mem>>)
      %dma_wait3A_405 = arith.constant 0 : i32
      %dma_wait3A_406 = arith.constant 0 : i32
      %dma_wait3A_407 = tpu.memref_slice %arg2[%dma_wait3A_405, %dma_wait3A_406] : memref<10000x128xf32, #tpu.memory_space<hbm>> -> memref<10000x128xf32, #tpu.memory_space<hbm>>
      tpu.wait_indirect_dma semaphore(%arg14 : memref<!tpu.dma_semaphore, #tpu.memory_space<semaphore_mem>>) src(%dma_wait3A_407 : memref<10000x128xf32, #tpu.memory_space<hbm>>) dst(%arg11 : memref<128x128xf32, #tpu.memory_space<vmem>>)
      "tpu.region"() ({
        %run_scoped3A = tpu.sem_alloc : memref<!tpu.dma_semaphore, #tpu.memory_space<semaphore_mem>>
        %dma_start3A_413 = arith.constant 0 : i32
        %dma_start3A_414 = arith.constant 0 : i32
        %dma_start3A_415 = tpu.memref_slice %arg13[%dma_start3A_413, %dma_start3A_414] : memref<10240x128xf32, #tpu.memory_space<vmem_shared>> -> memref<10240x128xf32, #tpu.memory_space<vmem_shared>>
        tpu.enqueue_indirect_dma source(%arg11 : memref<128x128xf32, #tpu.memory_space<vmem>>) target(%dma_start3A_415 : memref<10240x128xf32, #tpu.memory_space<vmem_shared>>) offsets(%arg8 : memref<128xi32, #tpu.memory_space<vmem>>) semaphore(%run_scoped3A : memref<!tpu.dma_semaphore, #tpu.memory_space<semaphore_mem>>) {add = true}
        %dma_wait3A_416 = arith.constant 0 : i32
        %dma_wait3A_417 = arith.constant 0 : i32
        %dma_wait3A_418 = tpu.memref_slice %arg13[%dma_wait3A_416, %dma_wait3A_417] : memref<10240x128xf32, #tpu.memory_space<vmem_shared>> -> memref<10240x128xf32, #tpu.memory_space<vmem_shared>>
        tpu.wait_indirect_dma semaphore(%run_scoped3A : memref<!tpu.dma_semaphore, #tpu.memory_space<semaphore_mem>>) src(%arg11 : memref<128x128xf32, #tpu.memory_space<vmem>>) dst(%dma_wait3A_418 : memref<10240x128xf32, #tpu.memory_space<vmem_shared>>)
        tpu.yield
      }) : () -> ()
      %lt3A = arith.constant 39 : i32
      %lt3A_408 = arith.cmpi slt, %scan3A_220, %lt3A : i32
      %convert_element_type3A = arith.extui %lt3A_408 : i1 to i32
      %cond3A = arith.constant 0 : i32
      %cond3A_409 = arith.cmpi ne, %convert_element_type3A, %cond3A : i32
      scf.if %cond3A_409 {
        %add3A_413 = arith.constant 2 : i32
        %add3A_414 = arith.addi %mul3A_222, %add3A_413 : i32
        %get3A_415 = arith.index_cast %add3A_414 : i32 to index
        %get3A_416 = arith.constant 0 : index
        %get3A_417 = tpu.vector_load %arg6[%get3A_415, %get3A_416] {strides = array<i32>} : memref<80x128xi32, #tpu.memory_space<vmem>>, vector<1x16xi32>,
        %get3A_418 = vector.shape_cast %get3A_417 : vector<1x16xi32> to vector<16xi32>
        %and3A_419 = arith.constant 65535 : i32
        %and3A_420 = vector.broadcast %and3A_419 : i32 to vector<16xi32>
        %and3A_421 = arith.andi %get3A_418, %and3A_420 : vector<16xi32>
        %swap3A_422 = arith.constant 0 : index
        %swap3A_423 = tpu.vector_load %arg7[%swap3A_422] {strides = array<i32>} : memref<128xi32, #tpu.memory_space<vmem>>, vector<16xi32>,
        %swap3A_424 = vector.shape_cast %swap3A_423 : vector<16xi32> to vector<16xi32>
        %swap3A_425 = vector.shape_cast %and3A_421 : vector<16xi32> to vector<16xi32>
        tpu.vector_store %arg7[%swap3A_422], %swap3A_425 {strides = array<i32>} : memref<128xi32, #tpu.memory_space<vmem>>, vector<16xi32>,
        %get3A_426 = arith.index_cast %add3A_414 : i32 to index
        %get3A_427 = arith.constant 16 : index
        %get3A_428 = tpu.vector_load %arg6[%get3A_426, %get3A_427] {strides = array<i32>} : memref<80x128xi32, #tpu.memory_space<vmem>>, vector<1x16xi32>,
        %get3A_429 = vector.shape_cast %get3A_428 : vector<1x16xi32> to vector<16xi32>
        %and3A_430 = arith.constant 65535 : i32
        %and3A_431 = vector.broadcast %and3A_430 : i32 to vector<16xi32>
        %and3A_432 = arith.andi %get3A_429, %and3A_431 : vector<16xi32>
        %swap3A_433 = arith.constant 16 : index
        %swap3A_434 = tpu.vector_load %arg7[%swap3A_433] {strides = array<i32>} : memref<128xi32, #tpu.memory_space<vmem>>, vector<16xi32>,
        %swap3A_435 = vector.shape_cast %swap3A_434 : vector<16xi32> to vector<16xi32>
        %swap3A_436 = vector.shape_cast %and3A_432 : vector<16xi32> to vector<16xi32>
        tpu.vector_store %arg7[%swap3A_433], %swap3A_436 {strides = array<i32>} : memref<128xi32, #tpu.memory_space<vmem>>, vector<16xi32>,
        %get3A_437 = arith.index_cast %add3A_414 : i32 to index
        %get3A_438 = arith.constant 32 : index
        %get3A_439 = tpu.vector_load %arg6[%get3A_437, %get3A_438] {strides = array<i32>} : memref<80x128xi32, #tpu.memory_space<vmem>>, vector<1x16xi32>,
        %get3A_440 = vector.shape_cast %get3A_439 : vector<1x16xi32> to vector<16xi32>
        %and3A_441 = arith.constant 65535 : i32
        %and3A_442 = vector.broadcast %and3A_441 : i32 to vector<16xi32>
        %and3A_443 = arith.andi %get3A_440, %and3A_442 : vector<16xi32>
        %swap3A_444 = arith.constant 32 : index
        %swap3A_445 = tpu.vector_load %arg7[%swap3A_444] {strides = array<i32>} : memref<128xi32, #tpu.memory_space<vmem>>, vector<16xi32>,
        %swap3A_446 = vector.shape_cast %swap3A_445 : vector<16xi32> to vector<16xi32>
        %swap3A_447 = vector.shape_cast %and3A_443 : vector<16xi32> to vector<16xi32>
        tpu.vector_store %arg7[%swap3A_444], %swap3A_447 {strides = array<i32>} : memref<128xi32, #tpu.memory_space<vmem>>, vector<16xi32>,
        %get3A_448 = arith.index_cast %add3A_414 : i32 to index
        %get3A_449 = arith.constant 48 : index
        %get3A_450 = tpu.vector_load %arg6[%get3A_448, %get3A_449] {strides = array<i32>} : memref<80x128xi32, #tpu.memory_space<vmem>>, vector<1x16xi32>,
        %get3A_451 = vector.shape_cast %get3A_450 : vector<1x16xi32> to vector<16xi32>
        %and3A_452 = arith.constant 65535 : i32
        %and3A_453 = vector.broadcast %and3A_452 : i32 to vector<16xi32>
        %and3A_454 = arith.andi %get3A_451, %and3A_453 : vector<16xi32>
        %swap3A_455 = arith.constant 48 : index
        %swap3A_456 = tpu.vector_load %arg7[%swap3A_455] {strides = array<i32>} : memref<128xi32, #tpu.memory_space<vmem>>, vector<16xi32>,
        %swap3A_457 = vector.shape_cast %swap3A_456 : vector<16xi32> to vector<16xi32>
        %swap3A_458 = vector.shape_cast %and3A_454 : vector<16xi32> to vector<16xi32>
        tpu.vector_store %arg7[%swap3A_455], %swap3A_458 {strides = array<i32>} : memref<128xi32, #tpu.memory_space<vmem>>, vector<16xi32>,
        %get3A_459 = arith.index_cast %add3A_414 : i32 to index
        %get3A_460 = arith.constant 64 : index
        %get3A_461 = tpu.vector_load %arg6[%get3A_459, %get3A_460] {strides = array<i32>} : memref<80x128xi32, #tpu.memory_space<vmem>>, vector<1x16xi32>,
        %get3A_462 = vector.shape_cast %get3A_461 : vector<1x16xi32> to vector<16xi32>
        %and3A_463 = arith.constant 65535 : i32
        %and3A_464 = vector.broadcast %and3A_463 : i32 to vector<16xi32>
        %and3A_465 = arith.andi %get3A_462, %and3A_464 : vector<16xi32>
        %swap3A_466 = arith.constant 64 : index
        %swap3A_467 = tpu.vector_load %arg7[%swap3A_466] {strides = array<i32>} : memref<128xi32, #tpu.memory_space<vmem>>, vector<16xi32>,
        %swap3A_468 = vector.shape_cast %swap3A_467 : vector<16xi32> to vector<16xi32>
        %swap3A_469 = vector.shape_cast %and3A_465 : vector<16xi32> to vector<16xi32>
        tpu.vector_store %arg7[%swap3A_466], %swap3A_469 {strides = array<i32>} : memref<128xi32, #tpu.memory_space<vmem>>, vector<16xi32>,
        %get3A_470 = arith.index_cast %add3A_414 : i32 to index
        %get3A_471 = arith.constant 80 : index
        %get3A_472 = tpu.vector_load %arg6[%get3A_470, %get3A_471] {strides = array<i32>} : memref<80x128xi32, #tpu.memory_space<vmem>>, vector<1x16xi32>,
        %get3A_473 = vector.shape_cast %get3A_472 : vector<1x16xi32> to vector<16xi32>
        %and3A_474 = arith.constant 65535 : i32
        %and3A_475 = vector.broadcast %and3A_474 : i32 to vector<16xi32>
        %and3A_476 = arith.andi %get3A_473, %and3A_475 : vector<16xi32>
        %swap3A_477 = arith.constant 80 : index
        %swap3A_478 = tpu.vector_load %arg7[%swap3A_477] {strides = array<i32>} : memref<128xi32, #tpu.memory_space<vmem>>, vector<16xi32>,
        %swap3A_479 = vector.shape_cast %swap3A_478 : vector<16xi32> to vector<16xi32>
        %swap3A_480 = vector.shape_cast %and3A_476 : vector<16xi32> to vector<16xi32>
        tpu.vector_store %arg7[%swap3A_477], %swap3A_480 {strides = array<i32>} : memref<128xi32, #tpu.memory_space<vmem>>, vector<16xi32>,
        %get3A_481 = arith.index_cast %add3A_414 : i32 to index
        %get3A_482 = arith.constant 96 : index
        %get3A_483 = tpu.vector_load %arg6[%get3A_481, %get3A_482] {strides = array<i32>} : memref<80x128xi32, #tpu.memory_space<vmem>>, vector<1x16xi32>,
        %get3A_484 = vector.shape_cast %get3A_483 : vector<1x16xi32> to vector<16xi32>
        %and3A_485 = arith.constant 65535 : i32
        %and3A_486 = vector.broadcast %and3A_485 : i32 to vector<16xi32>
        %and3A_487 = arith.andi %get3A_484, %and3A_486 : vector<16xi32>
        %swap3A_488 = arith.constant 96 : index
        %swap3A_489 = tpu.vector_load %arg7[%swap3A_488] {strides = array<i32>} : memref<128xi32, #tpu.memory_space<vmem>>, vector<16xi32>,
        %swap3A_490 = vector.shape_cast %swap3A_489 : vector<16xi32> to vector<16xi32>
        %swap3A_491 = vector.shape_cast %and3A_487 : vector<16xi32> to vector<16xi32>
        tpu.vector_store %arg7[%swap3A_488], %swap3A_491 {strides = array<i32>} : memref<128xi32, #tpu.memory_space<vmem>>, vector<16xi32>,
        %get3A_492 = arith.index_cast %add3A_414 : i32 to index
        %get3A_493 = arith.constant 112 : index
        %get3A_494 = tpu.vector_load %arg6[%get3A_492, %get3A_493] {strides = array<i32>} : memref<80x128xi32, #tpu.memory_space<vmem>>, vector<1x16xi32>,
        %get3A_495 = vector.shape_cast %get3A_494 : vector<1x16xi32> to vector<16xi32>
        %and3A_496 = arith.constant 65535 : i32
        %and3A_497 = vector.broadcast %and3A_496 : i32 to vector<16xi32>
        %and3A_498 = arith.andi %get3A_495, %and3A_497 : vector<16xi32>
        %swap3A_499 = arith.constant 112 : index
        %swap3A_500 = tpu.vector_load %arg7[%swap3A_499] {strides = array<i32>} : memref<128xi32, #tpu.memory_space<vmem>>, vector<16xi32>,
        %swap3A_501 = vector.shape_cast %swap3A_500 : vector<16xi32> to vector<16xi32>
        %swap3A_502 = vector.shape_cast %and3A_498 : vector<16xi32> to vector<16xi32>
        tpu.vector_store %arg7[%swap3A_499], %swap3A_502 {strides = array<i32>} : memref<128xi32, #tpu.memory_space<vmem>>, vector<16xi32>,
        %add3A_503 = arith.constant 2 : i32
        %add3A_504 = arith.addi %mul3A_222, %add3A_503 : i32
        %get3A_505 = arith.index_cast %add3A_504 : i32 to index
        %get3A_506 = arith.constant 0 : index
        %get3A_507 = tpu.vector_load %arg6[%get3A_505, %get3A_506] {strides = array<i32>} : memref<80x128xi32, #tpu.memory_space<vmem>>, vector<1x16xi32>,
        %get3A_508 = vector.shape_cast %get3A_507 : vector<1x16xi32> to vector<16xi32>
        %shift_right_logical3A_509 = arith.constant 16 : i32
        %shift_right_logical3A_510 = vector.broadcast %shift_right_logical3A_509 : i32 to vector<16xi32>
        %shift_right_logical3A_511 = arith.shrui %get3A_508, %shift_right_logical3A_510 : vector<16xi32>
        %swap3A_512 = arith.constant 0 : index
        %swap3A_513 = tpu.vector_load %arg8[%swap3A_512] {strides = array<i32>} : memref<128xi32, #tpu.memory_space<vmem>>, vector<16xi32>,
        %swap3A_514 = vector.shape_cast %swap3A_513 : vector<16xi32> to vector<16xi32>
        %swap3A_515 = vector.shape_cast %shift_right_logical3A_511 : vector<16xi32> to vector<16xi32>
        tpu.vector_store %arg8[%swap3A_512], %swap3A_515 {strides = array<i32>} : memref<128xi32, #tpu.memory_space<vmem>>, vector<16xi32>,
        %get3A_516 = arith.index_cast %add3A_504 : i32 to index
        %get3A_517 = arith.constant 16 : index
        %get3A_518 = tpu.vector_load %arg6[%get3A_516, %get3A_517] {strides = array<i32>} : memref<80x128xi32, #tpu.memory_space<vmem>>, vector<1x16xi32>,
        %get3A_519 = vector.shape_cast %get3A_518 : vector<1x16xi32> to vector<16xi32>
        %shift_right_logical3A_520 = arith.constant 16 : i32
        %shift_right_logical3A_521 = vector.broadcast %shift_right_logical3A_520 : i32 to vector<16xi32>
        %shift_right_logical3A_522 = arith.shrui %get3A_519, %shift_right_logical3A_521 : vector<16xi32>
        %swap3A_523 = arith.constant 16 : index
        %swap3A_524 = tpu.vector_load %arg8[%swap3A_523] {strides = array<i32>} : memref<128xi32, #tpu.memory_space<vmem>>, vector<16xi32>,
        %swap3A_525 = vector.shape_cast %swap3A_524 : vector<16xi32> to vector<16xi32>
        %swap3A_526 = vector.shape_cast %shift_right_logical3A_522 : vector<16xi32> to vector<16xi32>
        tpu.vector_store %arg8[%swap3A_523], %swap3A_526 {strides = array<i32>} : memref<128xi32, #tpu.memory_space<vmem>>, vector<16xi32>,
        %get3A_527 = arith.index_cast %add3A_504 : i32 to index
        %get3A_528 = arith.constant 32 : index
        %get3A_529 = tpu.vector_load %arg6[%get3A_527, %get3A_528] {strides = array<i32>} : memref<80x128xi32, #tpu.memory_space<vmem>>, vector<1x16xi32>,
        %get3A_530 = vector.shape_cast %get3A_529 : vector<1x16xi32> to vector<16xi32>
        %shift_right_logical3A_531 = arith.constant 16 : i32
        %shift_right_logical3A_532 = vector.broadcast %shift_right_logical3A_531 : i32 to vector<16xi32>
        %shift_right_logical3A_533 = arith.shrui %get3A_530, %shift_right_logical3A_532 : vector<16xi32>
        %swap3A_534 = arith.constant 32 : index
        %swap3A_535 = tpu.vector_load %arg8[%swap3A_534] {strides = array<i32>} : memref<128xi32, #tpu.memory_space<vmem>>, vector<16xi32>,
        %swap3A_536 = vector.shape_cast %swap3A_535 : vector<16xi32> to vector<16xi32>
        %swap3A_537 = vector.shape_cast %shift_right_logical3A_533 : vector<16xi32> to vector<16xi32>
        tpu.vector_store %arg8[%swap3A_534], %swap3A_537 {strides = array<i32>} : memref<128xi32, #tpu.memory_space<vmem>>, vector<16xi32>,
        %get3A_538 = arith.index_cast %add3A_504 : i32 to index
        %get3A_539 = arith.constant 48 : index
        %get3A_540 = tpu.vector_load %arg6[%get3A_538, %get3A_539] {strides = array<i32>} : memref<80x128xi32, #tpu.memory_space<vmem>>, vector<1x16xi32>,
        %get3A_541 = vector.shape_cast %get3A_540 : vector<1x16xi32> to vector<16xi32>
        %shift_right_logical3A_542 = arith.constant 16 : i32
        %shift_right_logical3A_543 = vector.broadcast %shift_right_logical3A_542 : i32 to vector<16xi32>
        %shift_right_logical3A_544 = arith.shrui %get3A_541, %shift_right_logical3A_543 : vector<16xi32>
        %swap3A_545 = arith.constant 48 : index
        %swap3A_546 = tpu.vector_load %arg8[%swap3A_545] {strides = array<i32>} : memref<128xi32, #tpu.memory_space<vmem>>, vector<16xi32>,
        %swap3A_547 = vector.shape_cast %swap3A_546 : vector<16xi32> to vector<16xi32>
        %swap3A_548 = vector.shape_cast %shift_right_logical3A_544 : vector<16xi32> to vector<16xi32>
        tpu.vector_store %arg8[%swap3A_545], %swap3A_548 {strides = array<i32>} : memref<128xi32, #tpu.memory_space<vmem>>, vector<16xi32>,
        %get3A_549 = arith.index_cast %add3A_504 : i32 to index
        %get3A_550 = arith.constant 64 : index
        %get3A_551 = tpu.vector_load %arg6[%get3A_549, %get3A_550] {strides = array<i32>} : memref<80x128xi32, #tpu.memory_space<vmem>>, vector<1x16xi32>,
        %get3A_552 = vector.shape_cast %get3A_551 : vector<1x16xi32> to vector<16xi32>
        %shift_right_logical3A_553 = arith.constant 16 : i32
        %shift_right_logical3A_554 = vector.broadcast %shift_right_logical3A_553 : i32 to vector<16xi32>
        %shift_right_logical3A_555 = arith.shrui %get3A_552, %shift_right_logical3A_554 : vector<16xi32>
        %swap3A_556 = arith.constant 64 : index
        %swap3A_557 = tpu.vector_load %arg8[%swap3A_556] {strides = array<i32>} : memref<128xi32, #tpu.memory_space<vmem>>, vector<16xi32>,
        %swap3A_558 = vector.shape_cast %swap3A_557 : vector<16xi32> to vector<16xi32>
        %swap3A_559 = vector.shape_cast %shift_right_logical3A_555 : vector<16xi32> to vector<16xi32>
        tpu.vector_store %arg8[%swap3A_556], %swap3A_559 {strides = array<i32>} : memref<128xi32, #tpu.memory_space<vmem>>, vector<16xi32>,
        %get3A_560 = arith.index_cast %add3A_504 : i32 to index
        %get3A_561 = arith.constant 80 : index
        %get3A_562 = tpu.vector_load %arg6[%get3A_560, %get3A_561] {strides = array<i32>} : memref<80x128xi32, #tpu.memory_space<vmem>>, vector<1x16xi32>,
        %get3A_563 = vector.shape_cast %get3A_562 : vector<1x16xi32> to vector<16xi32>
        %shift_right_logical3A_564 = arith.constant 16 : i32
        %shift_right_logical3A_565 = vector.broadcast %shift_right_logical3A_564 : i32 to vector<16xi32>
        %shift_right_logical3A_566 = arith.shrui %get3A_563, %shift_right_logical3A_565 : vector<16xi32>
        %swap3A_567 = arith.constant 80 : index
        %swap3A_568 = tpu.vector_load %arg8[%swap3A_567] {strides = array<i32>} : memref<128xi32, #tpu.memory_space<vmem>>, vector<16xi32>,
        %swap3A_569 = vector.shape_cast %swap3A_568 : vector<16xi32> to vector<16xi32>
        %swap3A_570 = vector.shape_cast %shift_right_logical3A_566 : vector<16xi32> to vector<16xi32>
        tpu.vector_store %arg8[%swap3A_567], %swap3A_570 {strides = array<i32>} : memref<128xi32, #tpu.memory_space<vmem>>, vector<16xi32>,
        %get3A_571 = arith.index_cast %add3A_504 : i32 to index
        %get3A_572 = arith.constant 96 : index
        %get3A_573 = tpu.vector_load %arg6[%get3A_571, %get3A_572] {strides = array<i32>} : memref<80x128xi32, #tpu.memory_space<vmem>>, vector<1x16xi32>,
        %get3A_574 = vector.shape_cast %get3A_573 : vector<1x16xi32> to vector<16xi32>
        %shift_right_logical3A_575 = arith.constant 16 : i32
        %shift_right_logical3A_576 = vector.broadcast %shift_right_logical3A_575 : i32 to vector<16xi32>
        %shift_right_logical3A_577 = arith.shrui %get3A_574, %shift_right_logical3A_576 : vector<16xi32>
        %swap3A_578 = arith.constant 96 : index
        %swap3A_579 = tpu.vector_load %arg8[%swap3A_578] {strides = array<i32>} : memref<128xi32, #tpu.memory_space<vmem>>, vector<16xi32>,
        %swap3A_580 = vector.shape_cast %swap3A_579 : vector<16xi32> to vector<16xi32>
        %swap3A_581 = vector.shape_cast %shift_right_logical3A_577 : vector<16xi32> to vector<16xi32>
        tpu.vector_store %arg8[%swap3A_578], %swap3A_581 {strides = array<i32>} : memref<128xi32, #tpu.memory_space<vmem>>, vector<16xi32>,
        %get3A_582 = arith.index_cast %add3A_504 : i32 to index
        %get3A_583 = arith.constant 112 : index
        %get3A_584 = tpu.vector_load %arg6[%get3A_582, %get3A_583] {strides = array<i32>} : memref<80x128xi32, #tpu.memory_space<vmem>>, vector<1x16xi32>,
        %get3A_585 = vector.shape_cast %get3A_584 : vector<1x16xi32> to vector<16xi32>
        %shift_right_logical3A_586 = arith.constant 16 : i32
        %shift_right_logical3A_587 = vector.broadcast %shift_right_logical3A_586 : i32 to vector<16xi32>
        %shift_right_logical3A_588 = arith.shrui %get3A_585, %shift_right_logical3A_587 : vector<16xi32>
        %swap3A_589 = arith.constant 112 : index
        %swap3A_590 = tpu.vector_load %arg8[%swap3A_589] {strides = array<i32>} : memref<128xi32, #tpu.memory_space<vmem>>, vector<16xi32>,
        %swap3A_591 = vector.shape_cast %swap3A_590 : vector<16xi32> to vector<16xi32>
        %swap3A_592 = vector.shape_cast %shift_right_logical3A_588 : vector<16xi32> to vector<16xi32>
        tpu.vector_store %arg8[%swap3A_589], %swap3A_592 {strides = array<i32>} : memref<128xi32, #tpu.memory_space<vmem>>, vector<16xi32>,
        %dma_start3A_593 = arith.constant 0 : i32
        %dma_start3A_594 = arith.constant 0 : i32
        %dma_start3A_595 = tpu.memref_slice %arg2[%dma_start3A_593, %dma_start3A_594] : memref<10000x128xf32, #tpu.memory_space<hbm>> -> memref<10000x128xf32, #tpu.memory_space<hbm>>
        tpu.enqueue_indirect_dma source(%dma_start3A_595 : memref<10000x128xf32, #tpu.memory_space<hbm>>) target(%arg11 : memref<128x128xf32, #tpu.memory_space<vmem>>) offsets(%arg7 : memref<128xi32, #tpu.memory_space<vmem>>) semaphore(%arg14 : memref<!tpu.dma_semaphore, #tpu.memory_space<semaphore_mem>>)
      } else {
      }
      %dma_wait3A_410 = arith.constant 0 : i32
      %dma_wait3A_411 = arith.constant 0 : i32
      %dma_wait3A_412 = tpu.memref_slice %arg2[%dma_wait3A_410, %dma_wait3A_411] : memref<10000x128xf32, #tpu.memory_space<hbm>> -> memref<10000x128xf32, #tpu.memory_space<hbm>>
      tpu.wait_indirect_dma semaphore(%arg15 : memref<!tpu.dma_semaphore, #tpu.memory_space<semaphore_mem>>) src(%dma_wait3A_412 : memref<10000x128xf32, #tpu.memory_space<hbm>>) dst(%arg12 : memref<128x128xf32, #tpu.memory_space<vmem>>)
      "tpu.region"() ({
        %run_scoped3A = tpu.sem_alloc : memref<!tpu.dma_semaphore, #tpu.memory_space<semaphore_mem>>
        %dma_start3A_413 = arith.constant 0 : i32
        %dma_start3A_414 = arith.constant 0 : i32
        %dma_start3A_415 = tpu.memref_slice %arg13[%dma_start3A_413, %dma_start3A_414] : memref<10240x128xf32, #tpu.memory_space<vmem_shared>> -> memref<10240x128xf32, #tpu.memory_space<vmem_shared>>
        tpu.enqueue_indirect_dma source(%arg12 : memref<128x128xf32, #tpu.memory_space<vmem>>) target(%dma_start3A_415 : memref<10240x128xf32, #tpu.memory_space<vmem_shared>>) offsets(%arg10 : memref<128xi32, #tpu.memory_space<vmem>>) semaphore(%run_scoped3A : memref<!tpu.dma_semaphore, #tpu.memory_space<semaphore_mem>>) {add = true}
        %dma_wait3A_416 = arith.constant 0 : i32
        %dma_wait3A_417 = arith.constant 0 : i32
        %dma_wait3A_418 = tpu.memref_slice %arg13[%dma_wait3A_416, %dma_wait3A_417] : memref<10240x128xf32, #tpu.memory_space<vmem_shared>> -> memref<10240x128xf32, #tpu.memory_space<vmem_shared>>
        tpu.wait_indirect_dma semaphore(%run_scoped3A : memref<!tpu.dma_semaphore, #tpu.memory_space<semaphore_mem>>) src(%arg12 : memref<128x128xf32, #tpu.memory_space<vmem>>) dst(%dma_wait3A_418 : memref<10240x128xf32, #tpu.memory_space<vmem_shared>>)
        tpu.yield
      }) : () -> ()
    }
    %scan3A_214 = arith.constant 40 : i32
    %barrier3A_215 = arith.constant 0 : index
    tpu.barrier barrier_id(%barrier3A_215)
    %mul3A_216 = arith.constant 640 : i32
    %mul3A_217 = arith.muli %arg1, %mul3A_216 : i32
    %mul3A_218 = arith.constant 640 : i32
    %mul3A_219 = arith.muli %arg1, %mul3A_218 : i32
    "tpu.region"() ({
      %run_scoped3A = tpu.sem_alloc : memref<!tpu.dma_semaphore, #tpu.memory_space<semaphore_mem>>
      %dma_start3A_220 = arith.constant 0 : i32
      %dma_start3A_221 = tpu.memref_slice %arg5[%arg0, %mul3A_219, %dma_start3A_220] : memref<2x10240x128xf32, #tpu.memory_space<hbm>> -> memref<1x640x128xf32, #tpu.memory_space<hbm>>
      %dma_start3A_222 = tpu.memref_squeeze %dma_start3A_221 : memref<1x640x128xf32, #tpu.memory_space<hbm>> -> memref<640x128xf32, #tpu.memory_space<hbm>>
      %dma_start3A_223 = arith.constant 0 : i32
      %dma_start3A_224 = tpu.memref_slice %arg13[%mul3A_217, %dma_start3A_223] : memref<10240x128xf32, #tpu.memory_space<vmem_shared>> -> memref<640x128xf32, #tpu.memory_space<vmem_shared>>
      tpu.enqueue_dma source(%dma_start3A_224 : memref<640x128xf32, #tpu.memory_space<vmem_shared>>) target(%dma_start3A_222 : memref<640x128xf32, #tpu.memory_space<hbm>>) target_semaphore(%run_scoped3A : memref<!tpu.dma_semaphore, #tpu.memory_space<semaphore_mem>>)
      %dma_wait3A_225 = arith.constant 0 : i32
      %dma_wait3A_226 = tpu.memref_slice %arg5[%arg0, %mul3A_219, %dma_wait3A_225] : memref<2x10240x128xf32, #tpu.memory_space<hbm>> -> memref<1x640x128xf32, #tpu.memory_space<hbm>>
      %dma_wait3A_227 = tpu.memref_squeeze %dma_wait3A_226 : memref<1x640x128xf32, #tpu.memory_space<hbm>> -> memref<640x128xf32, #tpu.memory_space<hbm>>
      %dma_wait3A_228 = arith.constant 0 : i32
      %dma_wait3A_229 = tpu.memref_slice %arg13[%mul3A_217, %dma_wait3A_228] : memref<10240x128xf32, #tpu.memory_space<vmem_shared>> -> memref<640x128xf32, #tpu.memory_space<vmem_shared>>
      tpu.wait_dma2 semaphore(%run_scoped3A : memref<!tpu.dma_semaphore, #tpu.memory_space<semaphore_mem>>) src(%dma_wait3A_229 : memref<640x128xf32, #tpu.memory_space<vmem_shared>>) dst(%dma_wait3A_227 : memref<640x128xf32, #tpu.memory_space<hbm>>)
      tpu.yield
    }) : () -> ()
    return
  }
}

#map = affine_map<(d0, d1) -> (0, 0)>
#map1 = affine_map<(d0, d1) -> (0, 0, 0, 0)>
#map2 = affine_map<(d0, d1) -> (0, 0, 0)>
module attributes {stable_mosaic.version = 14 : i64} {
  func.func @_scat_kernel(%arg0: i32, %arg1: i32, %arg2: memref<10000x128xf32, #tpu.memory_space<hbm>>, %arg3: memref<2x16x80x128xi32, #tpu.memory_space<hbm>>, %arg4: memref<640x128xf32, #tpu.memory_space<hbm>>, %arg5: memref<2x10240x128xf32, #tpu.memory_space<hbm>>, %arg6: memref<80x128xi32, #tpu.memory_space<vmem>>, %arg7: memref<128xi32, #tpu.memory_space<vmem>>, %arg8: memref<128xi32, #tpu.memory_space<vmem>>, %arg9: memref<128xi32, #tpu.memory_space<vmem>>, %arg10: memref<128xi32, #tpu.memory_space<vmem>>, %arg11: memref<128x128xf32, #tpu.memory_space<vmem>>, %arg12: memref<128x128xf32, #tpu.memory_space<vmem>>, %arg13: memref<10240x128xf32, #tpu.memory_space<vmem_shared>>, %arg14: memref<!tpu.dma_semaphore, #tpu.memory_space<semaphore_mem>>, %arg15: memref<!tpu.dma_semaphore, #tpu.memory_space<semaphore_mem>>) attributes {dimension_semantics = [#tpu.dimension_semantics<core_parallel>, #tpu.dimension_semantics<subcore_parallel>], iteration_bounds = array<i64: 2, 16>, scalar_prefetch = 0 : i64, scratch_operands = 10 : i64, tpu.core_type = #tpu.core_type<sc_vector_subcore>, window_params = [{transform_indices = #map}, {transform_indices = #map1}, {transform_indices = #map}, {transform_indices = #map2}]} {
    %dma_start3A = arith.constant 0 : i32
    %dma_start3A_0 = arith.constant 0 : i32
    %dma_start3A_1 = tpu.memref_slice %arg3[%arg0, %arg1, %dma_start3A, %dma_start3A_0] : memref<2x16x80x128xi32, #tpu.memory_space<hbm>> -> memref<1x1x80x128xi32, #tpu.memory_space<hbm>>
    %dma_start3A_2 = tpu.memref_squeeze %dma_start3A_1 : memref<1x1x80x128xi32, #tpu.memory_space<hbm>> -> memref<80x128xi32, #tpu.memory_space<hbm>>
    %dma_start3A_3 = arith.constant 0 : i32
    %dma_start3A_4 = arith.constant 0 : i32
    %dma_start3A_5 = tpu.memref_slice %arg3[%arg0, %arg1, %dma_start3A_3, %dma_start3A_4] : memref<2x16x80x128xi32, #tpu.memory_space<hbm>> -> memref<1x1x80x128xi32, #tpu.memory_space<hbm>>
    %dma_start3A_6 = tpu.memref_squeeze %dma_start3A_5 : memref<1x1x80x128xi32, #tpu.memory_space<hbm>> -> memref<80x128xi32, #tpu.memory_space<hbm>>
    tpu.enqueue_dma source(%dma_start3A_6 : memref<80x128xi32, #tpu.memory_space<hbm>>) target(%arg6 : memref<80x128xi32, #tpu.memory_space<vmem>>) target_semaphore(%arg14 : memref<!tpu.dma_semaphore, #tpu.memory_space<semaphore_mem>>)
    %mul3A = arith.constant 640 : i32
    %mul3A_7 = arith.muli %arg1, %mul3A : i32
    %dma_start3A_8 = arith.constant 0 : i32
    %dma_start3A_9 = tpu.memref_slice %arg13[%mul3A_7, %dma_start3A_8] : memref<10240x128xf32, #tpu.memory_space<vmem_shared>> -> memref<640x128xf32, #tpu.memory_space<vmem_shared>>
    tpu.enqueue_dma source(%arg4 : memref<640x128xf32, #tpu.memory_space<hbm>>) target(%dma_start3A_9 : memref<640x128xf32, #tpu.memory_space<vmem_shared>>) target_semaphore(%arg15 : memref<!tpu.dma_semaphore, #tpu.memory_space<semaphore_mem>>)
    %dma_wait3A = arith.constant 0 : i32
    %dma_wait3A_10 = arith.constant 0 : i32
    %dma_wait3A_11 = tpu.memref_slice %arg3[%arg0, %arg1, %dma_wait3A, %dma_wait3A_10] : memref<2x16x80x128xi32, #tpu.memory_space<hbm>> -> memref<1x1x80x128xi32, #tpu.memory_space<hbm>>
    %dma_wait3A_12 = tpu.memref_squeeze %dma_wait3A_11 : memref<1x1x80x128xi32, #tpu.memory_space<hbm>> -> memref<80x128xi32, #tpu.memory_space<hbm>>
    %dma_wait3A_13 = arith.constant 0 : i32
    %dma_wait3A_14 = arith.constant 0 : i32
    %dma_wait3A_15 = tpu.memref_slice %arg3[%arg0, %arg1, %dma_wait3A_13, %dma_wait3A_14] : memref<2x16x80x128xi32, #tpu.memory_space<hbm>> -> memref<1x1x80x128xi32, #tpu.memory_space<hbm>>
    %dma_wait3A_16 = tpu.memref_squeeze %dma_wait3A_15 : memref<1x1x80x128xi32, #tpu.memory_space<hbm>> -> memref<80x128xi32, #tpu.memory_space<hbm>>
    tpu.wait_dma2 semaphore(%arg14 : memref<!tpu.dma_semaphore, #tpu.memory_space<semaphore_mem>>) src(%dma_wait3A_16 : memref<80x128xi32, #tpu.memory_space<hbm>>) dst(%arg6 : memref<80x128xi32, #tpu.memory_space<vmem>>)
    %dma_wait3A_17 = arith.constant 0 : i32
    %dma_wait3A_18 = tpu.memref_slice %arg13[%mul3A_7, %dma_wait3A_17] : memref<10240x128xf32, #tpu.memory_space<vmem_shared>> -> memref<640x128xf32, #tpu.memory_space<vmem_shared>>
    tpu.wait_dma2 semaphore(%arg15 : memref<!tpu.dma_semaphore, #tpu.memory_space<semaphore_mem>>) src(%arg4 : memref<640x128xf32, #tpu.memory_space<hbm>>) dst(%dma_wait3A_18 : memref<640x128xf32, #tpu.memory_space<vmem_shared>>)
    %barrier3A = arith.constant 0 : index
    tpu.barrier barrier_id(%barrier3A)
    %get3A = arith.constant 0 : i32
    %get3A_19 = arith.index_cast %get3A : i32 to index
    %get3A_20 = arith.constant 0 : index
    %get3A_21 = tpu.vector_load %arg6[%get3A_19, %get3A_20] {strides = array<i32>} : memref<80x128xi32, #tpu.memory_space<vmem>>, vector<1x16xi32>,
    %get3A_22 = vector.shape_cast %get3A_21 : vector<1x16xi32> to vector<16xi32>
    %and3A = arith.constant 65535 : i32
    %and3A_23 = vector.broadcast %and3A : i32 to vector<16xi32>
    %and3A_24 = arith.andi %get3A_22, %and3A_23 : vector<16xi32>
    %swap3A = arith.constant 0 : index
    %swap3A_25 = tpu.vector_load %arg7[%swap3A] {strides = array<i32>} : memref<128xi32, #tpu.memory_space<vmem>>, vector<16xi32>,
    %swap3A_26 = vector.shape_cast %swap3A_25 : vector<16xi32> to vector<16xi32>
    %swap3A_27 = vector.shape_cast %and3A_24 : vector<16xi32> to vector<16xi32>
    tpu.vector_store %arg7[%swap3A], %swap3A_27 {strides = array<i32>} : memref<128xi32, #tpu.memory_space<vmem>>, vector<16xi32>,
    %get3A_28 = arith.constant 0 : i32
    %get3A_29 = arith.index_cast %get3A_28 : i32 to index
    %get3A_30 = arith.constant 16 : index
    %get3A_31 = tpu.vector_load %arg6[%get3A_29, %get3A_30] {strides = array<i32>} : memref<80x128xi32, #tpu.memory_space<vmem>>, vector<1x16xi32>,
    %get3A_32 = vector.shape_cast %get3A_31 : vector<1x16xi32> to vector<16xi32>
    %and3A_33 = arith.constant 65535 : i32
    %and3A_34 = vector.broadcast %and3A_33 : i32 to vector<16xi32>
    %and3A_35 = arith.andi %get3A_32, %and3A_34 : vector<16xi32>
    %swap3A_36 = arith.constant 16 : index
    %swap3A_37 = tpu.vector_load %arg7[%swap3A_36] {strides = array<i32>} : memref<128xi32, #tpu.memory_space<vmem>>, vector<16xi32>,
    %swap3A_38 = vector.shape_cast %swap3A_37 : vector<16xi32> to vector<16xi32>
    %swap3A_39 = vector.shape_cast %and3A_35 : vector<16xi32> to vector<16xi32>
    tpu.vector_store %arg7[%swap3A_36], %swap3A_39 {strides = array<i32>} : memref<128xi32, #tpu.memory_space<vmem>>, vector<16xi32>,
    %get3A_40 = arith.constant 0 : i32
    %get3A_41 = arith.index_cast %get3A_40 : i32 to index
    %get3A_42 = arith.constant 32 : index
    %get3A_43 = tpu.vector_load %arg6[%get3A_41, %get3A_42] {strides = array<i32>} : memref<80x128xi32, #tpu.memory_space<vmem>>, vector<1x16xi32>,
    %get3A_44 = vector.shape_cast %get3A_43 : vector<1x16xi32> to vector<16xi32>
    %and3A_45 = arith.constant 65535 : i32
    %and3A_46 = vector.broadcast %and3A_45 : i32 to vector<16xi32>
    %and3A_47 = arith.andi %get3A_44, %and3A_46 : vector<16xi32>
    %swap3A_48 = arith.constant 32 : index
    %swap3A_49 = tpu.vector_load %arg7[%swap3A_48] {strides = array<i32>} : memref<128xi32, #tpu.memory_space<vmem>>, vector<16xi32>,
    %swap3A_50 = vector.shape_cast %swap3A_49 : vector<16xi32> to vector<16xi32>
    %swap3A_51 = vector.shape_cast %and3A_47 : vector<16xi32> to vector<16xi32>
    tpu.vector_store %arg7[%swap3A_48], %swap3A_51 {strides = array<i32>} : memref<128xi32, #tpu.memory_space<vmem>>, vector<16xi32>,
    %get3A_52 = arith.constant 0 : i32
    %get3A_53 = arith.index_cast %get3A_52 : i32 to index
    %get3A_54 = arith.constant 48 : index
    %get3A_55 = tpu.vector_load %arg6[%get3A_53, %get3A_54] {strides = array<i32>} : memref<80x128xi32, #tpu.memory_space<vmem>>, vector<1x16xi32>,
    %get3A_56 = vector.shape_cast %get3A_55 : vector<1x16xi32> to vector<16xi32>
    %and3A_57 = arith.constant 65535 : i32
    %and3A_58 = vector.broadcast %and3A_57 : i32 to vector<16xi32>
    %and3A_59 = arith.andi %get3A_56, %and3A_58 : vector<16xi32>
    %swap3A_60 = arith.constant 48 : index
    %swap3A_61 = tpu.vector_load %arg7[%swap3A_60] {strides = array<i32>} : memref<128xi32, #tpu.memory_space<vmem>>, vector<16xi32>,
    %swap3A_62 = vector.shape_cast %swap3A_61 : vector<16xi32> to vector<16xi32>
    %swap3A_63 = vector.shape_cast %and3A_59 : vector<16xi32> to vector<16xi32>
    tpu.vector_store %arg7[%swap3A_60], %swap3A_63 {strides = array<i32>} : memref<128xi32, #tpu.memory_space<vmem>>, vector<16xi32>,
    %get3A_64 = arith.constant 0 : i32
    %get3A_65 = arith.index_cast %get3A_64 : i32 to index
    %get3A_66 = arith.constant 64 : index
    %get3A_67 = tpu.vector_load %arg6[%get3A_65, %get3A_66] {strides = array<i32>} : memref<80x128xi32, #tpu.memory_space<vmem>>, vector<1x16xi32>,
    %get3A_68 = vector.shape_cast %get3A_67 : vector<1x16xi32> to vector<16xi32>
    %and3A_69 = arith.constant 65535 : i32
    %and3A_70 = vector.broadcast %and3A_69 : i32 to vector<16xi32>
    %and3A_71 = arith.andi %get3A_68, %and3A_70 : vector<16xi32>
    %swap3A_72 = arith.constant 64 : index
    %swap3A_73 = tpu.vector_load %arg7[%swap3A_72] {strides = array<i32>} : memref<128xi32, #tpu.memory_space<vmem>>, vector<16xi32>,
    %swap3A_74 = vector.shape_cast %swap3A_73 : vector<16xi32> to vector<16xi32>
    %swap3A_75 = vector.shape_cast %and3A_71 : vector<16xi32> to vector<16xi32>
    tpu.vector_store %arg7[%swap3A_72], %swap3A_75 {strides = array<i32>} : memref<128xi32, #tpu.memory_space<vmem>>, vector<16xi32>,
    %get3A_76 = arith.constant 0 : i32
    %get3A_77 = arith.index_cast %get3A_76 : i32 to index
    %get3A_78 = arith.constant 80 : index
    %get3A_79 = tpu.vector_load %arg6[%get3A_77, %get3A_78] {strides = array<i32>} : memref<80x128xi32, #tpu.memory_space<vmem>>, vector<1x16xi32>,
    %get3A_80 = vector.shape_cast %get3A_79 : vector<1x16xi32> to vector<16xi32>
    %and3A_81 = arith.constant 65535 : i32
    %and3A_82 = vector.broadcast %and3A_81 : i32 to vector<16xi32>
    %and3A_83 = arith.andi %get3A_80, %and3A_82 : vector<16xi32>
    %swap3A_84 = arith.constant 80 : index
    %swap3A_85 = tpu.vector_load %arg7[%swap3A_84] {strides = array<i32>} : memref<128xi32, #tpu.memory_space<vmem>>, vector<16xi32>,
    %swap3A_86 = vector.shape_cast %swap3A_85 : vector<16xi32> to vector<16xi32>
    %swap3A_87 = vector.shape_cast %and3A_83 : vector<16xi32> to vector<16xi32>
    tpu.vector_store %arg7[%swap3A_84], %swap3A_87 {strides = array<i32>} : memref<128xi32, #tpu.memory_space<vmem>>, vector<16xi32>,
    %get3A_88 = arith.constant 0 : i32
    %get3A_89 = arith.index_cast %get3A_88 : i32 to index
    %get3A_90 = arith.constant 96 : index
    %get3A_91 = tpu.vector_load %arg6[%get3A_89, %get3A_90] {strides = array<i32>} : memref<80x128xi32, #tpu.memory_space<vmem>>, vector<1x16xi32>,
    %get3A_92 = vector.shape_cast %get3A_91 : vector<1x16xi32> to vector<16xi32>
    %and3A_93 = arith.constant 65535 : i32
    %and3A_94 = vector.broadcast %and3A_93 : i32 to vector<16xi32>
    %and3A_95 = arith.andi %get3A_92, %and3A_94 : vector<16xi32>
    %swap3A_96 = arith.constant 96 : index
    %swap3A_97 = tpu.vector_load %arg7[%swap3A_96] {strides = array<i32>} : memref<128xi32, #tpu.memory_space<vmem>>, vector<16xi32>,
    %swap3A_98 = vector.shape_cast %swap3A_97 : vector<16xi32> to vector<16xi32>
    %swap3A_99 = vector.shape_cast %and3A_95 : vector<16xi32> to vector<16xi32>
    tpu.vector_store %arg7[%swap3A_96], %swap3A_99 {strides = array<i32>} : memref<128xi32, #tpu.memory_space<vmem>>, vector<16xi32>,
    %get3A_100 = arith.constant 0 : i32
    %get3A_101 = arith.index_cast %get3A_100 : i32 to index
    %get3A_102 = arith.constant 112 : index
    %get3A_103 = tpu.vector_load %arg6[%get3A_101, %get3A_102] {strides = array<i32>} : memref<80x128xi32, #tpu.memory_space<vmem>>, vector<1x16xi32>,
    %get3A_104 = vector.shape_cast %get3A_103 : vector<1x16xi32> to vector<16xi32>
    %and3A_105 = arith.constant 65535 : i32
    %and3A_106 = vector.broadcast %and3A_105 : i32 to vector<16xi32>
    %and3A_107 = arith.andi %get3A_104, %and3A_106 : vector<16xi32>
    %swap3A_108 = arith.constant 112 : index
    %swap3A_109 = tpu.vector_load %arg7[%swap3A_108] {strides = array<i32>} : memref<128xi32, #tpu.memory_space<vmem>>, vector<16xi32>,
    %swap3A_110 = vector.shape_cast %swap3A_109 : vector<16xi32> to vector<16xi32>
    %swap3A_111 = vector.shape_cast %and3A_107 : vector<16xi32> to vector<16xi32>
    tpu.vector_store %arg7[%swap3A_108], %swap3A_111 {strides = array<i32>} : memref<128xi32, #tpu.memory_space<vmem>>, vector<16xi32>,
    %get3A_112 = arith.constant 0 : i32
    %get3A_113 = arith.index_cast %get3A_112 : i32 to index
    %get3A_114 = arith.constant 0 : index
    %get3A_115 = tpu.vector_load %arg6[%get3A_113, %get3A_114] {strides = array<i32>} : memref<80x128xi32, #tpu.memory_space<vmem>>, vector<1x16xi32>,
    %get3A_116 = vector.shape_cast %get3A_115 : vector<1x16xi32> to vector<16xi32>
    %shift_right_logical3A = arith.constant 16 : i32
    %shift_right_logical3A_117 = vector.broadcast %shift_right_logical3A : i32 to vector<16xi32>
    %shift_right_logical3A_118 = arith.shrui %get3A_116, %shift_right_logical3A_117 : vector<16xi32>
    %swap3A_119 = arith.constant 0 : index
    %swap3A_120 = tpu.vector_load %arg8[%swap3A_119] {strides = array<i32>} : memref<128xi32, #tpu.memory_space<vmem>>, vector<16xi32>,
    %swap3A_121 = vector.shape_cast %swap3A_120 : vector<16xi32> to vector<16xi32>
    %swap3A_122 = vector.shape_cast %shift_right_logical3A_118 : vector<16xi32> to vector<16xi32>
    tpu.vector_store %arg8[%swap3A_119], %swap3A_122 {strides = array<i32>} : memref<128xi32, #tpu.memory_space<vmem>>, vector<16xi32>,
    %get3A_123 = arith.constant 0 : i32
    %get3A_124 = arith.index_cast %get3A_123 : i32 to index
    %get3A_125 = arith.constant 16 : index
    %get3A_126 = tpu.vector_load %arg6[%get3A_124, %get3A_125] {strides = array<i32>} : memref<80x128xi32, #tpu.memory_space<vmem>>, vector<1x16xi32>,
    %get3A_127 = vector.shape_cast %get3A_126 : vector<1x16xi32> to vector<16xi32>
    %shift_right_logical3A_128 = arith.constant 16 : i32
    %shift_right_logical3A_129 = vector.broadcast %shift_right_logical3A_128 : i32 to vector<16xi32>
    %shift_right_logical3A_130 = arith.shrui %get3A_127, %shift_right_logical3A_129 : vector<16xi32>
    %swap3A_131 = arith.constant 16 : index
    %swap3A_132 = tpu.vector_load %arg8[%swap3A_131] {strides = array<i32>} : memref<128xi32, #tpu.memory_space<vmem>>, vector<16xi32>,
    %swap3A_133 = vector.shape_cast %swap3A_132 : vector<16xi32> to vector<16xi32>
    %swap3A_134 = vector.shape_cast %shift_right_logical3A_130 : vector<16xi32> to vector<16xi32>
    tpu.vector_store %arg8[%swap3A_131], %swap3A_134 {strides = array<i32>} : memref<128xi32, #tpu.memory_space<vmem>>, vector<16xi32>,
    %get3A_135 = arith.constant 0 : i32
    %get3A_136 = arith.index_cast %get3A_135 : i32 to index
    %get3A_137 = arith.constant 32 : index
    %get3A_138 = tpu.vector_load %arg6[%get3A_136, %get3A_137] {strides = array<i32>} : memref<80x128xi32, #tpu.memory_space<vmem>>, vector<1x16xi32>,
    %get3A_139 = vector.shape_cast %get3A_138 : vector<1x16xi32> to vector<16xi32>
    %shift_right_logical3A_140 = arith.constant 16 : i32
    %shift_right_logical3A_141 = vector.broadcast %shift_right_logical3A_140 : i32 to vector<16xi32>
    %shift_right_logical3A_142 = arith.shrui %get3A_139, %shift_right_logical3A_141 : vector<16xi32>
    %swap3A_143 = arith.constant 32 : index
    %swap3A_144 = tpu.vector_load %arg8[%swap3A_143] {strides = array<i32>} : memref<128xi32, #tpu.memory_space<vmem>>, vector<16xi32>,
    %swap3A_145 = vector.shape_cast %swap3A_144 : vector<16xi32> to vector<16xi32>
    %swap3A_146 = vector.shape_cast %shift_right_logical3A_142 : vector<16xi32> to vector<16xi32>
    tpu.vector_store %arg8[%swap3A_143], %swap3A_146 {strides = array<i32>} : memref<128xi32, #tpu.memory_space<vmem>>, vector<16xi32>,
    %get3A_147 = arith.constant 0 : i32
    %get3A_148 = arith.index_cast %get3A_147 : i32 to index
    %get3A_149 = arith.constant 48 : index
    %get3A_150 = tpu.vector_load %arg6[%get3A_148, %get3A_149] {strides = array<i32>} : memref<80x128xi32, #tpu.memory_space<vmem>>, vector<1x16xi32>,
    %get3A_151 = vector.shape_cast %get3A_150 : vector<1x16xi32> to vector<16xi32>
    %shift_right_logical3A_152 = arith.constant 16 : i32
    %shift_right_logical3A_153 = vector.broadcast %shift_right_logical3A_152 : i32 to vector<16xi32>
    %shift_right_logical3A_154 = arith.shrui %get3A_151, %shift_right_logical3A_153 : vector<16xi32>
    %swap3A_155 = arith.constant 48 : index
    %swap3A_156 = tpu.vector_load %arg8[%swap3A_155] {strides = array<i32>} : memref<128xi32, #tpu.memory_space<vmem>>, vector<16xi32>,
    %swap3A_157 = vector.shape_cast %swap3A_156 : vector<16xi32> to vector<16xi32>
    %swap3A_158 = vector.shape_cast %shift_right_logical3A_154 : vector<16xi32> to vector<16xi32>
    tpu.vector_store %arg8[%swap3A_155], %swap3A_158 {strides = array<i32>} : memref<128xi32, #tpu.memory_space<vmem>>, vector<16xi32>,
    %get3A_159 = arith.constant 0 : i32
    %get3A_160 = arith.index_cast %get3A_159 : i32 to index
    %get3A_161 = arith.constant 64 : index
    %get3A_162 = tpu.vector_load %arg6[%get3A_160, %get3A_161] {strides = array<i32>} : memref<80x128xi32, #tpu.memory_space<vmem>>, vector<1x16xi32>,
    %get3A_163 = vector.shape_cast %get3A_162 : vector<1x16xi32> to vector<16xi32>
    %shift_right_logical3A_164 = arith.constant 16 : i32
    %shift_right_logical3A_165 = vector.broadcast %shift_right_logical3A_164 : i32 to vector<16xi32>
    %shift_right_logical3A_166 = arith.shrui %get3A_163, %shift_right_logical3A_165 : vector<16xi32>
    %swap3A_167 = arith.constant 64 : index
    %swap3A_168 = tpu.vector_load %arg8[%swap3A_167] {strides = array<i32>} : memref<128xi32, #tpu.memory_space<vmem>>, vector<16xi32>,
    %swap3A_169 = vector.shape_cast %swap3A_168 : vector<16xi32> to vector<16xi32>
    %swap3A_170 = vector.shape_cast %shift_right_logical3A_166 : vector<16xi32> to vector<16xi32>
    tpu.vector_store %arg8[%swap3A_167], %swap3A_170 {strides = array<i32>} : memref<128xi32, #tpu.memory_space<vmem>>, vector<16xi32>,
    %get3A_171 = arith.constant 0 : i32
    %get3A_172 = arith.index_cast %get3A_171 : i32 to index
    %get3A_173 = arith.constant 80 : index
    %get3A_174 = tpu.vector_load %arg6[%get3A_172, %get3A_173] {strides = array<i32>} : memref<80x128xi32, #tpu.memory_space<vmem>>, vector<1x16xi32>,
    %get3A_175 = vector.shape_cast %get3A_174 : vector<1x16xi32> to vector<16xi32>
    %shift_right_logical3A_176 = arith.constant 16 : i32
    %shift_right_logical3A_177 = vector.broadcast %shift_right_logical3A_176 : i32 to vector<16xi32>
    %shift_right_logical3A_178 = arith.shrui %get3A_175, %shift_right_logical3A_177 : vector<16xi32>
    %swap3A_179 = arith.constant 80 : index
    %swap3A_180 = tpu.vector_load %arg8[%swap3A_179] {strides = array<i32>} : memref<128xi32, #tpu.memory_space<vmem>>, vector<16xi32>,
    %swap3A_181 = vector.shape_cast %swap3A_180 : vector<16xi32> to vector<16xi32>
    %swap3A_182 = vector.shape_cast %shift_right_logical3A_178 : vector<16xi32> to vector<16xi32>
    tpu.vector_store %arg8[%swap3A_179], %swap3A_182 {strides = array<i32>} : memref<128xi32, #tpu.memory_space<vmem>>, vector<16xi32>,
    %get3A_183 = arith.constant 0 : i32
    %get3A_184 = arith.index_cast %get3A_183 : i32 to index
    %get3A_185 = arith.constant 96 : index
    %get3A_186 = tpu.vector_load %arg6[%get3A_184, %get3A_185] {strides = array<i32>} : memref<80x128xi32, #tpu.memory_space<vmem>>, vector<1x16xi32>,
    %get3A_187 = vector.shape_cast %get3A_186 : vector<1x16xi32> to vector<16xi32>
    %shift_right_logical3A_188 = arith.constant 16 : i32
    %shift_right_logical3A_189 = vector.broadcast %shift_right_logical3A_188 : i32 to vector<16xi32>
    %shift_right_logical3A_190 = arith.shrui %get3A_187, %shift_right_logical3A_189 : vector<16xi32>
    %swap3A_191 = arith.constant 96 : index
    %swap3A_192 = tpu.vector_load %arg8[%swap3A_191] {strides = array<i32>} : memref<128xi32, #tpu.memory_space<vmem>>, vector<16xi32>,
    %swap3A_193 = vector.shape_cast %swap3A_192 : vector<16xi32> to vector<16xi32>
    %swap3A_194 = vector.shape_cast %shift_right_logical3A_190 : vector<16xi32> to vector<16xi32>
    tpu.vector_store %arg8[%swap3A_191], %swap3A_194 {strides = array<i32>} : memref<128xi32, #tpu.memory_space<vmem>>, vector<16xi32>,
    %get3A_195 = arith.constant 0 : i32
    %get3A_196 = arith.index_cast %get3A_195 : i32 to index
    %get3A_197 = arith.constant 112 : index
    %get3A_198 = tpu.vector_load %arg6[%get3A_196, %get3A_197] {strides = array<i32>} : memref<80x128xi32, #tpu.memory_space<vmem>>, vector<1x16xi32>,
    %get3A_199 = vector.shape_cast %get3A_198 : vector<1x16xi32> to vector<16xi32>
    %shift_right_logical3A_200 = arith.constant 16 : i32
    %shift_right_logical3A_201 = vector.broadcast %shift_right_logical3A_200 : i32 to vector<16xi32>
    %shift_right_logical3A_202 = arith.shrui %get3A_199, %shift_right_logical3A_201 : vector<16xi32>
    %swap3A_203 = arith.constant 112 : index
    %swap3A_204 = tpu.vector_load %arg8[%swap3A_203] {strides = array<i32>} : memref<128xi32, #tpu.memory_space<vmem>>, vector<16xi32>,
    %swap3A_205 = vector.shape_cast %swap3A_204 : vector<16xi32> to vector<16xi32>
    %swap3A_206 = vector.shape_cast %shift_right_logical3A_202 : vector<16xi32> to vector<16xi32>
    tpu.vector_store %arg8[%swap3A_203], %swap3A_206 {strides = array<i32>} : memref<128xi32, #tpu.memory_space<vmem>>, vector<16xi32>,
    %dma_start3A_207 = arith.constant 0 : i32
    %dma_start3A_208 = arith.constant 0 : i32
    %dma_start3A_209 = tpu.memref_slice %arg2[%dma_start3A_207, %dma_start3A_208] : memref<10000x128xf32, #tpu.memory_space<hbm>> -> memref<10000x128xf32, #tpu.memory_space<hbm>>
    tpu.enqueue_indirect_dma source(%dma_start3A_209 : memref<10000x128xf32, #tpu.memory_space<hbm>>) target(%arg11 : memref<128x128xf32, #tpu.memory_space<vmem>>) offsets(%arg7 : memref<128xi32, #tpu.memory_space<vmem>>) semaphore(%arg14 : memref<!tpu.dma_semaphore, #tpu.memory_space<semaphore_mem>>)
    %scan3A = arith.constant 0 : i32
    %scan3A_210 = arith.constant 0 : i32
    %scan3A_211 = arith.constant 40 : i32
    %scan3A_212 = arith.addi %scan3A_210, %scan3A_211 : i32
    %scan3A_213 = arith.constant 1 : i32
    scf.for %scan3A_220 = %scan3A_210 to %scan3A_212 step %scan3A_213  : i32 {
      %mul3A_221 = arith.constant 2 : i32
      %mul3A_222 = arith.muli %mul3A_221, %scan3A_220 : i32
      %mul3A_223 = arith.constant 2 : i32
      %mul3A_224 = arith.muli %mul3A_223, %scan3A_220 : i32
      %add3A = arith.constant 1 : i32
      %add3A_225 = arith.addi %mul3A_224, %add3A : i32
      %get3A_226 = arith.index_cast %add3A_225 : i32 to index
      %get3A_227 = arith.constant 0 : index
      %get3A_228 = tpu.vector_load %arg6[%get3A_226, %get3A_227] {strides = array<i32>} : memref<80x128xi32, #tpu.memory_space<vmem>>, vector<1x16xi32>,
      %get3A_229 = vector.shape_cast %get3A_228 : vector<1x16xi32> to vector<16xi32>
      %and3A_230 = arith.constant 65535 : i32
      %and3A_231 = vector.broadcast %and3A_230 : i32 to vector<16xi32>
      %and3A_232 = arith.andi %get3A_229, %and3A_231 : vector<16xi32>
      %swap3A_233 = arith.constant 0 : index
      %swap3A_234 = tpu.vector_load %arg9[%swap3A_233] {strides = array<i32>} : memref<128xi32, #tpu.memory_space<vmem>>, vector<16xi32>,
      %swap3A_235 = vector.shape_cast %swap3A_234 : vector<16xi32> to vector<16xi32>
      %swap3A_236 = vector.shape_cast %and3A_232 : vector<16xi32> to vector<16xi32>
      tpu.vector_store %arg9[%swap3A_233], %swap3A_236 {strides = array<i32>} : memref<128xi32, #tpu.memory_space<vmem>>, vector<16xi32>,
      %get3A_237 = arith.index_cast %add3A_225 : i32 to index
      %get3A_238 = arith.constant 16 : index
      %get3A_239 = tpu.vector_load %arg6[%get3A_237, %get3A_238] {strides = array<i32>} : memref<80x128xi32, #tpu.memory_space<vmem>>, vector<1x16xi32>,
      %get3A_240 = vector.shape_cast %get3A_239 : vector<1x16xi32> to vector<16xi32>
      %and3A_241 = arith.constant 65535 : i32
      %and3A_242 = vector.broadcast %and3A_241 : i32 to vector<16xi32>
      %and3A_243 = arith.andi %get3A_240, %and3A_242 : vector<16xi32>
      %swap3A_244 = arith.constant 16 : index
      %swap3A_245 = tpu.vector_load %arg9[%swap3A_244] {strides = array<i32>} : memref<128xi32, #tpu.memory_space<vmem>>, vector<16xi32>,
      %swap3A_246 = vector.shape_cast %swap3A_245 : vector<16xi32> to vector<16xi32>
      %swap3A_247 = vector.shape_cast %and3A_243 : vector<16xi32> to vector<16xi32>
      tpu.vector_store %arg9[%swap3A_244], %swap3A_247 {strides = array<i32>} : memref<128xi32, #tpu.memory_space<vmem>>, vector<16xi32>,
      %get3A_248 = arith.index_cast %add3A_225 : i32 to index
      %get3A_249 = arith.constant 32 : index
      %get3A_250 = tpu.vector_load %arg6[%get3A_248, %get3A_249] {strides = array<i32>} : memref<80x128xi32, #tpu.memory_space<vmem>>, vector<1x16xi32>,
      %get3A_251 = vector.shape_cast %get3A_250 : vector<1x16xi32> to vector<16xi32>
      %and3A_252 = arith.constant 65535 : i32
      %and3A_253 = vector.broadcast %and3A_252 : i32 to vector<16xi32>
      %and3A_254 = arith.andi %get3A_251, %and3A_253 : vector<16xi32>
      %swap3A_255 = arith.constant 32 : index
      %swap3A_256 = tpu.vector_load %arg9[%swap3A_255] {strides = array<i32>} : memref<128xi32, #tpu.memory_space<vmem>>, vector<16xi32>,
      %swap3A_257 = vector.shape_cast %swap3A_256 : vector<16xi32> to vector<16xi32>
      %swap3A_258 = vector.shape_cast %and3A_254 : vector<16xi32> to vector<16xi32>
      tpu.vector_store %arg9[%swap3A_255], %swap3A_258 {strides = array<i32>} : memref<128xi32, #tpu.memory_space<vmem>>, vector<16xi32>,
      %get3A_259 = arith.index_cast %add3A_225 : i32 to index
      %get3A_260 = arith.constant 48 : index
      %get3A_261 = tpu.vector_load %arg6[%get3A_259, %get3A_260] {strides = array<i32>} : memref<80x128xi32, #tpu.memory_space<vmem>>, vector<1x16xi32>,
      %get3A_262 = vector.shape_cast %get3A_261 : vector<1x16xi32> to vector<16xi32>
      %and3A_263 = arith.constant 65535 : i32
      %and3A_264 = vector.broadcast %and3A_263 : i32 to vector<16xi32>
      %and3A_265 = arith.andi %get3A_262, %and3A_264 : vector<16xi32>
      %swap3A_266 = arith.constant 48 : index
      %swap3A_267 = tpu.vector_load %arg9[%swap3A_266] {strides = array<i32>} : memref<128xi32, #tpu.memory_space<vmem>>, vector<16xi32>,
      %swap3A_268 = vector.shape_cast %swap3A_267 : vector<16xi32> to vector<16xi32>
      %swap3A_269 = vector.shape_cast %and3A_265 : vector<16xi32> to vector<16xi32>
      tpu.vector_store %arg9[%swap3A_266], %swap3A_269 {strides = array<i32>} : memref<128xi32, #tpu.memory_space<vmem>>, vector<16xi32>,
      %get3A_270 = arith.index_cast %add3A_225 : i32 to index
      %get3A_271 = arith.constant 64 : index
      %get3A_272 = tpu.vector_load %arg6[%get3A_270, %get3A_271] {strides = array<i32>} : memref<80x128xi32, #tpu.memory_space<vmem>>, vector<1x16xi32>,
      %get3A_273 = vector.shape_cast %get3A_272 : vector<1x16xi32> to vector<16xi32>
      %and3A_274 = arith.constant 65535 : i32
      %and3A_275 = vector.broadcast %and3A_274 : i32 to vector<16xi32>
      %and3A_276 = arith.andi %get3A_273, %and3A_275 : vector<16xi32>
      %swap3A_277 = arith.constant 64 : index
      %swap3A_278 = tpu.vector_load %arg9[%swap3A_277] {strides = array<i32>} : memref<128xi32, #tpu.memory_space<vmem>>, vector<16xi32>,
      %swap3A_279 = vector.shape_cast %swap3A_278 : vector<16xi32> to vector<16xi32>
      %swap3A_280 = vector.shape_cast %and3A_276 : vector<16xi32> to vector<16xi32>
      tpu.vector_store %arg9[%swap3A_277], %swap3A_280 {strides = array<i32>} : memref<128xi32, #tpu.memory_space<vmem>>, vector<16xi32>,
      %get3A_281 = arith.index_cast %add3A_225 : i32 to index
      %get3A_282 = arith.constant 80 : index
      %get3A_283 = tpu.vector_load %arg6[%get3A_281, %get3A_282] {strides = array<i32>} : memref<80x128xi32, #tpu.memory_space<vmem>>, vector<1x16xi32>,
      %get3A_284 = vector.shape_cast %get3A_283 : vector<1x16xi32> to vector<16xi32>
      %and3A_285 = arith.constant 65535 : i32
      %and3A_286 = vector.broadcast %and3A_285 : i32 to vector<16xi32>
      %and3A_287 = arith.andi %get3A_284, %and3A_286 : vector<16xi32>
      %swap3A_288 = arith.constant 80 : index
      %swap3A_289 = tpu.vector_load %arg9[%swap3A_288] {strides = array<i32>} : memref<128xi32, #tpu.memory_space<vmem>>, vector<16xi32>,
      %swap3A_290 = vector.shape_cast %swap3A_289 : vector<16xi32> to vector<16xi32>
      %swap3A_291 = vector.shape_cast %and3A_287 : vector<16xi32> to vector<16xi32>
      tpu.vector_store %arg9[%swap3A_288], %swap3A_291 {strides = array<i32>} : memref<128xi32, #tpu.memory_space<vmem>>, vector<16xi32>,
      %get3A_292 = arith.index_cast %add3A_225 : i32 to index
      %get3A_293 = arith.constant 96 : index
      %get3A_294 = tpu.vector_load %arg6[%get3A_292, %get3A_293] {strides = array<i32>} : memref<80x128xi32, #tpu.memory_space<vmem>>, vector<1x16xi32>,
      %get3A_295 = vector.shape_cast %get3A_294 : vector<1x16xi32> to vector<16xi32>
      %and3A_296 = arith.constant 65535 : i32
      %and3A_297 = vector.broadcast %and3A_296 : i32 to vector<16xi32>
      %and3A_298 = arith.andi %get3A_295, %and3A_297 : vector<16xi32>
      %swap3A_299 = arith.constant 96 : index
      %swap3A_300 = tpu.vector_load %arg9[%swap3A_299] {strides = array<i32>} : memref<128xi32, #tpu.memory_space<vmem>>, vector<16xi32>,
      %swap3A_301 = vector.shape_cast %swap3A_300 : vector<16xi32> to vector<16xi32>
      %swap3A_302 = vector.shape_cast %and3A_298 : vector<16xi32> to vector<16xi32>
      tpu.vector_store %arg9[%swap3A_299], %swap3A_302 {strides = array<i32>} : memref<128xi32, #tpu.memory_space<vmem>>, vector<16xi32>,
      %get3A_303 = arith.index_cast %add3A_225 : i32 to index
      %get3A_304 = arith.constant 112 : index
      %get3A_305 = tpu.vector_load %arg6[%get3A_303, %get3A_304] {strides = array<i32>} : memref<80x128xi32, #tpu.memory_space<vmem>>, vector<1x16xi32>,
      %get3A_306 = vector.shape_cast %get3A_305 : vector<1x16xi32> to vector<16xi32>
      %and3A_307 = arith.constant 65535 : i32
      %and3A_308 = vector.broadcast %and3A_307 : i32 to vector<16xi32>
      %and3A_309 = arith.andi %get3A_306, %and3A_308 : vector<16xi32>
      %swap3A_310 = arith.constant 112 : index
      %swap3A_311 = tpu.vector_load %arg9[%swap3A_310] {strides = array<i32>} : memref<128xi32, #tpu.memory_space<vmem>>, vector<16xi32>,
      %swap3A_312 = vector.shape_cast %swap3A_311 : vector<16xi32> to vector<16xi32>
      %swap3A_313 = vector.shape_cast %and3A_309 : vector<16xi32> to vector<16xi32>
      tpu.vector_store %arg9[%swap3A_310], %swap3A_313 {strides = array<i32>} : memref<128xi32, #tpu.memory_space<vmem>>, vector<16xi32>,
      %get3A_314 = arith.index_cast %add3A_225 : i32 to index
      %get3A_315 = arith.constant 0 : index
      %get3A_316 = tpu.vector_load %arg6[%get3A_314, %get3A_315] {strides = array<i32>} : memref<80x128xi32, #tpu.memory_space<vmem>>, vector<1x16xi32>,
      %get3A_317 = vector.shape_cast %get3A_316 : vector<1x16xi32> to vector<16xi32>
      %shift_right_logical3A_318 = arith.constant 16 : i32
      %shift_right_logical3A_319 = vector.broadcast %shift_right_logical3A_318 : i32 to vector<16xi32>
      %shift_right_logical3A_320 = arith.shrui %get3A_317, %shift_right_logical3A_319 : vector<16xi32>
      %swap3A_321 = arith.constant 0 : index
      %swap3A_322 = tpu.vector_load %arg10[%swap3A_321] {strides = array<i32>} : memref<128xi32, #tpu.memory_space<vmem>>, vector<16xi32>,
      %swap3A_323 = vector.shape_cast %swap3A_322 : vector<16xi32> to vector<16xi32>
      %swap3A_324 = vector.shape_cast %shift_right_logical3A_320 : vector<16xi32> to vector<16xi32>
      tpu.vector_store %arg10[%swap3A_321], %swap3A_324 {strides = array<i32>} : memref<128xi32, #tpu.memory_space<vmem>>, vector<16xi32>,
      %get3A_325 = arith.index_cast %add3A_225 : i32 to index
      %get3A_326 = arith.constant 16 : index
      %get3A_327 = tpu.vector_load %arg6[%get3A_325, %get3A_326] {strides = array<i32>} : memref<80x128xi32, #tpu.memory_space<vmem>>, vector<1x16xi32>,
      %get3A_328 = vector.shape_cast %get3A_327 : vector<1x16xi32> to vector<16xi32>
      %shift_right_logical3A_329 = arith.constant 16 : i32
      %shift_right_logical3A_330 = vector.broadcast %shift_right_logical3A_329 : i32 to vector<16xi32>
      %shift_right_logical3A_331 = arith.shrui %get3A_328, %shift_right_logical3A_330 : vector<16xi32>
      %swap3A_332 = arith.constant 16 : index
      %swap3A_333 = tpu.vector_load %arg10[%swap3A_332] {strides = array<i32>} : memref<128xi32, #tpu.memory_space<vmem>>, vector<16xi32>,
      %swap3A_334 = vector.shape_cast %swap3A_333 : vector<16xi32> to vector<16xi32>
      %swap3A_335 = vector.shape_cast %shift_right_logical3A_331 : vector<16xi32> to vector<16xi32>
      tpu.vector_store %arg10[%swap3A_332], %swap3A_335 {strides = array<i32>} : memref<128xi32, #tpu.memory_space<vmem>>, vector<16xi32>,
      %get3A_336 = arith.index_cast %add3A_225 : i32 to index
      %get3A_337 = arith.constant 32 : index
      %get3A_338 = tpu.vector_load %arg6[%get3A_336, %get3A_337] {strides = array<i32>} : memref<80x128xi32, #tpu.memory_space<vmem>>, vector<1x16xi32>,
      %get3A_339 = vector.shape_cast %get3A_338 : vector<1x16xi32> to vector<16xi32>
      %shift_right_logical3A_340 = arith.constant 16 : i32
      %shift_right_logical3A_341 = vector.broadcast %shift_right_logical3A_340 : i32 to vector<16xi32>
      %shift_right_logical3A_342 = arith.shrui %get3A_339, %shift_right_logical3A_341 : vector<16xi32>
      %swap3A_343 = arith.constant 32 : index
      %swap3A_344 = tpu.vector_load %arg10[%swap3A_343] {strides = array<i32>} : memref<128xi32, #tpu.memory_space<vmem>>, vector<16xi32>,
      %swap3A_345 = vector.shape_cast %swap3A_344 : vector<16xi32> to vector<16xi32>
      %swap3A_346 = vector.shape_cast %shift_right_logical3A_342 : vector<16xi32> to vector<16xi32>
      tpu.vector_store %arg10[%swap3A_343], %swap3A_346 {strides = array<i32>} : memref<128xi32, #tpu.memory_space<vmem>>, vector<16xi32>,
      %get3A_347 = arith.index_cast %add3A_225 : i32 to index
      %get3A_348 = arith.constant 48 : index
      %get3A_349 = tpu.vector_load %arg6[%get3A_347, %get3A_348] {strides = array<i32>} : memref<80x128xi32, #tpu.memory_space<vmem>>, vector<1x16xi32>,
      %get3A_350 = vector.shape_cast %get3A_349 : vector<1x16xi32> to vector<16xi32>
      %shift_right_logical3A_351 = arith.constant 16 : i32
      %shift_right_logical3A_352 = vector.broadcast %shift_right_logical3A_351 : i32 to vector<16xi32>
      %shift_right_logical3A_353 = arith.shrui %get3A_350, %shift_right_logical3A_352 : vector<16xi32>
      %swap3A_354 = arith.constant 48 : index
      %swap3A_355 = tpu.vector_load %arg10[%swap3A_354] {strides = array<i32>} : memref<128xi32, #tpu.memory_space<vmem>>, vector<16xi32>,
      %swap3A_356 = vector.shape_cast %swap3A_355 : vector<16xi32> to vector<16xi32>
      %swap3A_357 = vector.shape_cast %shift_right_logical3A_353 : vector<16xi32> to vector<16xi32>
      tpu.vector_store %arg10[%swap3A_354], %swap3A_357 {strides = array<i32>} : memref<128xi32, #tpu.memory_space<vmem>>, vector<16xi32>,
      %get3A_358 = arith.index_cast %add3A_225 : i32 to index
      %get3A_359 = arith.constant 64 : index
      %get3A_360 = tpu.vector_load %arg6[%get3A_358, %get3A_359] {strides = array<i32>} : memref<80x128xi32, #tpu.memory_space<vmem>>, vector<1x16xi32>,
      %get3A_361 = vector.shape_cast %get3A_360 : vector<1x16xi32> to vector<16xi32>
      %shift_right_logical3A_362 = arith.constant 16 : i32
      %shift_right_logical3A_363 = vector.broadcast %shift_right_logical3A_362 : i32 to vector<16xi32>
      %shift_right_logical3A_364 = arith.shrui %get3A_361, %shift_right_logical3A_363 : vector<16xi32>
      %swap3A_365 = arith.constant 64 : index
      %swap3A_366 = tpu.vector_load %arg10[%swap3A_365] {strides = array<i32>} : memref<128xi32, #tpu.memory_space<vmem>>, vector<16xi32>,
      %swap3A_367 = vector.shape_cast %swap3A_366 : vector<16xi32> to vector<16xi32>
      %swap3A_368 = vector.shape_cast %shift_right_logical3A_364 : vector<16xi32> to vector<16xi32>
      tpu.vector_store %arg10[%swap3A_365], %swap3A_368 {strides = array<i32>} : memref<128xi32, #tpu.memory_space<vmem>>, vector<16xi32>,
      %get3A_369 = arith.index_cast %add3A_225 : i32 to index
      %get3A_370 = arith.constant 80 : index
      %get3A_371 = tpu.vector_load %arg6[%get3A_369, %get3A_370] {strides = array<i32>} : memref<80x128xi32, #tpu.memory_space<vmem>>, vector<1x16xi32>,
      %get3A_372 = vector.shape_cast %get3A_371 : vector<1x16xi32> to vector<16xi32>
      %shift_right_logical3A_373 = arith.constant 16 : i32
      %shift_right_logical3A_374 = vector.broadcast %shift_right_logical3A_373 : i32 to vector<16xi32>
      %shift_right_logical3A_375 = arith.shrui %get3A_372, %shift_right_logical3A_374 : vector<16xi32>
      %swap3A_376 = arith.constant 80 : index
      %swap3A_377 = tpu.vector_load %arg10[%swap3A_376] {strides = array<i32>} : memref<128xi32, #tpu.memory_space<vmem>>, vector<16xi32>,
      %swap3A_378 = vector.shape_cast %swap3A_377 : vector<16xi32> to vector<16xi32>
      %swap3A_379 = vector.shape_cast %shift_right_logical3A_375 : vector<16xi32> to vector<16xi32>
      tpu.vector_store %arg10[%swap3A_376], %swap3A_379 {strides = array<i32>} : memref<128xi32, #tpu.memory_space<vmem>>, vector<16xi32>,
      %get3A_380 = arith.index_cast %add3A_225 : i32 to index
      %get3A_381 = arith.constant 96 : index
      %get3A_382 = tpu.vector_load %arg6[%get3A_380, %get3A_381] {strides = array<i32>} : memref<80x128xi32, #tpu.memory_space<vmem>>, vector<1x16xi32>,
      %get3A_383 = vector.shape_cast %get3A_382 : vector<1x16xi32> to vector<16xi32>
      %shift_right_logical3A_384 = arith.constant 16 : i32
      %shift_right_logical3A_385 = vector.broadcast %shift_right_logical3A_384 : i32 to vector<16xi32>
      %shift_right_logical3A_386 = arith.shrui %get3A_383, %shift_right_logical3A_385 : vector<16xi32>
      %swap3A_387 = arith.constant 96 : index
      %swap3A_388 = tpu.vector_load %arg10[%swap3A_387] {strides = array<i32>} : memref<128xi32, #tpu.memory_space<vmem>>, vector<16xi32>,
      %swap3A_389 = vector.shape_cast %swap3A_388 : vector<16xi32> to vector<16xi32>
      %swap3A_390 = vector.shape_cast %shift_right_logical3A_386 : vector<16xi32> to vector<16xi32>
      tpu.vector_store %arg10[%swap3A_387], %swap3A_390 {strides = array<i32>} : memref<128xi32, #tpu.memory_space<vmem>>, vector<16xi32>,
      %get3A_391 = arith.index_cast %add3A_225 : i32 to index
      %get3A_392 = arith.constant 112 : index
      %get3A_393 = tpu.vector_load %arg6[%get3A_391, %get3A_392] {strides = array<i32>} : memref<80x128xi32, #tpu.memory_space<vmem>>, vector<1x16xi32>,
      %get3A_394 = vector.shape_cast %get3A_393 : vector<1x16xi32> to vector<16xi32>
      %shift_right_logical3A_395 = arith.constant 16 : i32
      %shift_right_logical3A_396 = vector.broadcast %shift_right_logical3A_395 : i32 to vector<16xi32>
      %shift_right_logical3A_397 = arith.shrui %get3A_394, %shift_right_logical3A_396 : vector<16xi32>
      %swap3A_398 = arith.constant 112 : index
      %swap3A_399 = tpu.vector_load %arg10[%swap3A_398] {strides = array<i32>} : memref<128xi32, #tpu.memory_space<vmem>>, vector<16xi32>,
      %swap3A_400 = vector.shape_cast %swap3A_399 : vector<16xi32> to vector<16xi32>
      %swap3A_401 = vector.shape_cast %shift_right_logical3A_397 : vector<16xi32> to vector<16xi32>
      tpu.vector_store %arg10[%swap3A_398], %swap3A_401 {strides = array<i32>} : memref<128xi32, #tpu.memory_space<vmem>>, vector<16xi32>,
      %dma_start3A_402 = arith.constant 0 : i32
      %dma_start3A_403 = arith.constant 0 : i32
      %dma_start3A_404 = tpu.memref_slice %arg2[%dma_start3A_402, %dma_start3A_403] : memref<10000x128xf32, #tpu.memory_space<hbm>> -> memref<10000x128xf32, #tpu.memory_space<hbm>>
      tpu.enqueue_indirect_dma source(%dma_start3A_404 : memref<10000x128xf32, #tpu.memory_space<hbm>>) target(%arg12 : memref<128x128xf32, #tpu.memory_space<vmem>>) offsets(%arg9 : memref<128xi32, #tpu.memory_space<vmem>>) semaphore(%arg15 : memref<!tpu.dma_semaphore, #tpu.memory_space<semaphore_mem>>)
      %dma_wait3A_405 = arith.constant 0 : i32
      %dma_wait3A_406 = arith.constant 0 : i32
      %dma_wait3A_407 = tpu.memref_slice %arg2[%dma_wait3A_405, %dma_wait3A_406] : memref<10000x128xf32, #tpu.memory_space<hbm>> -> memref<10000x128xf32, #tpu.memory_space<hbm>>
      tpu.wait_indirect_dma semaphore(%arg14 : memref<!tpu.dma_semaphore, #tpu.memory_space<semaphore_mem>>) src(%dma_wait3A_407 : memref<10000x128xf32, #tpu.memory_space<hbm>>) dst(%arg11 : memref<128x128xf32, #tpu.memory_space<vmem>>)
      "tpu.region"() ({
        %run_scoped3A = tpu.sem_alloc : memref<!tpu.dma_semaphore, #tpu.memory_space<semaphore_mem>>
        %dma_start3A_413 = arith.constant 0 : i32
        %dma_start3A_414 = arith.constant 0 : i32
        %dma_start3A_415 = tpu.memref_slice %arg13[%dma_start3A_413, %dma_start3A_414] : memref<10240x128xf32, #tpu.memory_space<vmem_shared>> -> memref<10240x128xf32, #tpu.memory_space<vmem_shared>>
        tpu.enqueue_indirect_dma source(%arg11 : memref<128x128xf32, #tpu.memory_space<vmem>>) target(%dma_start3A_415 : memref<10240x128xf32, #tpu.memory_space<vmem_shared>>) offsets(%arg8 : memref<128xi32, #tpu.memory_space<vmem>>) semaphore(%run_scoped3A : memref<!tpu.dma_semaphore, #tpu.memory_space<semaphore_mem>>) {add = true}
        %dma_wait3A_416 = arith.constant 0 : i32
        %dma_wait3A_417 = arith.constant 0 : i32
        %dma_wait3A_418 = tpu.memref_slice %arg13[%dma_wait3A_416, %dma_wait3A_417] : memref<10240x128xf32, #tpu.memory_space<vmem_shared>> -> memref<10240x128xf32, #tpu.memory_space<vmem_shared>>
        tpu.wait_indirect_dma semaphore(%run_scoped3A : memref<!tpu.dma_semaphore, #tpu.memory_space<semaphore_mem>>) src(%arg11 : memref<128x128xf32, #tpu.memory_space<vmem>>) dst(%dma_wait3A_418 : memref<10240x128xf32, #tpu.memory_space<vmem_shared>>)
        tpu.yield
      }) : () -> ()
      %lt3A = arith.constant 39 : i32
      %lt3A_408 = arith.cmpi slt, %scan3A_220, %lt3A : i32
      %convert_element_type3A = arith.extui %lt3A_408 : i1 to i32
      %cond3A = arith.constant 0 : i32
      %cond3A_409 = arith.cmpi ne, %convert_element_type3A, %cond3A : i32
      scf.if %cond3A_409 {
        %add3A_413 = arith.constant 2 : i32
        %add3A_414 = arith.addi %mul3A_222, %add3A_413 : i32
        %get3A_415 = arith.index_cast %add3A_414 : i32 to index
        %get3A_416 = arith.constant 0 : index
        %get3A_417 = tpu.vector_load %arg6[%get3A_415, %get3A_416] {strides = array<i32>} : memref<80x128xi32, #tpu.memory_space<vmem>>, vector<1x16xi32>,
        %get3A_418 = vector.shape_cast %get3A_417 : vector<1x16xi32> to vector<16xi32>
        %and3A_419 = arith.constant 65535 : i32
        %and3A_420 = vector.broadcast %and3A_419 : i32 to vector<16xi32>
        %and3A_421 = arith.andi %get3A_418, %and3A_420 : vector<16xi32>
        %swap3A_422 = arith.constant 0 : index
        %swap3A_423 = tpu.vector_load %arg7[%swap3A_422] {strides = array<i32>} : memref<128xi32, #tpu.memory_space<vmem>>, vector<16xi32>,
        %swap3A_424 = vector.shape_cast %swap3A_423 : vector<16xi32> to vector<16xi32>
        %swap3A_425 = vector.shape_cast %and3A_421 : vector<16xi32> to vector<16xi32>
        tpu.vector_store %arg7[%swap3A_422], %swap3A_425 {strides = array<i32>} : memref<128xi32, #tpu.memory_space<vmem>>, vector<16xi32>,
        %get3A_426 = arith.index_cast %add3A_414 : i32 to index
        %get3A_427 = arith.constant 16 : index
        %get3A_428 = tpu.vector_load %arg6[%get3A_426, %get3A_427] {strides = array<i32>} : memref<80x128xi32, #tpu.memory_space<vmem>>, vector<1x16xi32>,
        %get3A_429 = vector.shape_cast %get3A_428 : vector<1x16xi32> to vector<16xi32>
        %and3A_430 = arith.constant 65535 : i32
        %and3A_431 = vector.broadcast %and3A_430 : i32 to vector<16xi32>
        %and3A_432 = arith.andi %get3A_429, %and3A_431 : vector<16xi32>
        %swap3A_433 = arith.constant 16 : index
        %swap3A_434 = tpu.vector_load %arg7[%swap3A_433] {strides = array<i32>} : memref<128xi32, #tpu.memory_space<vmem>>, vector<16xi32>,
        %swap3A_435 = vector.shape_cast %swap3A_434 : vector<16xi32> to vector<16xi32>
        %swap3A_436 = vector.shape_cast %and3A_432 : vector<16xi32> to vector<16xi32>
        tpu.vector_store %arg7[%swap3A_433], %swap3A_436 {strides = array<i32>} : memref<128xi32, #tpu.memory_space<vmem>>, vector<16xi32>,
        %get3A_437 = arith.index_cast %add3A_414 : i32 to index
        %get3A_438 = arith.constant 32 : index
        %get3A_439 = tpu.vector_load %arg6[%get3A_437, %get3A_438] {strides = array<i32>} : memref<80x128xi32, #tpu.memory_space<vmem>>, vector<1x16xi32>,
        %get3A_440 = vector.shape_cast %get3A_439 : vector<1x16xi32> to vector<16xi32>
        %and3A_441 = arith.constant 65535 : i32
        %and3A_442 = vector.broadcast %and3A_441 : i32 to vector<16xi32>
        %and3A_443 = arith.andi %get3A_440, %and3A_442 : vector<16xi32>
        %swap3A_444 = arith.constant 32 : index
        %swap3A_445 = tpu.vector_load %arg7[%swap3A_444] {strides = array<i32>} : memref<128xi32, #tpu.memory_space<vmem>>, vector<16xi32>,
        %swap3A_446 = vector.shape_cast %swap3A_445 : vector<16xi32> to vector<16xi32>
        %swap3A_447 = vector.shape_cast %and3A_443 : vector<16xi32> to vector<16xi32>
        tpu.vector_store %arg7[%swap3A_444], %swap3A_447 {strides = array<i32>} : memref<128xi32, #tpu.memory_space<vmem>>, vector<16xi32>,
        %get3A_448 = arith.index_cast %add3A_414 : i32 to index
        %get3A_449 = arith.constant 48 : index
        %get3A_450 = tpu.vector_load %arg6[%get3A_448, %get3A_449] {strides = array<i32>} : memref<80x128xi32, #tpu.memory_space<vmem>>, vector<1x16xi32>,
        %get3A_451 = vector.shape_cast %get3A_450 : vector<1x16xi32> to vector<16xi32>
        %and3A_452 = arith.constant 65535 : i32
        %and3A_453 = vector.broadcast %and3A_452 : i32 to vector<16xi32>
        %and3A_454 = arith.andi %get3A_451, %and3A_453 : vector<16xi32>
        %swap3A_455 = arith.constant 48 : index
        %swap3A_456 = tpu.vector_load %arg7[%swap3A_455] {strides = array<i32>} : memref<128xi32, #tpu.memory_space<vmem>>, vector<16xi32>,
        %swap3A_457 = vector.shape_cast %swap3A_456 : vector<16xi32> to vector<16xi32>
        %swap3A_458 = vector.shape_cast %and3A_454 : vector<16xi32> to vector<16xi32>
        tpu.vector_store %arg7[%swap3A_455], %swap3A_458 {strides = array<i32>} : memref<128xi32, #tpu.memory_space<vmem>>, vector<16xi32>,
        %get3A_459 = arith.index_cast %add3A_414 : i32 to index
        %get3A_460 = arith.constant 64 : index
        %get3A_461 = tpu.vector_load %arg6[%get3A_459, %get3A_460] {strides = array<i32>} : memref<80x128xi32, #tpu.memory_space<vmem>>, vector<1x16xi32>,
        %get3A_462 = vector.shape_cast %get3A_461 : vector<1x16xi32> to vector<16xi32>
        %and3A_463 = arith.constant 65535 : i32
        %and3A_464 = vector.broadcast %and3A_463 : i32 to vector<16xi32>
        %and3A_465 = arith.andi %get3A_462, %and3A_464 : vector<16xi32>
        %swap3A_466 = arith.constant 64 : index
        %swap3A_467 = tpu.vector_load %arg7[%swap3A_466] {strides = array<i32>} : memref<128xi32, #tpu.memory_space<vmem>>, vector<16xi32>,
        %swap3A_468 = vector.shape_cast %swap3A_467 : vector<16xi32> to vector<16xi32>
        %swap3A_469 = vector.shape_cast %and3A_465 : vector<16xi32> to vector<16xi32>
        tpu.vector_store %arg7[%swap3A_466], %swap3A_469 {strides = array<i32>} : memref<128xi32, #tpu.memory_space<vmem>>, vector<16xi32>,
        %get3A_470 = arith.index_cast %add3A_414 : i32 to index
        %get3A_471 = arith.constant 80 : index
        %get3A_472 = tpu.vector_load %arg6[%get3A_470, %get3A_471] {strides = array<i32>} : memref<80x128xi32, #tpu.memory_space<vmem>>, vector<1x16xi32>,
        %get3A_473 = vector.shape_cast %get3A_472 : vector<1x16xi32> to vector<16xi32>
        %and3A_474 = arith.constant 65535 : i32
        %and3A_475 = vector.broadcast %and3A_474 : i32 to vector<16xi32>
        %and3A_476 = arith.andi %get3A_473, %and3A_475 : vector<16xi32>
        %swap3A_477 = arith.constant 80 : index
        %swap3A_478 = tpu.vector_load %arg7[%swap3A_477] {strides = array<i32>} : memref<128xi32, #tpu.memory_space<vmem>>, vector<16xi32>,
        %swap3A_479 = vector.shape_cast %swap3A_478 : vector<16xi32> to vector<16xi32>
        %swap3A_480 = vector.shape_cast %and3A_476 : vector<16xi32> to vector<16xi32>
        tpu.vector_store %arg7[%swap3A_477], %swap3A_480 {strides = array<i32>} : memref<128xi32, #tpu.memory_space<vmem>>, vector<16xi32>,
        %get3A_481 = arith.index_cast %add3A_414 : i32 to index
        %get3A_482 = arith.constant 96 : index
        %get3A_483 = tpu.vector_load %arg6[%get3A_481, %get3A_482] {strides = array<i32>} : memref<80x128xi32, #tpu.memory_space<vmem>>, vector<1x16xi32>,
        %get3A_484 = vector.shape_cast %get3A_483 : vector<1x16xi32> to vector<16xi32>
        %and3A_485 = arith.constant 65535 : i32
        %and3A_486 = vector.broadcast %and3A_485 : i32 to vector<16xi32>
        %and3A_487 = arith.andi %get3A_484, %and3A_486 : vector<16xi32>
        %swap3A_488 = arith.constant 96 : index
        %swap3A_489 = tpu.vector_load %arg7[%swap3A_488] {strides = array<i32>} : memref<128xi32, #tpu.memory_space<vmem>>, vector<16xi32>,
        %swap3A_490 = vector.shape_cast %swap3A_489 : vector<16xi32> to vector<16xi32>
        %swap3A_491 = vector.shape_cast %and3A_487 : vector<16xi32> to vector<16xi32>
        tpu.vector_store %arg7[%swap3A_488], %swap3A_491 {strides = array<i32>} : memref<128xi32, #tpu.memory_space<vmem>>, vector<16xi32>,
        %get3A_492 = arith.index_cast %add3A_414 : i32 to index
        %get3A_493 = arith.constant 112 : index
        %get3A_494 = tpu.vector_load %arg6[%get3A_492, %get3A_493] {strides = array<i32>} : memref<80x128xi32, #tpu.memory_space<vmem>>, vector<1x16xi32>,
        %get3A_495 = vector.shape_cast %get3A_494 : vector<1x16xi32> to vector<16xi32>
        %and3A_496 = arith.constant 65535 : i32
        %and3A_497 = vector.broadcast %and3A_496 : i32 to vector<16xi32>
        %and3A_498 = arith.andi %get3A_495, %and3A_497 : vector<16xi32>
        %swap3A_499 = arith.constant 112 : index
        %swap3A_500 = tpu.vector_load %arg7[%swap3A_499] {strides = array<i32>} : memref<128xi32, #tpu.memory_space<vmem>>, vector<16xi32>,
        %swap3A_501 = vector.shape_cast %swap3A_500 : vector<16xi32> to vector<16xi32>
        %swap3A_502 = vector.shape_cast %and3A_498 : vector<16xi32> to vector<16xi32>
        tpu.vector_store %arg7[%swap3A_499], %swap3A_502 {strides = array<i32>} : memref<128xi32, #tpu.memory_space<vmem>>, vector<16xi32>,
        %add3A_503 = arith.constant 2 : i32
        %add3A_504 = arith.addi %mul3A_222, %add3A_503 : i32
        %get3A_505 = arith.index_cast %add3A_504 : i32 to index
        %get3A_506 = arith.constant 0 : index
        %get3A_507 = tpu.vector_load %arg6[%get3A_505, %get3A_506] {strides = array<i32>} : memref<80x128xi32, #tpu.memory_space<vmem>>, vector<1x16xi32>,
        %get3A_508 = vector.shape_cast %get3A_507 : vector<1x16xi32> to vector<16xi32>
        %shift_right_logical3A_509 = arith.constant 16 : i32
        %shift_right_logical3A_510 = vector.broadcast %shift_right_logical3A_509 : i32 to vector<16xi32>
        %shift_right_logical3A_511 = arith.shrui %get3A_508, %shift_right_logical3A_510 : vector<16xi32>
        %swap3A_512 = arith.constant 0 : index
        %swap3A_513 = tpu.vector_load %arg8[%swap3A_512] {strides = array<i32>} : memref<128xi32, #tpu.memory_space<vmem>>, vector<16xi32>,
        %swap3A_514 = vector.shape_cast %swap3A_513 : vector<16xi32> to vector<16xi32>
        %swap3A_515 = vector.shape_cast %shift_right_logical3A_511 : vector<16xi32> to vector<16xi32>
        tpu.vector_store %arg8[%swap3A_512], %swap3A_515 {strides = array<i32>} : memref<128xi32, #tpu.memory_space<vmem>>, vector<16xi32>,
        %get3A_516 = arith.index_cast %add3A_504 : i32 to index
        %get3A_517 = arith.constant 16 : index
        %get3A_518 = tpu.vector_load %arg6[%get3A_516, %get3A_517] {strides = array<i32>} : memref<80x128xi32, #tpu.memory_space<vmem>>, vector<1x16xi32>,
        %get3A_519 = vector.shape_cast %get3A_518 : vector<1x16xi32> to vector<16xi32>
        %shift_right_logical3A_520 = arith.constant 16 : i32
        %shift_right_logical3A_521 = vector.broadcast %shift_right_logical3A_520 : i32 to vector<16xi32>
        %shift_right_logical3A_522 = arith.shrui %get3A_519, %shift_right_logical3A_521 : vector<16xi32>
        %swap3A_523 = arith.constant 16 : index
        %swap3A_524 = tpu.vector_load %arg8[%swap3A_523] {strides = array<i32>} : memref<128xi32, #tpu.memory_space<vmem>>, vector<16xi32>,
        %swap3A_525 = vector.shape_cast %swap3A_524 : vector<16xi32> to vector<16xi32>
        %swap3A_526 = vector.shape_cast %shift_right_logical3A_522 : vector<16xi32> to vector<16xi32>
        tpu.vector_store %arg8[%swap3A_523], %swap3A_526 {strides = array<i32>} : memref<128xi32, #tpu.memory_space<vmem>>, vector<16xi32>,
        %get3A_527 = arith.index_cast %add3A_504 : i32 to index
        %get3A_528 = arith.constant 32 : index
        %get3A_529 = tpu.vector_load %arg6[%get3A_527, %get3A_528] {strides = array<i32>} : memref<80x128xi32, #tpu.memory_space<vmem>>, vector<1x16xi32>,
        %get3A_530 = vector.shape_cast %get3A_529 : vector<1x16xi32> to vector<16xi32>
        %shift_right_logical3A_531 = arith.constant 16 : i32
        %shift_right_logical3A_532 = vector.broadcast %shift_right_logical3A_531 : i32 to vector<16xi32>
        %shift_right_logical3A_533 = arith.shrui %get3A_530, %shift_right_logical3A_532 : vector<16xi32>
        %swap3A_534 = arith.constant 32 : index
        %swap3A_535 = tpu.vector_load %arg8[%swap3A_534] {strides = array<i32>} : memref<128xi32, #tpu.memory_space<vmem>>, vector<16xi32>,
        %swap3A_536 = vector.shape_cast %swap3A_535 : vector<16xi32> to vector<16xi32>
        %swap3A_537 = vector.shape_cast %shift_right_logical3A_533 : vector<16xi32> to vector<16xi32>
        tpu.vector_store %arg8[%swap3A_534], %swap3A_537 {strides = array<i32>} : memref<128xi32, #tpu.memory_space<vmem>>, vector<16xi32>,
        %get3A_538 = arith.index_cast %add3A_504 : i32 to index
        %get3A_539 = arith.constant 48 : index
        %get3A_540 = tpu.vector_load %arg6[%get3A_538, %get3A_539] {strides = array<i32>} : memref<80x128xi32, #tpu.memory_space<vmem>>, vector<1x16xi32>,
        %get3A_541 = vector.shape_cast %get3A_540 : vector<1x16xi32> to vector<16xi32>
        %shift_right_logical3A_542 = arith.constant 16 : i32
        %shift_right_logical3A_543 = vector.broadcast %shift_right_logical3A_542 : i32 to vector<16xi32>
        %shift_right_logical3A_544 = arith.shrui %get3A_541, %shift_right_logical3A_543 : vector<16xi32>
        %swap3A_545 = arith.constant 48 : index
        %swap3A_546 = tpu.vector_load %arg8[%swap3A_545] {strides = array<i32>} : memref<128xi32, #tpu.memory_space<vmem>>, vector<16xi32>,
        %swap3A_547 = vector.shape_cast %swap3A_546 : vector<16xi32> to vector<16xi32>
        %swap3A_548 = vector.shape_cast %shift_right_logical3A_544 : vector<16xi32> to vector<16xi32>
        tpu.vector_store %arg8[%swap3A_545], %swap3A_548 {strides = array<i32>} : memref<128xi32, #tpu.memory_space<vmem>>, vector<16xi32>,
        %get3A_549 = arith.index_cast %add3A_504 : i32 to index
        %get3A_550 = arith.constant 64 : index
        %get3A_551 = tpu.vector_load %arg6[%get3A_549, %get3A_550] {strides = array<i32>} : memref<80x128xi32, #tpu.memory_space<vmem>>, vector<1x16xi32>,
        %get3A_552 = vector.shape_cast %get3A_551 : vector<1x16xi32> to vector<16xi32>
        %shift_right_logical3A_553 = arith.constant 16 : i32
        %shift_right_logical3A_554 = vector.broadcast %shift_right_logical3A_553 : i32 to vector<16xi32>
        %shift_right_logical3A_555 = arith.shrui %get3A_552, %shift_right_logical3A_554 : vector<16xi32>
        %swap3A_556 = arith.constant 64 : index
        %swap3A_557 = tpu.vector_load %arg8[%swap3A_556] {strides = array<i32>} : memref<128xi32, #tpu.memory_space<vmem>>, vector<16xi32>,
        %swap3A_558 = vector.shape_cast %swap3A_557 : vector<16xi32> to vector<16xi32>
        %swap3A_559 = vector.shape_cast %shift_right_logical3A_555 : vector<16xi32> to vector<16xi32>
        tpu.vector_store %arg8[%swap3A_556], %swap3A_559 {strides = array<i32>} : memref<128xi32, #tpu.memory_space<vmem>>, vector<16xi32>,
        %get3A_560 = arith.index_cast %add3A_504 : i32 to index
        %get3A_561 = arith.constant 80 : index
        %get3A_562 = tpu.vector_load %arg6[%get3A_560, %get3A_561] {strides = array<i32>} : memref<80x128xi32, #tpu.memory_space<vmem>>, vector<1x16xi32>,
        %get3A_563 = vector.shape_cast %get3A_562 : vector<1x16xi32> to vector<16xi32>
        %shift_right_logical3A_564 = arith.constant 16 : i32
        %shift_right_logical3A_565 = vector.broadcast %shift_right_logical3A_564 : i32 to vector<16xi32>
        %shift_right_logical3A_566 = arith.shrui %get3A_563, %shift_right_logical3A_565 : vector<16xi32>
        %swap3A_567 = arith.constant 80 : index
        %swap3A_568 = tpu.vector_load %arg8[%swap3A_567] {strides = array<i32>} : memref<128xi32, #tpu.memory_space<vmem>>, vector<16xi32>,
        %swap3A_569 = vector.shape_cast %swap3A_568 : vector<16xi32> to vector<16xi32>
        %swap3A_570 = vector.shape_cast %shift_right_logical3A_566 : vector<16xi32> to vector<16xi32>
        tpu.vector_store %arg8[%swap3A_567], %swap3A_570 {strides = array<i32>} : memref<128xi32, #tpu.memory_space<vmem>>, vector<16xi32>,
        %get3A_571 = arith.index_cast %add3A_504 : i32 to index
        %get3A_572 = arith.constant 96 : index
        %get3A_573 = tpu.vector_load %arg6[%get3A_571, %get3A_572] {strides = array<i32>} : memref<80x128xi32, #tpu.memory_space<vmem>>, vector<1x16xi32>,
        %get3A_574 = vector.shape_cast %get3A_573 : vector<1x16xi32> to vector<16xi32>
        %shift_right_logical3A_575 = arith.constant 16 : i32
        %shift_right_logical3A_576 = vector.broadcast %shift_right_logical3A_575 : i32 to vector<16xi32>
        %shift_right_logical3A_577 = arith.shrui %get3A_574, %shift_right_logical3A_576 : vector<16xi32>
        %swap3A_578 = arith.constant 96 : index
        %swap3A_579 = tpu.vector_load %arg8[%swap3A_578] {strides = array<i32>} : memref<128xi32, #tpu.memory_space<vmem>>, vector<16xi32>,
        %swap3A_580 = vector.shape_cast %swap3A_579 : vector<16xi32> to vector<16xi32>
        %swap3A_581 = vector.shape_cast %shift_right_logical3A_577 : vector<16xi32> to vector<16xi32>
        tpu.vector_store %arg8[%swap3A_578], %swap3A_581 {strides = array<i32>} : memref<128xi32, #tpu.memory_space<vmem>>, vector<16xi32>,
        %get3A_582 = arith.index_cast %add3A_504 : i32 to index
        %get3A_583 = arith.constant 112 : index
        %get3A_584 = tpu.vector_load %arg6[%get3A_582, %get3A_583] {strides = array<i32>} : memref<80x128xi32, #tpu.memory_space<vmem>>, vector<1x16xi32>,
        %get3A_585 = vector.shape_cast %get3A_584 : vector<1x16xi32> to vector<16xi32>
        %shift_right_logical3A_586 = arith.constant 16 : i32
        %shift_right_logical3A_587 = vector.broadcast %shift_right_logical3A_586 : i32 to vector<16xi32>
        %shift_right_logical3A_588 = arith.shrui %get3A_585, %shift_right_logical3A_587 : vector<16xi32>
        %swap3A_589 = arith.constant 112 : index
        %swap3A_590 = tpu.vector_load %arg8[%swap3A_589] {strides = array<i32>} : memref<128xi32, #tpu.memory_space<vmem>>, vector<16xi32>,
        %swap3A_591 = vector.shape_cast %swap3A_590 : vector<16xi32> to vector<16xi32>
        %swap3A_592 = vector.shape_cast %shift_right_logical3A_588 : vector<16xi32> to vector<16xi32>
        tpu.vector_store %arg8[%swap3A_589], %swap3A_592 {strides = array<i32>} : memref<128xi32, #tpu.memory_space<vmem>>, vector<16xi32>,
        %dma_start3A_593 = arith.constant 0 : i32
        %dma_start3A_594 = arith.constant 0 : i32
        %dma_start3A_595 = tpu.memref_slice %arg2[%dma_start3A_593, %dma_start3A_594] : memref<10000x128xf32, #tpu.memory_space<hbm>> -> memref<10000x128xf32, #tpu.memory_space<hbm>>
        tpu.enqueue_indirect_dma source(%dma_start3A_595 : memref<10000x128xf32, #tpu.memory_space<hbm>>) target(%arg11 : memref<128x128xf32, #tpu.memory_space<vmem>>) offsets(%arg7 : memref<128xi32, #tpu.memory_space<vmem>>) semaphore(%arg14 : memref<!tpu.dma_semaphore, #tpu.memory_space<semaphore_mem>>)
      } else {
      }
      %dma_wait3A_410 = arith.constant 0 : i32
      %dma_wait3A_411 = arith.constant 0 : i32
      %dma_wait3A_412 = tpu.memref_slice %arg2[%dma_wait3A_410, %dma_wait3A_411] : memref<10000x128xf32, #tpu.memory_space<hbm>> -> memref<10000x128xf32, #tpu.memory_space<hbm>>
      tpu.wait_indirect_dma semaphore(%arg15 : memref<!tpu.dma_semaphore, #tpu.memory_space<semaphore_mem>>) src(%dma_wait3A_412 : memref<10000x128xf32, #tpu.memory_space<hbm>>) dst(%arg12 : memref<128x128xf32, #tpu.memory_space<vmem>>)
      "tpu.region"() ({
        %run_scoped3A = tpu.sem_alloc : memref<!tpu.dma_semaphore, #tpu.memory_space<semaphore_mem>>
        %dma_start3A_413 = arith.constant 0 : i32
        %dma_start3A_414 = arith.constant 0 : i32
        %dma_start3A_415 = tpu.memref_slice %arg13[%dma_start3A_413, %dma_start3A_414] : memref<10240x128xf32, #tpu.memory_space<vmem_shared>> -> memref<10240x128xf32, #tpu.memory_space<vmem_shared>>
        tpu.enqueue_indirect_dma source(%arg12 : memref<128x128xf32, #tpu.memory_space<vmem>>) target(%dma_start3A_415 : memref<10240x128xf32, #tpu.memory_space<vmem_shared>>) offsets(%arg10 : memref<128xi32, #tpu.memory_space<vmem>>) semaphore(%run_scoped3A : memref<!tpu.dma_semaphore, #tpu.memory_space<semaphore_mem>>) {add = true}
        %dma_wait3A_416 = arith.constant 0 : i32
        %dma_wait3A_417 = arith.constant 0 : i32
        %dma_wait3A_418 = tpu.memref_slice %arg13[%dma_wait3A_416, %dma_wait3A_417] : memref<10240x128xf32, #tpu.memory_space<vmem_shared>> -> memref<10240x128xf32, #tpu.memory_space<vmem_shared>>
        tpu.wait_indirect_dma semaphore(%run_scoped3A : memref<!tpu.dma_semaphore, #tpu.memory_space<semaphore_mem>>) src(%arg12 : memref<128x128xf32, #tpu.memory_space<vmem>>) dst(%dma_wait3A_418 : memref<10240x128xf32, #tpu.memory_space<vmem_shared>>)
        tpu.yield
      }) : () -> ()
    }
    %scan3A_214 = arith.constant 40 : i32
    %barrier3A_215 = arith.constant 0 : index
    tpu.barrier barrier_id(%barrier3A_215)
    %mul3A_216 = arith.constant 640 : i32
    %mul3A_217 = arith.muli %arg1, %mul3A_216 : i32
    %mul3A_218 = arith.constant 640 : i32
    %mul3A_219 = arith.muli %arg1, %mul3A_218 : i32
    "tpu.region"() ({
      %run_scoped3A = tpu.sem_alloc : memref<!tpu.dma_semaphore, #tpu.memory_space<semaphore_mem>>
      %dma_start3A_220 = arith.constant 0 : i32
      %dma_start3A_221 = tpu.memref_slice %arg5[%arg0, %mul3A_219, %dma_start3A_220] : memref<2x10240x128xf32, #tpu.memory_space<hbm>> -> memref<1x640x128xf32, #tpu.memory_space<hbm>>
      %dma_start3A_222 = tpu.memref_squeeze %dma_start3A_221 : memref<1x640x128xf32, #tpu.memory_space<hbm>> -> memref<640x128xf32, #tpu.memory_space<hbm>>
      %dma_start3A_223 = arith.constant 0 : i32
      %dma_start3A_224 = tpu.memref_slice %arg13[%mul3A_217, %dma_start3A_223] : memref<10240x128xf32, #tpu.memory_space<vmem_shared>> -> memref<640x128xf32, #tpu.memory_space<vmem_shared>>
      tpu.enqueue_dma source(%dma_start3A_224 : memref<640x128xf32, #tpu.memory_space<vmem_shared>>) target(%dma_start3A_222 : memref<640x128xf32, #tpu.memory_space<hbm>>) target_semaphore(%run_scoped3A : memref<!tpu.dma_semaphore, #tpu.memory_space<semaphore_mem>>)
      %dma_wait3A_225 = arith.constant 0 : i32
      %dma_wait3A_226 = tpu.memref_slice %arg5[%arg0, %mul3A_219, %dma_wait3A_225] : memref<2x10240x128xf32, #tpu.memory_space<hbm>> -> memref<1x640x128xf32, #tpu.memory_space<hbm>>
      %dma_wait3A_227 = tpu.memref_squeeze %dma_wait3A_226 : memref<1x640x128xf32, #tpu.memory_space<hbm>> -> memref<640x128xf32, #tpu.memory_space<hbm>>
      %dma_wait3A_228 = arith.constant 0 : i32
      %dma_wait3A_229 = tpu.memref_slice %arg13[%mul3A_217, %dma_wait3A_228] : memref<10240x128xf32, #tpu.memory_space<vmem_shared>> -> memref<640x128xf32, #tpu.memory_space<vmem_shared>>
      tpu.wait_dma2 semaphore(%run_scoped3A : memref<!tpu.dma_semaphore, #tpu.memory_space<semaphore_mem>>) src(%dma_wait3A_229 : memref<640x128xf32, #tpu.memory_space<vmem_shared>>) dst(%dma_wait3A_227 : memref<640x128xf32, #tpu.memory_space<hbm>>)
      tpu.yield
    }) : () -> ()
    return
  }
}

module attributes {stable_mosaic.version = 14 : i64} {
  func.func @_prep_body(%arg0: i32, %arg1: memref<2x2048xf32, #tpu.memory_space<vmem>>, %arg2: memref<2048x128xf32, #tpu.memory_space<vmem>>, %arg3: memref<128x128xf32, #tpu.memory_space<vmem>>, %arg4: memref<2048x128xf32, #tpu.memory_space<vmem>>, %arg5: memref<2048x1xf32, #tpu.memory_space<vmem>>) attributes {dimension_semantics = [#tpu.dimension_semantics<arbitrary>], iteration_bounds = array<i64: 5>, scalar_prefetch = 0 : i64, scratch_operands = 0 : i64, tpu.core_type = #tpu.core_type<tc>, window_params = [{transform_indices = @transform_0, window_bounds = array<i64: 2, 2048>}, {transform_indices = @transform_1, window_bounds = array<i64: 2048, 128>}, {pipeline_mode = #tpu.pipeline_mode<synchronous>, transform_indices = @transform_2, window_bounds = array<i64: 128, 128>}, {transform_indices = @transform_3, window_bounds = array<i64: 2048, 128>}, {transform_indices = @transform_4, window_bounds = array<i64: 2048, 1>}]} {
    %get3A = arith.constant 0 : index
    %get3A_0 = arith.constant 0 : index
    %get3A_1 = vector.load %arg1[%get3A, %get3A_0] : memref<2x2048xf32, #tpu.memory_space<vmem>>, vector<1x2048xf32>
    %get3A_2 = arith.constant 1 : index
    %get3A_3 = arith.constant 0 : index
    %get3A_4 = vector.load %arg1[%get3A_2, %get3A_3] : memref<2x2048xf32, #tpu.memory_space<vmem>>, vector<1x2048xf32>
    %add3A = arith.addf %get3A_1, %get3A_4 : vector<1x2048xf32>
    %add3A_5 = arith.constant 1.000000e+00 : f32
    %add3A_6 = vector.broadcast %add3A_5 : f32 to vector<1x2048xf32>
    %add3A_7 = arith.addf %add3A, %add3A_6 : vector<1x2048xf32>
    %sqrt3A = math.sqrt %add3A_7 : vector<1x2048xf32>
    %div3A = arith.constant 1.000000e+00 : f32
    %div3A_8 = vector.broadcast %div3A : f32 to vector<1x2048xf32>
    %div3A_9 = arith.divf %div3A_8, %sqrt3A : vector<1x2048xf32>
    %transpose3A = tpu.transpose %div3A_9, [1, 0] : vector<1x2048xf32> -> vector<2048x1xf32>
    %swap3A = arith.constant 0 : index
    %swap3A_10 = arith.constant 0 : index
    %swap3A_11 = vector.load %arg5[%swap3A, %swap3A_10] : memref<2048x1xf32, #tpu.memory_space<vmem>>, vector<2048x1xf32>
    tpu.vector_store %arg5[%swap3A, %swap3A_10], %transpose3A {strides = array<i32>} : memref<2048x1xf32, #tpu.memory_space<vmem>>, vector<2048x1xf32>,
    %get3A_12 = arith.constant 0 : index
    %get3A_13 = arith.constant 0 : index
    %get3A_14 = vector.load %arg2[%get3A_12, %get3A_13] : memref<2048x128xf32, #tpu.memory_space<vmem>>, vector<2048x128xf32>
    %get3A_15 = arith.constant 0 : index
    %get3A_16 = arith.constant 0 : index
    %get3A_17 = vector.load %arg3[%get3A_15, %get3A_16] : memref<128x128xf32, #tpu.memory_space<vmem>>, vector<128x128xf32>
    %dot_general3A = arith.constant dense<0.000000e+00> : vector<2048x128xf32>
    %dot_general3A_18 = tpu.matmul %get3A_14, %get3A_17, %dot_general3A {dimension_numbers = #tpu.dot_dimension_numbers<[1], [0], [0], [1], [0, 0, 1, 1], [], []>, transpose_lhs_hint = false} : vector<2048x128xf32>, vector<128x128xf32>, vector<2048x128xf32> -> vector<2048x128xf32>
    %mul3A = vector.broadcast %transpose3A : vector<2048x1xf32> to vector<2048x128xf32>
    %mul3A_19 = arith.mulf %dot_general3A_18, %mul3A : vector<2048x128xf32>
    %swap3A_20 = arith.constant 0 : index
    %swap3A_21 = arith.constant 0 : index
    %swap3A_22 = vector.load %arg4[%swap3A_20, %swap3A_21] : memref<2048x128xf32, #tpu.memory_space<vmem>>, vector<2048x128xf32>
    tpu.vector_store %arg4[%swap3A_20, %swap3A_21], %mul3A_19 {strides = array<i32>} : memref<2048x128xf32, #tpu.memory_space<vmem>>, vector<2048x128xf32>,
    return
  }
  func.func @transform_0(%arg0: i32) -> (i32, i32) {
    %c0_i32 = arith.constant 0 : i32
    %c0_i32_0 = arith.constant 0 : i32
    return %c0_i32, %arg0 : i32, i32
  }
  func.func @transform_1(%arg0: i32) -> (i32, i32) {
    %c0_i32 = arith.constant 0 : i32
    %c0_i32_0 = arith.constant 0 : i32
    return %arg0, %c0_i32 : i32, i32
  }
  func.func @transform_2(%arg0: i32) -> (i32, i32) {
    %c0_i32 = arith.constant 0 : i32
    %c0_i32_0 = arith.constant 0 : i32
    %c0_i32_1 = arith.constant 0 : i32
    return %c0_i32, %c0_i32_0 : i32, i32
  }
  func.func @transform_3(%arg0: i32) -> (i32, i32) {
    %c0_i32 = arith.constant 0 : i32
    %c0_i32_0 = arith.constant 0 : i32
    return %arg0, %c0_i32 : i32, i32
  }
  func.func @transform_4(%arg0: i32) -> (i32, i32) {
    %c0_i32 = arith.constant 0 : i32
    %c0_i32_0 = arith.constant 0 : i32
    return %arg0, %c0_i32 : i32, i32
  }
}

module attributes {stable_mosaic.version = 14 : i64} {
  func.func @_pack_body(%arg0: i32, %arg1: memref<1x256x128xi32, #tpu.memory_space<vmem>>, %arg2: memref<1x256x128xi32, #tpu.memory_space<vmem>>, %arg3: memref<256x128xi32, #tpu.memory_space<vmem>>) attributes {dimension_semantics = [#tpu.dimension_semantics<arbitrary>], iteration_bounds = array<i64: 10>, scalar_prefetch = 0 : i64, scratch_operands = 0 : i64, tpu.core_type = #tpu.core_type<tc>, window_params = [{transform_indices = @transform_0, window_bounds = array<i64: 1, 256, 128>}, {transform_indices = @transform_1, window_bounds = array<i64: 1, 256, 128>}, {transform_indices = @transform_2, window_bounds = array<i64: 256, 128>}]} {
    %iota3A = tpu.iota {dimensions = array<i32: 0>} : vector<256x128xi32>
    %mul3A = arith.constant 256 : i32
    %mul3A_0 = arith.muli %arg0, %mul3A : i32
    %add3A = vector.broadcast %mul3A_0 : i32 to vector<256x128xi32>
    %add3A_1 = arith.addi %iota3A, %add3A : vector<256x128xi32>
    %iota3A_2 = tpu.iota {dimensions = array<i32: 1>} : vector<256x128xi32>
    %mul3A_3 = arith.constant 128 : i32
    %mul3A_4 = vector.broadcast %mul3A_3 : i32 to vector<256x128xi32>
    %mul3A_5 = arith.muli %add3A_1, %mul3A_4 : vector<256x128xi32>
    %add3A_6 = arith.addi %mul3A_5, %iota3A_2 : vector<256x128xi32>
    %sub3A = arith.constant 320000 : i32
    %sub3A_7 = vector.broadcast %sub3A : i32 to vector<256x128xi32>
    %sub3A_8 = arith.subi %add3A_6, %sub3A_7 : vector<256x128xi32>
    %max3A = arith.constant 0 : i32
    %max3A_9 = vector.broadcast %max3A : i32 to vector<256x128xi32>
    %max3A_10 = arith.maxsi %sub3A_8, %max3A_9 : vector<256x128xi32>
    %mul3A_11 = arith.constant 131 : i32
    %mul3A_12 = vector.broadcast %mul3A_11 : i32 to vector<256x128xi32>
    %mul3A_13 = arith.muli %max3A_10, %mul3A_12 : vector<256x128xi32>
    %jit3A = arith.constant 10000 : i32
    %eq3A = arith.constant 0 : i32
    %eq3A_14 = arith.cmpi eq, %jit3A, %eq3A : i32
    %jit3A_15 = arith.constant 1 : i32
    %select_n3A = arith.select %eq3A_14, %jit3A_15, %jit3A : i32
    %rem3A = vector.broadcast %select_n3A : i32 to vector<256x128xi32>
    %rem3A_16 = arith.remsi %mul3A_13, %rem3A : vector<256x128xi32>
    %ne3A = arith.constant 0 : i32
    %ne3A_17 = vector.broadcast %ne3A : i32 to vector<256x128xi32>
    %ne3A_18 = arith.cmpi ne, %rem3A_16, %ne3A_17 : vector<256x128xi32>
    %lt3A = arith.constant 0 : i32
    %lt3A_19 = vector.broadcast %lt3A : i32 to vector<256x128xi32>
    %lt3A_20 = arith.cmpi slt, %rem3A_16, %lt3A_19 : vector<256x128xi32>
    %lt3A_21 = arith.constant 0 : i32
    %lt3A_22 = arith.cmpi slt, %select_n3A, %lt3A_21 : i32
    %ne3A_23 = vector.broadcast %lt3A_22 : i1 to vector<256x128xi1>
    %ne3A_24 = vector.broadcast %ne3A_23 : vector<256x128xi1> to vector<256x128xi1>
    %ne3A_25 = arith.xori %lt3A_20, %ne3A_24 : vector<256x128xi1>
    %and3A = arith.andi %ne3A_25, %ne3A_18 : vector<256x128xi1>
    %add3A_26 = vector.broadcast %select_n3A : i32 to vector<256x128xi32>
    %add3A_27 = arith.addi %rem3A_16, %add3A_26 : vector<256x128xi32>
    %select_n3A_28 = arith.select %and3A, %add3A_27, %rem3A_16 : vector<256x128xi1>, vector<256x128xi32>
    %jit3A_29 = arith.constant 240 : i32
    %eq3A_30 = arith.constant 0 : i32
    %eq3A_31 = arith.cmpi eq, %jit3A_29, %eq3A_30 : i32
    %jit3A_32 = arith.constant 1 : i32
    %select_n3A_33 = arith.select %eq3A_31, %jit3A_32, %jit3A_29 : i32
    %rem3A_34 = vector.broadcast %select_n3A_33 : i32 to vector<256x128xi32>
    %rem3A_35 = arith.remsi %max3A_10, %rem3A_34 : vector<256x128xi32>
    %ne3A_36 = arith.constant 0 : i32
    %ne3A_37 = vector.broadcast %ne3A_36 : i32 to vector<256x128xi32>
    %ne3A_38 = arith.cmpi ne, %rem3A_35, %ne3A_37 : vector<256x128xi32>
    %lt3A_39 = arith.constant 0 : i32
    %lt3A_40 = vector.broadcast %lt3A_39 : i32 to vector<256x128xi32>
    %lt3A_41 = arith.cmpi slt, %rem3A_35, %lt3A_40 : vector<256x128xi32>
    %lt3A_42 = arith.constant 0 : i32
    %lt3A_43 = arith.cmpi slt, %select_n3A_33, %lt3A_42 : i32
    %ne3A_44 = vector.broadcast %lt3A_43 : i1 to vector<256x128xi1>
    %ne3A_45 = vector.broadcast %ne3A_44 : vector<256x128xi1> to vector<256x128xi1>
    %ne3A_46 = arith.xori %lt3A_41, %ne3A_45 : vector<256x128xi1>
    %and3A_47 = arith.andi %ne3A_46, %ne3A_38 : vector<256x128xi1>
    %add3A_48 = vector.broadcast %select_n3A_33 : i32 to vector<256x128xi32>
    %add3A_49 = arith.addi %rem3A_35, %add3A_48 : vector<256x128xi32>
    %select_n3A_50 = arith.select %and3A_47, %add3A_49, %rem3A_35 : vector<256x128xi1>, vector<256x128xi32>
    %add3A_51 = arith.constant 10000 : i32
    %add3A_52 = vector.broadcast %add3A_51 : i32 to vector<256x128xi32>
    %add3A_53 = arith.addi %add3A_52, %select_n3A_50 : vector<256x128xi32>
    %shift_left3A = arith.constant 16 : i32
    %shift_left3A_54 = vector.broadcast %shift_left3A : i32 to vector<256x128xi32>
    %shift_left3A_55 = arith.shli %add3A_53, %shift_left3A_54 : vector<256x128xi32>
    %or3A = arith.ori %select_n3A_28, %shift_left3A_55 : vector<256x128xi32>
    %get3A = arith.constant 0 : index
    %get3A_56 = arith.constant 0 : index
    %get3A_57 = arith.constant 0 : index
    %get3A_58 = vector.load %arg1[%get3A, %get3A_56, %get3A_57] : memref<1x256x128xi32, #tpu.memory_space<vmem>>, vector<1x256x128xi32>
    %get3A_59 = vector.shape_cast %get3A_58 : vector<1x256x128xi32> to vector<256x128xi32>
    %get3A_60 = arith.constant 0 : index
    %get3A_61 = arith.constant 0 : index
    %get3A_62 = arith.constant 0 : index
    %get3A_63 = vector.load %arg2[%get3A_60, %get3A_61, %get3A_62] : memref<1x256x128xi32, #tpu.memory_space<vmem>>, vector<1x256x128xi32>
    %get3A_64 = vector.shape_cast %get3A_63 : vector<1x256x128xi32> to vector<256x128xi32>
    %shift_left3A_65 = arith.constant 16 : i32
    %shift_left3A_66 = vector.broadcast %shift_left3A_65 : i32 to vector<256x128xi32>
    %shift_left3A_67 = arith.shli %get3A_64, %shift_left3A_66 : vector<256x128xi32>
    %or3A_68 = arith.ori %get3A_59, %shift_left3A_67 : vector<256x128xi32>
    %lt3A_69 = arith.constant 320000 : i32
    %lt3A_70 = vector.broadcast %lt3A_69 : i32 to vector<256x128xi32>
    %lt3A_71 = arith.cmpi slt, %add3A_6, %lt3A_70 : vector<256x128xi32>
    %select_n3A_72 = arith.select %lt3A_71, %or3A_68, %or3A : vector<256x128xi1>, vector<256x128xi32>
    %swap3A = arith.constant 0 : index
    %swap3A_73 = arith.constant 0 : index
    %swap3A_74 = vector.load %arg3[%swap3A, %swap3A_73] : memref<256x128xi32, #tpu.memory_space<vmem>>, vector<256x128xi32>
    tpu.vector_store %arg3[%swap3A, %swap3A_73], %select_n3A_72 {strides = array<i32>} : memref<256x128xi32, #tpu.memory_space<vmem>>, vector<256x128xi32>,
    return
  }
  func.func @transform_0(%arg0: i32) -> (i32, i32, i32) {
    %c0_i32 = arith.constant 0 : i32
    %c0_i32_0 = arith.constant 0 : i32
    %c0_i32_1 = arith.constant 0 : i32
    return %c0_i32, %arg0, %c0_i32_0 : i32, i32, i32
  }
  func.func @transform_1(%arg0: i32) -> (i32, i32, i32) {
    %c1_i32 = arith.constant 1 : i32
    %c0_i32 = arith.constant 0 : i32
    %c0_i32_0 = arith.constant 0 : i32
    return %c1_i32, %arg0, %c0_i32 : i32, i32, i32
  }
  func.func @transform_2(%arg0: i32) -> (i32, i32) {
    %c0_i32 = arith.constant 0 : i32
    %c0_i32_0 = arith.constant 0 : i32
    return %arg0, %c0_i32 : i32, i32
  }
}

module attributes {stable_mosaic.version = 14 : i64} {
  func.func @_mid_body(%arg0: i32, %arg1: memref<2x2048x128xf32, #tpu.memory_space<vmem>>, %arg2: memref<2048x128xf32, #tpu.memory_space<vmem>>, %arg3: memref<2048x1xf32, #tpu.memory_space<vmem>>, %arg4: memref<1x128xf32, #tpu.memory_space<vmem>>, %arg5: memref<128x128xf32, #tpu.memory_space<vmem>>, %arg6: memref<2048x128xf32, #tpu.memory_space<vmem>>) attributes {dimension_semantics = [#tpu.dimension_semantics<arbitrary>], iteration_bounds = array<i64: 5>, scalar_prefetch = 0 : i64, scratch_operands = 0 : i64, tpu.core_type = #tpu.core_type<tc>, window_params = [{transform_indices = @transform_0, window_bounds = array<i64: 2, 2048, 128>}, {transform_indices = @transform_1, window_bounds = array<i64: 2048, 128>}, {transform_indices = @transform_2, window_bounds = array<i64: 2048, 1>}, {pipeline_mode = #tpu.pipeline_mode<synchronous>, transform_indices = @transform_3, window_bounds = array<i64: 1, 128>}, {pipeline_mode = #tpu.pipeline_mode<synchronous>, transform_indices = @transform_4, window_bounds = array<i64: 128, 128>}, {transform_indices = @transform_5, window_bounds = array<i64: 2048, 128>}]} {
    %get3A = arith.constant 0 : index
    %get3A_0 = arith.constant 0 : index
    %get3A_1 = arith.constant 0 : index
    %get3A_2 = vector.load %arg1[%get3A, %get3A_0, %get3A_1] : memref<2x2048x128xf32, #tpu.memory_space<vmem>>, vector<1x2048x128xf32>
    %get3A_3 = vector.shape_cast %get3A_2 : vector<1x2048x128xf32> to vector<2048x128xf32>
    %get3A_4 = arith.constant 1 : index
    %get3A_5 = arith.constant 0 : index
    %get3A_6 = arith.constant 0 : index
    %get3A_7 = vector.load %arg1[%get3A_4, %get3A_5, %get3A_6] : memref<2x2048x128xf32, #tpu.memory_space<vmem>>, vector<1x2048x128xf32>
    %get3A_8 = vector.shape_cast %get3A_7 : vector<1x2048x128xf32> to vector<2048x128xf32>
    %add3A = arith.addf %get3A_3, %get3A_8 : vector<2048x128xf32>
    %get3A_9 = arith.constant 0 : index
    %get3A_10 = arith.constant 0 : index
    %get3A_11 = vector.load %arg2[%get3A_9, %get3A_10] : memref<2048x128xf32, #tpu.memory_space<vmem>>, vector<2048x128xf32>
    %add3A_12 = arith.addf %add3A, %get3A_11 : vector<2048x128xf32>
    %get3A_13 = arith.constant 0 : index
    %get3A_14 = arith.constant 0 : index
    %get3A_15 = vector.load %arg3[%get3A_13, %get3A_14] : memref<2048x1xf32, #tpu.memory_space<vmem>>, vector<2048x1xf32>
    %mul3A = vector.broadcast %get3A_15 : vector<2048x1xf32> to vector<2048x128xf32>
    %mul3A_16 = arith.mulf %mul3A, %add3A_12 : vector<2048x128xf32>
    %get3A_17 = arith.constant 0 : index
    %get3A_18 = arith.constant 0 : index
    %get3A_19 = vector.load %arg4[%get3A_17, %get3A_18] : memref<1x128xf32, #tpu.memory_space<vmem>>, vector<1x128xf32>
    %add3A_20 = vector.broadcast %get3A_19 : vector<1x128xf32> to vector<2048x128xf32>
    %add3A_21 = arith.addf %mul3A_16, %add3A_20 : vector<2048x128xf32>
    %max3A = arith.constant 0.000000e+00 : f32
    %max3A_22 = vector.broadcast %max3A : f32 to vector<2048x128xf32>
    %max3A_23 = arith.maximumf %add3A_21, %max3A_22 : vector<2048x128xf32>
    %get3A_24 = arith.constant 0 : index
    %get3A_25 = arith.constant 0 : index
    %get3A_26 = vector.load %arg5[%get3A_24, %get3A_25] : memref<128x128xf32, #tpu.memory_space<vmem>>, vector<128x128xf32>
    %dot_general3A = arith.constant dense<0.000000e+00> : vector<2048x128xf32>
    %dot_general3A_27 = tpu.matmul %max3A_23, %get3A_26, %dot_general3A {dimension_numbers = #tpu.dot_dimension_numbers<[1], [0], [0], [1], [0, 0, 1, 1], [], []>, transpose_lhs_hint = false} : vector<2048x128xf32>, vector<128x128xf32>, vector<2048x128xf32> -> vector<2048x128xf32>
    %get3A_28 = arith.constant 0 : index
    %get3A_29 = arith.constant 0 : index
    %get3A_30 = vector.load %arg3[%get3A_28, %get3A_29] : memref<2048x1xf32, #tpu.memory_space<vmem>>, vector<2048x1xf32>
    %mul3A_31 = vector.broadcast %get3A_30 : vector<2048x1xf32> to vector<2048x128xf32>
    %mul3A_32 = arith.mulf %dot_general3A_27, %mul3A_31 : vector<2048x128xf32>
    %swap3A = arith.constant 0 : index
    %swap3A_33 = arith.constant 0 : index
    %swap3A_34 = vector.load %arg6[%swap3A, %swap3A_33] : memref<2048x128xf32, #tpu.memory_space<vmem>>, vector<2048x128xf32>
    tpu.vector_store %arg6[%swap3A, %swap3A_33], %mul3A_32 {strides = array<i32>} : memref<2048x128xf32, #tpu.memory_space<vmem>>, vector<2048x128xf32>,
    return
  }
  func.func @transform_0(%arg0: i32) -> (i32, i32, i32) {
    %c0_i32 = arith.constant 0 : i32
    %c0_i32_0 = arith.constant 0 : i32
    %c0_i32_1 = arith.constant 0 : i32
    return %c0_i32, %arg0, %c0_i32_0 : i32, i32, i32
  }
  func.func @transform_1(%arg0: i32) -> (i32, i32) {
    %c0_i32 = arith.constant 0 : i32
    %c0_i32_0 = arith.constant 0 : i32
    return %arg0, %c0_i32 : i32, i32
  }
  func.func @transform_2(%arg0: i32) -> (i32, i32) {
    %c0_i32 = arith.constant 0 : i32
    %c0_i32_0 = arith.constant 0 : i32
    return %arg0, %c0_i32 : i32, i32
  }
  func.func @transform_3(%arg0: i32) -> (i32, i32) {
    %c0_i32 = arith.constant 0 : i32
    %c0_i32_0 = arith.constant 0 : i32
    %c0_i32_1 = arith.constant 0 : i32
    return %c0_i32, %c0_i32_0 : i32, i32
  }
  func.func @transform_4(%arg0: i32) -> (i32, i32) {
    %c0_i32 = arith.constant 0 : i32
    %c0_i32_0 = arith.constant 0 : i32
    %c0_i32_1 = arith.constant 0 : i32
    return %c0_i32, %c0_i32_0 : i32, i32
  }
  func.func @transform_5(%arg0: i32) -> (i32, i32) {
    %c0_i32 = arith.constant 0 : i32
    %c0_i32_0 = arith.constant 0 : i32
    return %arg0, %c0_i32 : i32, i32
  }
}

module attributes {stable_mosaic.version = 14 : i64} {
  func.func @_fin_body(%arg0: i32, %arg1: memref<2x2048x128xf32, #tpu.memory_space<vmem>>, %arg2: memref<2048x128xf32, #tpu.memory_space<vmem>>, %arg3: memref<2048x1xf32, #tpu.memory_space<vmem>>, %arg4: memref<1x128xf32, #tpu.memory_space<vmem>>, %arg5: memref<2048x128xf32, #tpu.memory_space<vmem>>) attributes {dimension_semantics = [#tpu.dimension_semantics<arbitrary>], iteration_bounds = array<i64: 5>, scalar_prefetch = 0 : i64, scratch_operands = 0 : i64, tpu.core_type = #tpu.core_type<tc>, window_params = [{transform_indices = @transform_0, window_bounds = array<i64: 2, 2048, 128>}, {transform_indices = @transform_1, window_bounds = array<i64: 2048, 128>}, {transform_indices = @transform_2, window_bounds = array<i64: 2048, 1>}, {pipeline_mode = #tpu.pipeline_mode<synchronous>, transform_indices = @transform_3, window_bounds = array<i64: 1, 128>}, {transform_indices = @transform_4, window_bounds = array<i64: 2048, 128>}]} {
    %get3A = arith.constant 0 : index
    %get3A_0 = arith.constant 0 : index
    %get3A_1 = arith.constant 0 : index
    %get3A_2 = vector.load %arg1[%get3A, %get3A_0, %get3A_1] : memref<2x2048x128xf32, #tpu.memory_space<vmem>>, vector<1x2048x128xf32>
    %get3A_3 = vector.shape_cast %get3A_2 : vector<1x2048x128xf32> to vector<2048x128xf32>
    %get3A_4 = arith.constant 1 : index
    %get3A_5 = arith.constant 0 : index
    %get3A_6 = arith.constant 0 : index
    %get3A_7 = vector.load %arg1[%get3A_4, %get3A_5, %get3A_6] : memref<2x2048x128xf32, #tpu.memory_space<vmem>>, vector<1x2048x128xf32>
    %get3A_8 = vector.shape_cast %get3A_7 : vector<1x2048x128xf32> to vector<2048x128xf32>
    %add3A = arith.addf %get3A_3, %get3A_8 : vector<2048x128xf32>
    %get3A_9 = arith.constant 0 : index
    %get3A_10 = arith.constant 0 : index
    %get3A_11 = vector.load %arg2[%get3A_9, %get3A_10] : memref<2048x128xf32, #tpu.memory_space<vmem>>, vector<2048x128xf32>
    %add3A_12 = arith.addf %add3A, %get3A_11 : vector<2048x128xf32>
    %get3A_13 = arith.constant 0 : index
    %get3A_14 = arith.constant 0 : index
    %get3A_15 = vector.load %arg3[%get3A_13, %get3A_14] : memref<2048x1xf32, #tpu.memory_space<vmem>>, vector<2048x1xf32>
    %mul3A = vector.broadcast %get3A_15 : vector<2048x1xf32> to vector<2048x128xf32>
    %mul3A_16 = arith.mulf %mul3A, %add3A_12 : vector<2048x128xf32>
    %get3A_17 = arith.constant 0 : index
    %get3A_18 = arith.constant 0 : index
    %get3A_19 = vector.load %arg4[%get3A_17, %get3A_18] : memref<1x128xf32, #tpu.memory_space<vmem>>, vector<1x128xf32>
    %add3A_20 = vector.broadcast %get3A_19 : vector<1x128xf32> to vector<2048x128xf32>
    %add3A_21 = arith.addf %mul3A_16, %add3A_20 : vector<2048x128xf32>
    %swap3A = arith.constant 0 : index
    %swap3A_22 = arith.constant 0 : index
    %swap3A_23 = vector.load %arg5[%swap3A, %swap3A_22] : memref<2048x128xf32, #tpu.memory_space<vmem>>, vector<2048x128xf32>
    tpu.vector_store %arg5[%swap3A, %swap3A_22], %add3A_21 {strides = array<i32>} : memref<2048x128xf32, #tpu.memory_space<vmem>>, vector<2048x128xf32>,
    return
  }
  func.func @transform_0(%arg0: i32) -> (i32, i32, i32) {
    %c0_i32 = arith.constant 0 : i32
    %c0_i32_0 = arith.constant 0 : i32
    %c0_i32_1 = arith.constant 0 : i32
    return %c0_i32, %arg0, %c0_i32_0 : i32, i32, i32
  }
  func.func @transform_1(%arg0: i32) -> (i32, i32) {
    %c0_i32 = arith.constant 0 : i32
    %c0_i32_0 = arith.constant 0 : i32
    return %arg0, %c0_i32 : i32, i32
  }
  func.func @transform_2(%arg0: i32) -> (i32, i32) {
    %c0_i32 = arith.constant 0 : i32
    %c0_i32_0 = arith.constant 0 : i32
    return %arg0, %c0_i32 : i32, i32
  }
  func.func @transform_3(%arg0: i32) -> (i32, i32) {
    %c0_i32 = arith.constant 0 : i32
    %c0_i32_0 = arith.constant 0 : i32
    %c0_i32_1 = arith.constant 0 : i32
    return %c0_i32, %c0_i32_0 : i32, i32
  }
  func.func @transform_4(%arg0: i32) -> (i32, i32) {
    %c0_i32 = arith.constant 0 : i32
    %c0_i32_0 = arith.constant 0 : i32
    return %arg0, %c0_i32 : i32, i32
  }
}

</mosaic_0001>

<sc_bundles>
// kernel: kernel.11.cloned.1.call-start
scs
__scs_entry_jumppad:
0x0: {  	(pc) =	sbr.rel $0x88, $3  }
0x1: {  	(tag) =	ssettag $0x0;
	lr =	simm.s32 $0x1  }
0x2: {  	[smem:$0x3F99] =	sst lr;
	_ =	strace $0xD0000000  }
0x3: {  	_ = 	snop  }
0x4: {  	_ = 	snop  }
0x5: {  	_ = 	snop  }
0x6: {  	_ = 	snop  }
0x7: {  	_ = 	snop  }
__scs_overlays_trampoline_lowered:
0x8: {  	[smem:$0x3FA8] =	sst s0  }
0x9: {  	[smem:$0x3FA9] =	sst s1  }
0xa: {  	[smem:$0x3FAA] =	sst s2  }
0xb: {  	[smem:$0x3FAB] =	sst s3  }
0xc: {  	[smem:$0x3FAC] =	sst s4  }
0xd: {  	[smem:$0x3FAD] =	sst s5  }
0xe: {  	[smem:$0x3FAE] =	sst s6  }
0xf: {  	[smem:$0x3FAF] =	sst s7  }
0x10: {  	[smem:$0x3FB0] =	sst s8  }
0x11: {  	[smem:$0x3FB1] =	sst s9;
	s0 =	simm.s32 @!p0 $0x0  }
0x12: {  	s1 =	sld [smem:$0x3F97];
	s0 =	simm.s32 @p0 $0x1  }
0x13: {  	[smem:$0x3FB2] =	sst s0;
	s0 =	simm.s32 @!p1 $0x0  }
0x14: {  	s2 =	sld [smem:$0x3F96];
	s0 =	simm.s32 @p1 $0x1  }
0x15: {  	[smem:$0x3FB3] =	sst s0;
	s0 =	simm.s32 @!p2 $0x0  }
0x16: {  	s3 =	sld [smem:$0x3FDB];
	s0 =	simm.s32 @p2 $0x1  }
0x17: {  	s4 =	simm.s32 $0x1BF5;
	[smem:$0x3FB5] =	sst s0  }
0x18: {  	s0 =	sld [smem:$0x3F98];
	_ =	swait.ge [sflag:s4], $0x0  }
0x19: {  	s7 =	sld [smem:$0x3F99]  }
0x1a: {  	s8 =	sadd.s32 $0xFFFFE003, lr  }
0x1b: {  	s9 =	sadd.s32 $0xFFFFFEF7, lr;
	s5 =	simm.s32 $0xFFFFFFFF;
	p2 =	slt.u32 s8, $0xFFFFF086  }
0x1c: {  	p1 =	slt.u32 s9, $0xF7A;
	s5 =	simm.s32 @!p2 $0x0  }
0x1d: {  	s5 =	simm.s32 @p1 $0x1;
	p0 =	seq.s32 s7, s2  }
0x1e: {  	s7 =	smul.u32 @!p0 $0xF7A, s2;
	p2 =	seq.s32 @!p0 s5, $0x0  }
0x1f: {  	s9 =	smul.u32 $0xF7A, s1;
	s8 =	simm.s32 @!p0 $0x1BF5;
	p2 =	por !p2, p0  }
0x20: {  	[sflag:s8] =	ssyncset.s32 @!p0 $0xFFFFF086;
	s6 =	sadd.s32 @!p0 s3, s7;
	s7 =	simm.s32 @!p0 $0x108  }
0x21: {  	s3 =	sadd.s32 s3, s9;
	s6 =	sadd.s32 @!p0 $0x88, s6;
	s7 =	simm.s32 @p2 $0x1082  }
0x22: {  	[simem:s7], [sflag:s8] =	dma.local @!p0 [hbm:s6], $0xF7A  }
0x23: {  	s9 =	sor.u32 $0xD0000000, s2;
	s6 =	simm.s32 $0x108;
	_ =	swait.ge @!p0 [sflag:s8], $0x0  }
0x24: {  	s3 =	sadd.s32 $0x88, s3;
	s6 =	simm.s32 @!p1 $0x1082;
	[sflag:s4] =	ssyncset.s32 $0xFFFFF086  }
0x25: {  	[simem:s6], [sflag:s4] =	dma.local [hbm:s3], $0xF7A  }
0x26: {  	[smem:$0x3F99] =	sst s1;
	(tag) =	ssettag s2;
	_ =	strace s9  }
0x27: {  	s1 =	sld [smem:$0x3FA9]  }
0x28: {  	s2 =	sld [smem:$0x3FAA]  }
0x29: {  	s4 =	sld [smem:$0x3FAC]  }
0x2a: {  	p0 =	seq.s32 s5, $0x0;
	s5 =	sld [smem:$0x3FAD]  }
0x2b: {  	s6 =	sld [smem:$0x3FAE]  }
0x2c: {  	s7 =	sld [smem:$0x3FAF]  }
0x2d: {  	s3 =	simm.s32 $0x108;
	s8 =	sld [smem:$0x3FB0]  }
0x2e: {  	s3 =	simm.s32 @!p0 $0x1082;
	s9 =	sld [smem:$0x3FB1]  }
0x2f: {  	lr =	sadd.s32 s0, s3;
	s0 =	sld [smem:$0x3FA8]  }
0x30: {  	s3 =	sld [smem:$0x3FAB]  }
0x31: {  	[smem:$0x3FB4] =	sst s10  }
0x32: {  	s10 =	sld [smem:$0x3FB2];
	_ =	sdelay $0x3  }
0x33: {  	p0 =	seq.s32 s10, $0x1;
	s10 =	sld [smem:$0x3FB4];
	_ =	sdelay $0x3  }
0x34: {  	[smem:$0x3FB4] =	sst s10  }
0x35: {  	s10 =	sld [smem:$0x3FB3];
	_ =	sdelay $0x3  }
0x36: {  	p1 =	seq.s32 s10, $0x1;
	s10 =	sld [smem:$0x3FB4];
	_ =	sdelay $0x3  }
0x37: {  	[smem:$0x3FB4] =	sst s10  }
0x38: {  	s10 =	sld [smem:$0x3FB5]  }
0x39: {  	_ = 	snop;
	(pc) =	sbr.ind lr, $3  }
0x3a: {  	_ = 	snop  }
0x3b: {  	_ = 	snop  }
0x3c: {  	p2 =	seq.s32 s10, $0x1;
	s10 =	sld [smem:$0x3FB4]  }
0x3d: {  	_ =	shalt  }
0x3e: {  	_ =	shalt  }
0x3f: {  	_ =	shalt  }
0x40: {  	_ =	shalt  }
0x41: {  	_ =	shalt  }
0x42: {  	_ =	shalt  }
0x43: {  	_ =	shalt  }
0x44: {  	_ =	shalt  }
0x45: {  	_ =	shalt  }
0x46: {  	_ =	shalt  }
0x47: {  	_ =	shalt  }
0x48: {  	_ =	shalt  }
0x49: {  	_ =	shalt  }
0x4a: {  	_ =	shalt  }
0x4b: {  	_ =	shalt  }
0x4c: {  	_ =	shalt  }
0x4d: {  	_ =	shalt  }
0x4e: {  	_ =	shalt  }
0x4f: {  	_ =	shalt  }
0x50: {  	_ =	shalt  }
0x51: {  	_ =	shalt  }
0x52: {  	_ =	shalt  }
0x53: {  	_ =	shalt  }
0x54: {  	_ =	shalt  }
0x55: {  	_ =	shalt  }
0x56: {  	_ =	shalt  }
0x57: {  	_ =	shalt  }
0x58: {  	_ =	shalt  }
0x59: {  	_ =	shalt  }
0x5a: {  	_ =	shalt  }
0x5b: {  	_ =	shalt  }
0x5c: {  	_ =	shalt  }
0x5d: {  	_ =	shalt  }
0x5e: {  	_ =	shalt  }
0x5f: {  	_ =	shalt  }
0x60: {  	_ =	shalt  }
0x61: {  	_ =	shalt  }
0x62: {  	_ =	shalt  }
0x63: {  	_ =	shalt  }
0x64: {  	_ =	shalt  }
0x65: {  	_ =	shalt  }
0x66: {  	_ =	shalt  }
0x67: {  	_ =	shalt  }
0x68: {  	_ =	shalt  }
0x69: {  	_ =	shalt  }
0x6a: {  	_ =	shalt  }
0x6b: {  	_ =	shalt  }
0x6c: {  	_ =	shalt  }
0x6d: {  	_ =	shalt  }
0x6e: {  	_ =	shalt  }
0x6f: {  	_ =	shalt  }
0x70: {  	_ =	shalt  }
0x71: {  	_ =	shalt  }
0x72: {  	_ =	shalt  }
0x73: {  	_ =	shalt  }
0x74: {  	_ =	shalt  }
0x75: {  	_ =	shalt  }
0x76: {  	_ =	shalt  }
0x77: {  	_ =	shalt  }
0x78: {  	_ =	shalt  }
0x79: {  	_ =	shalt  }
0x7a: {  	_ =	shalt  }
0x7b: {  	_ =	shalt  }
0x7c: {  	_ =	shalt  }
0x7d: {  	_ =	shalt  }
0x7e: {  	_ =	shalt  }
0x7f: {  	_ =	shalt  }
0x80: {  	_ =	shalt  }
0x81: {  	_ =	shalt  }
0x82: {  	_ =	shalt  }
0x83: {  	_ =	shalt  }
0x84: {  	_ =	shalt  }
0x85: {  	_ =	shalt  }
0x86: {  	_ =	shalt  }
0x87: {  	_ =	shalt  }
.Lfunc_end0:
.L_simem_size_0:
called_computation_lowered:
.L_overlay_start_0:
0x88: {  	s2 =	sld [smem:$0x3FD9]  }
0x89: {  	s3 =	sld [smem:$0x3FFE];
	_ =	sdelay $0x1  }
0x8a: {  	s1 =	srdreg.scid  }
0x8b: {  	s0 =	sand.u32 $0x1, s1  }
0x8c: {  	s17 =	sshll.u32 s0, $0xA;
	s2 =	sadd.s32 s3, s2  }
0x8d: {  	s2 =	sadd.s32 s2, s17  }
0x8e: {  	[smem:$0x3FC0] =	sst s2  }
0x8f: {  	_ = 	snop  }
0x90: {  	s2 =	sld [smem:$0x3FD0];
	(tm) =	ssettm $0x1  }
0x91: {  	s18 =	sld [smem:$0x3FFB];
	_ =	sdelay $0x3  }
0x92: {  	_ =	strace s18  }
0x93: {  	s3 =	sld [smem:$0x3FFC];
	_ =	sdelay $0x3  }
0x94: {  	_ =	strace s3  }
0x95: {  	s3 =	sld [smem:$0x3FFD];
	_ =	sdelay $0x3  }
0x96: {  	_ =	strace s3  }
0x97: {  	_ =	strace $0x8FFFFFFF  }
0x98: {  	s19 =	sld [smem:$0x3FDB];
	_ =	sdelay $0x1  }
0x99: {  	s4 =	simm.s32 $_scs_section_size  }
0x9a: {  	s5 =	simm.s32 $_size__tile_overlayer_lowered;
	s6 =	simm.s32 $_tile_overlayer_lowered  }
0x9b: {  	s22 =	simm.s32 $0x1BFF;
	s21 =	sshll.u32 s6, $0x1;
	s3 =	sadd.s32 s4, s19  }
0x9c: {  	s7 =	simm.s32 $0x0;
	s20 =	sshll.u32 s5, $0x1;
	s5 =	sadd.s32 s21, s3  }
0x9d: {  	[timem:s7], [sflag:s22] =	dma.local [hbm:s5], s20  }
0x9e: {  	_ =	swait.ge [sflag:s22], s20  }
0x9f: {  	s4 =	ssub.s32 $0x0, s20;
	[sflag:s22] =	ssyncset.done $0x0  }
0xa0: {  	[sflag:s22] =	ssyncadd.s32 s4;
	_ =	sdelay $0x1  }
0xa1: {  	s23 =	simm.s32 $0x1B8B  }
0xa2: {  	_ =	swait.ge [sflag:s23], $0x1  }
0xa3: {  	[sflag:s23] =	ssyncset.done $0x0  }
0xa4: {  	s25 =	simm.s32 $0x1B8E;
	s24 =	sld [smem:$0x3FFE];
	[sflag:s23] =	ssyncadd.s32 $0xFFFFFFFF  }
0xa5: {  	s26 =	simm.s32 $execute0_lowered;
	[smem:$0x3FD2] =	sst s25  }
0xa6: {  	s5 =	sshll.u32 s26, $0x1;
	_ =	strace $0x80000046;
	[dreg:$0x1] =	wrdreg $0xFFFFFFFF  }
0xa7: {  	s28 =	simm.s32 $_size_execute0_lowered;
	s3 =	sadd.s32 s3, s5;
	[dreg:$0x0] =	wrdreg $0x0  }
0xa8: {  	s5 =	sshll.u32 s28, $0x1;
	[dreg:$0x2] =	wrdreg s3  }
0xa9: {  	[dreg:$0x3] =	wrdreg s5  }
0xaa: {  	[dreg:$0x4] =	wrdreg $0xC0  }
0xab: {  	_ =	task [dreg:s7], $0x5FFFF  }
0xac: {  	[dreg:$0x1] =	wrdreg $0xFFFFFFFF  }
0xad: {  	[dreg:$0x0] =	wrdreg $0x60  }
0xae: {  	[dreg:$0x2] =	wrdreg s24  }
0xaf: {  	[dreg:$0x3] =	wrdreg s2  }
0xb0: {  	[dreg:$0x4] =	wrdreg $0x29800  }
0xb1: {  	[dreg:$0x5] =	wrdreg $0x9  }
0xb2: {  	_ =	task.clear_ibuf [dreg:s7], $0x6FFFF;
	_ =	strace $0x90000046  }
0xb3: {  	s29 =	simm.s32 $0x9;
	_ =	strace $0x80000048  }
0xb4: {  	_ =	swait.ge [sflag:s29], $0x1  }
0xb5: {  	[sflag:s29] =	ssyncadd.s32 $0xFFFFFFFF  }
0xb6: {  	_ =	strace $0x90000048  }
0xb7: {  	_ =	sfence  }
0xb8: {  	s30 =	sld [smem:$0x0];
	_ =	sdelay $0x2  }
0xb9: {  	s31 =	sshll.u32 s1, $0xD;
	s1 =	sshrl.u32 s1, $0x2  }
0xba: {  	s3 =	sand.u32 $0x4000, s31;
	s1 =	sadd.s32 s1, s30  }
0xbb: {  	s0 =	sor.u32 s3, s0;
	s1 =	sshll.u32 s1, $0x11  }
0xbc: {  	s0 =	sor.u32 s1, s0  }
0xbd: {  	s0 =	sadd.s32 $0x8F2B, s0  }
0xbe: {  	[sflag:s0] =	ssyncadd.remote.s32 $0x1  }
0xbf: {  	_ =	sfence.sel $0xFFFF  }
0xc0: {  	[dreg:$0x0] =	wrdreg $0xFFFFFFFF;
	(pc) =	sbr.abs _section_cstart, $3  }
0xc1: {  	[dreg:$0x1] =	wrdreg $0xFFFFFFFF  }
0xc2: {  	_ =	task.clear_ibuf [dreg:s7], $0x2FFFF;
	_ =	strace $0x9FFFFFFF  }
0xc3: {  	(tm) =	ssettm $0x7FFFFFFF  }
tec
execute0_lowered:
.L_overlay_start_1:
0x0: {  	(tag) =	ssettag $0x1  }
0x1: {  	s4 =	rddreg [dreg:$0x0]  }
0x2: {  	s7 =	rddreg [dreg:$0x1]  }
0x3: {  	s0 =	srdreg.scid;
	s2 =	rddreg [dreg:$0x2]  }
0x4: {  	s1 =	rddreg [dreg:$0x3];
	s3 =	simm.s32 $0x0;
	s12 =	simm.s32 $0x2800  }
0x5: {  	s13 =	simm.s32 $0x2900;
	s14 =	simm.s32 $0x2880;
	s15 =	simm.s32 $0x1  }
0x6: {  	s16 =	simm.s32 $0x2;
	s17 =	simm.s32 $0x20;
	s5 =	sand.u32 $0x1, s0  }
0x7: {  	s18 =	simm.s32 $0x10;
	s0 =	stileid.u32;
	s6 =	smul.u32 $0x28000, s5  }
0x8: {  	s19 =	simm.s32 $0x0;
	[smem:$0x7FF] =	sst s3;
	s8 =	smul.u32 $0x2800, s0  }
0x9: {  	s26 =	smul.u32 $0x280, s0;
	_ =	strace $0x80000047;
	s10 =	ssub.s32 $0x2, s5  }
0xa: {  	s11 =	smul.u32 $0x500, s0;
	s5 =	sshll.u32 s5, $0x7;
	s31 =	sshll.u32 s0, $0x6  }
0xb: {  	s28 =	sshrl.u32 s10, $0x1;
	s6 =	sadd.s32 s8, s6;
	s9 =	sshrl.u32 s26, $0x3  }
0xc: {  	s10 =	ssub.s32 s10, s28;
	s29 =	sor.u32 s5, s11;
	s30 =	sadd.s32 s26, s2  }
0xd: {  	s8 =	simm.s32 $0x3;
	s6 =	sshrl.u32 s6, $0x3;
	s9 =	sadd.s32 s9, s4  }
0xe: {  	s11 =	simm.s32 $0x80;
	s6 =	sadd.s32 s6, s4;
	s5 =	sadd.s32 $0xD800, s9  }
0xf: {  	s9 =	sor.u32 $0x1C03, s31;
	s4 =	sadd.s32 $0x3800, s6;
	s6 =	sshrl.u32 s29, $0x3  }
0x10: {  	v0 =	vimm.f32 $1.000000000e+00;
	s6 =	sadd.s32 s7, s6;
	s7 =	smax.u32 s10, $0x1;
	s10 =	sshrl.u32 s30, $0x3  }
.LBB2_1:
0x11: {  	[tilespmem:s3], [sflag:$0x3] =	stream.linear.gather [hbm4b:s4+s3], $0x2800, $0x38;
	[tilespmem:$0x2C00] =	vst v63  }
0x12: {  	_ =	swait.ge [sflag:s8], $0x2800  }
0x13: {  	[sflag:s8] =	ssyncset.done $0x0  }
0x14: {  	[sflag:s8] =	ssyncadd.s32 $0xFFFFD800  }
0x15: {  	[spmem:s10], [sflag:s9] =	dma.local [hbm:s5], $0x50  }
0x16: {  	_ =	swait.ge [sflag:s8], $0x50  }
0x17: {  	[sflag:s8] =	ssyncset.done $0x0  }
0x18: {  	[sflag:s8] =	ssyncadd.s32 $0xFFFFFFB0  }
0x19: {  	[tilespmem:$0x2900] =	vst v0  }
0x1a: {  	[tilespmem:$0x2910] =	vst v0  }
0x1b: {  	[tilespmem:$0x2920] =	vst v0  }
0x1c: {  	[tilespmem:$0x2930] =	vst v0  }
0x1d: {  	[tilespmem:$0x2940] =	vst v0  }
0x1e: {  	[tilespmem:$0x2950] =	vst v0  }
0x1f: {  	[tilespmem:$0x2960] =	vst v0  }
0x20: {  	[tilespmem:$0x2970] =	vst v0  }
0x21: {  	[bflag:$0x0] =	sbarrier.arrive $0xFFFF  }
0x22: {  	v1 =	vld [tilespmem:$0x0]  }
0x23: {  	v2 =	vld [tilespmem:$0x10]  }
0x24: {  	v3 =	vld [tilespmem:$0x20]  }
0x25: {  	v4 =	vld [tilespmem:$0x30]  }
0x26: {  	v5 =	vld [tilespmem:$0x40]  }
0x27: {  	v6 =	vld [tilespmem:$0x50];
	v1 =	vshrl.u32 v1, $0x10  }
0x28: {  	[tilespmem:$0x2800] =	vst v1;
	v1 =	vshrl.u32 v2, $0x10;
	v2 =	vld [tilespmem:$0x60]  }
0x29: {  	[tilespmem:$0x2810] =	vst v1;
	v1 =	vshrl.u32 v3, $0x10;
	v3 =	vld [tilespmem:$0x70]  }
0x2a: {  	[tilespmem:$0x2820] =	vst v1;
	v1 =	vshrl.u32 v4, $0x10  }
0x2b: {  	[tilespmem:$0x2830] =	vst v1;
	v1 =	vshrl.u32 v5, $0x10  }
0x2c: {  	[tilespmem:$0x2840] =	vst v1;
	v1 =	vshrl.u32 v6, $0x10  }
0x2d: {  	[tilespmem:$0x2850] =	vst v1;
	v1 =	vshrl.u32 v2, $0x10  }
0x2e: {  	[tilespmem:$0x2860] =	vst v1;
	v1 =	vshrl.u32 v3, $0x10  }
0x2f: {  	[tilespmem:$0x2870] =	vst v1  }
0x30: {  	[spmem:s2] =	stream.indirect.scatter.add.f32 [tilespmem:s13], [sflag:$0x1], $0x1, s12, s11, $0xb8;
	[tilespmem:$0x2C00] =	vst v63  }
0x31: {  	v1 =	vld [tilespmem:$0x80]  }
0x32: {  	v2 =	vld [tilespmem:$0x90]  }
0x33: {  	v3 =	vld [tilespmem:$0xA0]  }
0x34: {  	v61 =	vld [tilespmem:$0xB0]  }
0x35: {  	v62 =	vld [tilespmem:$0xC0]  }
0x36: {  	v63 =	vld [tilespmem:$0xD0];
	v1 =	vshrl.u32 v1, $0x10  }
0x37: {  	[tilespmem:$0x2880] =	vst v1;
	v1 =	vshrl.u32 v2, $0x10;
	v2 =	vld [tilespmem:$0xE0]  }
0x38: {  	[tilespmem:$0x2890] =	vst v1;
	v1 =	vshrl.u32 v3, $0x10;
	v3 =	vld [tilespmem:$0xF0]  }
0x39: {  	[tilespmem:$0x28A0] =	vst v1;
	v1 =	vshrl.u32 v61, $0x10  }
0x3a: {  	[tilespmem:$0x28B0] =	vst v1;
	v1 =	vshrl.u32 v62, $0x10  }
0x3b: {  	[tilespmem:$0x28C0] =	vst v1;
	v1 =	vshrl.u32 v63, $0x10  }
0x3c: {  	[tilespmem:$0x28D0] =	vst v1;
	v1 =	vshrl.u32 v2, $0x10  }
0x3d: {  	[tilespmem:$0x28E0] =	vst v1;
	v1 =	vshrl.u32 v3, $0x10  }
0x3e: {  	[tilespmem:$0x28F0] =	vst v1  }
0x3f: {  	[spmem:s2] =	stream.indirect.scatter.add.f32 [tilespmem:s13], [sflag:$0x2], $0x1, s14, s11, $0xb8;
	[tilespmem:$0x2C00] =	vst v63  }
0x40: {  	_ =	swait.ge [sflag:s15], $0x80  }
0x41: {  	[sflag:s15] =	ssyncset.done $0x0  }
0x42: {  	s20 =	simm.s32 $0x1F0;
	[sflag:s15] =	ssyncadd.s32 $0xFFFFFF80  }
0x43: {  	v1 =	vld [tilespmem:s20+$0xFFFFFF10];
	_ =	sdelay $0x4  }
0x44: {  	v1 =	vshrl.u32 v1, $0x10  }
0x45: {  	[tilespmem:$0x2800] =	vst v1  }
0x46: {  	v1 =	vld [tilespmem:s20+$0xFFFFFF20];
	_ =	sdelay $0x4  }
0x47: {  	v1 =	vshrl.u32 v1, $0x10  }
0x48: {  	[tilespmem:$0x2810] =	vst v1  }
0x49: {  	v1 =	vld [tilespmem:s20+$0xFFFFFF30];
	_ =	sdelay $0x4  }
0x4a: {  	v1 =	vshrl.u32 v1, $0x10  }
0x4b: {  	[tilespmem:$0x2820] =	vst v1  }
0x4c: {  	v1 =	vld [tilespmem:s20+$0xFFFFFF40];
	_ =	sdelay $0x4  }
0x4d: {  	v1 =	vshrl.u32 v1, $0x10  }
0x4e: {  	[tilespmem:$0x2830] =	vst v1  }
0x4f: {  	v1 =	vld [tilespmem:s20+$0xFFFFFF50];
	_ =	sdelay $0x4  }
0x50: {  	v1 =	vshrl.u32 v1, $0x10  }
0x51: {  	[tilespmem:$0x2840] =	vst v1  }
0x52: {  	v1 =	vld [tilespmem:s20+$0xFFFFFF60];
	_ =	sdelay $0x4  }
0x53: {  	v1 =	vshrl.u32 v1, $0x10  }
0x54: {  	[tilespmem:$0x2850] =	vst v1  }
0x55: {  	v1 =	vld [tilespmem:s20+$0xFFFFFF70];
	_ =	sdelay $0x4  }
0x56: {  	v1 =	vshrl.u32 v1, $0x10  }
0x57: {  	[tilespmem:$0x2860] =	vst v1  }
0x58: {  	v1 =	vld [tilespmem:s20+$0xFFFFFF80];
	_ =	sdelay $0x4  }
0x59: {  	v1 =	vshrl.u32 v1, $0x10  }
0x5a: {  	[tilespmem:$0x2870] =	vst v1  }
0x5b: {  	[spmem:s2] =	stream.indirect.scatter.add.f32 [tilespmem:s13], [sflag:$0x1], $0x1, s12, s11, $0xb8;
	[tilespmem:$0x2C00] =	vst v63  }
0x5c: {  	_ =	swait.ge [sflag:s16], $0x80  }
0x5d: {  	[sflag:s16] =	ssyncset.done $0x0  }
0x5e: {  	[sflag:s16] =	ssyncadd.s32 $0xFFFFFF80  }
0x5f: {  	v1 =	vld [tilespmem:s20+$0xFFFFFF90];
	_ =	sdelay $0x4  }
0x60: {  	v1 =	vshrl.u32 v1, $0x10  }
0x61: {  	[tilespmem:$0x2880] =	vst v1  }
0x62: {  	v1 =	vld [tilespmem:s20+$0xFFFFFFA0];
	_ =	sdelay $0x4  }
0x63: {  	v1 =	vshrl.u32 v1, $0x10  }
0x64: {  	[tilespmem:$0x2890] =	vst v1  }
0x65: {  	v1 =	vld [tilespmem:s20+$0xFFFFFFB0];
	_ =	sdelay $0x4  }
0x66: {  	v1 =	vshrl.u32 v1, $0x10  }
0x67: {  	[tilespmem:$0x28A0] =	vst v1  }
0x68: {  	v1 =	vld [tilespmem:s20+$0xFFFFFFC0];
	_ =	sdelay $0x4  }
0x69: {  	v1 =	vshrl.u32 v1, $0x10  }
0x6a: {  	[tilespmem:$0x28B0] =	vst v1  }
0x6b: {  	v1 =	vld [tilespmem:s20+$0xFFFFFFD0];
	_ =	sdelay $0x4  }
0x6c: {  	v1 =	vshrl.u32 v1, $0x10  }
0x6d: {  	[tilespmem:$0x28C0] =	vst v1  }
0x6e: {  	v1 =	vld [tilespmem:s20+$0xFFFFFFE0];
	_ =	sdelay $0x4  }
0x6f: {  	v1 =	vshrl.u32 v1, $0x10  }
0x70: {  	[tilespmem:$0x28D0] =	vst v1  }
0x71: {  	v1 =	vld [tilespmem:s20+$0xFFFFFFF0];
	_ =	sdelay $0x4  }
0x72: {  	v1 =	vshrl.u32 v1, $0x10  }
0x73: {  	[tilespmem:$0x28E0] =	vst v1  }
0x74: {  	v1 =	vld [tilespmem:s20+$0x0];
	_ =	sdelay $0x4  }
0x75: {  	v1 =	vshrl.u32 v1, $0x10  }
0x76: {  	s20 =	simm.s32 $0xBC0;
	[tilespmem:$0x28F0] =	vst v1  }
.LBB2_2:
0x77: {  	[spmem:s2] =	stream.indirect.scatter.add.f32 [tilespmem:s13], [sflag:$0x2], $0x1, s14, s11, $0xb8;
	[tilespmem:$0x2C00] =	vst v63  }
0x78: {  	s21 =	smov.u32 s20  }
0x79: {  	p0 =	sne.s32 s20, $0x9FC0;
	s20 =	sadd.s32 $0x400, s20;
	_ =	swait.ge [sflag:s15], $0x80  }
0x7a: {  	[sflag:s15] =	ssyncset.done $0x0  }
0x7b: {  	s21 =	sshra.s32 s21, $0x2;
	[sflag:s15] =	ssyncadd.s32 $0xFFFFFF80  }
0x7c: {  	v1 =	vld [tilespmem:s21+$0xFFFFFF10];
	_ =	sdelay $0x4  }
0x7d: {  	v1 =	vshrl.u32 v1, $0x10  }
0x7e: {  	[tilespmem:$0x2800] =	vst v1  }
0x7f: {  	v1 =	vld [tilespmem:s21+$0xFFFFFF20];
	_ =	sdelay $0x4  }
0x80: {  	v1 =	vshrl.u32 v1, $0x10  }
0x81: {  	[tilespmem:$0x2810] =	vst v1  }
0x82: {  	v1 =	vld [tilespmem:s21+$0xFFFFFF30];
	_ =	sdelay $0x4  }
0x83: {  	v1 =	vshrl.u32 v1, $0x10  }
0x84: {  	[tilespmem:$0x2820] =	vst v1  }
0x85: {  	v1 =	vld [tilespmem:s21+$0xFFFFFF40];
	_ =	sdelay $0x4  }
0x86: {  	v1 =	vshrl.u32 v1, $0x10  }
0x87: {  	[tilespmem:$0x2830] =	vst v1  }
0x88: {  	v1 =	vld [tilespmem:s21+$0xFFFFFF50];
	_ =	sdelay $0x4  }
0x89: {  	v1 =	vshrl.u32 v1, $0x10  }
0x8a: {  	[tilespmem:$0x2840] =	vst v1  }
0x8b: {  	v1 =	vld [tilespmem:s21+$0xFFFFFF60];
	_ =	sdelay $0x4  }
0x8c: {  	v1 =	vshrl.u32 v1, $0x10  }
0x8d: {  	[tilespmem:$0x2850] =	vst v1  }
0x8e: {  	v1 =	vld [tilespmem:s21+$0xFFFFFF70];
	_ =	sdelay $0x4  }
0x8f: {  	v1 =	vshrl.u32 v1, $0x10  }
0x90: {  	[tilespmem:$0x2860] =	vst v1  }
0x91: {  	v1 =	vld [tilespmem:s21+$0xFFFFFF80];
	_ =	sdelay $0x4  }
0x92: {  	v1 =	vshrl.u32 v1, $0x10  }
0x93: {  	[tilespmem:$0x2870] =	vst v1  }
0x94: {  	[spmem:s2] =	stream.indirect.scatter.add.f32 [tilespmem:s13], [sflag:$0x1], $0x1, s12, s11, $0xb8;
	[tilespmem:$0x2C00] =	vst v63  }
0x95: {  	_ =	swait.ge [sflag:s16], $0x80  }
0x96: {  	[sflag:s16] =	ssyncset.done $0x0  }
0x97: {  	[sflag:s16] =	ssyncadd.s32 $0xFFFFFF80  }
0x98: {  	v1 =	vld [tilespmem:s21+$0xFFFFFF90];
	_ =	sdelay $0x4  }
0x99: {  	v1 =	vshrl.u32 v1, $0x10  }
0x9a: {  	[tilespmem:$0x2880] =	vst v1  }
0x9b: {  	v1 =	vld [tilespmem:s21+$0xFFFFFFA0];
	_ =	sdelay $0x4  }
0x9c: {  	v1 =	vshrl.u32 v1, $0x10  }
0x9d: {  	[tilespmem:$0x2890] =	vst v1  }
0x9e: {  	v1 =	vld [tilespmem:s21+$0xFFFFFFB0];
	_ =	sdelay $0x4  }
0x9f: {  	v1 =	vshrl.u32 v1, $0x10  }
0xa0: {  	[tilespmem:$0x28A0] =	vst v1  }
0xa1: {  	v1 =	vld [tilespmem:s21+$0xFFFFFFC0];
	_ =	sdelay $0x4  }
0xa2: {  	v1 =	vshrl.u32 v1, $0x10  }
0xa3: {  	[tilespmem:$0x28B0] =	vst v1  }
0xa4: {  	v1 =	vld [tilespmem:s21+$0xFFFFFFD0];
	_ =	sdelay $0x4  }
0xa5: {  	v1 =	vshrl.u32 v1, $0x10  }
0xa6: {  	[tilespmem:$0x28C0] =	vst v1  }
0xa7: {  	v1 =	vld [tilespmem:s21+$0xFFFFFFE0];
	_ =	sdelay $0x4  }
0xa8: {  	v1 =	vshrl.u32 v1, $0x10  }
0xa9: {  	[tilespmem:$0x28D0] =	vst v1  }
0xaa: {  	v1 =	vld [tilespmem:s21+$0xFFFFFFF0];
	_ =	sdelay $0x4  }
0xab: {  	v1 =	vshrl.u32 v1, $0x10  }
0xac: {  	[tilespmem:$0x28E0] =	vst v1  }
0xad: {  	v1 =	vld [tilespmem:s21+$0x0];
	_ =	sdelay $0x1  }
.Ltmp0:
0xae: {  	(pc) =	sbr.rel @p0 .LBB2_2-.Ltmp0, $3  }
0xaf: {  	_ =	sdelay $0x1  }
0xb0: {  	v1 =	vshrl.u32 v1, $0x10  }
0xb1: {  	[tilespmem:$0x28F0] =	vst v1  }
0xb2: {  	[spmem:s2] =	stream.indirect.scatter.add.f32 [tilespmem:s13], [sflag:$0x2], $0x1, s14, s11, $0xb8;
	[tilespmem:$0x2C00] =	vst v63  }
0xb3: {  	_ =	swait.ge [sflag:s15], $0x80  }
0xb4: {  	[sflag:s15] =	ssyncset.done $0x0  }
0xb5: {  	[sflag:s15] =	ssyncadd.s32 $0xFFFFFF80  }
0xb6: {  	_ =	swait.ge [sflag:s16], $0x80  }
0xb7: {  	s19 =	sadd.s32 $0x1, s19;
	[sflag:s16] =	ssyncset.done $0x0  }
0xb8: {  	p0 =	sne.s32 s19, s7;
	[sflag:s16] =	ssyncadd.s32 $0xFFFFFF80  }
.Ltmp1:
0xb9: {  	[bflag:$0x0] =	sbarrier.arrive $0xFFFF;
	(pc) =	sbr.rel @p0 .LBB2_1-.Ltmp1, $4  }
0xba: {  	[hbm:s6@s17], [sflag:s9] =	dma.strided [spmem:s10@s18], $0x50, s15, $0x10   }
0xbb: {  	_ =	swait.ge [sflag:s8], $0x50  }
0xbc: {  	[sflag:s8] =	ssyncset.done $0x0  }
0xbd: {  	[sflag:s8] =	ssyncadd.s32 $0xFFFFFFB0  }
0xbe: {  	_ =	sfence.sel $0x180000  }
0xbf: {  	[bflag:$0x0] =	sbarrier.arrive $0xFFFF  }
0xc0: {  	p0 =	sne.s32 s0, $0x0;
	_ =	strace $0x90000047  }
0xc1: {  	s0 =	sadd.s32 @!p0 $0x100000, s1;
	[bflag:$0x2] =	sbarrier.arrive $0xFFFF  }
0xc2: {  	[sflag:s0] =	ssyncadd.tile.s32 @!p0 $0x1;
	_ =	shalt  }
.Lfunc_end2:
_tile_overlayer_lowered:
.L_overlay_start_2:
0xc3: {  	(tag) =	ssettag $0x2  }
0xc4: {  	s0 =	rddreg [dreg:$0x0];
	s2 =	stileid.u32  }
0xc5: {  	s1 =	rddreg [dreg:$0x1];
	p0 =	sne.s32 s2, $0x0  }
0xc6: {  	s3 =	rddreg [dreg:$0x2];
	[bflag:$0x3] =	sbarrier.arrive $0xFFFF;
	s2 =	simm.s32 @!p0 $0x1C03  }
0xc7: {  	[timem:s3], [sflag:s2] =	dma.local @!p0 [hbm:s0], s1  }
0xc8: {  	s0 =	simm.s32 @!p0 $0x3  }
0xc9: {  	_ =	swait.ge @!p0 [sflag:s0], s1  }
0xca: {  	s1 =	ssub.s32 @!p0 $0x0, s1;
	[sflag:s0] =	ssyncset.done @!p0 $0x0  }
0xcb: {  	[sflag:s0] =	ssyncadd.s32 @!p0 s1  }
0xcc: {  	[bflag:$0x3] =	sbarrier.arrive $0xFFFF  }
0xcd: {  	_ =	shalt  }

// kernel: kernel.14.cloned.1.call-start
scs
__scs_entry_jumppad:
0x0: {  	(pc) =	sbr.rel $0x88, $3  }
0x1: {  	(tag) =	ssettag $0x0;
	lr =	simm.s32 $0x1  }
0x2: {  	[smem:$0x3F99] =	sst lr;
	_ =	strace $0xD0000000  }
0x3: {  	_ = 	snop  }
0x4: {  	_ = 	snop  }
0x5: {  	_ = 	snop  }
0x6: {  	_ = 	snop  }
0x7: {  	_ = 	snop  }
__scs_overlays_trampoline_lowered:
0x8: {  	[smem:$0x3FA8] =	sst s0  }
0x9: {  	[smem:$0x3FA9] =	sst s1  }
0xa: {  	[smem:$0x3FAA] =	sst s2  }
0xb: {  	[smem:$0x3FAB] =	sst s3  }
0xc: {  	[smem:$0x3FAC] =	sst s4  }
0xd: {  	[smem:$0x3FAD] =	sst s5  }
0xe: {  	[smem:$0x3FAE] =	sst s6  }
0xf: {  	[smem:$0x3FAF] =	sst s7  }
0x10: {  	[smem:$0x3FB0] =	sst s8  }
0x11: {  	[smem:$0x3FB1] =	sst s9;
	s0 =	simm.s32 @!p0 $0x0  }
0x12: {  	s1 =	sld [smem:$0x3F97];
	s0 =	simm.s32 @p0 $0x1  }
0x13: {  	[smem:$0x3FB2] =	sst s0;
	s0 =	simm.s32 @!p1 $0x0  }
0x14: {  	s2 =	sld [smem:$0x3F96];
	s0 =	simm.s32 @p1 $0x1  }
0x15: {  	[smem:$0x3FB3] =	sst s0;
	s0 =	simm.s32 @!p2 $0x0  }
0x16: {  	s3 =	sld [smem:$0x3FDB];
	s0 =	simm.s32 @p2 $0x1  }
0x17: {  	s4 =	simm.s32 $0x1BF5;
	[smem:$0x3FB5] =	sst s0  }
0x18: {  	s0 =	sld [smem:$0x3F98];
	_ =	swait.ge [sflag:s4], $0x0  }
0x19: {  	s7 =	sld [smem:$0x3F99]  }
0x1a: {  	s8 =	sadd.s32 $0xFFFFE003, lr  }
0x1b: {  	s9 =	sadd.s32 $0xFFFFFEF7, lr;
	s5 =	simm.s32 $0xFFFFFFFF;
	p2 =	slt.u32 s8, $0xFFFFF086  }
0x1c: {  	p1 =	slt.u32 s9, $0xF7A;
	s5 =	simm.s32 @!p2 $0x0  }
0x1d: {  	s5 =	simm.s32 @p1 $0x1;
	p0 =	seq.s32 s7, s2  }
0x1e: {  	s7 =	smul.u32 @!p0 $0xF7A, s2;
	p2 =	seq.s32 @!p0 s5, $0x0  }
0x1f: {  	s9 =	smul.u32 $0xF7A, s1;
	s8 =	simm.s32 @!p0 $0x1BF5;
	p2 =	por !p2, p0  }
0x20: {  	[sflag:s8] =	ssyncset.s32 @!p0 $0xFFFFF086;
	s6 =	sadd.s32 @!p0 s3, s7;
	s7 =	simm.s32 @!p0 $0x108  }
0x21: {  	s3 =	sadd.s32 s3, s9;
	s6 =	sadd.s32 @!p0 $0x88, s6;
	s7 =	simm.s32 @p2 $0x1082  }
0x22: {  	[simem:s7], [sflag:s8] =	dma.local @!p0 [hbm:s6], $0xF7A  }
0x23: {  	s9 =	sor.u32 $0xD0000000, s2;
	s6 =	simm.s32 $0x108;
	_ =	swait.ge @!p0 [sflag:s8], $0x0  }
0x24: {  	s3 =	sadd.s32 $0x88, s3;
	s6 =	simm.s32 @!p1 $0x1082;
	[sflag:s4] =	ssyncset.s32 $0xFFFFF086  }
0x25: {  	[simem:s6], [sflag:s4] =	dma.local [hbm:s3], $0xF7A  }
0x26: {  	[smem:$0x3F99] =	sst s1;
	(tag) =	ssettag s2;
	_ =	strace s9  }
0x27: {  	s1 =	sld [smem:$0x3FA9]  }
0x28: {  	s2 =	sld [smem:$0x3FAA]  }
0x29: {  	s4 =	sld [smem:$0x3FAC]  }
0x2a: {  	p0 =	seq.s32 s5, $0x0;
	s5 =	sld [smem:$0x3FAD]  }
0x2b: {  	s6 =	sld [smem:$0x3FAE]  }
0x2c: {  	s7 =	sld [smem:$0x3FAF]  }
0x2d: {  	s3 =	simm.s32 $0x108;
	s8 =	sld [smem:$0x3FB0]  }
0x2e: {  	s3 =	simm.s32 @!p0 $0x1082;
	s9 =	sld [smem:$0x3FB1]  }
0x2f: {  	lr =	sadd.s32 s0, s3;
	s0 =	sld [smem:$0x3FA8]  }
0x30: {  	s3 =	sld [smem:$0x3FAB]  }
0x31: {  	[smem:$0x3FB4] =	sst s10  }
0x32: {  	s10 =	sld [smem:$0x3FB2];
	_ =	sdelay $0x3  }
0x33: {  	p0 =	seq.s32 s10, $0x1;
	s10 =	sld [smem:$0x3FB4];
	_ =	sdelay $0x3  }
0x34: {  	[smem:$0x3FB4] =	sst s10  }
0x35: {  	s10 =	sld [smem:$0x3FB3];
	_ =	sdelay $0x3  }
0x36: {  	p1 =	seq.s32 s10, $0x1;
	s10 =	sld [smem:$0x3FB4];
	_ =	sdelay $0x3  }
0x37: {  	[smem:$0x3FB4] =	sst s10  }
0x38: {  	s10 =	sld [smem:$0x3FB5]  }
0x39: {  	_ = 	snop;
	(pc) =	sbr.ind lr, $3  }
0x3a: {  	_ = 	snop  }
0x3b: {  	_ = 	snop  }
0x3c: {  	p2 =	seq.s32 s10, $0x1;
	s10 =	sld [smem:$0x3FB4]  }
0x3d: {  	_ =	shalt  }
0x3e: {  	_ =	shalt  }
0x3f: {  	_ =	shalt  }
0x40: {  	_ =	shalt  }
0x41: {  	_ =	shalt  }
0x42: {  	_ =	shalt  }
0x43: {  	_ =	shalt  }
0x44: {  	_ =	shalt  }
0x45: {  	_ =	shalt  }
0x46: {  	_ =	shalt  }
0x47: {  	_ =	shalt  }
0x48: {  	_ =	shalt  }
0x49: {  	_ =	shalt  }
0x4a: {  	_ =	shalt  }
0x4b: {  	_ =	shalt  }
0x4c: {  	_ =	shalt  }
0x4d: {  	_ =	shalt  }
0x4e: {  	_ =	shalt  }
0x4f: {  	_ =	shalt  }
0x50: {  	_ =	shalt  }
0x51: {  	_ =	shalt  }
0x52: {  	_ =	shalt  }
0x53: {  	_ =	shalt  }
0x54: {  	_ =	shalt  }
0x55: {  	_ =	shalt  }
0x56: {  	_ =	shalt  }
0x57: {  	_ =	shalt  }
0x58: {  	_ =	shalt  }
0x59: {  	_ =	shalt  }
0x5a: {  	_ =	shalt  }
0x5b: {  	_ =	shalt  }
0x5c: {  	_ =	shalt  }
0x5d: {  	_ =	shalt  }
0x5e: {  	_ =	shalt  }
0x5f: {  	_ =	shalt  }
0x60: {  	_ =	shalt  }
0x61: {  	_ =	shalt  }
0x62: {  	_ =	shalt  }
0x63: {  	_ =	shalt  }
0x64: {  	_ =	shalt  }
0x65: {  	_ =	shalt  }
0x66: {  	_ =	shalt  }
0x67: {  	_ =	shalt  }
0x68: {  	_ =	shalt  }
0x69: {  	_ =	shalt  }
0x6a: {  	_ =	shalt  }
0x6b: {  	_ =	shalt  }
0x6c: {  	_ =	shalt  }
0x6d: {  	_ =	shalt  }
0x6e: {  	_ =	shalt  }
0x6f: {  	_ =	shalt  }
0x70: {  	_ =	shalt  }
0x71: {  	_ =	shalt  }
0x72: {  	_ =	shalt  }
0x73: {  	_ =	shalt  }
0x74: {  	_ =	shalt  }
0x75: {  	_ =	shalt  }
0x76: {  	_ =	shalt  }
0x77: {  	_ =	shalt  }
0x78: {  	_ =	shalt  }
0x79: {  	_ =	shalt  }
0x7a: {  	_ =	shalt  }
0x7b: {  	_ =	shalt  }
0x7c: {  	_ =	shalt  }
0x7d: {  	_ =	shalt  }
0x7e: {  	_ =	shalt  }
0x7f: {  	_ =	shalt  }
0x80: {  	_ =	shalt  }
0x81: {  	_ =	shalt  }
0x82: {  	_ =	shalt  }
0x83: {  	_ =	shalt  }
0x84: {  	_ =	shalt  }
0x85: {  	_ =	shalt  }
0x86: {  	_ =	shalt  }
0x87: {  	_ =	shalt  }
.Lfunc_end0:
.L_simem_size_0:
called_computation.1_lowered:
.L_overlay_start_0:
0x88: {  	s2 =	sld [smem:$0x3FD9]  }
0x89: {  	s3 =	sld [smem:$0x3FFE];
	_ =	sdelay $0x1  }
0x8a: {  	s1 =	srdreg.scid  }
0x8b: {  	s0 =	sand.u32 $0x1, s1  }
0x8c: {  	s17 =	sshll.u32 s0, $0xA;
	s2 =	sadd.s32 s3, s2  }
0x8d: {  	s2 =	sadd.s32 s2, s17  }
0x8e: {  	[smem:$0x3FC0] =	sst s2  }
0x8f: {  	_ = 	snop  }
0x90: {  	s2 =	sld [smem:$0x3FD0];
	(tm) =	ssettm $0x1  }
0x91: {  	s18 =	sld [smem:$0x3FFB];
	_ =	sdelay $0x3  }
0x92: {  	_ =	strace s18  }
0x93: {  	s3 =	sld [smem:$0x3FFC];
	_ =	sdelay $0x3  }
0x94: {  	_ =	strace s3  }
0x95: {  	s3 =	sld [smem:$0x3FFD];
	_ =	sdelay $0x3  }
0x96: {  	_ =	strace s3  }
0x97: {  	_ =	strace $0x8FFFFFFF  }
0x98: {  	s19 =	sld [smem:$0x3FDB];
	_ =	sdelay $0x1  }
0x99: {  	s4 =	simm.s32 $_scs_section_size  }
0x9a: {  	s5 =	simm.s32 $_size__tile_overlayer_lowered;
	s6 =	simm.s32 $_tile_overlayer_lowered  }
0x9b: {  	s22 =	simm.s32 $0x1BFF;
	s21 =	sshll.u32 s6, $0x1;
	s3 =	sadd.s32 s4, s19  }
0x9c: {  	s7 =	simm.s32 $0x0;
	s20 =	sshll.u32 s5, $0x1;
	s5 =	sadd.s32 s21, s3  }
0x9d: {  	[timem:s7], [sflag:s22] =	dma.local [hbm:s5], s20  }
0x9e: {  	_ =	swait.ge [sflag:s22], s20  }
0x9f: {  	s4 =	ssub.s32 $0x0, s20;
	[sflag:s22] =	ssyncset.done $0x0  }
0xa0: {  	[sflag:s22] =	ssyncadd.s32 s4;
	_ =	sdelay $0x1  }
0xa1: {  	s23 =	simm.s32 $0x1B8B  }
0xa2: {  	_ =	swait.ge [sflag:s23], $0x1  }
0xa3: {  	[sflag:s23] =	ssyncset.done $0x0  }
0xa4: {  	s25 =	simm.s32 $0x1B8E;
	s24 =	sld [smem:$0x3FFE];
	[sflag:s23] =	ssyncadd.s32 $0xFFFFFFFF  }
0xa5: {  	s26 =	simm.s32 $execute0_lowered;
	[smem:$0x3FD2] =	sst s25  }
0xa6: {  	s5 =	sshll.u32 s26, $0x1;
	_ =	strace $0x80000049;
	[dreg:$0x1] =	wrdreg $0xFFFFFFFF  }
0xa7: {  	s28 =	simm.s32 $_size_execute0_lowered;
	s3 =	sadd.s32 s3, s5;
	[dreg:$0x0] =	wrdreg $0x0  }
0xa8: {  	s5 =	sshll.u32 s28, $0x1;
	[dreg:$0x2] =	wrdreg s3  }
0xa9: {  	[dreg:$0x3] =	wrdreg s5  }
0xaa: {  	[dreg:$0x4] =	wrdreg $0xC0  }
0xab: {  	_ =	task [dreg:s7], $0x5FFFF  }
0xac: {  	[dreg:$0x1] =	wrdreg $0xFFFFFFFF  }
0xad: {  	[dreg:$0x0] =	wrdreg $0x60  }
0xae: {  	[dreg:$0x2] =	wrdreg s2  }
0xaf: {  	[dreg:$0x3] =	wrdreg s24  }
0xb0: {  	[dreg:$0x4] =	wrdreg $0xAA000  }
0xb1: {  	[dreg:$0x5] =	wrdreg $0x9  }
0xb2: {  	_ =	task.clear_ibuf [dreg:s7], $0x6FFFF;
	_ =	strace $0x90000049  }
0xb3: {  	s29 =	simm.s32 $0x9;
	_ =	strace $0x8000004B  }
0xb4: {  	_ =	swait.ge [sflag:s29], $0x1  }
0xb5: {  	[sflag:s29] =	ssyncadd.s32 $0xFFFFFFFF  }
0xb6: {  	_ =	strace $0x9000004B  }
0xb7: {  	_ =	sfence  }
0xb8: {  	s30 =	sld [smem:$0x0];
	_ =	sdelay $0x2  }
0xb9: {  	s31 =	sshll.u32 s1, $0xD;
	s1 =	sshrl.u32 s1, $0x2  }
0xba: {  	s3 =	sand.u32 $0x4000, s31;
	s1 =	sadd.s32 s1, s30  }
0xbb: {  	s0 =	sor.u32 s3, s0;
	s1 =	sshll.u32 s1, $0x11  }
0xbc: {  	s0 =	sor.u32 s1, s0  }
0xbd: {  	s0 =	sadd.s32 $0x8F2B, s0  }
0xbe: {  	[sflag:s0] =	ssyncadd.remote.s32 $0x1  }
0xbf: {  	_ =	sfence.sel $0xFFFF  }
0xc0: {  	[dreg:$0x0] =	wrdreg $0xFFFFFFFF;
	(pc) =	sbr.abs _section_cstart, $3  }
0xc1: {  	[dreg:$0x1] =	wrdreg $0xFFFFFFFF  }
0xc2: {  	_ =	task.clear_ibuf [dreg:s7], $0x2FFFF;
	_ =	strace $0x9FFFFFFF  }
0xc3: {  	(tm) =	ssettm $0x7FFFFFFF  }
tec
execute0_lowered:
.L_overlay_start_1:
0x0: {  	(tag) =	ssettag $0x1  }
0x1: {  	s1 =	rddreg [dreg:$0x0]  }
0x2: {  	s6 =	rddreg [dreg:$0x1]  }
0x3: {  	s3 =	rddreg [dreg:$0x2]  }
0x4: {  	s0 =	srdreg.scid;
	s2 =	rddreg [dreg:$0x3];
	s4 =	simm.s32 $0x0  }
0x5: {  	s11 =	simm.s32 $0x1;
	s12 =	simm.s32 $0x2;
	s13 =	simm.s32 $0x80  }
0x6: {  	s14 =	simm.s32 $0x2800;
	s15 =	simm.s32 $0x2A00;
	s5 =	sand.u32 $0x1, s0  }
0x7: {  	s16 =	simm.s32 $0x2900;
	s0 =	stileid.u32;
	s7 =	smul.u32 $0x28000, s5  }
0x8: {  	s17 =	simm.s32 $0x6A00;
	s18 =	simm.s32 $0x2880;
	s8 =	smul.u32 $0x2800, s0  }
0x9: {  	s19 =	simm.s32 $0x3;
	s20 =	simm.s32 $0x2980;
	s9 =	smul.u32 $0x140000, s5  }
0xa: {  	s22 =	simm.s32 $0x0;
	[smem:$0x7FF] =	sst s4;
	s29 =	smul.u32 $0x14000, s0  }
0xb: {  	_ =	strace $0x8000004A;
	s30 =	ssub.s32 $0x2, s5;
	s10 =	smul.u32 $0x50000, s0  }
0xc: {  	s5 =	sadd.s32 $0xD800, s6;
	s21 =	sshll.u32 s0, $0x6;
	s31 =	sshrl.u32 s30, $0x1  }
0xd: {  	s7 =	sadd.s32 s8, s7;
	s8 =	sadd.s32 s29, s9;
	s9 =	ssub.s32 s30, s31  }
0xe: {  	s10 =	sshrl.u32 s10, $0x2;
	s7 =	sshrl.u32 s7, $0x3;
	s8 =	sshrl.u32 s8, $0x3  }
0xf: {  	s10 =	sadd.s32 s10, s3;
	s9 =	smax.u32 s9, $0x1;
	s7 =	sadd.s32 s7, s6  }
0x10: {  	s8 =	sadd.s32 s8, s6;
	s10 =	sshrl.u32 s10, $0x3;
	s6 =	sadd.s32 $0x3800, s7  }
0x11: {  	s7 =	sor.u32 $0x1C02, s21;
	s8 =	sadd.s32 $0x10000, s8;
	s21 =	sor.u32 $0x1C03, s21  }
.LBB2_1:
0x12: {  	[tilespmem:s4], [sflag:$0x1] =	stream.linear.gather [hbm4b:s6+s4], $0x2800, $0x38;
	[tilespmem:$0x1EA00] =	vst v63  }
0x13: {  	[spmem:s10], [sflag:s7] =	dma.local [hbm:s5], $0x2800  }
0x14: {  	_ =	swait.ge [sflag:s11], $0x2800  }
0x15: {  	[sflag:s11] =	ssyncset.done $0x0  }
0x16: {  	[sflag:s11] =	ssyncadd.s32 $0xFFFFD800  }
0x17: {  	_ =	swait.ge [sflag:s12], $0x2800  }
0x18: {  	[sflag:s12] =	ssyncset.done $0x0  }
0x19: {  	[sflag:s12] =	ssyncadd.s32 $0xFFFFD800  }
0x1a: {  	[bflag:$0x0] =	sbarrier.arrive $0xFFFF  }
0x1b: {  	v0 =	vld [tilespmem:$0x0]  }
0x1c: {  	v1 =	vld [tilespmem:$0x10]  }
0x1d: {  	v2 =	vld [tilespmem:$0x20]  }
0x1e: {  	v3 =	vld [tilespmem:$0x30]  }
0x1f: {  	v4 =	vld [tilespmem:$0x40]  }
0x20: {  	v5 =	vld [tilespmem:$0x50];
	v0 =	vand.u32 $0xFFFF, v0  }
0x21: {  	v40 =	vld [tilespmem:$0x60];
	v39 =	vand.u32 $0xFFFF, v1;
	[tilespmem:$0x2800] =	vst v0  }
0x22: {  	v42 =	vld [tilespmem:$0x70];
	v41 =	vand.u32 $0xFFFF, v2;
	[tilespmem:$0x2810] =	vst v39  }
0x23: {  	v44 =	vld [tilespmem:$0x0];
	v43 =	vand.u32 $0xFFFF, v3;
	[tilespmem:$0x2820] =	vst v41  }
0x24: {  	v46 =	vld [tilespmem:$0x10];
	v45 =	vand.u32 $0xFFFF, v4;
	[tilespmem:$0x2830] =	vst v43  }
0x25: {  	v48 =	vld [tilespmem:$0x20];
	v47 =	vand.u32 $0xFFFF, v5;
	[tilespmem:$0x2840] =	vst v45  }
0x26: {  	v50 =	vld [tilespmem:$0x30];
	v49 =	vand.u32 $0xFFFF, v40;
	[tilespmem:$0x2850] =	vst v47  }
0x27: {  	v52 =	vld [tilespmem:$0x40];
	v51 =	vand.u32 $0xFFFF, v42;
	[tilespmem:$0x2860] =	vst v49  }
0x28: {  	v54 =	vld [tilespmem:$0x50];
	v53 =	vshrl.u32 v44, $0x10;
	[tilespmem:$0x2870] =	vst v51  }
0x29: {  	v56 =	vld [tilespmem:$0x60];
	v55 =	vshrl.u32 v46, $0x10;
	[tilespmem:$0x2880] =	vst v53  }
0x2a: {  	v58 =	vld [tilespmem:$0x70];
	v57 =	vshrl.u32 v48, $0x10;
	[tilespmem:$0x2890] =	vst v55  }
0x2b: {  	v59 =	vshrl.u32 v50, $0x10;
	[tilespmem:$0x28A0] =	vst v57  }
0x2c: {  	v60 =	vshrl.u32 v52, $0x10;
	[tilespmem:$0x28B0] =	vst v59  }
0x2d: {  	v61 =	vshrl.u32 v54, $0x10;
	[tilespmem:$0x28C0] =	vst v60  }
0x2e: {  	v62 =	vshrl.u32 v56, $0x10;
	[tilespmem:$0x28D0] =	vst v61  }
0x2f: {  	v63 =	vshrl.u32 v58, $0x10;
	[tilespmem:$0x28E0] =	vst v62  }
0x30: {  	s23 =	simm.s32 $0x0;
	[tilespmem:$0x28F0] =	vst v63  }
0x31: {  	[tilespmem:s15], [sflag:$0x1] =	stream.indirect.gather [hbm4b:s1+s13], $0x80, s14, s13, $0xb8;
	[tilespmem:$0x1EA00] =	vst v63  }
0x32: {  	v0 =	vld [tilespmem:s23+$0x80];
	_ =	sdelay $0x4  }
0x33: {  	v0 =	vand.u32 $0xFFFF, v0  }
0x34: {  	[tilespmem:$0x2900] =	vst v0  }
0x35: {  	v0 =	vld [tilespmem:s23+$0x90];
	_ =	sdelay $0x4  }
0x36: {  	v0 =	vand.u32 $0xFFFF, v0  }
0x37: {  	[tilespmem:$0x2910] =	vst v0  }
0x38: {  	v0 =	vld [tilespmem:s23+$0xA0];
	_ =	sdelay $0x4  }
0x39: {  	v0 =	vand.u32 $0xFFFF, v0  }
0x3a: {  	[tilespmem:$0x2920] =	vst v0  }
0x3b: {  	v0 =	vld [tilespmem:s23+$0xB0];
	_ =	sdelay $0x4  }
0x3c: {  	v0 =	vand.u32 $0xFFFF, v0  }
0x3d: {  	[tilespmem:$0x2930] =	vst v0  }
0x3e: {  	v0 =	vld [tilespmem:s23+$0xC0];
	_ =	sdelay $0x4  }
0x3f: {  	v0 =	vand.u32 $0xFFFF, v0  }
0x40: {  	[tilespmem:$0x2940] =	vst v0  }
0x41: {  	v0 =	vld [tilespmem:s23+$0xD0];
	_ =	sdelay $0x4  }
0x42: {  	v0 =	vand.u32 $0xFFFF, v0  }
0x43: {  	[tilespmem:$0x2950] =	vst v0  }
0x44: {  	v0 =	vld [tilespmem:s23+$0xE0];
	_ =	sdelay $0x4  }
0x45: {  	v0 =	vand.u32 $0xFFFF, v0  }
0x46: {  	[tilespmem:$0x2960] =	vst v0  }
0x47: {  	v0 =	vld [tilespmem:s23+$0xF0];
	_ =	sdelay $0x4  }
0x48: {  	v0 =	vand.u32 $0xFFFF, v0  }
0x49: {  	[tilespmem:$0x2970] =	vst v0  }
0x4a: {  	v0 =	vld [tilespmem:s23+$0x80];
	_ =	sdelay $0x4  }
0x4b: {  	v0 =	vshrl.u32 v0, $0x10  }
0x4c: {  	[tilespmem:$0x2980] =	vst v0  }
0x4d: {  	v0 =	vld [tilespmem:s23+$0x90];
	_ =	sdelay $0x4  }
0x4e: {  	v0 =	vshrl.u32 v0, $0x10  }
0x4f: {  	[tilespmem:$0x2990] =	vst v0  }
0x50: {  	v0 =	vld [tilespmem:s23+$0xA0];
	_ =	sdelay $0x4  }
0x51: {  	v0 =	vshrl.u32 v0, $0x10  }
0x52: {  	[tilespmem:$0x29A0] =	vst v0  }
0x53: {  	v0 =	vld [tilespmem:s23+$0xB0];
	_ =	sdelay $0x4  }
0x54: {  	v0 =	vshrl.u32 v0, $0x10  }
0x55: {  	[tilespmem:$0x29B0] =	vst v0  }
0x56: {  	v0 =	vld [tilespmem:s23+$0xC0];
	_ =	sdelay $0x4  }
0x57: {  	v0 =	vshrl.u32 v0, $0x10  }
0x58: {  	[tilespmem:$0x29C0] =	vst v0  }
0x59: {  	v0 =	vld [tilespmem:s23+$0xD0];
	_ =	sdelay $0x4  }
0x5a: {  	v0 =	vshrl.u32 v0, $0x10  }
0x5b: {  	[tilespmem:$0x29D0] =	vst v0  }
0x5c: {  	v0 =	vld [tilespmem:s23+$0xE0];
	_ =	sdelay $0x4  }
0x5d: {  	v0 =	vshrl.u32 v0, $0x10  }
0x5e: {  	[tilespmem:$0x29E0] =	vst v0  }
0x5f: {  	v0 =	vld [tilespmem:s23+$0xF0];
	_ =	sdelay $0x4  }
0x60: {  	v0 =	vshrl.u32 v0, $0x10  }
0x61: {  	[tilespmem:$0x29F0] =	vst v0  }
0x62: {  	[tilespmem:s17], [sflag:$0x2] =	stream.indirect.gather [hbm4b:s1+s13], $0x80, s16, s13, $0xb8;
	[tilespmem:$0x1EA00] =	vst v63  }
0x63: {  	_ =	swait.ge [sflag:s11], $0x4000  }
0x64: {  	[sflag:s11] =	ssyncset.done $0x0  }
0x65: {  	[sflag:s11] =	ssyncadd.s32 $0xFFFFC000  }
0x66: {  	[spmem:s3] =	stream.indirect.scatter.add.f32 [tilespmem:s15], [sflag:$0x3], $0x80, s18, s13, $0xb8;
	[tilespmem:$0x1EA00] =	vst v63  }
0x67: {  	_ =	swait.ge [sflag:s19], $0x4000  }
0x68: {  	p0 =	por $0x0, $0x0;
	[sflag:s19] =	ssyncset.done $0x0  }
0x69: {  	s23 =	simm.s32 @!p0 $0x0;
	[sflag:s19] =	ssyncadd.s32 $0xFFFFC000  }
0x6a: {  	v0 =	vld @!p0 [tilespmem:s23+$0x100];
	_ =	sdelay $0x4  }
0x6b: {  	v0 =	vand.u32 @!p0 $0xFFFF, v0  }
0x6c: {  	[tilespmem:$0x2800] =	vst @!p0 v0  }
0x6d: {  	v0 =	vld @!p0 [tilespmem:s23+$0x110];
	_ =	sdelay $0x4  }
0x6e: {  	v0 =	vand.u32 @!p0 $0xFFFF, v0  }
0x6f: {  	[tilespmem:$0x2810] =	vst @!p0 v0  }
0x70: {  	v0 =	vld @!p0 [tilespmem:s23+$0x120];
	_ =	sdelay $0x4  }
0x71: {  	v0 =	vand.u32 @!p0 $0xFFFF, v0  }
0x72: {  	[tilespmem:$0x2820] =	vst @!p0 v0  }
0x73: {  	v0 =	vld @!p0 [tilespmem:s23+$0x130];
	_ =	sdelay $0x4  }
0x74: {  	v0 =	vand.u32 @!p0 $0xFFFF, v0  }
0x75: {  	[tilespmem:$0x2830] =	vst @!p0 v0  }
0x76: {  	v0 =	vld @!p0 [tilespmem:s23+$0x140];
	_ =	sdelay $0x4  }
0x77: {  	v0 =	vand.u32 @!p0 $0xFFFF, v0  }
0x78: {  	[tilespmem:$0x2840] =	vst @!p0 v0  }
0x79: {  	v0 =	vld @!p0 [tilespmem:s23+$0x150];
	_ =	sdelay $0x4  }
0x7a: {  	v0 =	vand.u32 @!p0 $0xFFFF, v0  }
0x7b: {  	[tilespmem:$0x2850] =	vst @!p0 v0  }
0x7c: {  	v0 =	vld @!p0 [tilespmem:s23+$0x160];
	_ =	sdelay $0x4  }
0x7d: {  	v0 =	vand.u32 @!p0 $0xFFFF, v0  }
0x7e: {  	[tilespmem:$0x2860] =	vst @!p0 v0  }
0x7f: {  	v0 =	vld @!p0 [tilespmem:s23+$0x170];
	_ =	sdelay $0x4  }
0x80: {  	v0 =	vand.u32 @!p0 $0xFFFF, v0  }
0x81: {  	[tilespmem:$0x2870] =	vst @!p0 v0  }
0x82: {  	v0 =	vld @!p0 [tilespmem:s23+$0x100];
	_ =	sdelay $0x4  }
0x83: {  	v0 =	vshrl.u32 @!p0 v0, $0x10  }
0x84: {  	[tilespmem:$0x2880] =	vst @!p0 v0  }
0x85: {  	v0 =	vld @!p0 [tilespmem:s23+$0x110];
	_ =	sdelay $0x4  }
0x86: {  	v0 =	vshrl.u32 @!p0 v0, $0x10  }
0x87: {  	[tilespmem:$0x2890] =	vst @!p0 v0  }
0x88: {  	v0 =	vld @!p0 [tilespmem:s23+$0x120];
	_ =	sdelay $0x4  }
0x89: {  	v0 =	vshrl.u32 @!p0 v0, $0x10  }
0x8a: {  	[tilespmem:$0x28A0] =	vst @!p0 v0  }
0x8b: {  	v0 =	vld @!p0 [tilespmem:s23+$0x130];
	_ =	sdelay $0x4  }
0x8c: {  	v0 =	vshrl.u32 @!p0 v0, $0x10  }
0x8d: {  	[tilespmem:$0x28B0] =	vst @!p0 v0  }
0x8e: {  	v0 =	vld @!p0 [tilespmem:s23+$0x140];
	_ =	sdelay $0x4  }
0x8f: {  	v0 =	vshrl.u32 @!p0 v0, $0x10  }
0x90: {  	[tilespmem:$0x28C0] =	vst @!p0 v0  }
0x91: {  	v0 =	vld @!p0 [tilespmem:s23+$0x150];
	_ =	sdelay $0x4  }
0x92: {  	v0 =	vshrl.u32 @!p0 v0, $0x10  }
0x93: {  	[tilespmem:$0x28D0] =	vst @!p0 v0  }
0x94: {  	v0 =	vld @!p0 [tilespmem:s23+$0x160];
	_ =	sdelay $0x4  }
0x95: {  	v0 =	vshrl.u32 @!p0 v0, $0x10  }
0x96: {  	[tilespmem:$0x28E0] =	vst @!p0 v0  }
0x97: {  	v0 =	vld @!p0 [tilespmem:s23+$0x170];
	_ =	sdelay $0x4  }
0x98: {  	v0 =	vshrl.u32 @!p0 v0, $0x10  }
0x99: {  	s24 =	simm.s32 @!p0 $0x2800;
	s25 =	simm.s32 @!p0 $0x2A00;
	s23 =	simm.s32 @!p0 $0x80;
	[tilespmem:$0x28F0] =	vst @!p0 v0  }
0x9a: {  	[tilespmem:s25], [sflag:$0x1] =	stream.indirect.gather @!p0 [hbm4b:s1+s23], $0x80, s24, s23, $0xb8;
	[tilespmem:$0x1EA00] =	vst v63  }
0x9b: {  	_ =	swait.ge [sflag:s12], $0x4000  }
0x9c: {  	[sflag:s12] =	ssyncset.done $0x0  }
0x9d: {  	[sflag:s12] =	ssyncadd.s32 $0xFFFFC000  }
0x9e: {  	[spmem:s3] =	stream.indirect.scatter.add.f32 [tilespmem:s17], [sflag:$0x3], $0x80, s20, s13, $0xb8;
	[tilespmem:$0x1EA00] =	vst v63  }
0x9f: {  	_ =	swait.ge [sflag:s19], $0x4000  }
0xa0: {  	s23 =	simm.s32 $0x400;
	s24 =	simm.s32 $0x800;
	[sflag:s19] =	ssyncset.done $0x0  }
.LBB2_2:
0xa1: {  	s26 =	sshra.s32 s23, $0x2  }
0xa2: {  	[sflag:s19] =	ssyncadd.s32 $0xFFFFC000;
	s25 =	smov.u32 s24;
	s24 =	sadd.s32 $0x400, s24  }
0xa3: {  	p0 =	sne.s32 s24, $0xA000;
	v0 =	vld [tilespmem:s26+$0x80];
	_ =	sdelay $0x4  }
0xa4: {  	v0 =	vand.u32 $0xFFFF, v0  }
0xa5: {  	[tilespmem:$0x2900] =	vst v0  }
0xa6: {  	v0 =	vld [tilespmem:s26+$0x90];
	_ =	sdelay $0x4  }
0xa7: {  	v0 =	vand.u32 $0xFFFF, v0  }
0xa8: {  	[tilespmem:$0x2910] =	vst v0  }
0xa9: {  	v0 =	vld [tilespmem:s26+$0xA0];
	_ =	sdelay $0x4  }
0xaa: {  	v0 =	vand.u32 $0xFFFF, v0  }
0xab: {  	[tilespmem:$0x2920] =	vst v0  }
0xac: {  	v0 =	vld [tilespmem:s26+$0xB0];
	_ =	sdelay $0x4  }
0xad: {  	v0 =	vand.u32 $0xFFFF, v0  }
0xae: {  	[tilespmem:$0x2930] =	vst v0  }
0xaf: {  	v0 =	vld [tilespmem:s26+$0xC0];
	_ =	sdelay $0x4  }
0xb0: {  	v0 =	vand.u32 $0xFFFF, v0  }
0xb1: {  	[tilespmem:$0x2940] =	vst v0  }
0xb2: {  	v0 =	vld [tilespmem:s26+$0xD0];
	_ =	sdelay $0x4  }
0xb3: {  	v0 =	vand.u32 $0xFFFF, v0  }
0xb4: {  	[tilespmem:$0x2950] =	vst v0  }
0xb5: {  	v0 =	vld [tilespmem:s26+$0xE0];
	_ =	sdelay $0x4  }
0xb6: {  	v0 =	vand.u32 $0xFFFF, v0  }
0xb7: {  	[tilespmem:$0x2960] =	vst v0  }
0xb8: {  	v0 =	vld [tilespmem:s26+$0xF0];
	_ =	sdelay $0x4  }
0xb9: {  	v0 =	vand.u32 $0xFFFF, v0  }
0xba: {  	[tilespmem:$0x2970] =	vst v0  }
0xbb: {  	v0 =	vld [tilespmem:s26+$0x80];
	_ =	sdelay $0x4  }
0xbc: {  	v0 =	vshrl.u32 v0, $0x10  }
0xbd: {  	[tilespmem:$0x2980] =	vst v0  }
0xbe: {  	v0 =	vld [tilespmem:s26+$0x90];
	_ =	sdelay $0x4  }
0xbf: {  	v0 =	vshrl.u32 v0, $0x10  }
0xc0: {  	[tilespmem:$0x2990] =	vst v0  }
0xc1: {  	v0 =	vld [tilespmem:s26+$0xA0];
	_ =	sdelay $0x4  }
0xc2: {  	v0 =	vshrl.u32 v0, $0x10  }
0xc3: {  	[tilespmem:$0x29A0] =	vst v0  }
0xc4: {  	v0 =	vld [tilespmem:s26+$0xB0];
	_ =	sdelay $0x4  }
0xc5: {  	v0 =	vshrl.u32 v0, $0x10  }
0xc6: {  	[tilespmem:$0x29B0] =	vst v0  }
0xc7: {  	v0 =	vld [tilespmem:s26+$0xC0];
	_ =	sdelay $0x4  }
0xc8: {  	v0 =	vshrl.u32 v0, $0x10  }
0xc9: {  	[tilespmem:$0x29C0] =	vst v0  }
0xca: {  	v0 =	vld [tilespmem:s26+$0xD0];
	_ =	sdelay $0x4  }
0xcb: {  	v0 =	vshrl.u32 v0, $0x10  }
0xcc: {  	[tilespmem:$0x29D0] =	vst v0  }
0xcd: {  	v0 =	vld [tilespmem:s26+$0xE0];
	_ =	sdelay $0x4  }
0xce: {  	v0 =	vshrl.u32 v0, $0x10  }
0xcf: {  	[tilespmem:$0x29E0] =	vst v0  }
0xd0: {  	v0 =	vld [tilespmem:s26+$0xF0];
	_ =	sdelay $0x4  }
0xd1: {  	v0 =	vshrl.u32 v0, $0x10  }
0xd2: {  	[tilespmem:$0x29F0] =	vst v0  }
0xd3: {  	[tilespmem:s17], [sflag:$0x2] =	stream.indirect.gather [hbm4b:s1+s13], $0x80, s16, s13, $0xb8;
	[tilespmem:$0x1EA00] =	vst v63  }
0xd4: {  	_ =	swait.ge [sflag:s11], $0x4000  }
0xd5: {  	[sflag:s11] =	ssyncset.done $0x0  }
0xd6: {  	[sflag:s11] =	ssyncadd.s32 $0xFFFFC000  }
0xd7: {  	[spmem:s3] =	stream.indirect.scatter.add.f32 [tilespmem:s15], [sflag:$0x3], $0x80, s18, s13, $0xb8;
	[tilespmem:$0x1EA00] =	vst v63  }
0xd8: {  	_ =	swait.ge [sflag:s19], $0x4000  }
0xd9: {  	p1 =	seq.s32 s23, $0x9C00;
	[sflag:s19] =	ssyncset.done $0x0  }
0xda: {  	s26 =	sshra.s32 @!p1 s23, $0x2;
	s23 =	smov.u32 s25;
	[sflag:s19] =	ssyncadd.s32 $0xFFFFC000  }
0xdb: {  	v0 =	vld @!p1 [tilespmem:s26+$0x100];
	_ =	sdelay $0x4  }
0xdc: {  	v0 =	vand.u32 @!p1 $0xFFFF, v0  }
0xdd: {  	[tilespmem:$0x2800] =	vst @!p1 v0  }
0xde: {  	v0 =	vld @!p1 [tilespmem:s26+$0x110];
	_ =	sdelay $0x4  }
0xdf: {  	v0 =	vand.u32 @!p1 $0xFFFF, v0  }
0xe0: {  	[tilespmem:$0x2810] =	vst @!p1 v0  }
0xe1: {  	v0 =	vld @!p1 [tilespmem:s26+$0x120];
	_ =	sdelay $0x4  }
0xe2: {  	v0 =	vand.u32 @!p1 $0xFFFF, v0  }
0xe3: {  	[tilespmem:$0x2820] =	vst @!p1 v0  }
0xe4: {  	v0 =	vld @!p1 [tilespmem:s26+$0x130];
	_ =	sdelay $0x4  }
0xe5: {  	v0 =	vand.u32 @!p1 $0xFFFF, v0  }
0xe6: {  	[tilespmem:$0x2830] =	vst @!p1 v0  }
0xe7: {  	v0 =	vld @!p1 [tilespmem:s26+$0x140];
	_ =	sdelay $0x4  }
0xe8: {  	v0 =	vand.u32 @!p1 $0xFFFF, v0  }
0xe9: {  	[tilespmem:$0x2840] =	vst @!p1 v0  }
0xea: {  	v0 =	vld @!p1 [tilespmem:s26+$0x150];
	_ =	sdelay $0x4  }
0xeb: {  	v0 =	vand.u32 @!p1 $0xFFFF, v0  }
0xec: {  	[tilespmem:$0x2850] =	vst @!p1 v0  }
0xed: {  	v0 =	vld @!p1 [tilespmem:s26+$0x160];
	_ =	sdelay $0x4  }
0xee: {  	v0 =	vand.u32 @!p1 $0xFFFF, v0  }
0xef: {  	[tilespmem:$0x2860] =	vst @!p1 v0  }
0xf0: {  	v0 =	vld @!p1 [tilespmem:s26+$0x170];
	_ =	sdelay $0x4  }
0xf1: {  	v0 =	vand.u32 @!p1 $0xFFFF, v0  }
0xf2: {  	[tilespmem:$0x2870] =	vst @!p1 v0  }
0xf3: {  	v0 =	vld @!p1 [tilespmem:s26+$0x100];
	_ =	sdelay $0x4  }
0xf4: {  	v0 =	vshrl.u32 @!p1 v0, $0x10  }
0xf5: {  	[tilespmem:$0x2880] =	vst @!p1 v0  }
0xf6: {  	v0 =	vld @!p1 [tilespmem:s26+$0x110];
	_ =	sdelay $0x4  }
0xf7: {  	v0 =	vshrl.u32 @!p1 v0, $0x10  }
0xf8: {  	[tilespmem:$0x2890] =	vst @!p1 v0  }
0xf9: {  	v0 =	vld @!p1 [tilespmem:s26+$0x120];
	_ =	sdelay $0x4  }
0xfa: {  	v0 =	vshrl.u32 @!p1 v0, $0x10  }
0xfb: {  	[tilespmem:$0x28A0] =	vst @!p1 v0  }
0xfc: {  	v0 =	vld @!p1 [tilespmem:s26+$0x130];
	_ =	sdelay $0x4  }
0xfd: {  	v0 =	vshrl.u32 @!p1 v0, $0x10  }
0xfe: {  	[tilespmem:$0x28B0] =	vst @!p1 v0  }
0xff: {  	v0 =	vld @!p1 [tilespmem:s26+$0x140];
	_ =	sdelay $0x4  }
0x100: {  	v0 =	vshrl.u32 @!p1 v0, $0x10  }
0x101: {  	[tilespmem:$0x28C0] =	vst @!p1 v0  }
0x102: {  	v0 =	vld @!p1 [tilespmem:s26+$0x150];
	_ =	sdelay $0x4  }
0x103: {  	v0 =	vshrl.u32 @!p1 v0, $0x10  }
0x104: {  	[tilespmem:$0x28D0] =	vst @!p1 v0  }
0x105: {  	v0 =	vld @!p1 [tilespmem:s26+$0x160];
	_ =	sdelay $0x4  }
0x106: {  	v0 =	vshrl.u32 @!p1 v0, $0x10  }
0x107: {  	[tilespmem:$0x28E0] =	vst @!p1 v0  }
0x108: {  	v0 =	vld @!p1 [tilespmem:s26+$0x170];
	_ =	sdelay $0x4  }
0x109: {  	v0 =	vshrl.u32 @!p1 v0, $0x10  }
0x10a: {  	s28 =	simm.s32 @!p1 $0x2A00;
	s25 =	simm.s32 @!p1 $0x80;
	s26 =	simm.s32 @!p1 $0x2800;
	[tilespmem:$0x28F0] =	vst @!p1 v0  }
0x10b: {  	[tilespmem:s28], [sflag:$0x1] =	stream.indirect.gather @!p1 [hbm4b:s1+s25], $0x80, s26, s25, $0xb8;
	[tilespmem:$0x1EA00] =	vst v63  }
0x10c: {  	_ =	swait.ge [sflag:s12], $0x4000  }
.Ltmp0:
0x10d: {  	[sflag:s12] =	ssyncset.done $0x0;
	(pc) =	sbr.rel @p0 .LBB2_2-.Ltmp0, $4  }
0x10e: {  	[sflag:s12] =	ssyncadd.s32 $0xFFFFC000  }
0x10f: {  	[spmem:s3] =	stream.indirect.scatter.add.f32 [tilespmem:s17], [sflag:$0x3], $0x80, s20, s13, $0xb8;
	[tilespmem:$0x1EA00] =	vst v63  }
0x110: {  	_ =	swait.ge [sflag:s19], $0x4000  }
0x111: {  	[sflag:s19] =	ssyncset.done $0x0  }
0x112: {  	s24 =	sshra.s32 s23, $0x2;
	[sflag:s19] =	ssyncadd.s32 $0xFFFFC000  }
0x113: {  	v0 =	vld [tilespmem:s24+$0x80];
	_ =	sdelay $0x4  }
0x114: {  	v0 =	vand.u32 $0xFFFF, v0  }
0x115: {  	[tilespmem:$0x2900] =	vst v0  }
0x116: {  	v0 =	vld [tilespmem:s24+$0x90];
	_ =	sdelay $0x4  }
0x117: {  	v0 =	vand.u32 $0xFFFF, v0  }
0x118: {  	[tilespmem:$0x2910] =	vst v0  }
0x119: {  	v0 =	vld [tilespmem:s24+$0xA0];
	_ =	sdelay $0x4  }
0x11a: {  	v0 =	vand.u32 $0xFFFF, v0  }
0x11b: {  	[tilespmem:$0x2920] =	vst v0  }
0x11c: {  	v0 =	vld [tilespmem:s24+$0xB0];
	_ =	sdelay $0x4  }
0x11d: {  	v0 =	vand.u32 $0xFFFF, v0  }
0x11e: {  	[tilespmem:$0x2930] =	vst v0  }
0x11f: {  	v0 =	vld [tilespmem:s24+$0xC0];
	_ =	sdelay $0x4  }
0x120: {  	v0 =	vand.u32 $0xFFFF, v0  }
0x121: {  	[tilespmem:$0x2940] =	vst v0  }
0x122: {  	v0 =	vld [tilespmem:s24+$0xD0];
	_ =	sdelay $0x4  }
0x123: {  	v0 =	vand.u32 $0xFFFF, v0  }
0x124: {  	[tilespmem:$0x2950] =	vst v0  }
0x125: {  	v0 =	vld [tilespmem:s24+$0xE0];
	_ =	sdelay $0x4  }
0x126: {  	v0 =	vand.u32 $0xFFFF, v0  }
0x127: {  	[tilespmem:$0x2960] =	vst v0  }
0x128: {  	v0 =	vld [tilespmem:s24+$0xF0];
	_ =	sdelay $0x4  }
0x129: {  	v0 =	vand.u32 $0xFFFF, v0  }
0x12a: {  	[tilespmem:$0x2970] =	vst v0  }
0x12b: {  	v0 =	vld [tilespmem:s24+$0x80];
	_ =	sdelay $0x4  }
0x12c: {  	v0 =	vshrl.u32 v0, $0x10  }
0x12d: {  	[tilespmem:$0x2980] =	vst v0  }
0x12e: {  	v0 =	vld [tilespmem:s24+$0x90];
	_ =	sdelay $0x4  }
0x12f: {  	v0 =	vshrl.u32 v0, $0x10  }
0x130: {  	[tilespmem:$0x2990] =	vst v0  }
0x131: {  	v0 =	vld [tilespmem:s24+$0xA0];
	_ =	sdelay $0x4  }
0x132: {  	v0 =	vshrl.u32 v0, $0x10  }
0x133: {  	[tilespmem:$0x29A0] =	vst v0  }
0x134: {  	v0 =	vld [tilespmem:s24+$0xB0];
	_ =	sdelay $0x4  }
0x135: {  	v0 =	vshrl.u32 v0, $0x10  }
0x136: {  	[tilespmem:$0x29B0] =	vst v0  }
0x137: {  	v0 =	vld [tilespmem:s24+$0xC0];
	_ =	sdelay $0x4  }
0x138: {  	v0 =	vshrl.u32 v0, $0x10  }
0x139: {  	[tilespmem:$0x29C0] =	vst v0  }
0x13a: {  	v0 =	vld [tilespmem:s24+$0xD0];
	_ =	sdelay $0x4  }
0x13b: {  	v0 =	vshrl.u32 v0, $0x10  }
0x13c: {  	[tilespmem:$0x29D0] =	vst v0  }
0x13d: {  	v0 =	vld [tilespmem:s24+$0xE0];
	_ =	sdelay $0x4  }
0x13e: {  	v0 =	vshrl.u32 v0, $0x10  }
0x13f: {  	[tilespmem:$0x29E0] =	vst v0  }
0x140: {  	v0 =	vld [tilespmem:s24+$0xF0];
	_ =	sdelay $0x4  }
0x141: {  	v0 =	vshrl.u32 v0, $0x10  }
0x142: {  	[tilespmem:$0x29F0] =	vst v0  }
0x143: {  	[tilespmem:s17], [sflag:$0x2] =	stream.indirect.gather [hbm4b:s1+s13], $0x80, s16, s13, $0xb8;
	[tilespmem:$0x1EA00] =	vst v63  }
0x144: {  	_ =	swait.ge [sflag:s11], $0x4000  }
0x145: {  	[sflag:s11] =	ssyncset.done $0x0  }
0x146: {  	[sflag:s11] =	ssyncadd.s32 $0xFFFFC000  }
0x147: {  	[spmem:s3] =	stream.indirect.scatter.add.f32 [tilespmem:s15], [sflag:$0x3], $0x80, s18, s13, $0xb8;
	[tilespmem:$0x1EA00] =	vst v63  }
0x148: {  	_ =	swait.ge [sflag:s19], $0x4000  }
0x149: {  	p0 =	seq.s32 s23, $0x9C00;
	[sflag:s19] =	ssyncset.done $0x0  }
0x14a: {  	s23 =	sshra.s32 @!p0 s23, $0x2;
	[sflag:s19] =	ssyncadd.s32 $0xFFFFC000  }
0x14b: {  	v0 =	vld @!p0 [tilespmem:s23+$0x100];
	_ =	sdelay $0x4  }
0x14c: {  	v0 =	vand.u32 @!p0 $0xFFFF, v0  }
0x14d: {  	[tilespmem:$0x2800] =	vst @!p0 v0  }
0x14e: {  	v0 =	vld @!p0 [tilespmem:s23+$0x110];
	_ =	sdelay $0x4  }
0x14f: {  	v0 =	vand.u32 @!p0 $0xFFFF, v0  }
0x150: {  	[tilespmem:$0x2810] =	vst @!p0 v0  }
0x151: {  	v0 =	vld @!p0 [tilespmem:s23+$0x120];
	_ =	sdelay $0x4  }
0x152: {  	v0 =	vand.u32 @!p0 $0xFFFF, v0  }
0x153: {  	[tilespmem:$0x2820] =	vst @!p0 v0  }
0x154: {  	v0 =	vld @!p0 [tilespmem:s23+$0x130];
	_ =	sdelay $0x4  }
0x155: {  	v0 =	vand.u32 @!p0 $0xFFFF, v0  }
0x156: {  	[tilespmem:$0x2830] =	vst @!p0 v0  }
0x157: {  	v0 =	vld @!p0 [tilespmem:s23+$0x140];
	_ =	sdelay $0x4  }
0x158: {  	v0 =	vand.u32 @!p0 $0xFFFF, v0  }
0x159: {  	[tilespmem:$0x2840] =	vst @!p0 v0  }
0x15a: {  	v0 =	vld @!p0 [tilespmem:s23+$0x150];
	_ =	sdelay $0x4  }
0x15b: {  	v0 =	vand.u32 @!p0 $0xFFFF, v0  }
0x15c: {  	[tilespmem:$0x2850] =	vst @!p0 v0  }
0x15d: {  	v0 =	vld @!p0 [tilespmem:s23+$0x160];
	_ =	sdelay $0x4  }
0x15e: {  	v0 =	vand.u32 @!p0 $0xFFFF, v0  }
0x15f: {  	[tilespmem:$0x2860] =	vst @!p0 v0  }
0x160: {  	v0 =	vld @!p0 [tilespmem:s23+$0x170];
	_ =	sdelay $0x4  }
0x161: {  	v0 =	vand.u32 @!p0 $0xFFFF, v0  }
0x162: {  	[tilespmem:$0x2870] =	vst @!p0 v0  }
0x163: {  	v0 =	vld @!p0 [tilespmem:s23+$0x100];
	_ =	sdelay $0x4  }
0x164: {  	v0 =	vshrl.u32 @!p0 v0, $0x10  }
0x165: {  	[tilespmem:$0x2880] =	vst @!p0 v0  }
0x166: {  	v0 =	vld @!p0 [tilespmem:s23+$0x110];
	_ =	sdelay $0x4  }
0x167: {  	v0 =	vshrl.u32 @!p0 v0, $0x10  }
0x168: {  	[tilespmem:$0x2890] =	vst @!p0 v0  }
0x169: {  	v0 =	vld @!p0 [tilespmem:s23+$0x120];
	_ =	sdelay $0x4  }
0x16a: {  	v0 =	vshrl.u32 @!p0 v0, $0x10  }
0x16b: {  	[tilespmem:$0x28A0] =	vst @!p0 v0  }
0x16c: {  	v0 =	vld @!p0 [tilespmem:s23+$0x130];
	_ =	sdelay $0x4  }
0x16d: {  	v0 =	vshrl.u32 @!p0 v0, $0x10  }
0x16e: {  	[tilespmem:$0x28B0] =	vst @!p0 v0  }
0x16f: {  	v0 =	vld @!p0 [tilespmem:s23+$0x140];
	_ =	sdelay $0x4  }
0x170: {  	v0 =	vshrl.u32 @!p0 v0, $0x10  }
0x171: {  	[tilespmem:$0x28C0] =	vst @!p0 v0  }
0x172: {  	v0 =	vld @!p0 [tilespmem:s23+$0x150];
	_ =	sdelay $0x4  }
0x173: {  	v0 =	vshrl.u32 @!p0 v0, $0x10  }
0x174: {  	[tilespmem:$0x28D0] =	vst @!p0 v0  }
0x175: {  	v0 =	vld @!p0 [tilespmem:s23+$0x160];
	_ =	sdelay $0x4  }
0x176: {  	v0 =	vshrl.u32 @!p0 v0, $0x10  }
0x177: {  	[tilespmem:$0x28E0] =	vst @!p0 v0  }
0x178: {  	v0 =	vld @!p0 [tilespmem:s23+$0x170];
	_ =	sdelay $0x4  }
0x179: {  	v0 =	vshrl.u32 @!p0 v0, $0x10  }
0x17a: {  	s25 =	simm.s32 @!p0 $0x2A00;
	s24 =	simm.s32 @!p0 $0x2800;
	s23 =	simm.s32 @!p0 $0x80;
	[tilespmem:$0x28F0] =	vst @!p0 v0  }
0x17b: {  	[tilespmem:s25], [sflag:$0x1] =	stream.indirect.gather @!p0 [hbm4b:s1+s23], $0x80, s24, s23, $0xb8;
	[tilespmem:$0x1EA00] =	vst v63  }
0x17c: {  	_ =	swait.ge [sflag:s12], $0x4000  }
0x17d: {  	[sflag:s12] =	ssyncset.done $0x0  }
0x17e: {  	[sflag:s12] =	ssyncadd.s32 $0xFFFFC000  }
0x17f: {  	[spmem:s3] =	stream.indirect.scatter.add.f32 [tilespmem:s17], [sflag:$0x3], $0x80, s20, s13, $0xb8;
	[tilespmem:$0x1EA00] =	vst v63  }
0x180: {  	_ =	swait.ge [sflag:s19], $0x4000  }
0x181: {  	s22 =	sadd.s32 $0x1, s22;
	[sflag:s19] =	ssyncset.done $0x0  }
0x182: {  	p0 =	sne.s32 s22, s9;
	[sflag:s19] =	ssyncadd.s32 $0xFFFFC000  }
.Ltmp1:
0x183: {  	[bflag:$0x0] =	sbarrier.arrive $0xFFFF;
	(pc) =	sbr.rel @p0 .LBB2_1-.Ltmp1, $4  }
0x184: {  	[hbm:s8], [sflag:s21] =	dma.local [spmem:s10], $0x2800  }
0x185: {  	_ =	swait.ge [sflag:s19], $0x2800  }
0x186: {  	[sflag:s19] =	ssyncset.done $0x0  }
0x187: {  	[sflag:s19] =	ssyncadd.s32 $0xFFFFD800  }
0x188: {  	_ =	sfence.sel $0x180000  }
0x189: {  	[bflag:$0x0] =	sbarrier.arrive $0xFFFF  }
0x18a: {  	p0 =	sne.s32 s0, $0x0;
	_ =	strace $0x9000004A  }
0x18b: {  	s0 =	sadd.s32 @!p0 $0x100000, s2;
	[bflag:$0x2] =	sbarrier.arrive $0xFFFF  }
0x18c: {  	[sflag:s0] =	ssyncadd.tile.s32 @!p0 $0x1;
	_ =	shalt  }
.Lfunc_end2:
_tile_overlayer_lowered:
.L_overlay_start_2:
0x18d: {  	(tag) =	ssettag $0x2  }
0x18e: {  	s0 =	rddreg [dreg:$0x0];
	s2 =	stileid.u32  }
0x18f: {  	s1 =	rddreg [dreg:$0x1];
	p0 =	sne.s32 s2, $0x0  }
0x190: {  	s3 =	rddreg [dreg:$0x2];
	[bflag:$0x3] =	sbarrier.arrive $0xFFFF;
	s2 =	simm.s32 @!p0 $0x1C03  }
0x191: {  	[timem:s3], [sflag:s2] =	dma.local @!p0 [hbm:s0], s1  }
0x192: {  	s0 =	simm.s32 @!p0 $0x3  }
0x193: {  	_ =	swait.ge @!p0 [sflag:s0], s1  }
0x194: {  	s1 =	ssub.s32 @!p0 $0x0, s1;
	[sflag:s0] =	ssyncset.done @!p0 $0x0  }
0x195: {  	[sflag:s0] =	ssyncadd.s32 @!p0 s1  }
0x196: {  	[bflag:$0x3] =	sbarrier.arrive $0xFFFF  }
0x197: {  	_ =	shalt  }

// kernel: kernel.17.cloned.1.call-start
scs
__scs_entry_jumppad:
0x0: {  	(pc) =	sbr.rel $0x88, $3  }
0x1: {  	(tag) =	ssettag $0x0;
	lr =	simm.s32 $0x1  }
0x2: {  	[smem:$0x3F99] =	sst lr;
	_ =	strace $0xD0000000  }
0x3: {  	_ = 	snop  }
0x4: {  	_ = 	snop  }
0x5: {  	_ = 	snop  }
0x6: {  	_ = 	snop  }
0x7: {  	_ = 	snop  }
__scs_overlays_trampoline_lowered:
0x8: {  	[smem:$0x3FA8] =	sst s0  }
0x9: {  	[smem:$0x3FA9] =	sst s1  }
0xa: {  	[smem:$0x3FAA] =	sst s2  }
0xb: {  	[smem:$0x3FAB] =	sst s3  }
0xc: {  	[smem:$0x3FAC] =	sst s4  }
0xd: {  	[smem:$0x3FAD] =	sst s5  }
0xe: {  	[smem:$0x3FAE] =	sst s6  }
0xf: {  	[smem:$0x3FAF] =	sst s7  }
0x10: {  	[smem:$0x3FB0] =	sst s8  }
0x11: {  	[smem:$0x3FB1] =	sst s9;
	s0 =	simm.s32 @!p0 $0x0  }
0x12: {  	s1 =	sld [smem:$0x3F97];
	s0 =	simm.s32 @p0 $0x1  }
0x13: {  	[smem:$0x3FB2] =	sst s0;
	s0 =	simm.s32 @!p1 $0x0  }
0x14: {  	s2 =	sld [smem:$0x3F96];
	s0 =	simm.s32 @p1 $0x1  }
0x15: {  	[smem:$0x3FB3] =	sst s0;
	s0 =	simm.s32 @!p2 $0x0  }
0x16: {  	s3 =	sld [smem:$0x3FDB];
	s0 =	simm.s32 @p2 $0x1  }
0x17: {  	s4 =	simm.s32 $0x1BF5;
	[smem:$0x3FB5] =	sst s0  }
0x18: {  	s0 =	sld [smem:$0x3F98];
	_ =	swait.ge [sflag:s4], $0x0  }
0x19: {  	s7 =	sld [smem:$0x3F99]  }
0x1a: {  	s8 =	sadd.s32 $0xFFFFE003, lr  }
0x1b: {  	s9 =	sadd.s32 $0xFFFFFEF7, lr;
	s5 =	simm.s32 $0xFFFFFFFF;
	p2 =	slt.u32 s8, $0xFFFFF086  }
0x1c: {  	p1 =	slt.u32 s9, $0xF7A;
	s5 =	simm.s32 @!p2 $0x0  }
0x1d: {  	s5 =	simm.s32 @p1 $0x1;
	p0 =	seq.s32 s7, s2  }
0x1e: {  	s7 =	smul.u32 @!p0 $0xF7A, s2;
	p2 =	seq.s32 @!p0 s5, $0x0  }
0x1f: {  	s9 =	smul.u32 $0xF7A, s1;
	s8 =	simm.s32 @!p0 $0x1BF5;
	p2 =	por !p2, p0  }
0x20: {  	[sflag:s8] =	ssyncset.s32 @!p0 $0xFFFFF086;
	s6 =	sadd.s32 @!p0 s3, s7;
	s7 =	simm.s32 @!p0 $0x108  }
0x21: {  	s3 =	sadd.s32 s3, s9;
	s6 =	sadd.s32 @!p0 $0x88, s6;
	s7 =	simm.s32 @p2 $0x1082  }
0x22: {  	[simem:s7], [sflag:s8] =	dma.local @!p0 [hbm:s6], $0xF7A  }
0x23: {  	s9 =	sor.u32 $0xD0000000, s2;
	s6 =	simm.s32 $0x108;
	_ =	swait.ge @!p0 [sflag:s8], $0x0  }
0x24: {  	s3 =	sadd.s32 $0x88, s3;
	s6 =	simm.s32 @!p1 $0x1082;
	[sflag:s4] =	ssyncset.s32 $0xFFFFF086  }
0x25: {  	[simem:s6], [sflag:s4] =	dma.local [hbm:s3], $0xF7A  }
0x26: {  	[smem:$0x3F99] =	sst s1;
	(tag) =	ssettag s2;
	_ =	strace s9  }
0x27: {  	s1 =	sld [smem:$0x3FA9]  }
0x28: {  	s2 =	sld [smem:$0x3FAA]  }
0x29: {  	s4 =	sld [smem:$0x3FAC]  }
0x2a: {  	p0 =	seq.s32 s5, $0x0;
	s5 =	sld [smem:$0x3FAD]  }
0x2b: {  	s6 =	sld [smem:$0x3FAE]  }
0x2c: {  	s7 =	sld [smem:$0x3FAF]  }
0x2d: {  	s3 =	simm.s32 $0x108;
	s8 =	sld [smem:$0x3FB0]  }
0x2e: {  	s3 =	simm.s32 @!p0 $0x1082;
	s9 =	sld [smem:$0x3FB1]  }
0x2f: {  	lr =	sadd.s32 s0, s3;
	s0 =	sld [smem:$0x3FA8]  }
0x30: {  	s3 =	sld [smem:$0x3FAB]  }
0x31: {  	[smem:$0x3FB4] =	sst s10  }
0x32: {  	s10 =	sld [smem:$0x3FB2];
	_ =	sdelay $0x3  }
0x33: {  	p0 =	seq.s32 s10, $0x1;
	s10 =	sld [smem:$0x3FB4];
	_ =	sdelay $0x3  }
0x34: {  	[smem:$0x3FB4] =	sst s10  }
0x35: {  	s10 =	sld [smem:$0x3FB3];
	_ =	sdelay $0x3  }
0x36: {  	p1 =	seq.s32 s10, $0x1;
	s10 =	sld [smem:$0x3FB4];
	_ =	sdelay $0x3  }
0x37: {  	[smem:$0x3FB4] =	sst s10  }
0x38: {  	s10 =	sld [smem:$0x3FB5]  }
0x39: {  	_ = 	snop;
	(pc) =	sbr.ind lr, $3  }
0x3a: {  	_ = 	snop  }
0x3b: {  	_ = 	snop  }
0x3c: {  	p2 =	seq.s32 s10, $0x1;
	s10 =	sld [smem:$0x3FB4]  }
0x3d: {  	_ =	shalt  }
0x3e: {  	_ =	shalt  }
0x3f: {  	_ =	shalt  }
0x40: {  	_ =	shalt  }
0x41: {  	_ =	shalt  }
0x42: {  	_ =	shalt  }
0x43: {  	_ =	shalt  }
0x44: {  	_ =	shalt  }
0x45: {  	_ =	shalt  }
0x46: {  	_ =	shalt  }
0x47: {  	_ =	shalt  }
0x48: {  	_ =	shalt  }
0x49: {  	_ =	shalt  }
0x4a: {  	_ =	shalt  }
0x4b: {  	_ =	shalt  }
0x4c: {  	_ =	shalt  }
0x4d: {  	_ =	shalt  }
0x4e: {  	_ =	shalt  }
0x4f: {  	_ =	shalt  }
0x50: {  	_ =	shalt  }
0x51: {  	_ =	shalt  }
0x52: {  	_ =	shalt  }
0x53: {  	_ =	shalt  }
0x54: {  	_ =	shalt  }
0x55: {  	_ =	shalt  }
0x56: {  	_ =	shalt  }
0x57: {  	_ =	shalt  }
0x58: {  	_ =	shalt  }
0x59: {  	_ =	shalt  }
0x5a: {  	_ =	shalt  }
0x5b: {  	_ =	shalt  }
0x5c: {  	_ =	shalt  }
0x5d: {  	_ =	shalt  }
0x5e: {  	_ =	shalt  }
0x5f: {  	_ =	shalt  }
0x60: {  	_ =	shalt  }
0x61: {  	_ =	shalt  }
0x62: {  	_ =	shalt  }
0x63: {  	_ =	shalt  }
0x64: {  	_ =	shalt  }
0x65: {  	_ =	shalt  }
0x66: {  	_ =	shalt  }
0x67: {  	_ =	shalt  }
0x68: {  	_ =	shalt  }
0x69: {  	_ =	shalt  }
0x6a: {  	_ =	shalt  }
0x6b: {  	_ =	shalt  }
0x6c: {  	_ =	shalt  }
0x6d: {  	_ =	shalt  }
0x6e: {  	_ =	shalt  }
0x6f: {  	_ =	shalt  }
0x70: {  	_ =	shalt  }
0x71: {  	_ =	shalt  }
0x72: {  	_ =	shalt  }
0x73: {  	_ =	shalt  }
0x74: {  	_ =	shalt  }
0x75: {  	_ =	shalt  }
0x76: {  	_ =	shalt  }
0x77: {  	_ =	shalt  }
0x78: {  	_ =	shalt  }
0x79: {  	_ =	shalt  }
0x7a: {  	_ =	shalt  }
0x7b: {  	_ =	shalt  }
0x7c: {  	_ =	shalt  }
0x7d: {  	_ =	shalt  }
0x7e: {  	_ =	shalt  }
0x7f: {  	_ =	shalt  }
0x80: {  	_ =	shalt  }
0x81: {  	_ =	shalt  }
0x82: {  	_ =	shalt  }
0x83: {  	_ =	shalt  }
0x84: {  	_ =	shalt  }
0x85: {  	_ =	shalt  }
0x86: {  	_ =	shalt  }
0x87: {  	_ =	shalt  }
.Lfunc_end0:
.L_simem_size_0:
called_computation.2_lowered:
.L_overlay_start_0:
0x88: {  	s2 =	sld [smem:$0x3FD9]  }
0x89: {  	s3 =	sld [smem:$0x3FFE];
	_ =	sdelay $0x1  }
0x8a: {  	s1 =	srdreg.scid  }
0x8b: {  	s0 =	sand.u32 $0x1, s1  }
0x8c: {  	s17 =	sshll.u32 s0, $0xA;
	s2 =	sadd.s32 s3, s2  }
0x8d: {  	s2 =	sadd.s32 s2, s17  }
0x8e: {  	[smem:$0x3FC0] =	sst s2  }
0x8f: {  	_ = 	snop  }
0x90: {  	s2 =	sld [smem:$0x3FD0];
	(tm) =	ssettm $0x1  }
0x91: {  	s18 =	sld [smem:$0x3FFB];
	_ =	sdelay $0x3  }
0x92: {  	_ =	strace s18  }
0x93: {  	s3 =	sld [smem:$0x3FFC];
	_ =	sdelay $0x3  }
0x94: {  	_ =	strace s3  }
0x95: {  	s3 =	sld [smem:$0x3FFD];
	_ =	sdelay $0x3  }
0x96: {  	_ =	strace s3  }
0x97: {  	_ =	strace $0x8FFFFFFF  }
0x98: {  	s19 =	sld [smem:$0x3FDB];
	_ =	sdelay $0x1  }
0x99: {  	s4 =	simm.s32 $_scs_section_size  }
0x9a: {  	s5 =	simm.s32 $_size__tile_overlayer_lowered;
	s6 =	simm.s32 $_tile_overlayer_lowered  }
0x9b: {  	s22 =	simm.s32 $0x1BFF;
	s21 =	sshll.u32 s6, $0x1;
	s3 =	sadd.s32 s4, s19  }
0x9c: {  	s7 =	simm.s32 $0x0;
	s20 =	sshll.u32 s5, $0x1;
	s5 =	sadd.s32 s21, s3  }
0x9d: {  	[timem:s7], [sflag:s22] =	dma.local [hbm:s5], s20  }
0x9e: {  	_ =	swait.ge [sflag:s22], s20  }
0x9f: {  	s4 =	ssub.s32 $0x0, s20;
	[sflag:s22] =	ssyncset.done $0x0  }
0xa0: {  	[sflag:s22] =	ssyncadd.s32 s4;
	_ =	sdelay $0x1  }
0xa1: {  	s23 =	simm.s32 $0x1B8B  }
0xa2: {  	_ =	swait.ge [sflag:s23], $0x1  }
0xa3: {  	[sflag:s23] =	ssyncset.done $0x0  }
0xa4: {  	s25 =	simm.s32 $0x1B8E;
	s24 =	sld [smem:$0x3FFE];
	[sflag:s23] =	ssyncadd.s32 $0xFFFFFFFF  }
0xa5: {  	s26 =	simm.s32 $execute0_lowered;
	[smem:$0x3FD2] =	sst s25  }
0xa6: {  	s5 =	sshll.u32 s26, $0x1;
	_ =	strace $0x8000004C;
	[dreg:$0x1] =	wrdreg $0xFFFFFFFF  }
0xa7: {  	s28 =	simm.s32 $_size_execute0_lowered;
	s3 =	sadd.s32 s3, s5;
	[dreg:$0x0] =	wrdreg $0x0  }
0xa8: {  	s5 =	sshll.u32 s28, $0x1;
	[dreg:$0x2] =	wrdreg s3  }
0xa9: {  	[dreg:$0x3] =	wrdreg s5  }
0xaa: {  	[dreg:$0x4] =	wrdreg $0xC0  }
0xab: {  	_ =	task [dreg:s7], $0x5FFFF  }
0xac: {  	[dreg:$0x1] =	wrdreg $0xFFFFFFFF  }
0xad: {  	[dreg:$0x0] =	wrdreg $0x60  }
0xae: {  	[dreg:$0x2] =	wrdreg s2  }
0xaf: {  	[dreg:$0x3] =	wrdreg s24  }
0xb0: {  	[dreg:$0x4] =	wrdreg $0xAA000  }
0xb1: {  	[dreg:$0x5] =	wrdreg $0x9  }
0xb2: {  	_ =	task.clear_ibuf [dreg:s7], $0x6FFFF;
	_ =	strace $0x9000004C  }
0xb3: {  	s29 =	simm.s32 $0x9;
	_ =	strace $0x8000004E  }
0xb4: {  	_ =	swait.ge [sflag:s29], $0x1  }
0xb5: {  	[sflag:s29] =	ssyncadd.s32 $0xFFFFFFFF  }
0xb6: {  	_ =	strace $0x9000004E  }
0xb7: {  	_ =	sfence  }
0xb8: {  	s30 =	sld [smem:$0x0];
	_ =	sdelay $0x2  }
0xb9: {  	s31 =	sshll.u32 s1, $0xD;
	s1 =	sshrl.u32 s1, $0x2  }
0xba: {  	s3 =	sand.u32 $0x4000, s31;
	s1 =	sadd.s32 s1, s30  }
0xbb: {  	s0 =	sor.u32 s3, s0;
	s1 =	sshll.u32 s1, $0x11  }
0xbc: {  	s0 =	sor.u32 s1, s0  }
0xbd: {  	s0 =	sadd.s32 $0x8F2B, s0  }
0xbe: {  	[sflag:s0] =	ssyncadd.remote.s32 $0x1  }
0xbf: {  	_ =	sfence.sel $0xFFFF  }
0xc0: {  	[dreg:$0x0] =	wrdreg $0xFFFFFFFF;
	(pc) =	sbr.abs _section_cstart, $3  }
0xc1: {  	[dreg:$0x1] =	wrdreg $0xFFFFFFFF  }
0xc2: {  	_ =	task.clear_ibuf [dreg:s7], $0x2FFFF;
	_ =	strace $0x9FFFFFFF  }
0xc3: {  	(tm) =	ssettm $0x7FFFFFFF  }
tec
execute0_lowered:
.L_overlay_start_1:
0x0: {  	(tag) =	ssettag $0x1  }
0x1: {  	s1 =	rddreg [dreg:$0x0]  }
0x2: {  	s6 =	rddreg [dreg:$0x1]  }
0x3: {  	s3 =	rddreg [dreg:$0x2]  }
0x4: {  	s0 =	srdreg.scid;
	s2 =	rddreg [dreg:$0x3];
	s4 =	simm.s32 $0x0  }
0x5: {  	s11 =	simm.s32 $0x1;
	s12 =	simm.s32 $0x2;
	s13 =	simm.s32 $0x80  }
0x6: {  	s14 =	simm.s32 $0x2800;
	s15 =	simm.s32 $0x2A00;
	s5 =	sand.u32 $0x1, s0  }
0x7: {  	s16 =	simm.s32 $0x2900;
	s0 =	stileid.u32;
	s7 =	smul.u32 $0x28000, s5  }
0x8: {  	s17 =	simm.s32 $0x6A00;
	s18 =	simm.s32 $0x2880;
	s8 =	smul.u32 $0x2800, s0  }
0x9: {  	s19 =	simm.s32 $0x3;
	s20 =	simm.s32 $0x2980;
	s9 =	smul.u32 $0x140000, s5  }
0xa: {  	s22 =	simm.s32 $0x0;
	[smem:$0x7FF] =	sst s4;
	s29 =	smul.u32 $0x14000, s0  }
0xb: {  	_ =	strace $0x8000004D;
	s30 =	ssub.s32 $0x2, s5;
	s10 =	smul.u32 $0x50000, s0  }
0xc: {  	s5 =	sadd.s32 $0xD800, s6;
	s21 =	sshll.u32 s0, $0x6;
	s31 =	sshrl.u32 s30, $0x1  }
0xd: {  	s7 =	sadd.s32 s8, s7;
	s8 =	sadd.s32 s29, s9;
	s9 =	ssub.s32 s30, s31  }
0xe: {  	s10 =	sshrl.u32 s10, $0x2;
	s7 =	sshrl.u32 s7, $0x3;
	s8 =	sshrl.u32 s8, $0x3  }
0xf: {  	s10 =	sadd.s32 s10, s3;
	s9 =	smax.u32 s9, $0x1;
	s7 =	sadd.s32 s7, s6  }
0x10: {  	s8 =	sadd.s32 s8, s6;
	s10 =	sshrl.u32 s10, $0x3;
	s6 =	sadd.s32 $0x3800, s7  }
0x11: {  	s7 =	sor.u32 $0x1C02, s21;
	s8 =	sadd.s32 $0x10000, s8;
	s21 =	sor.u32 $0x1C03, s21  }
.LBB2_1:
0x12: {  	[tilespmem:s4], [sflag:$0x1] =	stream.linear.gather [hbm4b:s6+s4], $0x2800, $0x38;
	[tilespmem:$0x1EA00] =	vst v63  }
0x13: {  	[spmem:s10], [sflag:s7] =	dma.local [hbm:s5], $0x2800  }
0x14: {  	_ =	swait.ge [sflag:s11], $0x2800  }
0x15: {  	[sflag:s11] =	ssyncset.done $0x0  }
0x16: {  	[sflag:s11] =	ssyncadd.s32 $0xFFFFD800  }
0x17: {  	_ =	swait.ge [sflag:s12], $0x2800  }
0x18: {  	[sflag:s12] =	ssyncset.done $0x0  }
0x19: {  	[sflag:s12] =	ssyncadd.s32 $0xFFFFD800  }
0x1a: {  	[bflag:$0x0] =	sbarrier.arrive $0xFFFF  }
0x1b: {  	v0 =	vld [tilespmem:$0x0]  }
0x1c: {  	v1 =	vld [tilespmem:$0x10]  }
0x1d: {  	v2 =	vld [tilespmem:$0x20]  }
0x1e: {  	v3 =	vld [tilespmem:$0x30]  }
0x1f: {  	v4 =	vld [tilespmem:$0x40]  }
0x20: {  	v5 =	vld [tilespmem:$0x50];
	v0 =	vand.u32 $0xFFFF, v0  }
0x21: {  	v40 =	vld [tilespmem:$0x60];
	v39 =	vand.u32 $0xFFFF, v1;
	[tilespmem:$0x2800] =	vst v0  }
0x22: {  	v42 =	vld [tilespmem:$0x70];
	v41 =	vand.u32 $0xFFFF, v2;
	[tilespmem:$0x2810] =	vst v39  }
0x23: {  	v44 =	vld [tilespmem:$0x0];
	v43 =	vand.u32 $0xFFFF, v3;
	[tilespmem:$0x2820] =	vst v41  }
0x24: {  	v46 =	vld [tilespmem:$0x10];
	v45 =	vand.u32 $0xFFFF, v4;
	[tilespmem:$0x2830] =	vst v43  }
0x25: {  	v48 =	vld [tilespmem:$0x20];
	v47 =	vand.u32 $0xFFFF, v5;
	[tilespmem:$0x2840] =	vst v45  }
0x26: {  	v50 =	vld [tilespmem:$0x30];
	v49 =	vand.u32 $0xFFFF, v40;
	[tilespmem:$0x2850] =	vst v47  }
0x27: {  	v52 =	vld [tilespmem:$0x40];
	v51 =	vand.u32 $0xFFFF, v42;
	[tilespmem:$0x2860] =	vst v49  }
0x28: {  	v54 =	vld [tilespmem:$0x50];
	v53 =	vshrl.u32 v44, $0x10;
	[tilespmem:$0x2870] =	vst v51  }
0x29: {  	v56 =	vld [tilespmem:$0x60];
	v55 =	vshrl.u32 v46, $0x10;
	[tilespmem:$0x2880] =	vst v53  }
0x2a: {  	v58 =	vld [tilespmem:$0x70];
	v57 =	vshrl.u32 v48, $0x10;
	[tilespmem:$0x2890] =	vst v55  }
0x2b: {  	v59 =	vshrl.u32 v50, $0x10;
	[tilespmem:$0x28A0] =	vst v57  }
0x2c: {  	v60 =	vshrl.u32 v52, $0x10;
	[tilespmem:$0x28B0] =	vst v59  }
0x2d: {  	v61 =	vshrl.u32 v54, $0x10;
	[tilespmem:$0x28C0] =	vst v60  }
0x2e: {  	v62 =	vshrl.u32 v56, $0x10;
	[tilespmem:$0x28D0] =	vst v61  }
0x2f: {  	v63 =	vshrl.u32 v58, $0x10;
	[tilespmem:$0x28E0] =	vst v62  }
0x30: {  	s23 =	simm.s32 $0x0;
	[tilespmem:$0x28F0] =	vst v63  }
0x31: {  	[tilespmem:s15], [sflag:$0x1] =	stream.indirect.gather [hbm4b:s1+s13], $0x80, s14, s13, $0xb8;
	[tilespmem:$0x1EA00] =	vst v63  }
0x32: {  	v0 =	vld [tilespmem:s23+$0x80];
	_ =	sdelay $0x4  }
0x33: {  	v0 =	vand.u32 $0xFFFF, v0  }
0x34: {  	[tilespmem:$0x2900] =	vst v0  }
0x35: {  	v0 =	vld [tilespmem:s23+$0x90];
	_ =	sdelay $0x4  }
0x36: {  	v0 =	vand.u32 $0xFFFF, v0  }
0x37: {  	[tilespmem:$0x2910] =	vst v0  }
0x38: {  	v0 =	vld [tilespmem:s23+$0xA0];
	_ =	sdelay $0x4  }
0x39: {  	v0 =	vand.u32 $0xFFFF, v0  }
0x3a: {  	[tilespmem:$0x2920] =	vst v0  }
0x3b: {  	v0 =	vld [tilespmem:s23+$0xB0];
	_ =	sdelay $0x4  }
0x3c: {  	v0 =	vand.u32 $0xFFFF, v0  }
0x3d: {  	[tilespmem:$0x2930] =	vst v0  }
0x3e: {  	v0 =	vld [tilespmem:s23+$0xC0];
	_ =	sdelay $0x4  }
0x3f: {  	v0 =	vand.u32 $0xFFFF, v0  }
0x40: {  	[tilespmem:$0x2940] =	vst v0  }
0x41: {  	v0 =	vld [tilespmem:s23+$0xD0];
	_ =	sdelay $0x4  }
0x42: {  	v0 =	vand.u32 $0xFFFF, v0  }
0x43: {  	[tilespmem:$0x2950] =	vst v0  }
0x44: {  	v0 =	vld [tilespmem:s23+$0xE0];
	_ =	sdelay $0x4  }
0x45: {  	v0 =	vand.u32 $0xFFFF, v0  }
0x46: {  	[tilespmem:$0x2960] =	vst v0  }
0x47: {  	v0 =	vld [tilespmem:s23+$0xF0];
	_ =	sdelay $0x4  }
0x48: {  	v0 =	vand.u32 $0xFFFF, v0  }
0x49: {  	[tilespmem:$0x2970] =	vst v0  }
0x4a: {  	v0 =	vld [tilespmem:s23+$0x80];
	_ =	sdelay $0x4  }
0x4b: {  	v0 =	vshrl.u32 v0, $0x10  }
0x4c: {  	[tilespmem:$0x2980] =	vst v0  }
0x4d: {  	v0 =	vld [tilespmem:s23+$0x90];
	_ =	sdelay $0x4  }
0x4e: {  	v0 =	vshrl.u32 v0, $0x10  }
0x4f: {  	[tilespmem:$0x2990] =	vst v0  }
0x50: {  	v0 =	vld [tilespmem:s23+$0xA0];
	_ =	sdelay $0x4  }
0x51: {  	v0 =	vshrl.u32 v0, $0x10  }
0x52: {  	[tilespmem:$0x29A0] =	vst v0  }
0x53: {  	v0 =	vld [tilespmem:s23+$0xB0];
	_ =	sdelay $0x4  }
0x54: {  	v0 =	vshrl.u32 v0, $0x10  }
0x55: {  	[tilespmem:$0x29B0] =	vst v0  }
0x56: {  	v0 =	vld [tilespmem:s23+$0xC0];
	_ =	sdelay $0x4  }
0x57: {  	v0 =	vshrl.u32 v0, $0x10  }
0x58: {  	[tilespmem:$0x29C0] =	vst v0  }
0x59: {  	v0 =	vld [tilespmem:s23+$0xD0];
	_ =	sdelay $0x4  }
0x5a: {  	v0 =	vshrl.u32 v0, $0x10  }
0x5b: {  	[tilespmem:$0x29D0] =	vst v0  }
0x5c: {  	v0 =	vld [tilespmem:s23+$0xE0];
	_ =	sdelay $0x4  }
0x5d: {  	v0 =	vshrl.u32 v0, $0x10  }
0x5e: {  	[tilespmem:$0x29E0] =	vst v0  }
0x5f: {  	v0 =	vld [tilespmem:s23+$0xF0];
	_ =	sdelay $0x4  }
0x60: {  	v0 =	vshrl.u32 v0, $0x10  }
0x61: {  	[tilespmem:$0x29F0] =	vst v0  }
0x62: {  	[tilespmem:s17], [sflag:$0x2] =	stream.indirect.gather [hbm4b:s1+s13], $0x80, s16, s13, $0xb8;
	[tilespmem:$0x1EA00] =	vst v63  }
0x63: {  	_ =	swait.ge [sflag:s11], $0x4000  }
0x64: {  	[sflag:s11] =	ssyncset.done $0x0  }
0x65: {  	[sflag:s11] =	ssyncadd.s32 $0xFFFFC000  }
0x66: {  	[spmem:s3] =	stream.indirect.scatter.add.f32 [tilespmem:s15], [sflag:$0x3], $0x80, s18, s13, $0xb8;
	[tilespmem:$0x1EA00] =	vst v63  }
0x67: {  	_ =	swait.ge [sflag:s19], $0x4000  }
0x68: {  	p0 =	por $0x0, $0x0;
	[sflag:s19] =	ssyncset.done $0x0  }
0x69: {  	s23 =	simm.s32 @!p0 $0x0;
	[sflag:s19] =	ssyncadd.s32 $0xFFFFC000  }
0x6a: {  	v0 =	vld @!p0 [tilespmem:s23+$0x100];
	_ =	sdelay $0x4  }
0x6b: {  	v0 =	vand.u32 @!p0 $0xFFFF, v0  }
0x6c: {  	[tilespmem:$0x2800] =	vst @!p0 v0  }
0x6d: {  	v0 =	vld @!p0 [tilespmem:s23+$0x110];
	_ =	sdelay $0x4  }
0x6e: {  	v0 =	vand.u32 @!p0 $0xFFFF, v0  }
0x6f: {  	[tilespmem:$0x2810] =	vst @!p0 v0  }
0x70: {  	v0 =	vld @!p0 [tilespmem:s23+$0x120];
	_ =	sdelay $0x4  }
0x71: {  	v0 =	vand.u32 @!p0 $0xFFFF, v0  }
0x72: {  	[tilespmem:$0x2820] =	vst @!p0 v0  }
0x73: {  	v0 =	vld @!p0 [tilespmem:s23+$0x130];
	_ =	sdelay $0x4  }
0x74: {  	v0 =	vand.u32 @!p0 $0xFFFF, v0  }
0x75: {  	[tilespmem:$0x2830] =	vst @!p0 v0  }
0x76: {  	v0 =	vld @!p0 [tilespmem:s23+$0x140];
	_ =	sdelay $0x4  }
0x77: {  	v0 =	vand.u32 @!p0 $0xFFFF, v0  }
0x78: {  	[tilespmem:$0x2840] =	vst @!p0 v0  }
0x79: {  	v0 =	vld @!p0 [tilespmem:s23+$0x150];
	_ =	sdelay $0x4  }
0x7a: {  	v0 =	vand.u32 @!p0 $0xFFFF, v0  }
0x7b: {  	[tilespmem:$0x2850] =	vst @!p0 v0  }
0x7c: {  	v0 =	vld @!p0 [tilespmem:s23+$0x160];
	_ =	sdelay $0x4  }
0x7d: {  	v0 =	vand.u32 @!p0 $0xFFFF, v0  }
0x7e: {  	[tilespmem:$0x2860] =	vst @!p0 v0  }
0x7f: {  	v0 =	vld @!p0 [tilespmem:s23+$0x170];
	_ =	sdelay $0x4  }
0x80: {  	v0 =	vand.u32 @!p0 $0xFFFF, v0  }
0x81: {  	[tilespmem:$0x2870] =	vst @!p0 v0  }
0x82: {  	v0 =	vld @!p0 [tilespmem:s23+$0x100];
	_ =	sdelay $0x4  }
0x83: {  	v0 =	vshrl.u32 @!p0 v0, $0x10  }
0x84: {  	[tilespmem:$0x2880] =	vst @!p0 v0  }
0x85: {  	v0 =	vld @!p0 [tilespmem:s23+$0x110];
	_ =	sdelay $0x4  }
0x86: {  	v0 =	vshrl.u32 @!p0 v0, $0x10  }
0x87: {  	[tilespmem:$0x2890] =	vst @!p0 v0  }
0x88: {  	v0 =	vld @!p0 [tilespmem:s23+$0x120];
	_ =	sdelay $0x4  }
0x89: {  	v0 =	vshrl.u32 @!p0 v0, $0x10  }
0x8a: {  	[tilespmem:$0x28A0] =	vst @!p0 v0  }
0x8b: {  	v0 =	vld @!p0 [tilespmem:s23+$0x130];
	_ =	sdelay $0x4  }
0x8c: {  	v0 =	vshrl.u32 @!p0 v0, $0x10  }
0x8d: {  	[tilespmem:$0x28B0] =	vst @!p0 v0  }
0x8e: {  	v0 =	vld @!p0 [tilespmem:s23+$0x140];
	_ =	sdelay $0x4  }
0x8f: {  	v0 =	vshrl.u32 @!p0 v0, $0x10  }
0x90: {  	[tilespmem:$0x28C0] =	vst @!p0 v0  }
0x91: {  	v0 =	vld @!p0 [tilespmem:s23+$0x150];
	_ =	sdelay $0x4  }
0x92: {  	v0 =	vshrl.u32 @!p0 v0, $0x10  }
0x93: {  	[tilespmem:$0x28D0] =	vst @!p0 v0  }
0x94: {  	v0 =	vld @!p0 [tilespmem:s23+$0x160];
	_ =	sdelay $0x4  }
0x95: {  	v0 =	vshrl.u32 @!p0 v0, $0x10  }
0x96: {  	[tilespmem:$0x28E0] =	vst @!p0 v0  }
0x97: {  	v0 =	vld @!p0 [tilespmem:s23+$0x170];
	_ =	sdelay $0x4  }
0x98: {  	v0 =	vshrl.u32 @!p0 v0, $0x10  }
0x99: {  	s24 =	simm.s32 @!p0 $0x2800;
	s25 =	simm.s32 @!p0 $0x2A00;
	s23 =	simm.s32 @!p0 $0x80;
	[tilespmem:$0x28F0] =	vst @!p0 v0  }
0x9a: {  	[tilespmem:s25], [sflag:$0x1] =	stream.indirect.gather @!p0 [hbm4b:s1+s23], $0x80, s24, s23, $0xb8;
	[tilespmem:$0x1EA00] =	vst v63  }
0x9b: {  	_ =	swait.ge [sflag:s12], $0x4000  }
0x9c: {  	[sflag:s12] =	ssyncset.done $0x0  }
0x9d: {  	[sflag:s12] =	ssyncadd.s32 $0xFFFFC000  }
0x9e: {  	[spmem:s3] =	stream.indirect.scatter.add.f32 [tilespmem:s17], [sflag:$0x3], $0x80, s20, s13, $0xb8;
	[tilespmem:$0x1EA00] =	vst v63  }
0x9f: {  	_ =	swait.ge [sflag:s19], $0x4000  }
0xa0: {  	s23 =	simm.s32 $0x400;
	s24 =	simm.s32 $0x800;
	[sflag:s19] =	ssyncset.done $0x0  }
.LBB2_2:
0xa1: {  	s26 =	sshra.s32 s23, $0x2  }
0xa2: {  	[sflag:s19] =	ssyncadd.s32 $0xFFFFC000;
	s25 =	smov.u32 s24;
	s24 =	sadd.s32 $0x400, s24  }
0xa3: {  	p0 =	sne.s32 s24, $0xA000;
	v0 =	vld [tilespmem:s26+$0x80];
	_ =	sdelay $0x4  }
0xa4: {  	v0 =	vand.u32 $0xFFFF, v0  }
0xa5: {  	[tilespmem:$0x2900] =	vst v0  }
0xa6: {  	v0 =	vld [tilespmem:s26+$0x90];
	_ =	sdelay $0x4  }
0xa7: {  	v0 =	vand.u32 $0xFFFF, v0  }
0xa8: {  	[tilespmem:$0x2910] =	vst v0  }
0xa9: {  	v0 =	vld [tilespmem:s26+$0xA0];
	_ =	sdelay $0x4  }
0xaa: {  	v0 =	vand.u32 $0xFFFF, v0  }
0xab: {  	[tilespmem:$0x2920] =	vst v0  }
0xac: {  	v0 =	vld [tilespmem:s26+$0xB0];
	_ =	sdelay $0x4  }
0xad: {  	v0 =	vand.u32 $0xFFFF, v0  }
0xae: {  	[tilespmem:$0x2930] =	vst v0  }
0xaf: {  	v0 =	vld [tilespmem:s26+$0xC0];
	_ =	sdelay $0x4  }
0xb0: {  	v0 =	vand.u32 $0xFFFF, v0  }
0xb1: {  	[tilespmem:$0x2940] =	vst v0  }
0xb2: {  	v0 =	vld [tilespmem:s26+$0xD0];
	_ =	sdelay $0x4  }
0xb3: {  	v0 =	vand.u32 $0xFFFF, v0  }
0xb4: {  	[tilespmem:$0x2950] =	vst v0  }
0xb5: {  	v0 =	vld [tilespmem:s26+$0xE0];
	_ =	sdelay $0x4  }
0xb6: {  	v0 =	vand.u32 $0xFFFF, v0  }
0xb7: {  	[tilespmem:$0x2960] =	vst v0  }
0xb8: {  	v0 =	vld [tilespmem:s26+$0xF0];
	_ =	sdelay $0x4  }
0xb9: {  	v0 =	vand.u32 $0xFFFF, v0  }
0xba: {  	[tilespmem:$0x2970] =	vst v0  }
0xbb: {  	v0 =	vld [tilespmem:s26+$0x80];
	_ =	sdelay $0x4  }
0xbc: {  	v0 =	vshrl.u32 v0, $0x10  }
0xbd: {  	[tilespmem:$0x2980] =	vst v0  }
0xbe: {  	v0 =	vld [tilespmem:s26+$0x90];
	_ =	sdelay $0x4  }
0xbf: {  	v0 =	vshrl.u32 v0, $0x10  }
0xc0: {  	[tilespmem:$0x2990] =	vst v0  }
0xc1: {  	v0 =	vld [tilespmem:s26+$0xA0];
	_ =	sdelay $0x4  }
0xc2: {  	v0 =	vshrl.u32 v0, $0x10  }
0xc3: {  	[tilespmem:$0x29A0] =	vst v0  }
0xc4: {  	v0 =	vld [tilespmem:s26+$0xB0];
	_ =	sdelay $0x4  }
0xc5: {  	v0 =	vshrl.u32 v0, $0x10  }
0xc6: {  	[tilespmem:$0x29B0] =	vst v0  }
0xc7: {  	v0 =	vld [tilespmem:s26+$0xC0];
	_ =	sdelay $0x4  }
0xc8: {  	v0 =	vshrl.u32 v0, $0x10  }
0xc9: {  	[tilespmem:$0x29C0] =	vst v0  }
0xca: {  	v0 =	vld [tilespmem:s26+$0xD0];
	_ =	sdelay $0x4  }
0xcb: {  	v0 =	vshrl.u32 v0, $0x10  }
0xcc: {  	[tilespmem:$0x29D0] =	vst v0  }
0xcd: {  	v0 =	vld [tilespmem:s26+$0xE0];
	_ =	sdelay $0x4  }
0xce: {  	v0 =	vshrl.u32 v0, $0x10  }
0xcf: {  	[tilespmem:$0x29E0] =	vst v0  }
0xd0: {  	v0 =	vld [tilespmem:s26+$0xF0];
	_ =	sdelay $0x4  }
0xd1: {  	v0 =	vshrl.u32 v0, $0x10  }
0xd2: {  	[tilespmem:$0x29F0] =	vst v0  }
0xd3: {  	[tilespmem:s17], [sflag:$0x2] =	stream.indirect.gather [hbm4b:s1+s13], $0x80, s16, s13, $0xb8;
	[tilespmem:$0x1EA00] =	vst v63  }
0xd4: {  	_ =	swait.ge [sflag:s11], $0x4000  }
0xd5: {  	[sflag:s11] =	ssyncset.done $0x0  }
0xd6: {  	[sflag:s11] =	ssyncadd.s32 $0xFFFFC000  }
0xd7: {  	[spmem:s3] =	stream.indirect.scatter.add.f32 [tilespmem:s15], [sflag:$0x3], $0x80, s18, s13, $0xb8;
	[tilespmem:$0x1EA00] =	vst v63  }
0xd8: {  	_ =	swait.ge [sflag:s19], $0x4000  }
0xd9: {  	p1 =	seq.s32 s23, $0x9C00;
	[sflag:s19] =	ssyncset.done $0x0  }
0xda: {  	s26 =	sshra.s32 @!p1 s23, $0x2;
	s23 =	smov.u32 s25;
	[sflag:s19] =	ssyncadd.s32 $0xFFFFC000  }
0xdb: {  	v0 =	vld @!p1 [tilespmem:s26+$0x100];
	_ =	sdelay $0x4  }
0xdc: {  	v0 =	vand.u32 @!p1 $0xFFFF, v0  }
0xdd: {  	[tilespmem:$0x2800] =	vst @!p1 v0  }
0xde: {  	v0 =	vld @!p1 [tilespmem:s26+$0x110];
	_ =	sdelay $0x4  }
0xdf: {  	v0 =	vand.u32 @!p1 $0xFFFF, v0  }
0xe0: {  	[tilespmem:$0x2810] =	vst @!p1 v0  }
0xe1: {  	v0 =	vld @!p1 [tilespmem:s26+$0x120];
	_ =	sdelay $0x4  }
0xe2: {  	v0 =	vand.u32 @!p1 $0xFFFF, v0  }
0xe3: {  	[tilespmem:$0x2820] =	vst @!p1 v0  }
0xe4: {  	v0 =	vld @!p1 [tilespmem:s26+$0x130];
	_ =	sdelay $0x4  }
0xe5: {  	v0 =	vand.u32 @!p1 $0xFFFF, v0  }
0xe6: {  	[tilespmem:$0x2830] =	vst @!p1 v0  }
0xe7: {  	v0 =	vld @!p1 [tilespmem:s26+$0x140];
	_ =	sdelay $0x4  }
0xe8: {  	v0 =	vand.u32 @!p1 $0xFFFF, v0  }
0xe9: {  	[tilespmem:$0x2840] =	vst @!p1 v0  }
0xea: {  	v0 =	vld @!p1 [tilespmem:s26+$0x150];
	_ =	sdelay $0x4  }
0xeb: {  	v0 =	vand.u32 @!p1 $0xFFFF, v0  }
0xec: {  	[tilespmem:$0x2850] =	vst @!p1 v0  }
0xed: {  	v0 =	vld @!p1 [tilespmem:s26+$0x160];
	_ =	sdelay $0x4  }
0xee: {  	v0 =	vand.u32 @!p1 $0xFFFF, v0  }
0xef: {  	[tilespmem:$0x2860] =	vst @!p1 v0  }
0xf0: {  	v0 =	vld @!p1 [tilespmem:s26+$0x170];
	_ =	sdelay $0x4  }
0xf1: {  	v0 =	vand.u32 @!p1 $0xFFFF, v0  }
0xf2: {  	[tilespmem:$0x2870] =	vst @!p1 v0  }
0xf3: {  	v0 =	vld @!p1 [tilespmem:s26+$0x100];
	_ =	sdelay $0x4  }
0xf4: {  	v0 =	vshrl.u32 @!p1 v0, $0x10  }
0xf5: {  	[tilespmem:$0x2880] =	vst @!p1 v0  }
0xf6: {  	v0 =	vld @!p1 [tilespmem:s26+$0x110];
	_ =	sdelay $0x4  }
0xf7: {  	v0 =	vshrl.u32 @!p1 v0, $0x10  }
0xf8: {  	[tilespmem:$0x2890] =	vst @!p1 v0  }
0xf9: {  	v0 =	vld @!p1 [tilespmem:s26+$0x120];
	_ =	sdelay $0x4  }
0xfa: {  	v0 =	vshrl.u32 @!p1 v0, $0x10  }
0xfb: {  	[tilespmem:$0x28A0] =	vst @!p1 v0  }
0xfc: {  	v0 =	vld @!p1 [tilespmem:s26+$0x130];
	_ =	sdelay $0x4  }
0xfd: {  	v0 =	vshrl.u32 @!p1 v0, $0x10  }
0xfe: {  	[tilespmem:$0x28B0] =	vst @!p1 v0  }
0xff: {  	v0 =	vld @!p1 [tilespmem:s26+$0x140];
	_ =	sdelay $0x4  }
0x100: {  	v0 =	vshrl.u32 @!p1 v0, $0x10  }
0x101: {  	[tilespmem:$0x28C0] =	vst @!p1 v0  }
0x102: {  	v0 =	vld @!p1 [tilespmem:s26+$0x150];
	_ =	sdelay $0x4  }
0x103: {  	v0 =	vshrl.u32 @!p1 v0, $0x10  }
0x104: {  	[tilespmem:$0x28D0] =	vst @!p1 v0  }
0x105: {  	v0 =	vld @!p1 [tilespmem:s26+$0x160];
	_ =	sdelay $0x4  }
0x106: {  	v0 =	vshrl.u32 @!p1 v0, $0x10  }
0x107: {  	[tilespmem:$0x28E0] =	vst @!p1 v0  }
0x108: {  	v0 =	vld @!p1 [tilespmem:s26+$0x170];
	_ =	sdelay $0x4  }
0x109: {  	v0 =	vshrl.u32 @!p1 v0, $0x10  }
0x10a: {  	s28 =	simm.s32 @!p1 $0x2A00;
	s25 =	simm.s32 @!p1 $0x80;
	s26 =	simm.s32 @!p1 $0x2800;
	[tilespmem:$0x28F0] =	vst @!p1 v0  }
0x10b: {  	[tilespmem:s28], [sflag:$0x1] =	stream.indirect.gather @!p1 [hbm4b:s1+s25], $0x80, s26, s25, $0xb8;
	[tilespmem:$0x1EA00] =	vst v63  }
0x10c: {  	_ =	swait.ge [sflag:s12], $0x4000  }
.Ltmp0:
0x10d: {  	[sflag:s12] =	ssyncset.done $0x0;
	(pc) =	sbr.rel @p0 .LBB2_2-.Ltmp0, $4  }
0x10e: {  	[sflag:s12] =	ssyncadd.s32 $0xFFFFC000  }
0x10f: {  	[spmem:s3] =	stream.indirect.scatter.add.f32 [tilespmem:s17], [sflag:$0x3], $0x80, s20, s13, $0xb8;
	[tilespmem:$0x1EA00] =	vst v63  }
0x110: {  	_ =	swait.ge [sflag:s19], $0x4000  }
0x111: {  	[sflag:s19] =	ssyncset.done $0x0  }
0x112: {  	s24 =	sshra.s32 s23, $0x2;
	[sflag:s19] =	ssyncadd.s32 $0xFFFFC000  }
0x113: {  	v0 =	vld [tilespmem:s24+$0x80];
	_ =	sdelay $0x4  }
0x114: {  	v0 =	vand.u32 $0xFFFF, v0  }
0x115: {  	[tilespmem:$0x2900] =	vst v0  }
0x116: {  	v0 =	vld [tilespmem:s24+$0x90];
	_ =	sdelay $0x4  }
0x117: {  	v0 =	vand.u32 $0xFFFF, v0  }
0x118: {  	[tilespmem:$0x2910] =	vst v0  }
0x119: {  	v0 =	vld [tilespmem:s24+$0xA0];
	_ =	sdelay $0x4  }
0x11a: {  	v0 =	vand.u32 $0xFFFF, v0  }
0x11b: {  	[tilespmem:$0x2920] =	vst v0  }
0x11c: {  	v0 =	vld [tilespmem:s24+$0xB0];
	_ =	sdelay $0x4  }
0x11d: {  	v0 =	vand.u32 $0xFFFF, v0  }
0x11e: {  	[tilespmem:$0x2930] =	vst v0  }
0x11f: {  	v0 =	vld [tilespmem:s24+$0xC0];
	_ =	sdelay $0x4  }
0x120: {  	v0 =	vand.u32 $0xFFFF, v0  }
0x121: {  	[tilespmem:$0x2940] =	vst v0  }
0x122: {  	v0 =	vld [tilespmem:s24+$0xD0];
	_ =	sdelay $0x4  }
0x123: {  	v0 =	vand.u32 $0xFFFF, v0  }
0x124: {  	[tilespmem:$0x2950] =	vst v0  }
0x125: {  	v0 =	vld [tilespmem:s24+$0xE0];
	_ =	sdelay $0x4  }
0x126: {  	v0 =	vand.u32 $0xFFFF, v0  }
0x127: {  	[tilespmem:$0x2960] =	vst v0  }
0x128: {  	v0 =	vld [tilespmem:s24+$0xF0];
	_ =	sdelay $0x4  }
0x129: {  	v0 =	vand.u32 $0xFFFF, v0  }
0x12a: {  	[tilespmem:$0x2970] =	vst v0  }
0x12b: {  	v0 =	vld [tilespmem:s24+$0x80];
	_ =	sdelay $0x4  }
0x12c: {  	v0 =	vshrl.u32 v0, $0x10  }
0x12d: {  	[tilespmem:$0x2980] =	vst v0  }
0x12e: {  	v0 =	vld [tilespmem:s24+$0x90];
	_ =	sdelay $0x4  }
0x12f: {  	v0 =	vshrl.u32 v0, $0x10  }
0x130: {  	[tilespmem:$0x2990] =	vst v0  }
0x131: {  	v0 =	vld [tilespmem:s24+$0xA0];
	_ =	sdelay $0x4  }
0x132: {  	v0 =	vshrl.u32 v0, $0x10  }
0x133: {  	[tilespmem:$0x29A0] =	vst v0  }
0x134: {  	v0 =	vld [tilespmem:s24+$0xB0];
	_ =	sdelay $0x4  }
0x135: {  	v0 =	vshrl.u32 v0, $0x10  }
0x136: {  	[tilespmem:$0x29B0] =	vst v0  }
0x137: {  	v0 =	vld [tilespmem:s24+$0xC0];
	_ =	sdelay $0x4  }
0x138: {  	v0 =	vshrl.u32 v0, $0x10  }
0x139: {  	[tilespmem:$0x29C0] =	vst v0  }
0x13a: {  	v0 =	vld [tilespmem:s24+$0xD0];
	_ =	sdelay $0x4  }
0x13b: {  	v0 =	vshrl.u32 v0, $0x10  }
0x13c: {  	[tilespmem:$0x29D0] =	vst v0  }
0x13d: {  	v0 =	vld [tilespmem:s24+$0xE0];
	_ =	sdelay $0x4  }
0x13e: {  	v0 =	vshrl.u32 v0, $0x10  }
0x13f: {  	[tilespmem:$0x29E0] =	vst v0  }
0x140: {  	v0 =	vld [tilespmem:s24+$0xF0];
	_ =	sdelay $0x4  }
0x141: {  	v0 =	vshrl.u32 v0, $0x10  }
0x142: {  	[tilespmem:$0x29F0] =	vst v0  }
0x143: {  	[tilespmem:s17], [sflag:$0x2] =	stream.indirect.gather [hbm4b:s1+s13], $0x80, s16, s13, $0xb8;
	[tilespmem:$0x1EA00] =	vst v63  }
0x144: {  	_ =	swait.ge [sflag:s11], $0x4000  }
0x145: {  	[sflag:s11] =	ssyncset.done $0x0  }
0x146: {  	[sflag:s11] =	ssyncadd.s32 $0xFFFFC000  }
0x147: {  	[spmem:s3] =	stream.indirect.scatter.add.f32 [tilespmem:s15], [sflag:$0x3], $0x80, s18, s13, $0xb8;
	[tilespmem:$0x1EA00] =	vst v63  }
0x148: {  	_ =	swait.ge [sflag:s19], $0x4000  }
0x149: {  	p0 =	seq.s32 s23, $0x9C00;
	[sflag:s19] =	ssyncset.done $0x0  }
0x14a: {  	s23 =	sshra.s32 @!p0 s23, $0x2;
	[sflag:s19] =	ssyncadd.s32 $0xFFFFC000  }
0x14b: {  	v0 =	vld @!p0 [tilespmem:s23+$0x100];
	_ =	sdelay $0x4  }
0x14c: {  	v0 =	vand.u32 @!p0 $0xFFFF, v0  }
0x14d: {  	[tilespmem:$0x2800] =	vst @!p0 v0  }
0x14e: {  	v0 =	vld @!p0 [tilespmem:s23+$0x110];
	_ =	sdelay $0x4  }
0x14f: {  	v0 =	vand.u32 @!p0 $0xFFFF, v0  }
0x150: {  	[tilespmem:$0x2810] =	vst @!p0 v0  }
0x151: {  	v0 =	vld @!p0 [tilespmem:s23+$0x120];
	_ =	sdelay $0x4  }
0x152: {  	v0 =	vand.u32 @!p0 $0xFFFF, v0  }
0x153: {  	[tilespmem:$0x2820] =	vst @!p0 v0  }
0x154: {  	v0 =	vld @!p0 [tilespmem:s23+$0x130];
	_ =	sdelay $0x4  }
0x155: {  	v0 =	vand.u32 @!p0 $0xFFFF, v0  }
0x156: {  	[tilespmem:$0x2830] =	vst @!p0 v0  }
0x157: {  	v0 =	vld @!p0 [tilespmem:s23+$0x140];
	_ =	sdelay $0x4  }
0x158: {  	v0 =	vand.u32 @!p0 $0xFFFF, v0  }
0x159: {  	[tilespmem:$0x2840] =	vst @!p0 v0  }
0x15a: {  	v0 =	vld @!p0 [tilespmem:s23+$0x150];
	_ =	sdelay $0x4  }
0x15b: {  	v0 =	vand.u32 @!p0 $0xFFFF, v0  }
0x15c: {  	[tilespmem:$0x2850] =	vst @!p0 v0  }
0x15d: {  	v0 =	vld @!p0 [tilespmem:s23+$0x160];
	_ =	sdelay $0x4  }
0x15e: {  	v0 =	vand.u32 @!p0 $0xFFFF, v0  }
0x15f: {  	[tilespmem:$0x2860] =	vst @!p0 v0  }
0x160: {  	v0 =	vld @!p0 [tilespmem:s23+$0x170];
	_ =	sdelay $0x4  }
0x161: {  	v0 =	vand.u32 @!p0 $0xFFFF, v0  }
0x162: {  	[tilespmem:$0x2870] =	vst @!p0 v0  }
0x163: {  	v0 =	vld @!p0 [tilespmem:s23+$0x100];
	_ =	sdelay $0x4  }
0x164: {  	v0 =	vshrl.u32 @!p0 v0, $0x10  }
0x165: {  	[tilespmem:$0x2880] =	vst @!p0 v0  }
0x166: {  	v0 =	vld @!p0 [tilespmem:s23+$0x110];
	_ =	sdelay $0x4  }
0x167: {  	v0 =	vshrl.u32 @!p0 v0, $0x10  }
0x168: {  	[tilespmem:$0x2890] =	vst @!p0 v0  }
0x169: {  	v0 =	vld @!p0 [tilespmem:s23+$0x120];
	_ =	sdelay $0x4  }
0x16a: {  	v0 =	vshrl.u32 @!p0 v0, $0x10  }
0x16b: {  	[tilespmem:$0x28A0] =	vst @!p0 v0  }
0x16c: {  	v0 =	vld @!p0 [tilespmem:s23+$0x130];
	_ =	sdelay $0x4  }
0x16d: {  	v0 =	vshrl.u32 @!p0 v0, $0x10  }
0x16e: {  	[tilespmem:$0x28B0] =	vst @!p0 v0  }
0x16f: {  	v0 =	vld @!p0 [tilespmem:s23+$0x140];
	_ =	sdelay $0x4  }
0x170: {  	v0 =	vshrl.u32 @!p0 v0, $0x10  }
0x171: {  	[tilespmem:$0x28C0] =	vst @!p0 v0  }
0x172: {  	v0 =	vld @!p0 [tilespmem:s23+$0x150];
	_ =	sdelay $0x4  }
0x173: {  	v0 =	vshrl.u32 @!p0 v0, $0x10  }
0x174: {  	[tilespmem:$0x28D0] =	vst @!p0 v0  }
0x175: {  	v0 =	vld @!p0 [tilespmem:s23+$0x160];
	_ =	sdelay $0x4  }
0x176: {  	v0 =	vshrl.u32 @!p0 v0, $0x10  }
0x177: {  	[tilespmem:$0x28E0] =	vst @!p0 v0  }
0x178: {  	v0 =	vld @!p0 [tilespmem:s23+$0x170];
	_ =	sdelay $0x4  }
0x179: {  	v0 =	vshrl.u32 @!p0 v0, $0x10  }
0x17a: {  	s25 =	simm.s32 @!p0 $0x2A00;
	s24 =	simm.s32 @!p0 $0x2800;
	s23 =	simm.s32 @!p0 $0x80;
	[tilespmem:$0x28F0] =	vst @!p0 v0  }
0x17b: {  	[tilespmem:s25], [sflag:$0x1] =	stream.indirect.gather @!p0 [hbm4b:s1+s23], $0x80, s24, s23, $0xb8;
	[tilespmem:$0x1EA00] =	vst v63  }
0x17c: {  	_ =	swait.ge [sflag:s12], $0x4000  }
0x17d: {  	[sflag:s12] =	ssyncset.done $0x0  }
0x17e: {  	[sflag:s12] =	ssyncadd.s32 $0xFFFFC000  }
0x17f: {  	[spmem:s3] =	stream.indirect.scatter.add.f32 [tilespmem:s17], [sflag:$0x3], $0x80, s20, s13, $0xb8;
	[tilespmem:$0x1EA00] =	vst v63  }
0x180: {  	_ =	swait.ge [sflag:s19], $0x4000  }
0x181: {  	s22 =	sadd.s32 $0x1, s22;
	[sflag:s19] =	ssyncset.done $0x0  }
0x182: {  	p0 =	sne.s32 s22, s9;
	[sflag:s19] =	ssyncadd.s32 $0xFFFFC000  }
.Ltmp1:
0x183: {  	[bflag:$0x0] =	sbarrier.arrive $0xFFFF;
	(pc) =	sbr.rel @p0 .LBB2_1-.Ltmp1, $4  }
0x184: {  	[hbm:s8], [sflag:s21] =	dma.local [spmem:s10], $0x2800  }
0x185: {  	_ =	swait.ge [sflag:s19], $0x2800  }
0x186: {  	[sflag:s19] =	ssyncset.done $0x0  }
0x187: {  	[sflag:s19] =	ssyncadd.s32 $0xFFFFD800  }
0x188: {  	_ =	sfence.sel $0x180000  }
0x189: {  	[bflag:$0x0] =	sbarrier.arrive $0xFFFF  }
0x18a: {  	p0 =	sne.s32 s0, $0x0;
	_ =	strace $0x9000004D  }
0x18b: {  	s0 =	sadd.s32 @!p0 $0x100000, s2;
	[bflag:$0x2] =	sbarrier.arrive $0xFFFF  }
0x18c: {  	[sflag:s0] =	ssyncadd.tile.s32 @!p0 $0x1;
	_ =	shalt  }
.Lfunc_end2:
_tile_overlayer_lowered:
.L_overlay_start_2:
0x18d: {  	(tag) =	ssettag $0x2  }
0x18e: {  	s0 =	rddreg [dreg:$0x0];
	s2 =	stileid.u32  }
0x18f: {  	s1 =	rddreg [dreg:$0x1];
	p0 =	sne.s32 s2, $0x0  }
0x190: {  	s3 =	rddreg [dreg:$0x2];
	[bflag:$0x3] =	sbarrier.arrive $0xFFFF;
	s2 =	simm.s32 @!p0 $0x1C03  }
0x191: {  	[timem:s3], [sflag:s2] =	dma.local @!p0 [hbm:s0], s1  }
0x192: {  	s0 =	simm.s32 @!p0 $0x3  }
0x193: {  	_ =	swait.ge @!p0 [sflag:s0], s1  }
0x194: {  	s1 =	ssub.s32 @!p0 $0x0, s1;
	[sflag:s0] =	ssyncset.done @!p0 $0x0  }
0x195: {  	[sflag:s0] =	ssyncadd.s32 @!p0 s1  }
0x196: {  	[bflag:$0x3] =	sbarrier.arrive $0xFFFF  }
0x197: {  	_ =	shalt  }

// kernel: kernel.20.cloned.1.call-start
scs
__scs_entry_jumppad:
0x0: {  	(pc) =	sbr.rel $0x88, $3  }
0x1: {  	(tag) =	ssettag $0x0;
	lr =	simm.s32 $0x1  }
0x2: {  	[smem:$0x3F99] =	sst lr;
	_ =	strace $0xD0000000  }
0x3: {  	_ = 	snop  }
0x4: {  	_ = 	snop  }
0x5: {  	_ = 	snop  }
0x6: {  	_ = 	snop  }
0x7: {  	_ = 	snop  }
__scs_overlays_trampoline_lowered:
0x8: {  	[smem:$0x3FA8] =	sst s0  }
0x9: {  	[smem:$0x3FA9] =	sst s1  }
0xa: {  	[smem:$0x3FAA] =	sst s2  }
0xb: {  	[smem:$0x3FAB] =	sst s3  }
0xc: {  	[smem:$0x3FAC] =	sst s4  }
0xd: {  	[smem:$0x3FAD] =	sst s5  }
0xe: {  	[smem:$0x3FAE] =	sst s6  }
0xf: {  	[smem:$0x3FAF] =	sst s7  }
0x10: {  	[smem:$0x3FB0] =	sst s8  }
0x11: {  	[smem:$0x3FB1] =	sst s9;
	s0 =	simm.s32 @!p0 $0x0  }
0x12: {  	s1 =	sld [smem:$0x3F97];
	s0 =	simm.s32 @p0 $0x1  }
0x13: {  	[smem:$0x3FB2] =	sst s0;
	s0 =	simm.s32 @!p1 $0x0  }
0x14: {  	s2 =	sld [smem:$0x3F96];
	s0 =	simm.s32 @p1 $0x1  }
0x15: {  	[smem:$0x3FB3] =	sst s0;
	s0 =	simm.s32 @!p2 $0x0  }
0x16: {  	s3 =	sld [smem:$0x3FDB];
	s0 =	simm.s32 @p2 $0x1  }
0x17: {  	s4 =	simm.s32 $0x1BF5;
	[smem:$0x3FB5] =	sst s0  }
0x18: {  	s0 =	sld [smem:$0x3F98];
	_ =	swait.ge [sflag:s4], $0x0  }
0x19: {  	s7 =	sld [smem:$0x3F99]  }
0x1a: {  	s8 =	sadd.s32 $0xFFFFE003, lr  }
0x1b: {  	s9 =	sadd.s32 $0xFFFFFEF7, lr;
	s5 =	simm.s32 $0xFFFFFFFF;
	p2 =	slt.u32 s8, $0xFFFFF086  }
0x1c: {  	p1 =	slt.u32 s9, $0xF7A;
	s5 =	simm.s32 @!p2 $0x0  }
0x1d: {  	s5 =	simm.s32 @p1 $0x1;
	p0 =	seq.s32 s7, s2  }
0x1e: {  	s7 =	smul.u32 @!p0 $0xF7A, s2;
	p2 =	seq.s32 @!p0 s5, $0x0  }
0x1f: {  	s9 =	smul.u32 $0xF7A, s1;
	s8 =	simm.s32 @!p0 $0x1BF5;
	p2 =	por !p2, p0  }
0x20: {  	[sflag:s8] =	ssyncset.s32 @!p0 $0xFFFFF086;
	s6 =	sadd.s32 @!p0 s3, s7;
	s7 =	simm.s32 @!p0 $0x108  }
0x21: {  	s3 =	sadd.s32 s3, s9;
	s6 =	sadd.s32 @!p0 $0x88, s6;
	s7 =	simm.s32 @p2 $0x1082  }
0x22: {  	[simem:s7], [sflag:s8] =	dma.local @!p0 [hbm:s6], $0xF7A  }
0x23: {  	s9 =	sor.u32 $0xD0000000, s2;
	s6 =	simm.s32 $0x108;
	_ =	swait.ge @!p0 [sflag:s8], $0x0  }
0x24: {  	s3 =	sadd.s32 $0x88, s3;
	s6 =	simm.s32 @!p1 $0x1082;
	[sflag:s4] =	ssyncset.s32 $0xFFFFF086  }
0x25: {  	[simem:s6], [sflag:s4] =	dma.local [hbm:s3], $0xF7A  }
0x26: {  	[smem:$0x3F99] =	sst s1;
	(tag) =	ssettag s2;
	_ =	strace s9  }
0x27: {  	s1 =	sld [smem:$0x3FA9]  }
0x28: {  	s2 =	sld [smem:$0x3FAA]  }
0x29: {  	s4 =	sld [smem:$0x3FAC]  }
0x2a: {  	p0 =	seq.s32 s5, $0x0;
	s5 =	sld [smem:$0x3FAD]  }
0x2b: {  	s6 =	sld [smem:$0x3FAE]  }
0x2c: {  	s7 =	sld [smem:$0x3FAF]  }
0x2d: {  	s3 =	simm.s32 $0x108;
	s8 =	sld [smem:$0x3FB0]  }
0x2e: {  	s3 =	simm.s32 @!p0 $0x1082;
	s9 =	sld [smem:$0x3FB1]  }
0x2f: {  	lr =	sadd.s32 s0, s3;
	s0 =	sld [smem:$0x3FA8]  }
0x30: {  	s3 =	sld [smem:$0x3FAB]  }
0x31: {  	[smem:$0x3FB4] =	sst s10  }
0x32: {  	s10 =	sld [smem:$0x3FB2];
	_ =	sdelay $0x3  }
0x33: {  	p0 =	seq.s32 s10, $0x1;
	s10 =	sld [smem:$0x3FB4];
	_ =	sdelay $0x3  }
0x34: {  	[smem:$0x3FB4] =	sst s10  }
0x35: {  	s10 =	sld [smem:$0x3FB3];
	_ =	sdelay $0x3  }
0x36: {  	p1 =	seq.s32 s10, $0x1;
	s10 =	sld [smem:$0x3FB4];
	_ =	sdelay $0x3  }
0x37: {  	[smem:$0x3FB4] =	sst s10  }
0x38: {  	s10 =	sld [smem:$0x3FB5]  }
0x39: {  	_ = 	snop;
	(pc) =	sbr.ind lr, $3  }
0x3a: {  	_ = 	snop  }
0x3b: {  	_ = 	snop  }
0x3c: {  	p2 =	seq.s32 s10, $0x1;
	s10 =	sld [smem:$0x3FB4]  }
0x3d: {  	_ =	shalt  }
0x3e: {  	_ =	shalt  }
0x3f: {  	_ =	shalt  }
0x40: {  	_ =	shalt  }
0x41: {  	_ =	shalt  }
0x42: {  	_ =	shalt  }
0x43: {  	_ =	shalt  }
0x44: {  	_ =	shalt  }
0x45: {  	_ =	shalt  }
0x46: {  	_ =	shalt  }
0x47: {  	_ =	shalt  }
0x48: {  	_ =	shalt  }
0x49: {  	_ =	shalt  }
0x4a: {  	_ =	shalt  }
0x4b: {  	_ =	shalt  }
0x4c: {  	_ =	shalt  }
0x4d: {  	_ =	shalt  }
0x4e: {  	_ =	shalt  }
0x4f: {  	_ =	shalt  }
0x50: {  	_ =	shalt  }
0x51: {  	_ =	shalt  }
0x52: {  	_ =	shalt  }
0x53: {  	_ =	shalt  }
0x54: {  	_ =	shalt  }
0x55: {  	_ =	shalt  }
0x56: {  	_ =	shalt  }
0x57: {  	_ =	shalt  }
0x58: {  	_ =	shalt  }
0x59: {  	_ =	shalt  }
0x5a: {  	_ =	shalt  }
0x5b: {  	_ =	shalt  }
0x5c: {  	_ =	shalt  }
0x5d: {  	_ =	shalt  }
0x5e: {  	_ =	shalt  }
0x5f: {  	_ =	shalt  }
0x60: {  	_ =	shalt  }
0x61: {  	_ =	shalt  }
0x62: {  	_ =	shalt  }
0x63: {  	_ =	shalt  }
0x64: {  	_ =	shalt  }
0x65: {  	_ =	shalt  }
0x66: {  	_ =	shalt  }
0x67: {  	_ =	shalt  }
0x68: {  	_ =	shalt  }
0x69: {  	_ =	shalt  }
0x6a: {  	_ =	shalt  }
0x6b: {  	_ =	shalt  }
0x6c: {  	_ =	shalt  }
0x6d: {  	_ =	shalt  }
0x6e: {  	_ =	shalt  }
0x6f: {  	_ =	shalt  }
0x70: {  	_ =	shalt  }
0x71: {  	_ =	shalt  }
0x72: {  	_ =	shalt  }
0x73: {  	_ =	shalt  }
0x74: {  	_ =	shalt  }
0x75: {  	_ =	shalt  }
0x76: {  	_ =	shalt  }
0x77: {  	_ =	shalt  }
0x78: {  	_ =	shalt  }
0x79: {  	_ =	shalt  }
0x7a: {  	_ =	shalt  }
0x7b: {  	_ =	shalt  }
0x7c: {  	_ =	shalt  }
0x7d: {  	_ =	shalt  }
0x7e: {  	_ =	shalt  }
0x7f: {  	_ =	shalt  }
0x80: {  	_ =	shalt  }
0x81: {  	_ =	shalt  }
0x82: {  	_ =	shalt  }
0x83: {  	_ =	shalt  }
0x84: {  	_ =	shalt  }
0x85: {  	_ =	shalt  }
0x86: {  	_ =	shalt  }
0x87: {  	_ =	shalt  }
.Lfunc_end0:
.L_simem_size_0:
called_computation.3_lowered:
.L_overlay_start_0:
0x88: {  	s2 =	sld [smem:$0x3FD9]  }
0x89: {  	s3 =	sld [smem:$0x3FFE];
	_ =	sdelay $0x1  }
0x8a: {  	s1 =	srdreg.scid  }
0x8b: {  	s0 =	sand.u32 $0x1, s1  }
0x8c: {  	s17 =	sshll.u32 s0, $0xA;
	s2 =	sadd.s32 s3, s2  }
0x8d: {  	s2 =	sadd.s32 s2, s17  }
0x8e: {  	[smem:$0x3FC0] =	sst s2  }
0x8f: {  	_ = 	snop  }
0x90: {  	s2 =	sld [smem:$0x3FD0];
	(tm) =	ssettm $0x1  }
0x91: {  	s18 =	sld [smem:$0x3FFB];
	_ =	sdelay $0x3  }
0x92: {  	_ =	strace s18  }
0x93: {  	s3 =	sld [smem:$0x3FFC];
	_ =	sdelay $0x3  }
0x94: {  	_ =	strace s3  }
0x95: {  	s3 =	sld [smem:$0x3FFD];
	_ =	sdelay $0x3  }
0x96: {  	_ =	strace s3  }
0x97: {  	_ =	strace $0x8FFFFFFF  }
0x98: {  	s19 =	sld [smem:$0x3FDB];
	_ =	sdelay $0x1  }
0x99: {  	s4 =	simm.s32 $_scs_section_size  }
0x9a: {  	s5 =	simm.s32 $_size__tile_overlayer_lowered;
	s6 =	simm.s32 $_tile_overlayer_lowered  }
0x9b: {  	s22 =	simm.s32 $0x1BFF;
	s21 =	sshll.u32 s6, $0x1;
	s3 =	sadd.s32 s4, s19  }
0x9c: {  	s7 =	simm.s32 $0x0;
	s20 =	sshll.u32 s5, $0x1;
	s5 =	sadd.s32 s21, s3  }
0x9d: {  	[timem:s7], [sflag:s22] =	dma.local [hbm:s5], s20  }
0x9e: {  	_ =	swait.ge [sflag:s22], s20  }
0x9f: {  	s4 =	ssub.s32 $0x0, s20;
	[sflag:s22] =	ssyncset.done $0x0  }
0xa0: {  	[sflag:s22] =	ssyncadd.s32 s4;
	_ =	sdelay $0x1  }
0xa1: {  	s23 =	simm.s32 $0x1B8B  }
0xa2: {  	_ =	swait.ge [sflag:s23], $0x1  }
0xa3: {  	[sflag:s23] =	ssyncset.done $0x0  }
0xa4: {  	s25 =	simm.s32 $0x1B8E;
	s24 =	sld [smem:$0x3FFE];
	[sflag:s23] =	ssyncadd.s32 $0xFFFFFFFF  }
0xa5: {  	s26 =	simm.s32 $execute0_lowered;
	[smem:$0x3FD2] =	sst s25  }
0xa6: {  	s5 =	sshll.u32 s26, $0x1;
	_ =	strace $0x8000004F;
	[dreg:$0x1] =	wrdreg $0xFFFFFFFF  }
0xa7: {  	s28 =	simm.s32 $_size_execute0_lowered;
	s3 =	sadd.s32 s3, s5;
	[dreg:$0x0] =	wrdreg $0x0  }
0xa8: {  	s5 =	sshll.u32 s28, $0x1;
	[dreg:$0x2] =	wrdreg s3  }
0xa9: {  	[dreg:$0x3] =	wrdreg s5  }
0xaa: {  	[dreg:$0x4] =	wrdreg $0xC0  }
0xab: {  	_ =	task [dreg:s7], $0x5FFFF  }
0xac: {  	[dreg:$0x1] =	wrdreg $0xFFFFFFFF  }
0xad: {  	[dreg:$0x0] =	wrdreg $0x60  }
0xae: {  	[dreg:$0x2] =	wrdreg s2  }
0xaf: {  	[dreg:$0x3] =	wrdreg s24  }
0xb0: {  	[dreg:$0x4] =	wrdreg $0xAA000  }
0xb1: {  	[dreg:$0x5] =	wrdreg $0x9  }
0xb2: {  	_ =	task.clear_ibuf [dreg:s7], $0x6FFFF;
	_ =	strace $0x9000004F  }
0xb3: {  	s29 =	simm.s32 $0x9;
	_ =	strace $0x80000051  }
0xb4: {  	_ =	swait.ge [sflag:s29], $0x1  }
0xb5: {  	[sflag:s29] =	ssyncadd.s32 $0xFFFFFFFF  }
0xb6: {  	_ =	strace $0x90000051  }
0xb7: {  	_ =	sfence  }
0xb8: {  	s30 =	sld [smem:$0x0];
	_ =	sdelay $0x2  }
0xb9: {  	s31 =	sshll.u32 s1, $0xD;
	s1 =	sshrl.u32 s1, $0x2  }
0xba: {  	s3 =	sand.u32 $0x4000, s31;
	s1 =	sadd.s32 s1, s30  }
0xbb: {  	s0 =	sor.u32 s3, s0;
	s1 =	sshll.u32 s1, $0x11  }
0xbc: {  	s0 =	sor.u32 s1, s0  }
0xbd: {  	s0 =	sadd.s32 $0x8F2B, s0  }
0xbe: {  	[sflag:s0] =	ssyncadd.remote.s32 $0x1  }
0xbf: {  	_ =	sfence.sel $0xFFFF  }
0xc0: {  	[dreg:$0x0] =	wrdreg $0xFFFFFFFF;
	(pc) =	sbr.abs _section_cstart, $3  }
0xc1: {  	[dreg:$0x1] =	wrdreg $0xFFFFFFFF  }
0xc2: {  	_ =	task.clear_ibuf [dreg:s7], $0x2FFFF;
	_ =	strace $0x9FFFFFFF  }
0xc3: {  	(tm) =	ssettm $0x7FFFFFFF  }
tec
execute0_lowered:
.L_overlay_start_1:
0x0: {  	(tag) =	ssettag $0x1  }
0x1: {  	s1 =	rddreg [dreg:$0x0]  }
0x2: {  	s6 =	rddreg [dreg:$0x1]  }
0x3: {  	s3 =	rddreg [dreg:$0x2]  }
0x4: {  	s0 =	srdreg.scid;
	s2 =	rddreg [dreg:$0x3];
	s4 =	simm.s32 $0x0  }
0x5: {  	s11 =	simm.s32 $0x1;
	s12 =	simm.s32 $0x2;
	s13 =	simm.s32 $0x80  }
0x6: {  	s14 =	simm.s32 $0x2800;
	s15 =	simm.s32 $0x2A00;
	s5 =	sand.u32 $0x1, s0  }
0x7: {  	s16 =	simm.s32 $0x2900;
	s0 =	stileid.u32;
	s7 =	smul.u32 $0x28000, s5  }
0x8: {  	s17 =	simm.s32 $0x6A00;
	s18 =	simm.s32 $0x2880;
	s8 =	smul.u32 $0x2800, s0  }
0x9: {  	s19 =	simm.s32 $0x3;
	s20 =	simm.s32 $0x2980;
	s9 =	smul.u32 $0x140000, s5  }
0xa: {  	s22 =	simm.s32 $0x0;
	[smem:$0x7FF] =	sst s4;
	s29 =	smul.u32 $0x14000, s0  }
0xb: {  	_ =	strace $0x80000050;
	s30 =	ssub.s32 $0x2, s5;
	s10 =	smul.u32 $0x50000, s0  }
0xc: {  	s5 =	sadd.s32 $0xD800, s6;
	s21 =	sshll.u32 s0, $0x6;
	s31 =	sshrl.u32 s30, $0x1  }
0xd: {  	s7 =	sadd.s32 s8, s7;
	s8 =	sadd.s32 s29, s9;
	s9 =	ssub.s32 s30, s31  }
0xe: {  	s10 =	sshrl.u32 s10, $0x2;
	s7 =	sshrl.u32 s7, $0x3;
	s8 =	sshrl.u32 s8, $0x3  }
0xf: {  	s10 =	sadd.s32 s10, s3;
	s9 =	smax.u32 s9, $0x1;
	s7 =	sadd.s32 s7, s6  }
0x10: {  	s8 =	sadd.s32 s8, s6;
	s10 =	sshrl.u32 s10, $0x3;
	s6 =	sadd.s32 $0x3800, s7  }
0x11: {  	s7 =	sor.u32 $0x1C02, s21;
	s8 =	sadd.s32 $0x10000, s8;
	s21 =	sor.u32 $0x1C03, s21  }
.LBB2_1:
0x12: {  	[tilespmem:s4], [sflag:$0x1] =	stream.linear.gather [hbm4b:s6+s4], $0x2800, $0x38;
	[tilespmem:$0x1EA00] =	vst v63  }
0x13: {  	[spmem:s10], [sflag:s7] =	dma.local [hbm:s5], $0x2800  }
0x14: {  	_ =	swait.ge [sflag:s11], $0x2800  }
0x15: {  	[sflag:s11] =	ssyncset.done $0x0  }
0x16: {  	[sflag:s11] =	ssyncadd.s32 $0xFFFFD800  }
0x17: {  	_ =	swait.ge [sflag:s12], $0x2800  }
0x18: {  	[sflag:s12] =	ssyncset.done $0x0  }
0x19: {  	[sflag:s12] =	ssyncadd.s32 $0xFFFFD800  }
0x1a: {  	[bflag:$0x0] =	sbarrier.arrive $0xFFFF  }
0x1b: {  	v0 =	vld [tilespmem:$0x0]  }
0x1c: {  	v1 =	vld [tilespmem:$0x10]  }
0x1d: {  	v2 =	vld [tilespmem:$0x20]  }
0x1e: {  	v3 =	vld [tilespmem:$0x30]  }
0x1f: {  	v4 =	vld [tilespmem:$0x40]  }
0x20: {  	v5 =	vld [tilespmem:$0x50];
	v0 =	vand.u32 $0xFFFF, v0  }
0x21: {  	v40 =	vld [tilespmem:$0x60];
	v39 =	vand.u32 $0xFFFF, v1;
	[tilespmem:$0x2800] =	vst v0  }
0x22: {  	v42 =	vld [tilespmem:$0x70];
	v41 =	vand.u32 $0xFFFF, v2;
	[tilespmem:$0x2810] =	vst v39  }
0x23: {  	v44 =	vld [tilespmem:$0x0];
	v43 =	vand.u32 $0xFFFF, v3;
	[tilespmem:$0x2820] =	vst v41  }
0x24: {  	v46 =	vld [tilespmem:$0x10];
	v45 =	vand.u32 $0xFFFF, v4;
	[tilespmem:$0x2830] =	vst v43  }
0x25: {  	v48 =	vld [tilespmem:$0x20];
	v47 =	vand.u32 $0xFFFF, v5;
	[tilespmem:$0x2840] =	vst v45  }
0x26: {  	v50 =	vld [tilespmem:$0x30];
	v49 =	vand.u32 $0xFFFF, v40;
	[tilespmem:$0x2850] =	vst v47  }
0x27: {  	v52 =	vld [tilespmem:$0x40];
	v51 =	vand.u32 $0xFFFF, v42;
	[tilespmem:$0x2860] =	vst v49  }
0x28: {  	v54 =	vld [tilespmem:$0x50];
	v53 =	vshrl.u32 v44, $0x10;
	[tilespmem:$0x2870] =	vst v51  }
0x29: {  	v56 =	vld [tilespmem:$0x60];
	v55 =	vshrl.u32 v46, $0x10;
	[tilespmem:$0x2880] =	vst v53  }
0x2a: {  	v58 =	vld [tilespmem:$0x70];
	v57 =	vshrl.u32 v48, $0x10;
	[tilespmem:$0x2890] =	vst v55  }
0x2b: {  	v59 =	vshrl.u32 v50, $0x10;
	[tilespmem:$0x28A0] =	vst v57  }
0x2c: {  	v60 =	vshrl.u32 v52, $0x10;
	[tilespmem:$0x28B0] =	vst v59  }
0x2d: {  	v61 =	vshrl.u32 v54, $0x10;
	[tilespmem:$0x28C0] =	vst v60  }
0x2e: {  	v62 =	vshrl.u32 v56, $0x10;
	[tilespmem:$0x28D0] =	vst v61  }
0x2f: {  	v63 =	vshrl.u32 v58, $0x10;
	[tilespmem:$0x28E0] =	vst v62  }
0x30: {  	s23 =	simm.s32 $0x0;
	[tilespmem:$0x28F0] =	vst v63  }
0x31: {  	[tilespmem:s15], [sflag:$0x1] =	stream.indirect.gather [hbm4b:s1+s13], $0x80, s14, s13, $0xb8;
	[tilespmem:$0x1EA00] =	vst v63  }
0x32: {  	v0 =	vld [tilespmem:s23+$0x80];
	_ =	sdelay $0x4  }
0x33: {  	v0 =	vand.u32 $0xFFFF, v0  }
0x34: {  	[tilespmem:$0x2900] =	vst v0  }
0x35: {  	v0 =	vld [tilespmem:s23+$0x90];
	_ =	sdelay $0x4  }
0x36: {  	v0 =	vand.u32 $0xFFFF, v0  }
0x37: {  	[tilespmem:$0x2910] =	vst v0  }
0x38: {  	v0 =	vld [tilespmem:s23+$0xA0];
	_ =	sdelay $0x4  }
0x39: {  	v0 =	vand.u32 $0xFFFF, v0  }
0x3a: {  	[tilespmem:$0x2920] =	vst v0  }
0x3b: {  	v0 =	vld [tilespmem:s23+$0xB0];
	_ =	sdelay $0x4  }
0x3c: {  	v0 =	vand.u32 $0xFFFF, v0  }
0x3d: {  	[tilespmem:$0x2930] =	vst v0  }
0x3e: {  	v0 =	vld [tilespmem:s23+$0xC0];
	_ =	sdelay $0x4  }
0x3f: {  	v0 =	vand.u32 $0xFFFF, v0  }
0x40: {  	[tilespmem:$0x2940] =	vst v0  }
0x41: {  	v0 =	vld [tilespmem:s23+$0xD0];
	_ =	sdelay $0x4  }
0x42: {  	v0 =	vand.u32 $0xFFFF, v0  }
0x43: {  	[tilespmem:$0x2950] =	vst v0  }
0x44: {  	v0 =	vld [tilespmem:s23+$0xE0];
	_ =	sdelay $0x4  }
0x45: {  	v0 =	vand.u32 $0xFFFF, v0  }
0x46: {  	[tilespmem:$0x2960] =	vst v0  }
0x47: {  	v0 =	vld [tilespmem:s23+$0xF0];
	_ =	sdelay $0x4  }
0x48: {  	v0 =	vand.u32 $0xFFFF, v0  }
0x49: {  	[tilespmem:$0x2970] =	vst v0  }
0x4a: {  	v0 =	vld [tilespmem:s23+$0x80];
	_ =	sdelay $0x4  }
0x4b: {  	v0 =	vshrl.u32 v0, $0x10  }
0x4c: {  	[tilespmem:$0x2980] =	vst v0  }
0x4d: {  	v0 =	vld [tilespmem:s23+$0x90];
	_ =	sdelay $0x4  }
0x4e: {  	v0 =	vshrl.u32 v0, $0x10  }
0x4f: {  	[tilespmem:$0x2990] =	vst v0  }
0x50: {  	v0 =	vld [tilespmem:s23+$0xA0];
	_ =	sdelay $0x4  }
0x51: {  	v0 =	vshrl.u32 v0, $0x10  }
0x52: {  	[tilespmem:$0x29A0] =	vst v0  }
0x53: {  	v0 =	vld [tilespmem:s23+$0xB0];
	_ =	sdelay $0x4  }
0x54: {  	v0 =	vshrl.u32 v0, $0x10  }
0x55: {  	[tilespmem:$0x29B0] =	vst v0  }
0x56: {  	v0 =	vld [tilespmem:s23+$0xC0];
	_ =	sdelay $0x4  }
0x57: {  	v0 =	vshrl.u32 v0, $0x10  }
0x58: {  	[tilespmem:$0x29C0] =	vst v0  }
0x59: {  	v0 =	vld [tilespmem:s23+$0xD0];
	_ =	sdelay $0x4  }
0x5a: {  	v0 =	vshrl.u32 v0, $0x10  }
0x5b: {  	[tilespmem:$0x29D0] =	vst v0  }
0x5c: {  	v0 =	vld [tilespmem:s23+$0xE0];
	_ =	sdelay $0x4  }
0x5d: {  	v0 =	vshrl.u32 v0, $0x10  }
0x5e: {  	[tilespmem:$0x29E0] =	vst v0  }
0x5f: {  	v0 =	vld [tilespmem:s23+$0xF0];
	_ =	sdelay $0x4  }
0x60: {  	v0 =	vshrl.u32 v0, $0x10  }
0x61: {  	[tilespmem:$0x29F0] =	vst v0  }
0x62: {  	[tilespmem:s17], [sflag:$0x2] =	stream.indirect.gather [hbm4b:s1+s13], $0x80, s16, s13, $0xb8;
	[tilespmem:$0x1EA00] =	vst v63  }
0x63: {  	_ =	swait.ge [sflag:s11], $0x4000  }
0x64: {  	[sflag:s11] =	ssyncset.done $0x0  }
0x65: {  	[sflag:s11] =	ssyncadd.s32 $0xFFFFC000  }
0x66: {  	[spmem:s3] =	stream.indirect.scatter.add.f32 [tilespmem:s15], [sflag:$0x3], $0x80, s18, s13, $0xb8;
	[tilespmem:$0x1EA00] =	vst v63  }
0x67: {  	_ =	swait.ge [sflag:s19], $0x4000  }
0x68: {  	p0 =	por $0x0, $0x0;
	[sflag:s19] =	ssyncset.done $0x0  }
0x69: {  	s23 =	simm.s32 @!p0 $0x0;
	[sflag:s19] =	ssyncadd.s32 $0xFFFFC000  }
0x6a: {  	v0 =	vld @!p0 [tilespmem:s23+$0x100];
	_ =	sdelay $0x4  }
0x6b: {  	v0 =	vand.u32 @!p0 $0xFFFF, v0  }
0x6c: {  	[tilespmem:$0x2800] =	vst @!p0 v0  }
0x6d: {  	v0 =	vld @!p0 [tilespmem:s23+$0x110];
	_ =	sdelay $0x4  }
0x6e: {  	v0 =	vand.u32 @!p0 $0xFFFF, v0  }
0x6f: {  	[tilespmem:$0x2810] =	vst @!p0 v0  }
0x70: {  	v0 =	vld @!p0 [tilespmem:s23+$0x120];
	_ =	sdelay $0x4  }
0x71: {  	v0 =	vand.u32 @!p0 $0xFFFF, v0  }
0x72: {  	[tilespmem:$0x2820] =	vst @!p0 v0  }
0x73: {  	v0 =	vld @!p0 [tilespmem:s23+$0x130];
	_ =	sdelay $0x4  }
0x74: {  	v0 =	vand.u32 @!p0 $0xFFFF, v0  }
0x75: {  	[tilespmem:$0x2830] =	vst @!p0 v0  }
0x76: {  	v0 =	vld @!p0 [tilespmem:s23+$0x140];
	_ =	sdelay $0x4  }
0x77: {  	v0 =	vand.u32 @!p0 $0xFFFF, v0  }
0x78: {  	[tilespmem:$0x2840] =	vst @!p0 v0  }
0x79: {  	v0 =	vld @!p0 [tilespmem:s23+$0x150];
	_ =	sdelay $0x4  }
0x7a: {  	v0 =	vand.u32 @!p0 $0xFFFF, v0  }
0x7b: {  	[tilespmem:$0x2850] =	vst @!p0 v0  }
0x7c: {  	v0 =	vld @!p0 [tilespmem:s23+$0x160];
	_ =	sdelay $0x4  }
0x7d: {  	v0 =	vand.u32 @!p0 $0xFFFF, v0  }
0x7e: {  	[tilespmem:$0x2860] =	vst @!p0 v0  }
0x7f: {  	v0 =	vld @!p0 [tilespmem:s23+$0x170];
	_ =	sdelay $0x4  }
0x80: {  	v0 =	vand.u32 @!p0 $0xFFFF, v0  }
0x81: {  	[tilespmem:$0x2870] =	vst @!p0 v0  }
0x82: {  	v0 =	vld @!p0 [tilespmem:s23+$0x100];
	_ =	sdelay $0x4  }
0x83: {  	v0 =	vshrl.u32 @!p0 v0, $0x10  }
0x84: {  	[tilespmem:$0x2880] =	vst @!p0 v0  }
0x85: {  	v0 =	vld @!p0 [tilespmem:s23+$0x110];
	_ =	sdelay $0x4  }
0x86: {  	v0 =	vshrl.u32 @!p0 v0, $0x10  }
0x87: {  	[tilespmem:$0x2890] =	vst @!p0 v0  }
0x88: {  	v0 =	vld @!p0 [tilespmem:s23+$0x120];
	_ =	sdelay $0x4  }
0x89: {  	v0 =	vshrl.u32 @!p0 v0, $0x10  }
0x8a: {  	[tilespmem:$0x28A0] =	vst @!p0 v0  }
0x8b: {  	v0 =	vld @!p0 [tilespmem:s23+$0x130];
	_ =	sdelay $0x4  }
0x8c: {  	v0 =	vshrl.u32 @!p0 v0, $0x10  }
0x8d: {  	[tilespmem:$0x28B0] =	vst @!p0 v0  }
0x8e: {  	v0 =	vld @!p0 [tilespmem:s23+$0x140];
	_ =	sdelay $0x4  }
0x8f: {  	v0 =	vshrl.u32 @!p0 v0, $0x10  }
0x90: {  	[tilespmem:$0x28C0] =	vst @!p0 v0  }
0x91: {  	v0 =	vld @!p0 [tilespmem:s23+$0x150];
	_ =	sdelay $0x4  }
0x92: {  	v0 =	vshrl.u32 @!p0 v0, $0x10  }
0x93: {  	[tilespmem:$0x28D0] =	vst @!p0 v0  }
0x94: {  	v0 =	vld @!p0 [tilespmem:s23+$0x160];
	_ =	sdelay $0x4  }
0x95: {  	v0 =	vshrl.u32 @!p0 v0, $0x10  }
0x96: {  	[tilespmem:$0x28E0] =	vst @!p0 v0  }
0x97: {  	v0 =	vld @!p0 [tilespmem:s23+$0x170];
	_ =	sdelay $0x4  }
0x98: {  	v0 =	vshrl.u32 @!p0 v0, $0x10  }
0x99: {  	s24 =	simm.s32 @!p0 $0x2800;
	s25 =	simm.s32 @!p0 $0x2A00;
	s23 =	simm.s32 @!p0 $0x80;
	[tilespmem:$0x28F0] =	vst @!p0 v0  }
0x9a: {  	[tilespmem:s25], [sflag:$0x1] =	stream.indirect.gather @!p0 [hbm4b:s1+s23], $0x80, s24, s23, $0xb8;
	[tilespmem:$0x1EA00] =	vst v63  }
0x9b: {  	_ =	swait.ge [sflag:s12], $0x4000  }
0x9c: {  	[sflag:s12] =	ssyncset.done $0x0  }
0x9d: {  	[sflag:s12] =	ssyncadd.s32 $0xFFFFC000  }
0x9e: {  	[spmem:s3] =	stream.indirect.scatter.add.f32 [tilespmem:s17], [sflag:$0x3], $0x80, s20, s13, $0xb8;
	[tilespmem:$0x1EA00] =	vst v63  }
0x9f: {  	_ =	swait.ge [sflag:s19], $0x4000  }
0xa0: {  	s23 =	simm.s32 $0x400;
	s24 =	simm.s32 $0x800;
	[sflag:s19] =	ssyncset.done $0x0  }
.LBB2_2:
0xa1: {  	s26 =	sshra.s32 s23, $0x2  }
0xa2: {  	[sflag:s19] =	ssyncadd.s32 $0xFFFFC000;
	s25 =	smov.u32 s24;
	s24 =	sadd.s32 $0x400, s24  }
0xa3: {  	p0 =	sne.s32 s24, $0xA000;
	v0 =	vld [tilespmem:s26+$0x80];
	_ =	sdelay $0x4  }
0xa4: {  	v0 =	vand.u32 $0xFFFF, v0  }
0xa5: {  	[tilespmem:$0x2900] =	vst v0  }
0xa6: {  	v0 =	vld [tilespmem:s26+$0x90];
	_ =	sdelay $0x4  }
0xa7: {  	v0 =	vand.u32 $0xFFFF, v0  }
0xa8: {  	[tilespmem:$0x2910] =	vst v0  }
0xa9: {  	v0 =	vld [tilespmem:s26+$0xA0];
	_ =	sdelay $0x4  }
0xaa: {  	v0 =	vand.u32 $0xFFFF, v0  }
0xab: {  	[tilespmem:$0x2920] =	vst v0  }
0xac: {  	v0 =	vld [tilespmem:s26+$0xB0];
	_ =	sdelay $0x4  }
0xad: {  	v0 =	vand.u32 $0xFFFF, v0  }
0xae: {  	[tilespmem:$0x2930] =	vst v0  }
0xaf: {  	v0 =	vld [tilespmem:s26+$0xC0];
	_ =	sdelay $0x4  }
0xb0: {  	v0 =	vand.u32 $0xFFFF, v0  }
0xb1: {  	[tilespmem:$0x2940] =	vst v0  }
0xb2: {  	v0 =	vld [tilespmem:s26+$0xD0];
	_ =	sdelay $0x4  }
0xb3: {  	v0 =	vand.u32 $0xFFFF, v0  }
0xb4: {  	[tilespmem:$0x2950] =	vst v0  }
0xb5: {  	v0 =	vld [tilespmem:s26+$0xE0];
	_ =	sdelay $0x4  }
0xb6: {  	v0 =	vand.u32 $0xFFFF, v0  }
0xb7: {  	[tilespmem:$0x2960] =	vst v0  }
0xb8: {  	v0 =	vld [tilespmem:s26+$0xF0];
	_ =	sdelay $0x4  }
0xb9: {  	v0 =	vand.u32 $0xFFFF, v0  }
0xba: {  	[tilespmem:$0x2970] =	vst v0  }
0xbb: {  	v0 =	vld [tilespmem:s26+$0x80];
	_ =	sdelay $0x4  }
0xbc: {  	v0 =	vshrl.u32 v0, $0x10  }
0xbd: {  	[tilespmem:$0x2980] =	vst v0  }
0xbe: {  	v0 =	vld [tilespmem:s26+$0x90];
	_ =	sdelay $0x4  }
0xbf: {  	v0 =	vshrl.u32 v0, $0x10  }
0xc0: {  	[tilespmem:$0x2990] =	vst v0  }
0xc1: {  	v0 =	vld [tilespmem:s26+$0xA0];
	_ =	sdelay $0x4  }
0xc2: {  	v0 =	vshrl.u32 v0, $0x10  }
0xc3: {  	[tilespmem:$0x29A0] =	vst v0  }
0xc4: {  	v0 =	vld [tilespmem:s26+$0xB0];
	_ =	sdelay $0x4  }
0xc5: {  	v0 =	vshrl.u32 v0, $0x10  }
0xc6: {  	[tilespmem:$0x29B0] =	vst v0  }
0xc7: {  	v0 =	vld [tilespmem:s26+$0xC0];
	_ =	sdelay $0x4  }
0xc8: {  	v0 =	vshrl.u32 v0, $0x10  }
0xc9: {  	[tilespmem:$0x29C0] =	vst v0  }
0xca: {  	v0 =	vld [tilespmem:s26+$0xD0];
	_ =	sdelay $0x4  }
0xcb: {  	v0 =	vshrl.u32 v0, $0x10  }
0xcc: {  	[tilespmem:$0x29D0] =	vst v0  }
0xcd: {  	v0 =	vld [tilespmem:s26+$0xE0];
	_ =	sdelay $0x4  }
0xce: {  	v0 =	vshrl.u32 v0, $0x10  }
0xcf: {  	[tilespmem:$0x29E0] =	vst v0  }
0xd0: {  	v0 =	vld [tilespmem:s26+$0xF0];
	_ =	sdelay $0x4  }
0xd1: {  	v0 =	vshrl.u32 v0, $0x10  }
0xd2: {  	[tilespmem:$0x29F0] =	vst v0  }
0xd3: {  	[tilespmem:s17], [sflag:$0x2] =	stream.indirect.gather [hbm4b:s1+s13], $0x80, s16, s13, $0xb8;
	[tilespmem:$0x1EA00] =	vst v63  }
0xd4: {  	_ =	swait.ge [sflag:s11], $0x4000  }
0xd5: {  	[sflag:s11] =	ssyncset.done $0x0  }
0xd6: {  	[sflag:s11] =	ssyncadd.s32 $0xFFFFC000  }
0xd7: {  	[spmem:s3] =	stream.indirect.scatter.add.f32 [tilespmem:s15], [sflag:$0x3], $0x80, s18, s13, $0xb8;
	[tilespmem:$0x1EA00] =	vst v63  }
0xd8: {  	_ =	swait.ge [sflag:s19], $0x4000  }
0xd9: {  	p1 =	seq.s32 s23, $0x9C00;
	[sflag:s19] =	ssyncset.done $0x0  }
0xda: {  	s26 =	sshra.s32 @!p1 s23, $0x2;
	s23 =	smov.u32 s25;
	[sflag:s19] =	ssyncadd.s32 $0xFFFFC000  }
0xdb: {  	v0 =	vld @!p1 [tilespmem:s26+$0x100];
	_ =	sdelay $0x4  }
0xdc: {  	v0 =	vand.u32 @!p1 $0xFFFF, v0  }
0xdd: {  	[tilespmem:$0x2800] =	vst @!p1 v0  }
0xde: {  	v0 =	vld @!p1 [tilespmem:s26+$0x110];
	_ =	sdelay $0x4  }
0xdf: {  	v0 =	vand.u32 @!p1 $0xFFFF, v0  }
0xe0: {  	[tilespmem:$0x2810] =	vst @!p1 v0  }
0xe1: {  	v0 =	vld @!p1 [tilespmem:s26+$0x120];
	_ =	sdelay $0x4  }
0xe2: {  	v0 =	vand.u32 @!p1 $0xFFFF, v0  }
0xe3: {  	[tilespmem:$0x2820] =	vst @!p1 v0  }
0xe4: {  	v0 =	vld @!p1 [tilespmem:s26+$0x130];
	_ =	sdelay $0x4  }
0xe5: {  	v0 =	vand.u32 @!p1 $0xFFFF, v0  }
0xe6: {  	[tilespmem:$0x2830] =	vst @!p1 v0  }
0xe7: {  	v0 =	vld @!p1 [tilespmem:s26+$0x140];
	_ =	sdelay $0x4  }
0xe8: {  	v0 =	vand.u32 @!p1 $0xFFFF, v0  }
0xe9: {  	[tilespmem:$0x2840] =	vst @!p1 v0  }
0xea: {  	v0 =	vld @!p1 [tilespmem:s26+$0x150];
	_ =	sdelay $0x4  }
0xeb: {  	v0 =	vand.u32 @!p1 $0xFFFF, v0  }
0xec: {  	[tilespmem:$0x2850] =	vst @!p1 v0  }
0xed: {  	v0 =	vld @!p1 [tilespmem:s26+$0x160];
	_ =	sdelay $0x4  }
0xee: {  	v0 =	vand.u32 @!p1 $0xFFFF, v0  }
0xef: {  	[tilespmem:$0x2860] =	vst @!p1 v0  }
0xf0: {  	v0 =	vld @!p1 [tilespmem:s26+$0x170];
	_ =	sdelay $0x4  }
0xf1: {  	v0 =	vand.u32 @!p1 $0xFFFF, v0  }
0xf2: {  	[tilespmem:$0x2870] =	vst @!p1 v0  }
0xf3: {  	v0 =	vld @!p1 [tilespmem:s26+$0x100];
	_ =	sdelay $0x4  }
0xf4: {  	v0 =	vshrl.u32 @!p1 v0, $0x10  }
0xf5: {  	[tilespmem:$0x2880] =	vst @!p1 v0  }
0xf6: {  	v0 =	vld @!p1 [tilespmem:s26+$0x110];
	_ =	sdelay $0x4  }
0xf7: {  	v0 =	vshrl.u32 @!p1 v0, $0x10  }
0xf8: {  	[tilespmem:$0x2890] =	vst @!p1 v0  }
0xf9: {  	v0 =	vld @!p1 [tilespmem:s26+$0x120];
	_ =	sdelay $0x4  }
0xfa: {  	v0 =	vshrl.u32 @!p1 v0, $0x10  }
0xfb: {  	[tilespmem:$0x28A0] =	vst @!p1 v0  }
0xfc: {  	v0 =	vld @!p1 [tilespmem:s26+$0x130];
	_ =	sdelay $0x4  }
0xfd: {  	v0 =	vshrl.u32 @!p1 v0, $0x10  }
0xfe: {  	[tilespmem:$0x28B0] =	vst @!p1 v0  }
0xff: {  	v0 =	vld @!p1 [tilespmem:s26+$0x140];
	_ =	sdelay $0x4  }
0x100: {  	v0 =	vshrl.u32 @!p1 v0, $0x10  }
0x101: {  	[tilespmem:$0x28C0] =	vst @!p1 v0  }
0x102: {  	v0 =	vld @!p1 [tilespmem:s26+$0x150];
	_ =	sdelay $0x4  }
0x103: {  	v0 =	vshrl.u32 @!p1 v0, $0x10  }
0x104: {  	[tilespmem:$0x28D0] =	vst @!p1 v0  }
0x105: {  	v0 =	vld @!p1 [tilespmem:s26+$0x160];
	_ =	sdelay $0x4  }
0x106: {  	v0 =	vshrl.u32 @!p1 v0, $0x10  }
0x107: {  	[tilespmem:$0x28E0] =	vst @!p1 v0  }
0x108: {  	v0 =	vld @!p1 [tilespmem:s26+$0x170];
	_ =	sdelay $0x4  }
0x109: {  	v0 =	vshrl.u32 @!p1 v0, $0x10  }
0x10a: {  	s28 =	simm.s32 @!p1 $0x2A00;
	s25 =	simm.s32 @!p1 $0x80;
	s26 =	simm.s32 @!p1 $0x2800;
	[tilespmem:$0x28F0] =	vst @!p1 v0  }
0x10b: {  	[tilespmem:s28], [sflag:$0x1] =	stream.indirect.gather @!p1 [hbm4b:s1+s25], $0x80, s26, s25, $0xb8;
	[tilespmem:$0x1EA00] =	vst v63  }
0x10c: {  	_ =	swait.ge [sflag:s12], $0x4000  }
.Ltmp0:
0x10d: {  	[sflag:s12] =	ssyncset.done $0x0;
	(pc) =	sbr.rel @p0 .LBB2_2-.Ltmp0, $4  }
0x10e: {  	[sflag:s12] =	ssyncadd.s32 $0xFFFFC000  }
0x10f: {  	[spmem:s3] =	stream.indirect.scatter.add.f32 [tilespmem:s17], [sflag:$0x3], $0x80, s20, s13, $0xb8;
	[tilespmem:$0x1EA00] =	vst v63  }
0x110: {  	_ =	swait.ge [sflag:s19], $0x4000  }
0x111: {  	[sflag:s19] =	ssyncset.done $0x0  }
0x112: {  	s24 =	sshra.s32 s23, $0x2;
	[sflag:s19] =	ssyncadd.s32 $0xFFFFC000  }
0x113: {  	v0 =	vld [tilespmem:s24+$0x80];
	_ =	sdelay $0x4  }
0x114: {  	v0 =	vand.u32 $0xFFFF, v0  }
0x115: {  	[tilespmem:$0x2900] =	vst v0  }
0x116: {  	v0 =	vld [tilespmem:s24+$0x90];
	_ =	sdelay $0x4  }
0x117: {  	v0 =	vand.u32 $0xFFFF, v0  }
0x118: {  	[tilespmem:$0x2910] =	vst v0  }
0x119: {  	v0 =	vld [tilespmem:s24+$0xA0];
	_ =	sdelay $0x4  }
0x11a: {  	v0 =	vand.u32 $0xFFFF, v0  }
0x11b: {  	[tilespmem:$0x2920] =	vst v0  }
0x11c: {  	v0 =	vld [tilespmem:s24+$0xB0];
	_ =	sdelay $0x4  }
0x11d: {  	v0 =	vand.u32 $0xFFFF, v0  }
0x11e: {  	[tilespmem:$0x2930] =	vst v0  }
0x11f: {  	v0 =	vld [tilespmem:s24+$0xC0];
	_ =	sdelay $0x4  }
0x120: {  	v0 =	vand.u32 $0xFFFF, v0  }
0x121: {  	[tilespmem:$0x2940] =	vst v0  }
0x122: {  	v0 =	vld [tilespmem:s24+$0xD0];
	_ =	sdelay $0x4  }
0x123: {  	v0 =	vand.u32 $0xFFFF, v0  }
0x124: {  	[tilespmem:$0x2950] =	vst v0  }
0x125: {  	v0 =	vld [tilespmem:s24+$0xE0];
	_ =	sdelay $0x4  }
0x126: {  	v0 =	vand.u32 $0xFFFF, v0  }
0x127: {  	[tilespmem:$0x2960] =	vst v0  }
0x128: {  	v0 =	vld [tilespmem:s24+$0xF0];
	_ =	sdelay $0x4  }
0x129: {  	v0 =	vand.u32 $0xFFFF, v0  }
0x12a: {  	[tilespmem:$0x2970] =	vst v0  }
0x12b: {  	v0 =	vld [tilespmem:s24+$0x80];
	_ =	sdelay $0x4  }
0x12c: {  	v0 =	vshrl.u32 v0, $0x10  }
0x12d: {  	[tilespmem:$0x2980] =	vst v0  }
0x12e: {  	v0 =	vld [tilespmem:s24+$0x90];
	_ =	sdelay $0x4  }
0x12f: {  	v0 =	vshrl.u32 v0, $0x10  }
0x130: {  	[tilespmem:$0x2990] =	vst v0  }
0x131: {  	v0 =	vld [tilespmem:s24+$0xA0];
	_ =	sdelay $0x4  }
0x132: {  	v0 =	vshrl.u32 v0, $0x10  }
0x133: {  	[tilespmem:$0x29A0] =	vst v0  }
0x134: {  	v0 =	vld [tilespmem:s24+$0xB0];
	_ =	sdelay $0x4  }
0x135: {  	v0 =	vshrl.u32 v0, $0x10  }
0x136: {  	[tilespmem:$0x29B0] =	vst v0  }
0x137: {  	v0 =	vld [tilespmem:s24+$0xC0];
	_ =	sdelay $0x4  }
0x138: {  	v0 =	vshrl.u32 v0, $0x10  }
0x139: {  	[tilespmem:$0x29C0] =	vst v0  }
0x13a: {  	v0 =	vld [tilespmem:s24+$0xD0];
	_ =	sdelay $0x4  }
0x13b: {  	v0 =	vshrl.u32 v0, $0x10  }
0x13c: {  	[tilespmem:$0x29D0] =	vst v0  }
0x13d: {  	v0 =	vld [tilespmem:s24+$0xE0];
	_ =	sdelay $0x4  }
0x13e: {  	v0 =	vshrl.u32 v0, $0x10  }
0x13f: {  	[tilespmem:$0x29E0] =	vst v0  }
0x140: {  	v0 =	vld [tilespmem:s24+$0xF0];
	_ =	sdelay $0x4  }
0x141: {  	v0 =	vshrl.u32 v0, $0x10  }
0x142: {  	[tilespmem:$0x29F0] =	vst v0  }
0x143: {  	[tilespmem:s17], [sflag:$0x2] =	stream.indirect.gather [hbm4b:s1+s13], $0x80, s16, s13, $0xb8;
	[tilespmem:$0x1EA00] =	vst v63  }
0x144: {  	_ =	swait.ge [sflag:s11], $0x4000  }
0x145: {  	[sflag:s11] =	ssyncset.done $0x0  }
0x146: {  	[sflag:s11] =	ssyncadd.s32 $0xFFFFC000  }
0x147: {  	[spmem:s3] =	stream.indirect.scatter.add.f32 [tilespmem:s15], [sflag:$0x3], $0x80, s18, s13, $0xb8;
	[tilespmem:$0x1EA00] =	vst v63  }
0x148: {  	_ =	swait.ge [sflag:s19], $0x4000  }
0x149: {  	p0 =	seq.s32 s23, $0x9C00;
	[sflag:s19] =	ssyncset.done $0x0  }
0x14a: {  	s23 =	sshra.s32 @!p0 s23, $0x2;
	[sflag:s19] =	ssyncadd.s32 $0xFFFFC000  }
0x14b: {  	v0 =	vld @!p0 [tilespmem:s23+$0x100];
	_ =	sdelay $0x4  }
0x14c: {  	v0 =	vand.u32 @!p0 $0xFFFF, v0  }
0x14d: {  	[tilespmem:$0x2800] =	vst @!p0 v0  }
0x14e: {  	v0 =	vld @!p0 [tilespmem:s23+$0x110];
	_ =	sdelay $0x4  }
0x14f: {  	v0 =	vand.u32 @!p0 $0xFFFF, v0  }
0x150: {  	[tilespmem:$0x2810] =	vst @!p0 v0  }
0x151: {  	v0 =	vld @!p0 [tilespmem:s23+$0x120];
	_ =	sdelay $0x4  }
0x152: {  	v0 =	vand.u32 @!p0 $0xFFFF, v0  }
0x153: {  	[tilespmem:$0x2820] =	vst @!p0 v0  }
0x154: {  	v0 =	vld @!p0 [tilespmem:s23+$0x130];
	_ =	sdelay $0x4  }
0x155: {  	v0 =	vand.u32 @!p0 $0xFFFF, v0  }
0x156: {  	[tilespmem:$0x2830] =	vst @!p0 v0  }
0x157: {  	v0 =	vld @!p0 [tilespmem:s23+$0x140];
	_ =	sdelay $0x4  }
0x158: {  	v0 =	vand.u32 @!p0 $0xFFFF, v0  }
0x159: {  	[tilespmem:$0x2840] =	vst @!p0 v0  }
0x15a: {  	v0 =	vld @!p0 [tilespmem:s23+$0x150];
	_ =	sdelay $0x4  }
0x15b: {  	v0 =	vand.u32 @!p0 $0xFFFF, v0  }
0x15c: {  	[tilespmem:$0x2850] =	vst @!p0 v0  }
0x15d: {  	v0 =	vld @!p0 [tilespmem:s23+$0x160];
	_ =	sdelay $0x4  }
0x15e: {  	v0 =	vand.u32 @!p0 $0xFFFF, v0  }
0x15f: {  	[tilespmem:$0x2860] =	vst @!p0 v0  }
0x160: {  	v0 =	vld @!p0 [tilespmem:s23+$0x170];
	_ =	sdelay $0x4  }
0x161: {  	v0 =	vand.u32 @!p0 $0xFFFF, v0  }
0x162: {  	[tilespmem:$0x2870] =	vst @!p0 v0  }
0x163: {  	v0 =	vld @!p0 [tilespmem:s23+$0x100];
	_ =	sdelay $0x4  }
0x164: {  	v0 =	vshrl.u32 @!p0 v0, $0x10  }
0x165: {  	[tilespmem:$0x2880] =	vst @!p0 v0  }
0x166: {  	v0 =	vld @!p0 [tilespmem:s23+$0x110];
	_ =	sdelay $0x4  }
0x167: {  	v0 =	vshrl.u32 @!p0 v0, $0x10  }
0x168: {  	[tilespmem:$0x2890] =	vst @!p0 v0  }
0x169: {  	v0 =	vld @!p0 [tilespmem:s23+$0x120];
	_ =	sdelay $0x4  }
0x16a: {  	v0 =	vshrl.u32 @!p0 v0, $0x10  }
0x16b: {  	[tilespmem:$0x28A0] =	vst @!p0 v0  }
0x16c: {  	v0 =	vld @!p0 [tilespmem:s23+$0x130];
	_ =	sdelay $0x4  }
0x16d: {  	v0 =	vshrl.u32 @!p0 v0, $0x10  }
0x16e: {  	[tilespmem:$0x28B0] =	vst @!p0 v0  }
0x16f: {  	v0 =	vld @!p0 [tilespmem:s23+$0x140];
	_ =	sdelay $0x4  }
0x170: {  	v0 =	vshrl.u32 @!p0 v0, $0x10  }
0x171: {  	[tilespmem:$0x28C0] =	vst @!p0 v0  }
0x172: {  	v0 =	vld @!p0 [tilespmem:s23+$0x150];
	_ =	sdelay $0x4  }
0x173: {  	v0 =	vshrl.u32 @!p0 v0, $0x10  }
0x174: {  	[tilespmem:$0x28D0] =	vst @!p0 v0  }
0x175: {  	v0 =	vld @!p0 [tilespmem:s23+$0x160];
	_ =	sdelay $0x4  }
0x176: {  	v0 =	vshrl.u32 @!p0 v0, $0x10  }
0x177: {  	[tilespmem:$0x28E0] =	vst @!p0 v0  }
0x178: {  	v0 =	vld @!p0 [tilespmem:s23+$0x170];
	_ =	sdelay $0x4  }
0x179: {  	v0 =	vshrl.u32 @!p0 v0, $0x10  }
0x17a: {  	s25 =	simm.s32 @!p0 $0x2A00;
	s24 =	simm.s32 @!p0 $0x2800;
	s23 =	simm.s32 @!p0 $0x80;
	[tilespmem:$0x28F0] =	vst @!p0 v0  }
0x17b: {  	[tilespmem:s25], [sflag:$0x1] =	stream.indirect.gather @!p0 [hbm4b:s1+s23], $0x80, s24, s23, $0xb8;
	[tilespmem:$0x1EA00] =	vst v63  }
0x17c: {  	_ =	swait.ge [sflag:s12], $0x4000  }
0x17d: {  	[sflag:s12] =	ssyncset.done $0x0  }
0x17e: {  	[sflag:s12] =	ssyncadd.s32 $0xFFFFC000  }
0x17f: {  	[spmem:s3] =	stream.indirect.scatter.add.f32 [tilespmem:s17], [sflag:$0x3], $0x80, s20, s13, $0xb8;
	[tilespmem:$0x1EA00] =	vst v63  }
0x180: {  	_ =	swait.ge [sflag:s19], $0x4000  }
0x181: {  	s22 =	sadd.s32 $0x1, s22;
	[sflag:s19] =	ssyncset.done $0x0  }
0x182: {  	p0 =	sne.s32 s22, s9;
	[sflag:s19] =	ssyncadd.s32 $0xFFFFC000  }
.Ltmp1:
0x183: {  	[bflag:$0x0] =	sbarrier.arrive $0xFFFF;
	(pc) =	sbr.rel @p0 .LBB2_1-.Ltmp1, $4  }
0x184: {  	[hbm:s8], [sflag:s21] =	dma.local [spmem:s10], $0x2800  }
0x185: {  	_ =	swait.ge [sflag:s19], $0x2800  }
0x186: {  	[sflag:s19] =	ssyncset.done $0x0  }
0x187: {  	[sflag:s19] =	ssyncadd.s32 $0xFFFFD800  }
0x188: {  	_ =	sfence.sel $0x180000  }
0x189: {  	[bflag:$0x0] =	sbarrier.arrive $0xFFFF  }
0x18a: {  	p0 =	sne.s32 s0, $0x0;
	_ =	strace $0x90000050  }
0x18b: {  	s0 =	sadd.s32 @!p0 $0x100000, s2;
	[bflag:$0x2] =	sbarrier.arrive $0xFFFF  }
0x18c: {  	[sflag:s0] =	ssyncadd.tile.s32 @!p0 $0x1;
	_ =	shalt  }
.Lfunc_end2:
_tile_overlayer_lowered:
.L_overlay_start_2:
0x18d: {  	(tag) =	ssettag $0x2  }
0x18e: {  	s0 =	rddreg [dreg:$0x0];
	s2 =	stileid.u32  }
0x18f: {  	s1 =	rddreg [dreg:$0x1];
	p0 =	sne.s32 s2, $0x0  }
0x190: {  	s3 =	rddreg [dreg:$0x2];
	[bflag:$0x3] =	sbarrier.arrive $0xFFFF;
	s2 =	simm.s32 @!p0 $0x1C03  }
0x191: {  	[timem:s3], [sflag:s2] =	dma.local @!p0 [hbm:s0], s1  }
0x192: {  	s0 =	simm.s32 @!p0 $0x3  }
0x193: {  	_ =	swait.ge @!p0 [sflag:s0], s1  }
0x194: {  	s1 =	ssub.s32 @!p0 $0x0, s1;
	[sflag:s0] =	ssyncset.done @!p0 $0x0  }
0x195: {  	[sflag:s0] =	ssyncadd.s32 @!p0 s1  }
0x196: {  	[bflag:$0x3] =	sbarrier.arrive $0xFFFF  }
0x197: {  	_ =	shalt  }

</sc_bundles>
